<compile_context>
chip_gen: v7x
topology: tpu7x:2x2x1
jax: 0.10.2.dev20260603
libtpu: 0.0.44.dev20260713+nightly
codegen_flags: <defaults>
</compile_context>

<pallas_src>
import functools

import jax
import jax.numpy as jnp
from jax import lax
from jax.experimental import pallas as pl
from jax.experimental.pallas import tpu as pltpu
from jax.experimental.pallas import tpu_sc as plsc

N = 50000
E = 800000
D = 20
NSH = 16
ROW = D + D * NSH
NPC = 320
NCHUNK = (N + NPC - 1) // NPC
NPAD = NCHUNK * NPC
NWORK = 32
PASSES = (NCHUNK + NWORK - 1) // NWORK
SBLK = 4000
NBLK = E // SBLK
QCAP = 8192
LANECAP = 512
BATCH = 16
ACCSZ = NPC * ROW


def _sh_vectors(dx, dy, dz):
    n2 = dx * dx + dy * dy + dz * dz
    i = plsc.bitcast(n2, jnp.int32)
    i = jnp.int32(0x5F3759DF) - (i >> 1)
    r = plsc.bitcast(i, jnp.float32)
    for _ in range(3):
        r = r * (1.5 - 0.5 * n2 * r * r)
    nrm = n2 * r
    s = jnp.maximum(nrm, 1e-12)
    x = dx / s
    y = dy / s
    z = dz / s
    x2 = x * x
    y2 = y * y
    z2 = z * z
    return [
        jnp.full((16,), 0.28209479177387814, jnp.float32),
        0.4886025119029199 * y,
        0.4886025119029199 * z,
        0.4886025119029199 * x,
        1.0925484305920792 * x * y,
        1.0925484305920792 * y * z,
        0.31539156525252005 * (3.0 * z2 - 1.0),
        1.0925484305920792 * x * z,
        0.5462742152960396 * (x2 - y2),
        0.5900435899266435 * y * (3.0 * x2 - y2),
        2.890611442640554 * x * y * z,
        0.4570457994644658 * y * (5.0 * z2 - 1.0),
        0.3731763325901154 * z * (5.0 * z2 - 3.0),
        0.4570457994644658 * x * (5.0 * z2 - 1.0),
        1.445305721320277 * z * (x2 - y2),
        0.5900435899266435 * x * (3.0 * x2 - y2),
    ]


def _mesh():
    return plsc.VectorSubcoreMesh(core_axis_name="c", subcore_axis_name="s")


def _scan_body(row_hbm, col_hbm, qpk_hbm, cnt_hbm, colbuf, rowbuf,
               qr, scb, cbuf, csem, rsem):
    cid = lax.axis_index("c")
    sid = lax.axis_index("s")
    wid = sid * 2 + cid
    iota = lax.broadcasted_iota(jnp.int32, (16,), 0)
    zvec = jnp.zeros((16,), jnp.int32)

    def issue_scan_st(b, off):
        pltpu.async_copy(col_hbm.at[pl.ds(b * SBLK, SBLK)],
                         colbuf.at[pl.ds(off * SBLK, SBLK)], csem)
        pltpu.async_copy(row_hbm.at[pl.ds(b * SBLK, SBLK)],
                         rowbuf.at[pl.ds(off * SBLK, SBLK)], rsem)

    def issue_scan(b, par):
        @pl.when(par == 0)
        def _():
            issue_scan_st(b, 0)

        @pl.when(par != 0)
        def _():
            issue_scan_st(b, 1)

    def wait_scan_st(off):
        pltpu.make_async_copy(col_hbm.at[pl.ds(0, SBLK)],
                              colbuf.at[pl.ds(off * SBLK, SBLK)], csem).wait()
        pltpu.make_async_copy(row_hbm.at[pl.ds(0, SBLK)],
                              rowbuf.at[pl.ds(off * SBLK, SBLK)], rsem).wait()

    def wait_scan(par):
        @pl.when(par == 0)
        def _():
            wait_scan_st(0)

        @pl.when(par != 0)
        def _():
            wait_scan_st(1)

    def qz(zi, _):
        qr[pl.ds(zi * 16, 16)] = zvec
        return 0
    lax.fori_loop(0, (5 * QCAP + 16) // 16, qz, 0)
    dz = qr[pl.ds(0, 16)][0]

    issue_scan_st(0, 0)

    def blk(b, cs):
        par = lax.rem(b, 2)

        @pl.when(b + 1 < NBLK)
        def _():
            issue_scan(b + 1, lax.rem(b + 1, 2))
        wait_scan(par)
        pbase = par * SBLK

        def vec(v, cs):
            c0, c1, c2, c3, c4 = cs
            cv = colbuf[pl.ds(pbase + v * 16, 16)]
            rv = rowbuf[pl.ds(pbase + v * 16, 16)]
            ch = ((cv >> 6) * 52429) >> 18
            hit = (ch & 31) == wid
            p = ch >> 5
            packed = ((cv - ch * NPC) << 16) | rv
            csel = jnp.where(p == 0, c0,
                             jnp.where(p == 1, c1,
                                       jnp.where(p == 2, c2,
                                                 jnp.where(p == 3, c3, c4))))
            offs = jnp.where(hit, p * QCAP + csel * 16 + iota,
                             5 * QCAP + iota)
            plsc.store_scatter(qr, [offs], packed)
            cap = jnp.int32(LANECAP - 1)
            c0 = jnp.minimum(c0 + (hit & (p == 0)).astype(jnp.int32), cap)
            c1 = jnp.minimum(c1 + (hit & (p == 1)).astype(jnp.int32), cap)
            c2 = jnp.minimum(c2 + (hit & (p == 2)).astype(jnp.int32), cap)
            c3 = jnp.minimum(c3 + (hit & (p == 3)).astype(jnp.int32), cap)
            c4 = jnp.minimum(c4 + (hit & (p == 4)).astype(jnp.int32), cap)
            return (c0, c1, c2, c3, c4)
        return lax.fori_loop(0, SBLK // 16 + dz, vec, cs)

    cs = lax.fori_loop(0, NBLK + dz, blk, (zvec, zvec, zvec, zvec, zvec))
    for p2 in range(PASSES):
        chunk = p2 * NWORK + wid

        @pl.when(chunk < NCHUNK)
        def _wout(p2=p2, chunk=chunk):
            pltpu.sync_copy(qr.at[pl.ds(p2 * QCAP, QCAP)],
                            qpk_hbm.at[pl.ds(chunk * QCAP, QCAP)])
            cbuf[pl.ds(0, 16)] = cs[p2]
            pltpu.sync_copy(cbuf, cnt_hbm.at[pl.ds(chunk * 16, 16)])


def _aggr_body(tbl_hbm, pos_hbm, qpk_hbm, cnt_hbm, aggr_hbm, acc,
               qp, idxr, ts, poscb, cbuf, qsem, xsem, pcsem):
    cid = lax.axis_index("c")
    sid = lax.axis_index("s")
    wid = sid * 2 + cid
    iota = lax.broadcasted_iota(jnp.int32, (16,), 0)
    zvec = jnp.zeros((16,), jnp.int32)
    acc[pl.ds(0, 16)] = jnp.zeros((16,), jnp.float32)
    dz2 = plsc.bitcast(acc[pl.ds(0, 16)], jnp.int32)[0]

    def pass_body(p, _):
        chunk = p * NWORK + wid
        lo = chunk * NPC

        @pl.when(chunk < NCHUNK)
        def _run():
            pltpu.sync_copy(cnt_hbm.at[pl.ds(chunk * 16, 16)], cbuf)
            pltpu.sync_copy(pos_hbm.at[pl.ds(lo * 8, NPC * 8)], poscb)
            cntv = cbuf[pl.ds(0, 16)]
            h1 = pltpu.async_copy(qpk_hbm.at[pl.ds(chunk * QCAP, QCAP)],
                                  qp, qsem)

            def zbody(zi, _):
                acc[pl.ds(zi * 16, 16)] = jnp.zeros((16,), jnp.float32)
                return 0
            lax.fori_loop(0, (ACCSZ + 352) // 16 + dz2, zbody, 0)
            h1.wait()

            nbs = cntv[0]
            for k in range(1, 16):
                nbs = jnp.maximum(nbs, cntv[k])

            def issue_slot(b, off):
                pv = qp[pl.ds(b * 16, 16)]
                idxr[pl.ds(off * 16, 16)] = pv & jnp.int32(0xFFFF)
                pltpu.async_copy(
                    tbl_hbm.at[idxr.at[pl.ds(off * 16, 16)]],
                    ts.at[pl.ds(off * 16, 16)], xsem)

            def issue_dyn(b, par):
                @pl.when(par == 0)
                def _():
                    issue_slot(b, 0)

                @pl.when(par != 0)
                def _():
                    issue_slot(b, 1)

            def wait_slot(off):
                pltpu.make_async_copy(
                    tbl_hbm.at[idxr.at[pl.ds(off * 16, 16)]],
                    ts.at[pl.ds(off * 16, 16)], xsem).wait()

            def wait_dyn(par):
                @pl.when(par == 0)
                def _():
                    wait_slot(0)

                @pl.when(par != 0)
                def _():
                    wait_slot(1)

            @pl.when(nbs > 0)
            def _():
                issue_slot(0, 0)

            def sbody(b, _):
                par = lax.rem(b, 2)

                @pl.when(b + 1 < nbs)
                def _():
                    issue_dyn(b + 1, lax.rem(b + 1, 2))
                wait_dyn(par)
                msk = cntv > b
                pv = qp[pl.ds(b * 16, 16)]
                cl = pv >> 16
                addr = jnp.where(msk, cl * ROW, jnp.int32(ACCSZ))
                gi = par * 16 + iota
                cl8 = cl * 8
                dx = (plsc.load_gather(poscb, [cl8])
                      - plsc.load_gather(ts, [gi, zvec + D]))
                dy = (plsc.load_gather(poscb, [cl8 + 1])
                      - plsc.load_gather(ts, [gi, zvec + (D + 1)]))
                dz = (plsc.load_gather(poscb, [cl8 + 2])
                      - plsc.load_gather(ts, [gi, zvec + (D + 2)]))
                sh = _sh_vectors(dx, dy, dz)

                def i_body(i, _):
                    sv = plsc.load_gather(ts, [gi, zvec + i])
                    plsc.addupdate_scatter(acc, [addr + i], sv)
                    a2 = addr + (D + 16 * i)
                    for j in range(16):
                        plsc.addupdate_scatter(acc, [a2 + j], sv * sh[j])
                    return 0
                lax.fori_loop(0, D + dz2, i_body, 0)
                return 0
            lax.fori_loop(0, nbs, sbody, 0)
            pltpu.sync_copy(acc.at[pl.ds(0, ACCSZ)],
                            aggr_hbm.at[pl.ds(chunk * ACCSZ, ACCSZ)])
        return 0
    lax.fori_loop(0, PASSES + dz2, pass_body, 0)


def _sc_scan(row, col):
    f = functools.partial(
        pl.kernel,
        mesh=_mesh(),
        compiler_params=pltpu.CompilerParams(needs_layout_passes=False),
        out_type=(
            jax.ShapeDtypeStruct((NCHUNK * QCAP,), jnp.int32),
            jax.ShapeDtypeStruct((NCHUNK * 16,), jnp.int32),
        ),
        scratch_types=[
            pltpu.VMEM((2 * SBLK,), jnp.int32),
            pltpu.VMEM((2 * SBLK,), jnp.int32),
            pltpu.VMEM((5 * QCAP + 16,), jnp.int32),
            pltpu.VMEM((16,), jnp.int32),
            pltpu.VMEM((16,), jnp.int32),
            pltpu.SemaphoreType.DMA,
            pltpu.SemaphoreType.DMA,
        ],
    )(_scan_body)
    return f(row, col)


def _sc_aggregate(tbl, pos8, qpk, cnt):
    f = functools.partial(
        pl.kernel,
        mesh=_mesh(),
        compiler_params=pltpu.CompilerParams(needs_layout_passes=False),
        out_type=jax.ShapeDtypeStruct((NPAD * ROW,), jnp.float32),
        scratch_types=[
            pltpu.VMEM((ACCSZ + 352,), jnp.float32),
            pltpu.VMEM((QCAP,), jnp.int32),
            pltpu.VMEM((2 * BATCH,), jnp.int32),
            pltpu.VMEM((2 * BATCH, 128), jnp.float32),
            pltpu.VMEM((NPC * 8,), jnp.float32),
            pltpu.VMEM((16,), jnp.int32),
            pltpu.SemaphoreType.DMA,
            pltpu.SemaphoreType.DMA,
            pltpu.SemaphoreType.DMA,
        ],
    )(_aggr_body)
    return f(tbl, pos8, qpk, cnt)


def _mlp_body(x_ref, wpre_ref, bpre_ref, wpost_ref, bpost_ref, wsc_ref,
              bsc_ref, o_ref):
    x = x_ref[...]
    h = jnp.maximum(
        jnp.dot(x, wpre_ref[...], preferred_element_type=jnp.float32)
        + bpre_ref[...][None, :], 0.0)
    h = jnp.dot(h, wpost_ref[...], preferred_element_type=jnp.float32) \
        + bpost_ref[...][None, :]
    sc = jnp.dot(x, wsc_ref[...], preferred_element_type=jnp.float32) \
        + bsc_ref[...][None, :]
    o_ref[...] = sc + h


def _mlp(x, W_pre, b_pre, W_post, b_post, W_sc, b_sc):
    n, d = x.shape
    blk = 2000
    return pl.pallas_call(
        _mlp_body,
        grid=(n // blk,),
        in_specs=[
            pl.BlockSpec((blk, d), lambda i: (i, 0)),
            pl.BlockSpec((d, d), lambda i: (0, 0)),
            pl.BlockSpec((d,), lambda i: (0,)),
            pl.BlockSpec((d, d), lambda i: (0, 0)),
            pl.BlockSpec((d,), lambda i: (0,)),
            pl.BlockSpec((d, d), lambda i: (0, 0)),
            pl.BlockSpec((d,), lambda i: (0,)),
        ],
        out_specs=pl.BlockSpec((blk, d), lambda i: (i, 0)),
        out_shape=jax.ShapeDtypeStruct((n, d), jnp.float32),
    )(x, W_pre, b_pre, W_post, b_post, W_sc, b_sc)


def kernel(x, edge_index, positions, W_pre, b_pre, W_post, b_post, W_sc,
           b_sc):
    row = edge_index[0]
    col = edge_index[1]
    qpk, cnt = _sc_scan(row, col)
    tbl = jnp.pad(jnp.concatenate([x, positions], axis=1),
                  ((0, 0), (0, 128 - D - 3)))
    pos8 = jnp.pad(positions, ((0, NPAD - N), (0, 5))).reshape(-1)
    aggr = _sc_aggregate(tbl, pos8, qpk, cnt)
    aggr = aggr.reshape(NPAD, ROW)[:N]
    out = _mlp(x, W_pre, b_pre, W_post, b_post, W_sc, b_sc)
    return out, aggr

# --- scband reference (transcript-rebuilt; emitter-appended) ---
"""Pipeline reference for scband-model-18124761989625 (READ-ONLY COPY).

The authoritative reference and input builder live on the scoring server;
editing this copy changes nothing except your own understanding.
"""

import jax, jax.numpy as jnp
import numpy as np

SH_LMAX = 3  # (lmax+1)^2 = 16 spherical-harmonic components


def _spherical_harmonics(vec):
    # real spherical harmonics up to l=3 of the normalized vector
    eps = 1e-12
    n = jnp.sqrt(jnp.sum(vec * vec, axis=-1, keepdims=True))
    u = vec / jnp.maximum(n, eps)
    x = u[:, 0]; y = u[:, 1]; z = u[:, 2]
    x2 = x * x; y2 = y * y; z2 = z * z
    comps = [
        0.28209479177387814 * jnp.ones_like(x),
        0.4886025119029199 * y,
        0.4886025119029199 * z,
        0.4886025119029199 * x,
        1.0925484305920792 * x * y,
        1.0925484305920792 * y * z,
        0.31539156525252005 * (3.0 * z2 - 1.0),
        1.0925484305920792 * x * z,
        0.5462742152960396 * (x2 - y2),
        0.5900435899266435 * y * (3.0 * x2 - y2),
        2.890611442640554 * x * y * z,
        0.4570457994644658 * y * (5.0 * z2 - 1.0),
        0.3731763325901154 * z * (5.0 * z2 - 3.0),
        0.4570457994644658 * x * (5.0 * z2 - 1.0),
        1.445305721320277 * z * (x2 - y2),
        0.5900435899266435 * x * (3.0 * x2 - y2),
    ]
    return jnp.stack(comps, axis=-1)


def setup_inputs(seed: int = 0) -> dict:
    key = jax.random.key(seed)
    ks = jax.random.split(key, 10)
    N = 50000
    E = 800000
    D = 20  # input_dim = target_dim = 20 per Model()
    x = jax.random.normal(ks[0], (N, D), dtype=jnp.float32)
    edge_index = jax.random.randint(ks[1], (2, E), 0, N, dtype=jnp.int32)
    positions = jax.random.normal(ks[2], (N, 3), dtype=jnp.float32)
    s = 1.0 / np.sqrt(D)
    W_pre = jax.random.uniform(ks[3], (D, D), jnp.float32, -s, s)
    b_pre = jax.random.uniform(ks[4], (D,), jnp.float32, -s, s)
    W_post = jax.random.uniform(ks[5], (D, D), jnp.float32, -s, s)
    b_post = jax.random.uniform(ks[6], (D,), jnp.float32, -s, s)
    W_sc = jax.random.uniform(ks[7], (D, D), jnp.float32, -s, s)
    b_sc = jax.random.uniform(ks[8], (D,), jnp.float32, -s, s)
    return {"x": x, "edge_index": edge_index, "positions": positions,
            "W_pre": W_pre, "b_pre": b_pre, "W_post": W_post, "b_post": b_post,
            "W_sc": W_sc, "b_sc": b_sc}


def reference(x, edge_index, positions, W_pre, b_pre, W_post, b_post, W_sc, b_sc):
    denominator = 1.0
    row = edge_index[0]
    col = edge_index[1]
    # edge pipeline: gather positions, spherical harmonics, gather sender feats,
    # tensor product, concat, scatter-add to destination nodes
    rel_pos = positions[col] - positions[row]
    sh = _spherical_harmonics(rel_pos)                       # [E, 16]
    sender_features = x[row]                                 # [E, 20]
    tensor_prod = (sender_features[:, :, None] * sh[:, None, :]).reshape(sender_features.shape[0], -1)  # [E, 320]
    edge_features = jnp.concatenate([sender_features, tensor_prod], axis=1)  # [E, 340]
    aggr_out = jax.ops.segment_sum(edge_features, col, num_segments=x.shape[0])  # [N, 340]
    # update(): note original module does not consume aggr_out in the residual MLP
    node_feats = x / denominator
    node_feats = jax.nn.relu(node_feats @ W_pre + b_pre)
    node_feats = node_feats @ W_post + b_post
    shortcut = x @ W_sc + b_sc
    out = shortcut + node_feats
    return out, aggr_out

if __name__ == "__main__":
    import jax
    _d = setup_inputs()
    print(jax.jit(kernel)(*tuple(_d.values())))

</pallas_src>

<mosaic_0001>
#map = affine_map<(d0, d1) -> (0, 0)>
#map1 = affine_map<(d0, d1) -> (0)>
module attributes {stable_mosaic.version = 14 : i64} {
  func.func @_aggr_body(%arg0: i32, %arg1: i32, %arg2: memref<50000x128xf32, #tpu.memory_space<hbm>>, %arg3: memref<401920xf32, #tpu.memory_space<hbm>>, %arg4: memref<1286144xi32, #tpu.memory_space<hbm>>, %arg5: memref<2512xi32, #tpu.memory_space<hbm>>, %arg6: memref<17081600xf32, #tpu.memory_space<hbm>>, %arg7: memref<109152xf32, #tpu.memory_space<vmem>>, %arg8: memref<8192xi32, #tpu.memory_space<vmem>>, %arg9: memref<32xi32, #tpu.memory_space<vmem>>, %arg10: memref<32x128xf32, #tpu.memory_space<vmem>>, %arg11: memref<2560xf32, #tpu.memory_space<vmem>>, %arg12: memref<16xi32, #tpu.memory_space<vmem>>, %arg13: memref<!tpu.dma_semaphore, #tpu.memory_space<semaphore_mem>>, %arg14: memref<!tpu.dma_semaphore, #tpu.memory_space<semaphore_mem>>, %arg15: memref<!tpu.dma_semaphore, #tpu.memory_space<semaphore_mem>>) attributes {dimension_semantics = [#tpu.dimension_semantics<core_parallel>, #tpu.dimension_semantics<subcore_parallel>], iteration_bounds = array<i64: 2, 16>, scalar_prefetch = 0 : i64, scratch_operands = 9 : i64, tpu.core_type = #tpu.core_type<sc_vector_subcore>, window_params = [{transform_indices = #map}, {transform_indices = #map1}, {transform_indices = #map1}, {transform_indices = #map1}, {transform_indices = #map1}]} {
    %mul3A = arith.constant 2 : i32
    %mul3A_0 = arith.muli %arg1, %mul3A : i32
    %add3A = arith.addi %mul3A_0, %arg0 : i32
    %iota3A = tpu.iota {dimensions = array<i32: 0>} : vector<16xi32>
    %broadcast_in_dim3A = arith.constant 0 : i32
    %broadcast_in_dim3A_1 = vector.broadcast %broadcast_in_dim3A : i32 to vector<16xi32>
    %broadcast_in_dim3A_2 = arith.constant 0.000000e+00 : f32
    %broadcast_in_dim3A_3 = vector.broadcast %broadcast_in_dim3A_2 : f32 to vector<16xf32>
    %swap3A = arith.constant 0 : index
    %swap3A_4 = tpu.vector_load %arg7[%swap3A] {strides = array<i32>} : memref<109152xf32, #tpu.memory_space<vmem>>, vector<16xf32>,
    tpu.vector_store %arg7[%swap3A], %broadcast_in_dim3A_3 {strides = array<i32>} : memref<109152xf32, #tpu.memory_space<vmem>>, vector<16xf32>,
    %get3A = arith.constant 0 : index
    %get3A_5 = tpu.vector_load %arg7[%get3A] {strides = array<i32>} : memref<109152xf32, #tpu.memory_space<vmem>>, vector<16xf32>,
    %bitcast3A = vector.bitcast %get3A_5 : vector<16xf32> to vector<16xi32>
    %slice3A = vector.extract_strided_slice %bitcast3A {offsets = [0], sizes = [1], strides = [1]} : vector<16xi32> to vector<1xi32>
    %squeeze3A = vector.extract %slice3A[0] : i32 from vector<1xi32>
    %add3A_6 = arith.constant 5 : i32
    %add3A_7 = arith.addi %add3A_6, %squeeze3A : i32
    %while3A = arith.constant 0 : i32
    %while3A_8 = arith.constant 0 : i32
    %while3A_9 = arith.subi %add3A_7, %while3A : i32
    %while3A_10 = arith.addi %while3A, %while3A_9 : i32
    %while3A_11 = arith.constant 1 : i32
    %while3A_12 = arith.divsi %while3A_9, %while3A_11 : i32
    %while3A_13 = arith.muli %while3A_12, %while3A_11 : i32
    %while3A_14 = arith.addi %while3A, %while3A_13 : i32
    %while3A_15 = arith.constant 1 : i32
    %while3A_16 = scf.for %while3A_19 = %while3A to %while3A_14 step %while3A_15 iter_args(%while3A_20 = %while3A_8) -> (i32)  : i32 {
      %mul3A_21 = arith.constant 32 : i32
      %mul3A_22 = arith.muli %while3A_19, %mul3A_21 : i32
      %add3A_23 = arith.addi %mul3A_22, %add3A : i32
      %mul3A_24 = arith.constant 320 : i32
      %mul3A_25 = arith.muli %add3A_23, %mul3A_24 : i32
      %lt3A = arith.constant 157 : i32
      %lt3A_26 = arith.cmpi slt, %add3A_23, %lt3A : i32
      %convert_element_type3A = arith.extui %lt3A_26 : i1 to i32
      %cond3A = arith.constant 0 : i32
      %cond3A_27 = arith.cmpi ne, %convert_element_type3A, %cond3A : i32
      scf.if %cond3A_27 {
        %mul3A_29 = arith.constant 16 : i32
        %mul3A_30 = arith.muli %add3A_23, %mul3A_29 : i32
        "tpu.region"() ({
          %run_scoped3A = tpu.sem_alloc : memref<!tpu.dma_semaphore, #tpu.memory_space<semaphore_mem>>
          %dma_start3A_117 = tpu.memref_slice %arg5[%mul3A_30] : memref<2512xi32, #tpu.memory_space<hbm>> -> memref<16xi32, #tpu.memory_space<hbm>>
          %dma_start3A_118 = tpu.memref_slice %arg5[%mul3A_30] : memref<2512xi32, #tpu.memory_space<hbm>> -> memref<16xi32, #tpu.memory_space<hbm>>
          tpu.enqueue_dma source(%dma_start3A_118 : memref<16xi32, #tpu.memory_space<hbm>>) target(%arg12 : memref<16xi32, #tpu.memory_space<vmem>>) target_semaphore(%run_scoped3A : memref<!tpu.dma_semaphore, #tpu.memory_space<semaphore_mem>>)
          %dma_wait3A_119 = tpu.memref_slice %arg5[%mul3A_30] : memref<2512xi32, #tpu.memory_space<hbm>> -> memref<16xi32, #tpu.memory_space<hbm>>
          %dma_wait3A_120 = tpu.memref_slice %arg5[%mul3A_30] : memref<2512xi32, #tpu.memory_space<hbm>> -> memref<16xi32, #tpu.memory_space<hbm>>
          tpu.wait_dma2 semaphore(%run_scoped3A : memref<!tpu.dma_semaphore, #tpu.memory_space<semaphore_mem>>) src(%dma_wait3A_120 : memref<16xi32, #tpu.memory_space<hbm>>) dst(%arg12 : memref<16xi32, #tpu.memory_space<vmem>>)
          tpu.yield
        }) : () -> ()
        %mul3A_31 = arith.constant 8 : i32
        %mul3A_32 = arith.muli %mul3A_25, %mul3A_31 : i32
        "tpu.region"() ({
          %run_scoped3A = tpu.sem_alloc : memref<!tpu.dma_semaphore, #tpu.memory_space<semaphore_mem>>
          %dma_start3A_117 = tpu.memref_slice %arg3[%mul3A_32] : memref<401920xf32, #tpu.memory_space<hbm>> -> memref<2560xf32, #tpu.memory_space<hbm>>
          %dma_start3A_118 = tpu.memref_slice %arg3[%mul3A_32] : memref<401920xf32, #tpu.memory_space<hbm>> -> memref<2560xf32, #tpu.memory_space<hbm>>
          tpu.enqueue_dma source(%dma_start3A_118 : memref<2560xf32, #tpu.memory_space<hbm>>) target(%arg11 : memref<2560xf32, #tpu.memory_space<vmem>>) target_semaphore(%run_scoped3A : memref<!tpu.dma_semaphore, #tpu.memory_space<semaphore_mem>>)
          %dma_wait3A_119 = tpu.memref_slice %arg3[%mul3A_32] : memref<401920xf32, #tpu.memory_space<hbm>> -> memref<2560xf32, #tpu.memory_space<hbm>>
          %dma_wait3A_120 = tpu.memref_slice %arg3[%mul3A_32] : memref<401920xf32, #tpu.memory_space<hbm>> -> memref<2560xf32, #tpu.memory_space<hbm>>
          tpu.wait_dma2 semaphore(%run_scoped3A : memref<!tpu.dma_semaphore, #tpu.memory_space<semaphore_mem>>) src(%dma_wait3A_120 : memref<2560xf32, #tpu.memory_space<hbm>>) dst(%arg11 : memref<2560xf32, #tpu.memory_space<vmem>>)
          tpu.yield
        }) : () -> ()
        %get3A_33 = arith.constant 0 : index
        %get3A_34 = tpu.vector_load %arg12[%get3A_33] {strides = array<i32>} : memref<16xi32, #tpu.memory_space<vmem>>, vector<16xi32>,
        %mul3A_35 = arith.constant 8192 : i32
        %mul3A_36 = arith.muli %add3A_23, %mul3A_35 : i32
        %dma_start3A = tpu.memref_slice %arg4[%mul3A_36] : memref<1286144xi32, #tpu.memory_space<hbm>> -> memref<8192xi32, #tpu.memory_space<hbm>>
        %dma_start3A_37 = tpu.memref_slice %arg4[%mul3A_36] : memref<1286144xi32, #tpu.memory_space<hbm>> -> memref<8192xi32, #tpu.memory_space<hbm>>
        tpu.enqueue_dma source(%dma_start3A_37 : memref<8192xi32, #tpu.memory_space<hbm>>) target(%arg8 : memref<8192xi32, #tpu.memory_space<vmem>>) target_semaphore(%arg13 : memref<!tpu.dma_semaphore, #tpu.memory_space<semaphore_mem>>)
        %add3A_38 = arith.constant 6822 : i32
        %add3A_39 = arith.addi %add3A_38, %squeeze3A : i32
        %while3A_40 = arith.constant 0 : i32
        %while3A_41 = arith.constant 0 : i32
        %while3A_42 = arith.subi %add3A_39, %while3A_40 : i32
        %while3A_43 = arith.addi %while3A_40, %while3A_42 : i32
        %while3A_44 = arith.constant 1 : i32
        %while3A_45 = arith.divsi %while3A_42, %while3A_44 : i32
        %while3A_46 = arith.muli %while3A_45, %while3A_44 : i32
        %while3A_47 = arith.addi %while3A_40, %while3A_46 : i32
        %while3A_48 = arith.constant 1 : i32
        %while3A_49 = scf.for %while3A_117 = %while3A_40 to %while3A_47 step %while3A_48 iter_args(%while3A_118 = %while3A_41) -> (i32)  : i32 {
          %broadcast_in_dim3A_119 = arith.constant 0.000000e+00 : f32
          %broadcast_in_dim3A_120 = vector.broadcast %broadcast_in_dim3A_119 : f32 to vector<16xf32>
          %mul3A_121 = arith.constant 16 : i32
          %mul3A_122 = arith.muli %while3A_117, %mul3A_121 : i32
          %swap3A_123 = arith.index_cast %mul3A_122 : i32 to index
          %swap3A_124 = tpu.vector_load %arg7[%swap3A_123] {strides = array<i32>} : memref<109152xf32, #tpu.memory_space<vmem>>, vector<16xf32>,
          tpu.vector_store %arg7[%swap3A_123], %broadcast_in_dim3A_120 {strides = array<i32>} : memref<109152xf32, #tpu.memory_space<vmem>>, vector<16xf32>,
          %while3A_125 = arith.constant 0 : i32
          scf.yield %while3A_125 : i32
        }
        %while3A_50 = arith.constant 1 : i32
        %while3A_51 = scf.for %while3A_117 = %while3A_47 to %while3A_43 step %while3A_50 iter_args(%while3A_118 = %while3A_49) -> (i32)  : i32 {
          %broadcast_in_dim3A_119 = arith.constant 0.000000e+00 : f32
          %broadcast_in_dim3A_120 = vector.broadcast %broadcast_in_dim3A_119 : f32 to vector<16xf32>
          %mul3A_121 = arith.constant 16 : i32
          %mul3A_122 = arith.muli %while3A_117, %mul3A_121 : i32
          %swap3A_123 = arith.index_cast %mul3A_122 : i32 to index
          %swap3A_124 = tpu.vector_load %arg7[%swap3A_123] {strides = array<i32>} : memref<109152xf32, #tpu.memory_space<vmem>>, vector<16xf32>,
          tpu.vector_store %arg7[%swap3A_123], %broadcast_in_dim3A_120 {strides = array<i32>} : memref<109152xf32, #tpu.memory_space<vmem>>, vector<16xf32>,
          %while3A_125 = arith.constant 0 : i32
          scf.yield %while3A_125 : i32
        }
        %dma_wait3A = tpu.memref_slice %arg4[%mul3A_36] : memref<1286144xi32, #tpu.memory_space<hbm>> -> memref<8192xi32, #tpu.memory_space<hbm>>
        %dma_wait3A_52 = tpu.memref_slice %arg4[%mul3A_36] : memref<1286144xi32, #tpu.memory_space<hbm>> -> memref<8192xi32, #tpu.memory_space<hbm>>
        tpu.wait_dma2 semaphore(%arg13 : memref<!tpu.dma_semaphore, #tpu.memory_space<semaphore_mem>>) src(%dma_wait3A_52 : memref<8192xi32, #tpu.memory_space<hbm>>) dst(%arg8 : memref<8192xi32, #tpu.memory_space<vmem>>)
        %slice3A_53 = vector.extract_strided_slice %get3A_34 {offsets = [0], sizes = [1], strides = [1]} : vector<16xi32> to vector<1xi32>
        %squeeze3A_54 = vector.extract %slice3A_53[0] : i32 from vector<1xi32>
        %slice3A_55 = vector.extract_strided_slice %get3A_34 {offsets = [1], sizes = [1], strides = [1]} : vector<16xi32> to vector<1xi32>
        %squeeze3A_56 = vector.extract %slice3A_55[0] : i32 from vector<1xi32>
        %max3A = arith.maxsi %squeeze3A_54, %squeeze3A_56 : i32
        %slice3A_57 = vector.extract_strided_slice %get3A_34 {offsets = [2], sizes = [1], strides = [1]} : vector<16xi32> to vector<1xi32>
        %squeeze3A_58 = vector.extract %slice3A_57[0] : i32 from vector<1xi32>
        %max3A_59 = arith.maxsi %max3A, %squeeze3A_58 : i32
        %slice3A_60 = vector.extract_strided_slice %get3A_34 {offsets = [3], sizes = [1], strides = [1]} : vector<16xi32> to vector<1xi32>
        %squeeze3A_61 = vector.extract %slice3A_60[0] : i32 from vector<1xi32>
        %max3A_62 = arith.maxsi %max3A_59, %squeeze3A_61 : i32
        %slice3A_63 = vector.extract_strided_slice %get3A_34 {offsets = [4], sizes = [1], strides = [1]} : vector<16xi32> to vector<1xi32>
        %squeeze3A_64 = vector.extract %slice3A_63[0] : i32 from vector<1xi32>
        %max3A_65 = arith.maxsi %max3A_62, %squeeze3A_64 : i32
        %slice3A_66 = vector.extract_strided_slice %get3A_34 {offsets = [5], sizes = [1], strides = [1]} : vector<16xi32> to vector<1xi32>
        %squeeze3A_67 = vector.extract %slice3A_66[0] : i32 from vector<1xi32>
        %max3A_68 = arith.maxsi %max3A_65, %squeeze3A_67 : i32
        %slice3A_69 = vector.extract_strided_slice %get3A_34 {offsets = [6], sizes = [1], strides = [1]} : vector<16xi32> to vector<1xi32>
        %squeeze3A_70 = vector.extract %slice3A_69[0] : i32 from vector<1xi32>
        %max3A_71 = arith.maxsi %max3A_68, %squeeze3A_70 : i32
        %slice3A_72 = vector.extract_strided_slice %get3A_34 {offsets = [7], sizes = [1], strides = [1]} : vector<16xi32> to vector<1xi32>
        %squeeze3A_73 = vector.extract %slice3A_72[0] : i32 from vector<1xi32>
        %max3A_74 = arith.maxsi %max3A_71, %squeeze3A_73 : i32
        %slice3A_75 = vector.extract_strided_slice %get3A_34 {offsets = [8], sizes = [1], strides = [1]} : vector<16xi32> to vector<1xi32>
        %squeeze3A_76 = vector.extract %slice3A_75[0] : i32 from vector<1xi32>
        %max3A_77 = arith.maxsi %max3A_74, %squeeze3A_76 : i32
        %slice3A_78 = vector.extract_strided_slice %get3A_34 {offsets = [9], sizes = [1], strides = [1]} : vector<16xi32> to vector<1xi32>
        %squeeze3A_79 = vector.extract %slice3A_78[0] : i32 from vector<1xi32>
        %max3A_80 = arith.maxsi %max3A_77, %squeeze3A_79 : i32
        %slice3A_81 = vector.extract_strided_slice %get3A_34 {offsets = [10], sizes = [1], strides = [1]} : vector<16xi32> to vector<1xi32>
        %squeeze3A_82 = vector.extract %slice3A_81[0] : i32 from vector<1xi32>
        %max3A_83 = arith.maxsi %max3A_80, %squeeze3A_82 : i32
        %slice3A_84 = vector.extract_strided_slice %get3A_34 {offsets = [11], sizes = [1], strides = [1]} : vector<16xi32> to vector<1xi32>
        %squeeze3A_85 = vector.extract %slice3A_84[0] : i32 from vector<1xi32>
        %max3A_86 = arith.maxsi %max3A_83, %squeeze3A_85 : i32
        %slice3A_87 = vector.extract_strided_slice %get3A_34 {offsets = [12], sizes = [1], strides = [1]} : vector<16xi32> to vector<1xi32>
        %squeeze3A_88 = vector.extract %slice3A_87[0] : i32 from vector<1xi32>
        %max3A_89 = arith.maxsi %max3A_86, %squeeze3A_88 : i32
        %slice3A_90 = vector.extract_strided_slice %get3A_34 {offsets = [13], sizes = [1], strides = [1]} : vector<16xi32> to vector<1xi32>
        %squeeze3A_91 = vector.extract %slice3A_90[0] : i32 from vector<1xi32>
        %max3A_92 = arith.maxsi %max3A_89, %squeeze3A_91 : i32
        %slice3A_93 = vector.extract_strided_slice %get3A_34 {offsets = [14], sizes = [1], strides = [1]} : vector<16xi32> to vector<1xi32>
        %squeeze3A_94 = vector.extract %slice3A_93[0] : i32 from vector<1xi32>
        %max3A_95 = arith.maxsi %max3A_92, %squeeze3A_94 : i32
        %slice3A_96 = vector.extract_strided_slice %get3A_34 {offsets = [15], sizes = [1], strides = [1]} : vector<16xi32> to vector<1xi32>
        %squeeze3A_97 = vector.extract %slice3A_96[0] : i32 from vector<1xi32>
        %max3A_98 = arith.maxsi %max3A_95, %squeeze3A_97 : i32
        %gt3A = arith.constant 0 : i32
        %gt3A_99 = arith.cmpi sgt, %max3A_98, %gt3A : i32
        %convert_element_type3A_100 = arith.extui %gt3A_99 : i1 to i32
        %cond3A_101 = arith.constant 0 : i32
        %cond3A_102 = arith.cmpi ne, %convert_element_type3A_100, %cond3A_101 : i32
        scf.if %cond3A_102 {
          %get3A_117 = arith.constant 0 : index
          %get3A_118 = tpu.vector_load %arg8[%get3A_117] {strides = array<i32>} : memref<8192xi32, #tpu.memory_space<vmem>>, vector<16xi32>,
          %and3A = arith.constant 65535 : i32
          %and3A_119 = vector.broadcast %and3A : i32 to vector<16xi32>
          %and3A_120 = arith.andi %get3A_118, %and3A_119 : vector<16xi32>
          %swap3A_121 = arith.constant 0 : index
          %swap3A_122 = tpu.vector_load %arg9[%swap3A_121] {strides = array<i32>} : memref<32xi32, #tpu.memory_space<vmem>>, vector<16xi32>,
          tpu.vector_store %arg9[%swap3A_121], %and3A_120 {strides = array<i32>} : memref<32xi32, #tpu.memory_space<vmem>>, vector<16xi32>,
          %dma_start3A_123 = arith.constant 0 : i32
          %dma_start3A_124 = arith.constant 0 : i32
          %dma_start3A_125 = tpu.memref_slice %arg10[%dma_start3A_123, %dma_start3A_124] : memref<32x128xf32, #tpu.memory_space<vmem>> -> memref<16x128xf32, #tpu.memory_space<vmem>>
          %dma_start3A_126 = arith.constant 0 : i32
          %dma_start3A_127 = tpu.memref_slice %arg9[%dma_start3A_126] : memref<32xi32, #tpu.memory_space<vmem>> -> memref<16xi32, #tpu.memory_space<vmem>>
          %dma_start3A_128 = arith.constant 0 : i32
          %dma_start3A_129 = arith.constant 0 : i32
          %dma_start3A_130 = tpu.memref_slice %arg2[%dma_start3A_128, %dma_start3A_129] : memref<50000x128xf32, #tpu.memory_space<hbm>> -> memref<50000x128xf32, #tpu.memory_space<hbm>>
          tpu.enqueue_indirect_dma source(%dma_start3A_130 : memref<50000x128xf32, #tpu.memory_space<hbm>>) target(%dma_start3A_125 : memref<16x128xf32, #tpu.memory_space<vmem>>) offsets(%dma_start3A_127 : memref<16xi32, #tpu.memory_space<vmem>>) semaphore(%arg14 : memref<!tpu.dma_semaphore, #tpu.memory_space<semaphore_mem>>)
        } else {
        }
        %while3A_103 = arith.constant 0 : i32
        %while3A_104 = arith.constant 0 : i32
        %while3A_105 = arith.subi %max3A_98, %while3A_103 : i32
        %while3A_106 = arith.addi %while3A_103, %while3A_105 : i32
        %while3A_107 = arith.constant 1 : i32
        %while3A_108 = arith.divsi %while3A_105, %while3A_107 : i32
        %while3A_109 = arith.muli %while3A_108, %while3A_107 : i32
        %while3A_110 = arith.addi %while3A_103, %while3A_109 : i32
        %while3A_111 = arith.constant 1 : i32
        %while3A_112 = scf.for %while3A_117 = %while3A_103 to %while3A_110 step %while3A_111 iter_args(%while3A_118 = %while3A_104) -> (i32)  : i32 {
          %rem3A = arith.constant 2 : i32
          %rem3A_119 = arith.remsi %while3A_117, %rem3A : i32
          %add3A_120 = arith.constant 1 : i32
          %add3A_121 = arith.addi %while3A_117, %add3A_120 : i32
          %lt3A_122 = arith.cmpi slt, %add3A_121, %max3A_98 : i32
          %convert_element_type3A_123 = arith.extui %lt3A_122 : i1 to i32
          %cond3A_124 = arith.constant 0 : i32
          %cond3A_125 = arith.cmpi ne, %convert_element_type3A_123, %cond3A_124 : i32
          scf.if %cond3A_125 {
            %add3A_331 = arith.constant 1 : i32
            %add3A_332 = arith.addi %while3A_117, %add3A_331 : i32
            %add3A_333 = arith.constant 1 : i32
            %add3A_334 = arith.addi %while3A_117, %add3A_333 : i32
            %rem3A_335 = arith.constant 2 : i32
            %rem3A_336 = arith.remsi %add3A_334, %rem3A_335 : i32
            %eq3A_337 = arith.constant 0 : i32
            %eq3A_338 = arith.cmpi eq, %rem3A_336, %eq3A_337 : i32
            %convert_element_type3A_339 = arith.extui %eq3A_338 : i1 to i32
            %cond3A_340 = arith.constant 0 : i32
            %cond3A_341 = arith.cmpi ne, %convert_element_type3A_339, %cond3A_340 : i32
            scf.if %cond3A_341 {
              %mul3A_347 = arith.constant 16 : i32
              %mul3A_348 = arith.muli %add3A_332, %mul3A_347 : i32
              %get3A_349 = arith.index_cast %mul3A_348 : i32 to index
              %get3A_350 = tpu.vector_load %arg8[%get3A_349] {strides = array<i32>} : memref<8192xi32, #tpu.memory_space<vmem>>, vector<16xi32>,
              %and3A = arith.constant 65535 : i32
              %and3A_351 = vector.broadcast %and3A : i32 to vector<16xi32>
              %and3A_352 = arith.andi %get3A_350, %and3A_351 : vector<16xi32>
              %swap3A_353 = arith.constant 0 : index
              %swap3A_354 = tpu.vector_load %arg9[%swap3A_353] {strides = array<i32>} : memref<32xi32, #tpu.memory_space<vmem>>, vector<16xi32>,
              tpu.vector_store %arg9[%swap3A_353], %and3A_352 {strides = array<i32>} : memref<32xi32, #tpu.memory_space<vmem>>, vector<16xi32>,
              %dma_start3A_355 = arith.constant 0 : i32
              %dma_start3A_356 = arith.constant 0 : i32
              %dma_start3A_357 = tpu.memref_slice %arg10[%dma_start3A_355, %dma_start3A_356] : memref<32x128xf32, #tpu.memory_space<vmem>> -> memref<16x128xf32, #tpu.memory_space<vmem>>
              %dma_start3A_358 = arith.constant 0 : i32
              %dma_start3A_359 = tpu.memref_slice %arg9[%dma_start3A_358] : memref<32xi32, #tpu.memory_space<vmem>> -> memref<16xi32, #tpu.memory_space<vmem>>
              %dma_start3A_360 = arith.constant 0 : i32
              %dma_start3A_361 = arith.constant 0 : i32
              %dma_start3A_362 = tpu.memref_slice %arg2[%dma_start3A_360, %dma_start3A_361] : memref<50000x128xf32, #tpu.memory_space<hbm>> -> memref<50000x128xf32, #tpu.memory_space<hbm>>
              tpu.enqueue_indirect_dma source(%dma_start3A_362 : memref<50000x128xf32, #tpu.memory_space<hbm>>) target(%dma_start3A_357 : memref<16x128xf32, #tpu.memory_space<vmem>>) offsets(%dma_start3A_359 : memref<16xi32, #tpu.memory_space<vmem>>) semaphore(%arg14 : memref<!tpu.dma_semaphore, #tpu.memory_space<semaphore_mem>>)
            } else {
            }
            %ne3A_342 = arith.constant 0 : i32
            %ne3A_343 = arith.cmpi ne, %rem3A_336, %ne3A_342 : i32
            %convert_element_type3A_344 = arith.extui %ne3A_343 : i1 to i32
            %cond3A_345 = arith.constant 0 : i32
            %cond3A_346 = arith.cmpi ne, %convert_element_type3A_344, %cond3A_345 : i32
            scf.if %cond3A_346 {
              %mul3A_347 = arith.constant 16 : i32
              %mul3A_348 = arith.muli %add3A_332, %mul3A_347 : i32
              %get3A_349 = arith.index_cast %mul3A_348 : i32 to index
              %get3A_350 = tpu.vector_load %arg8[%get3A_349] {strides = array<i32>} : memref<8192xi32, #tpu.memory_space<vmem>>, vector<16xi32>,
              %and3A = arith.constant 65535 : i32
              %and3A_351 = vector.broadcast %and3A : i32 to vector<16xi32>
              %and3A_352 = arith.andi %get3A_350, %and3A_351 : vector<16xi32>
              %swap3A_353 = arith.constant 16 : index
              %swap3A_354 = tpu.vector_load %arg9[%swap3A_353] {strides = array<i32>} : memref<32xi32, #tpu.memory_space<vmem>>, vector<16xi32>,
              tpu.vector_store %arg9[%swap3A_353], %and3A_352 {strides = array<i32>} : memref<32xi32, #tpu.memory_space<vmem>>, vector<16xi32>,
              %dma_start3A_355 = arith.constant 16 : i32
              %dma_start3A_356 = arith.constant 0 : i32
              %dma_start3A_357 = tpu.memref_slice %arg10[%dma_start3A_355, %dma_start3A_356] : memref<32x128xf32, #tpu.memory_space<vmem>> -> memref<16x128xf32, #tpu.memory_space<vmem>>
              %dma_start3A_358 = arith.constant 16 : i32
              %dma_start3A_359 = tpu.memref_slice %arg9[%dma_start3A_358] : memref<32xi32, #tpu.memory_space<vmem>> -> memref<16xi32, #tpu.memory_space<vmem>>
              %dma_start3A_360 = arith.constant 0 : i32
              %dma_start3A_361 = arith.constant 0 : i32
              %dma_start3A_362 = tpu.memref_slice %arg2[%dma_start3A_360, %dma_start3A_361] : memref<50000x128xf32, #tpu.memory_space<hbm>> -> memref<50000x128xf32, #tpu.memory_space<hbm>>
              tpu.enqueue_indirect_dma source(%dma_start3A_362 : memref<50000x128xf32, #tpu.memory_space<hbm>>) target(%dma_start3A_357 : memref<16x128xf32, #tpu.memory_space<vmem>>) offsets(%dma_start3A_359 : memref<16xi32, #tpu.memory_space<vmem>>) semaphore(%arg14 : memref<!tpu.dma_semaphore, #tpu.memory_space<semaphore_mem>>)
            } else {
            }
          } else {
          }
          %eq3A = arith.constant 0 : i32
          %eq3A_126 = arith.cmpi eq, %rem3A_119, %eq3A : i32
          %convert_element_type3A_127 = arith.extui %eq3A_126 : i1 to i32
          %cond3A_128 = arith.constant 0 : i32
          %cond3A_129 = arith.cmpi ne, %convert_element_type3A_127, %cond3A_128 : i32
          scf.if %cond3A_129 {
            %dma_wait3A_331 = arith.constant 0 : i32
            %dma_wait3A_332 = arith.constant 0 : i32
            %dma_wait3A_333 = tpu.memref_slice %arg10[%dma_wait3A_331, %dma_wait3A_332] : memref<32x128xf32, #tpu.memory_space<vmem>> -> memref<16x128xf32, #tpu.memory_space<vmem>>
            %dma_wait3A_334 = arith.constant 0 : i32
            %dma_wait3A_335 = tpu.memref_slice %arg9[%dma_wait3A_334] : memref<32xi32, #tpu.memory_space<vmem>> -> memref<16xi32, #tpu.memory_space<vmem>>
            %dma_wait3A_336 = arith.constant 0 : i32
            %dma_wait3A_337 = arith.constant 0 : i32
            %dma_wait3A_338 = tpu.memref_slice %arg2[%dma_wait3A_336, %dma_wait3A_337] : memref<50000x128xf32, #tpu.memory_space<hbm>> -> memref<50000x128xf32, #tpu.memory_space<hbm>>
            tpu.wait_indirect_dma semaphore(%arg14 : memref<!tpu.dma_semaphore, #tpu.memory_space<semaphore_mem>>) src(%dma_wait3A_338 : memref<50000x128xf32, #tpu.memory_space<hbm>>) dst(%dma_wait3A_333 : memref<16x128xf32, #tpu.memory_space<vmem>>)
          } else {
          }
          %ne3A = arith.constant 0 : i32
          %ne3A_130 = arith.cmpi ne, %rem3A_119, %ne3A : i32
          %convert_element_type3A_131 = arith.extui %ne3A_130 : i1 to i32
          %cond3A_132 = arith.constant 0 : i32
          %cond3A_133 = arith.cmpi ne, %convert_element_type3A_131, %cond3A_132 : i32
          scf.if %cond3A_133 {
            %dma_wait3A_331 = arith.constant 16 : i32
            %dma_wait3A_332 = arith.constant 0 : i32
            %dma_wait3A_333 = tpu.memref_slice %arg10[%dma_wait3A_331, %dma_wait3A_332] : memref<32x128xf32, #tpu.memory_space<vmem>> -> memref<16x128xf32, #tpu.memory_space<vmem>>
            %dma_wait3A_334 = arith.constant 16 : i32
            %dma_wait3A_335 = tpu.memref_slice %arg9[%dma_wait3A_334] : memref<32xi32, #tpu.memory_space<vmem>> -> memref<16xi32, #tpu.memory_space<vmem>>
            %dma_wait3A_336 = arith.constant 0 : i32
            %dma_wait3A_337 = arith.constant 0 : i32
            %dma_wait3A_338 = tpu.memref_slice %arg2[%dma_wait3A_336, %dma_wait3A_337] : memref<50000x128xf32, #tpu.memory_space<hbm>> -> memref<50000x128xf32, #tpu.memory_space<hbm>>
            tpu.wait_indirect_dma semaphore(%arg14 : memref<!tpu.dma_semaphore, #tpu.memory_space<semaphore_mem>>) src(%dma_wait3A_338 : memref<50000x128xf32, #tpu.memory_space<hbm>>) dst(%dma_wait3A_333 : memref<16x128xf32, #tpu.memory_space<vmem>>)
          } else {
          }
          %gt3A_134 = vector.broadcast %while3A_117 : i32 to vector<16xi32>
          %gt3A_135 = arith.cmpi sgt, %get3A_34, %gt3A_134 : vector<16xi32>
          %mul3A_136 = arith.constant 16 : i32
          %mul3A_137 = arith.muli %while3A_117, %mul3A_136 : i32
          %get3A_138 = arith.index_cast %mul3A_137 : i32 to index
          %get3A_139 = tpu.vector_load %arg8[%get3A_138] {strides = array<i32>} : memref<8192xi32, #tpu.memory_space<vmem>>, vector<16xi32>,
          %shift_right_arithmetic3A = arith.constant 16 : i32
          %shift_right_arithmetic3A_140 = vector.broadcast %shift_right_arithmetic3A : i32 to vector<16xi32>
          %shift_right_arithmetic3A_141 = arith.shrsi %get3A_139, %shift_right_arithmetic3A_140 : vector<16xi32>
          %mul3A_142 = arith.constant 340 : i32
          %mul3A_143 = vector.broadcast %mul3A_142 : i32 to vector<16xi32>
          %mul3A_144 = arith.muli %shift_right_arithmetic3A_141, %mul3A_143 : vector<16xi32>
          %jit3A = arith.constant 108800 : i32
          %broadcast_in_dim3A_145 = vector.broadcast %jit3A : i32 to vector<16xi32>
          %select_n3A = arith.select %gt3A_135, %mul3A_144, %broadcast_in_dim3A_145 : vector<16xi1>, vector<16xi32>
          %mul3A_146 = arith.constant 16 : i32
          %mul3A_147 = arith.muli %rem3A_119, %mul3A_146 : i32
          %add3A_148 = vector.broadcast %mul3A_147 : i32 to vector<16xi32>
          %add3A_149 = arith.addi %add3A_148, %iota3A : vector<16xi32>
          %mul3A_150 = arith.constant 8 : i32
          %mul3A_151 = vector.broadcast %mul3A_150 : i32 to vector<16xi32>
          %mul3A_152 = arith.muli %shift_right_arithmetic3A_141, %mul3A_151 : vector<16xi32>
          %gather3A = tpu.vector_load_idx %arg11[%mul3A_152] : memref<2560xf32, #tpu.memory_space<vmem>>[vector<16xi32>], vector<16xf32>,
          %add3A_153 = arith.constant 20 : i32
          %add3A_154 = vector.broadcast %add3A_153 : i32 to vector<16xi32>
          %add3A_155 = arith.addi %broadcast_in_dim3A_1, %add3A_154 : vector<16xi32>
          %gather3A_156 = tpu.vector_load_idx %arg10[%add3A_149, %add3A_155] : memref<32x128xf32, #tpu.memory_space<vmem>>[vector<16xi32>, vector<16xi32>], vector<16xf32>,
          %sub3A = arith.subf %gather3A, %gather3A_156 : vector<16xf32>
          %add3A_157 = arith.constant 1 : i32
          %add3A_158 = vector.broadcast %add3A_157 : i32 to vector<16xi32>
          %add3A_159 = arith.addi %mul3A_152, %add3A_158 : vector<16xi32>
          %gather3A_160 = tpu.vector_load_idx %arg11[%add3A_159] : memref<2560xf32, #tpu.memory_space<vmem>>[vector<16xi32>], vector<16xf32>,
          %add3A_161 = arith.constant 21 : i32
          %add3A_162 = vector.broadcast %add3A_161 : i32 to vector<16xi32>
          %add3A_163 = arith.addi %broadcast_in_dim3A_1, %add3A_162 : vector<16xi32>
          %gather3A_164 = tpu.vector_load_idx %arg10[%add3A_149, %add3A_163] : memref<32x128xf32, #tpu.memory_space<vmem>>[vector<16xi32>, vector<16xi32>], vector<16xf32>,
          %sub3A_165 = arith.subf %gather3A_160, %gather3A_164 : vector<16xf32>
          %add3A_166 = arith.constant 2 : i32
          %add3A_167 = vector.broadcast %add3A_166 : i32 to vector<16xi32>
          %add3A_168 = arith.addi %mul3A_152, %add3A_167 : vector<16xi32>
          %gather3A_169 = tpu.vector_load_idx %arg11[%add3A_168] : memref<2560xf32, #tpu.memory_space<vmem>>[vector<16xi32>], vector<16xf32>,
          %add3A_170 = arith.constant 22 : i32
          %add3A_171 = vector.broadcast %add3A_170 : i32 to vector<16xi32>
          %add3A_172 = arith.addi %broadcast_in_dim3A_1, %add3A_171 : vector<16xi32>
          %gather3A_173 = tpu.vector_load_idx %arg10[%add3A_149, %add3A_172] : memref<32x128xf32, #tpu.memory_space<vmem>>[vector<16xi32>, vector<16xi32>], vector<16xf32>,
          %sub3A_174 = arith.subf %gather3A_169, %gather3A_173 : vector<16xf32>
          %mul3A_175 = arith.mulf %sub3A, %sub3A : vector<16xf32>
          %mul3A_176 = arith.mulf %sub3A_165, %sub3A_165 : vector<16xf32>
          %add3A_177 = arith.addf %mul3A_175, %mul3A_176 : vector<16xf32>
          %mul3A_178 = arith.mulf %sub3A_174, %sub3A_174 : vector<16xf32>
          %add3A_179 = arith.addf %add3A_177, %mul3A_178 : vector<16xf32>
          %bitcast3A_180 = vector.bitcast %add3A_179 : vector<16xf32> to vector<16xi32>
          %shift_right_arithmetic3A_181 = arith.constant 1 : i32
          %shift_right_arithmetic3A_182 = vector.broadcast %shift_right_arithmetic3A_181 : i32 to vector<16xi32>
          %shift_right_arithmetic3A_183 = arith.shrsi %bitcast3A_180, %shift_right_arithmetic3A_182 : vector<16xi32>
          %sub3A_184 = arith.constant 1597463007 : i32
          %sub3A_185 = vector.broadcast %sub3A_184 : i32 to vector<16xi32>
          %sub3A_186 = arith.subi %sub3A_185, %shift_right_arithmetic3A_183 : vector<16xi32>
          %bitcast3A_187 = vector.bitcast %sub3A_186 : vector<16xi32> to vector<16xf32>
          %mul3A_188 = arith.constant 5.000000e-01 : f32
          %mul3A_189 = vector.broadcast %mul3A_188 : f32 to vector<16xf32>
          %mul3A_190 = arith.mulf %mul3A_189, %add3A_179 : vector<16xf32>
          %mul3A_191 = arith.mulf %mul3A_190, %bitcast3A_187 : vector<16xf32>
          %mul3A_192 = arith.mulf %mul3A_191, %bitcast3A_187 : vector<16xf32>
          %sub3A_193 = arith.constant 1.500000e+00 : f32
          %sub3A_194 = vector.broadcast %sub3A_193 : f32 to vector<16xf32>
          %sub3A_195 = arith.subf %sub3A_194, %mul3A_192 : vector<16xf32>
          %mul3A_196 = arith.mulf %bitcast3A_187, %sub3A_195 : vector<16xf32>
          %mul3A_197 = arith.constant 5.000000e-01 : f32
          %mul3A_198 = vector.broadcast %mul3A_197 : f32 to vector<16xf32>
          %mul3A_199 = arith.mulf %mul3A_198, %add3A_179 : vector<16xf32>
          %mul3A_200 = arith.mulf %mul3A_199, %mul3A_196 : vector<16xf32>
          %mul3A_201 = arith.mulf %mul3A_200, %mul3A_196 : vector<16xf32>
          %sub3A_202 = arith.constant 1.500000e+00 : f32
          %sub3A_203 = vector.broadcast %sub3A_202 : f32 to vector<16xf32>
          %sub3A_204 = arith.subf %sub3A_203, %mul3A_201 : vector<16xf32>
          %mul3A_205 = arith.mulf %mul3A_196, %sub3A_204 : vector<16xf32>
          %mul3A_206 = arith.constant 5.000000e-01 : f32
          %mul3A_207 = vector.broadcast %mul3A_206 : f32 to vector<16xf32>
          %mul3A_208 = arith.mulf %mul3A_207, %add3A_179 : vector<16xf32>
          %mul3A_209 = arith.mulf %mul3A_208, %mul3A_205 : vector<16xf32>
          %mul3A_210 = arith.mulf %mul3A_209, %mul3A_205 : vector<16xf32>
          %sub3A_211 = arith.constant 1.500000e+00 : f32
          %sub3A_212 = vector.broadcast %sub3A_211 : f32 to vector<16xf32>
          %sub3A_213 = arith.subf %sub3A_212, %mul3A_210 : vector<16xf32>
          %mul3A_214 = arith.mulf %mul3A_205, %sub3A_213 : vector<16xf32>
          %mul3A_215 = arith.mulf %add3A_179, %mul3A_214 : vector<16xf32>
          %max3A_216 = arith.constant 9.99999996E-13 : f32
          %max3A_217 = vector.broadcast %max3A_216 : f32 to vector<16xf32>
          %max3A_218 = arith.maximumf %mul3A_215, %max3A_217 : vector<16xf32>
          %div3A = arith.divf %sub3A, %max3A_218 : vector<16xf32>
          %div3A_219 = arith.divf %sub3A_165, %max3A_218 : vector<16xf32>
          %div3A_220 = arith.divf %sub3A_174, %max3A_218 : vector<16xf32>
          %mul3A_221 = arith.mulf %div3A, %div3A : vector<16xf32>
          %mul3A_222 = arith.mulf %div3A_219, %div3A_219 : vector<16xf32>
          %mul3A_223 = arith.mulf %div3A_220, %div3A_220 : vector<16xf32>
          %broadcast_in_dim3A_224 = arith.constant 0.282094806 : f32
          %broadcast_in_dim3A_225 = vector.broadcast %broadcast_in_dim3A_224 : f32 to vector<16xf32>
          %mul3A_226 = arith.constant 0.488602519 : f32
          %mul3A_227 = vector.broadcast %mul3A_226 : f32 to vector<16xf32>
          %mul3A_228 = arith.mulf %mul3A_227, %div3A_219 : vector<16xf32>
          %mul3A_229 = arith.constant 0.488602519 : f32
          %mul3A_230 = vector.broadcast %mul3A_229 : f32 to vector<16xf32>
          %mul3A_231 = arith.mulf %mul3A_230, %div3A_220 : vector<16xf32>
          %mul3A_232 = arith.constant 0.488602519 : f32
          %mul3A_233 = vector.broadcast %mul3A_232 : f32 to vector<16xf32>
          %mul3A_234 = arith.mulf %mul3A_233, %div3A : vector<16xf32>
          %mul3A_235 = arith.constant 1.09254849 : f32
          %mul3A_236 = vector.broadcast %mul3A_235 : f32 to vector<16xf32>
          %mul3A_237 = arith.mulf %mul3A_236, %div3A : vector<16xf32>
          %mul3A_238 = arith.mulf %mul3A_237, %div3A_219 : vector<16xf32>
          %mul3A_239 = arith.constant 1.09254849 : f32
          %mul3A_240 = vector.broadcast %mul3A_239 : f32 to vector<16xf32>
          %mul3A_241 = arith.mulf %mul3A_240, %div3A_219 : vector<16xf32>
          %mul3A_242 = arith.mulf %mul3A_241, %div3A_220 : vector<16xf32>
          %mul3A_243 = arith.constant 3.000000e+00 : f32
          %mul3A_244 = vector.broadcast %mul3A_243 : f32 to vector<16xf32>
          %mul3A_245 = arith.mulf %mul3A_244, %mul3A_223 : vector<16xf32>
          %sub3A_246 = arith.constant 1.000000e+00 : f32
          %sub3A_247 = vector.broadcast %sub3A_246 : f32 to vector<16xf32>
          %sub3A_248 = arith.subf %mul3A_245, %sub3A_247 : vector<16xf32>
          %mul3A_249 = arith.constant 0.31539157 : f32
          %mul3A_250 = vector.broadcast %mul3A_249 : f32 to vector<16xf32>
          %mul3A_251 = arith.mulf %mul3A_250, %sub3A_248 : vector<16xf32>
          %mul3A_252 = arith.constant 1.09254849 : f32
          %mul3A_253 = vector.broadcast %mul3A_252 : f32 to vector<16xf32>
          %mul3A_254 = arith.mulf %mul3A_253, %div3A : vector<16xf32>
          %mul3A_255 = arith.mulf %mul3A_254, %div3A_220 : vector<16xf32>
          %sub3A_256 = arith.subf %mul3A_221, %mul3A_222 : vector<16xf32>
          %mul3A_257 = arith.constant 0.546274245 : f32
          %mul3A_258 = vector.broadcast %mul3A_257 : f32 to vector<16xf32>
          %mul3A_259 = arith.mulf %mul3A_258, %sub3A_256 : vector<16xf32>
          %mul3A_260 = arith.constant 0.590043604 : f32
          %mul3A_261 = vector.broadcast %mul3A_260 : f32 to vector<16xf32>
          %mul3A_262 = arith.mulf %mul3A_261, %div3A_219 : vector<16xf32>
          %mul3A_263 = arith.constant 3.000000e+00 : f32
          %mul3A_264 = vector.broadcast %mul3A_263 : f32 to vector<16xf32>
          %mul3A_265 = arith.mulf %mul3A_264, %mul3A_221 : vector<16xf32>
          %sub3A_266 = arith.subf %mul3A_265, %mul3A_222 : vector<16xf32>
          %mul3A_267 = arith.mulf %mul3A_262, %sub3A_266 : vector<16xf32>
          %mul3A_268 = arith.constant 2.89061141 : f32
          %mul3A_269 = vector.broadcast %mul3A_268 : f32 to vector<16xf32>
          %mul3A_270 = arith.mulf %mul3A_269, %div3A : vector<16xf32>
          %mul3A_271 = arith.mulf %mul3A_270, %div3A_219 : vector<16xf32>
          %mul3A_272 = arith.mulf %mul3A_271, %div3A_220 : vector<16xf32>
          %mul3A_273 = arith.constant 0.457045794 : f32
          %mul3A_274 = vector.broadcast %mul3A_273 : f32 to vector<16xf32>
          %mul3A_275 = arith.mulf %mul3A_274, %div3A_219 : vector<16xf32>
          %mul3A_276 = arith.constant 5.000000e+00 : f32
          %mul3A_277 = vector.broadcast %mul3A_276 : f32 to vector<16xf32>
          %mul3A_278 = arith.mulf %mul3A_277, %mul3A_223 : vector<16xf32>
          %sub3A_279 = arith.constant 1.000000e+00 : f32
          %sub3A_280 = vector.broadcast %sub3A_279 : f32 to vector<16xf32>
          %sub3A_281 = arith.subf %mul3A_278, %sub3A_280 : vector<16xf32>
          %mul3A_282 = arith.mulf %mul3A_275, %sub3A_281 : vector<16xf32>
          %mul3A_283 = arith.constant 0.373176336 : f32
          %mul3A_284 = vector.broadcast %mul3A_283 : f32 to vector<16xf32>
          %mul3A_285 = arith.mulf %mul3A_284, %div3A_220 : vector<16xf32>
          %mul3A_286 = arith.constant 5.000000e+00 : f32
          %mul3A_287 = vector.broadcast %mul3A_286 : f32 to vector<16xf32>
          %mul3A_288 = arith.mulf %mul3A_287, %mul3A_223 : vector<16xf32>
          %sub3A_289 = arith.constant 3.000000e+00 : f32
          %sub3A_290 = vector.broadcast %sub3A_289 : f32 to vector<16xf32>
          %sub3A_291 = arith.subf %mul3A_288, %sub3A_290 : vector<16xf32>
          %mul3A_292 = arith.mulf %mul3A_285, %sub3A_291 : vector<16xf32>
          %mul3A_293 = arith.constant 0.457045794 : f32
          %mul3A_294 = vector.broadcast %mul3A_293 : f32 to vector<16xf32>
          %mul3A_295 = arith.mulf %mul3A_294, %div3A : vector<16xf32>
          %mul3A_296 = arith.constant 5.000000e+00 : f32
          %mul3A_297 = vector.broadcast %mul3A_296 : f32 to vector<16xf32>
          %mul3A_298 = arith.mulf %mul3A_297, %mul3A_223 : vector<16xf32>
          %sub3A_299 = arith.constant 1.000000e+00 : f32
          %sub3A_300 = vector.broadcast %sub3A_299 : f32 to vector<16xf32>
          %sub3A_301 = arith.subf %mul3A_298, %sub3A_300 : vector<16xf32>
          %mul3A_302 = arith.mulf %mul3A_295, %sub3A_301 : vector<16xf32>
          %mul3A_303 = arith.constant 1.44530571 : f32
          %mul3A_304 = vector.broadcast %mul3A_303 : f32 to vector<16xf32>
          %mul3A_305 = arith.mulf %mul3A_304, %div3A_220 : vector<16xf32>
          %sub3A_306 = arith.subf %mul3A_221, %mul3A_222 : vector<16xf32>
          %mul3A_307 = arith.mulf %mul3A_305, %sub3A_306 : vector<16xf32>
          %mul3A_308 = arith.constant 0.590043604 : f32
          %mul3A_309 = vector.broadcast %mul3A_308 : f32 to vector<16xf32>
          %mul3A_310 = arith.mulf %mul3A_309, %div3A : vector<16xf32>
          %mul3A_311 = arith.constant 3.000000e+00 : f32
          %mul3A_312 = vector.broadcast %mul3A_311 : f32 to vector<16xf32>
          %mul3A_313 = arith.mulf %mul3A_312, %mul3A_221 : vector<16xf32>
          %sub3A_314 = arith.subf %mul3A_313, %mul3A_222 : vector<16xf32>
          %mul3A_315 = arith.mulf %mul3A_310, %sub3A_314 : vector<16xf32>
          %add3A_316 = arith.constant 20 : i32
          %add3A_317 = arith.addi %add3A_316, %squeeze3A : i32
          %while3A_318 = arith.constant 0 : i32
          %while3A_319 = arith.constant 0 : i32
          %while3A_320 = arith.subi %add3A_317, %while3A_318 : i32
          %while3A_321 = arith.addi %while3A_318, %while3A_320 : i32
          %while3A_322 = arith.constant 1 : i32
          %while3A_323 = arith.divsi %while3A_320, %while3A_322 : i32
          %while3A_324 = arith.muli %while3A_323, %while3A_322 : i32
          %while3A_325 = arith.addi %while3A_318, %while3A_324 : i32
          %while3A_326 = arith.constant 1 : i32
          %while3A_327 = scf.for %while3A_331 = %while3A_318 to %while3A_325 step %while3A_326 iter_args(%while3A_332 = %while3A_319) -> (i32)  : i32 {
            %add3A_333 = vector.broadcast %while3A_331 : i32 to vector<16xi32>
            %add3A_334 = arith.addi %broadcast_in_dim3A_1, %add3A_333 : vector<16xi32>
            %gather3A_335 = tpu.vector_load_idx %arg10[%add3A_149, %add3A_334] : memref<32x128xf32, #tpu.memory_space<vmem>>[vector<16xi32>, vector<16xi32>], vector<16xf32>,
            %add3A_336 = vector.broadcast %while3A_331 : i32 to vector<16xi32>
            %add3A_337 = arith.addi %select_n3A, %add3A_336 : vector<16xi32>
            tpu.vector_store_idx %arg7[%add3A_337], %gather3A_335 {add = true} : memref<109152xf32, #tpu.memory_space<vmem>>[vector<16xi32>], vector<16xf32>,
            %mul3A_338 = arith.constant 16 : i32
            %mul3A_339 = arith.muli %mul3A_338, %while3A_331 : i32
            %add3A_340 = arith.constant 20 : i32
            %add3A_341 = arith.addi %add3A_340, %mul3A_339 : i32
            %add3A_342 = vector.broadcast %add3A_341 : i32 to vector<16xi32>
            %add3A_343 = arith.addi %select_n3A, %add3A_342 : vector<16xi32>
            %add3A_344 = arith.constant 0 : i32
            %add3A_345 = vector.broadcast %add3A_344 : i32 to vector<16xi32>
            %add3A_346 = arith.addi %add3A_343, %add3A_345 : vector<16xi32>
            %mul3A_347 = arith.mulf %gather3A_335, %broadcast_in_dim3A_225 : vector<16xf32>
            tpu.vector_store_idx %arg7[%add3A_346], %mul3A_347 {add = true} : memref<109152xf32, #tpu.memory_space<vmem>>[vector<16xi32>], vector<16xf32>,
            %add3A_348 = arith.constant 1 : i32
            %add3A_349 = vector.broadcast %add3A_348 : i32 to vector<16xi32>
            %add3A_350 = arith.addi %add3A_343, %add3A_349 : vector<16xi32>
            %mul3A_351 = arith.mulf %gather3A_335, %mul3A_228 : vector<16xf32>
            tpu.vector_store_idx %arg7[%add3A_350], %mul3A_351 {add = true} : memref<109152xf32, #tpu.memory_space<vmem>>[vector<16xi32>], vector<16xf32>,
            %add3A_352 = arith.constant 2 : i32
            %add3A_353 = vector.broadcast %add3A_352 : i32 to vector<16xi32>
            %add3A_354 = arith.addi %add3A_343, %add3A_353 : vector<16xi32>
            %mul3A_355 = arith.mulf %gather3A_335, %mul3A_231 : vector<16xf32>
            tpu.vector_store_idx %arg7[%add3A_354], %mul3A_355 {add = true} : memref<109152xf32, #tpu.memory_space<vmem>>[vector<16xi32>], vector<16xf32>,
            %add3A_356 = arith.constant 3 : i32
            %add3A_357 = vector.broadcast %add3A_356 : i32 to vector<16xi32>
            %add3A_358 = arith.addi %add3A_343, %add3A_357 : vector<16xi32>
            %mul3A_359 = arith.mulf %gather3A_335, %mul3A_234 : vector<16xf32>
            tpu.vector_store_idx %arg7[%add3A_358], %mul3A_359 {add = true} : memref<109152xf32, #tpu.memory_space<vmem>>[vector<16xi32>], vector<16xf32>,
            %add3A_360 = arith.constant 4 : i32
            %add3A_361 = vector.broadcast %add3A_360 : i32 to vector<16xi32>
            %add3A_362 = arith.addi %add3A_343, %add3A_361 : vector<16xi32>
            %mul3A_363 = arith.mulf %gather3A_335, %mul3A_238 : vector<16xf32>
            tpu.vector_store_idx %arg7[%add3A_362], %mul3A_363 {add = true} : memref<109152xf32, #tpu.memory_space<vmem>>[vector<16xi32>], vector<16xf32>,
            %add3A_364 = arith.constant 5 : i32
            %add3A_365 = vector.broadcast %add3A_364 : i32 to vector<16xi32>
            %add3A_366 = arith.addi %add3A_343, %add3A_365 : vector<16xi32>
            %mul3A_367 = arith.mulf %gather3A_335, %mul3A_242 : vector<16xf32>
            tpu.vector_store_idx %arg7[%add3A_366], %mul3A_367 {add = true} : memref<109152xf32, #tpu.memory_space<vmem>>[vector<16xi32>], vector<16xf32>,
            %add3A_368 = arith.constant 6 : i32
            %add3A_369 = vector.broadcast %add3A_368 : i32 to vector<16xi32>
            %add3A_370 = arith.addi %add3A_343, %add3A_369 : vector<16xi32>
            %mul3A_371 = arith.mulf %gather3A_335, %mul3A_251 : vector<16xf32>
            tpu.vector_store_idx %arg7[%add3A_370], %mul3A_371 {add = true} : memref<109152xf32, #tpu.memory_space<vmem>>[vector<16xi32>], vector<16xf32>,
            %add3A_372 = arith.constant 7 : i32
            %add3A_373 = vector.broadcast %add3A_372 : i32 to vector<16xi32>
            %add3A_374 = arith.addi %add3A_343, %add3A_373 : vector<16xi32>
            %mul3A_375 = arith.mulf %gather3A_335, %mul3A_255 : vector<16xf32>
            tpu.vector_store_idx %arg7[%add3A_374], %mul3A_375 {add = true} : memref<109152xf32, #tpu.memory_space<vmem>>[vector<16xi32>], vector<16xf32>,
            %add3A_376 = arith.constant 8 : i32
            %add3A_377 = vector.broadcast %add3A_376 : i32 to vector<16xi32>
            %add3A_378 = arith.addi %add3A_343, %add3A_377 : vector<16xi32>
            %mul3A_379 = arith.mulf %gather3A_335, %mul3A_259 : vector<16xf32>
            tpu.vector_store_idx %arg7[%add3A_378], %mul3A_379 {add = true} : memref<109152xf32, #tpu.memory_space<vmem>>[vector<16xi32>], vector<16xf32>,
            %add3A_380 = arith.constant 9 : i32
            %add3A_381 = vector.broadcast %add3A_380 : i32 to vector<16xi32>
            %add3A_382 = arith.addi %add3A_343, %add3A_381 : vector<16xi32>
            %mul3A_383 = arith.mulf %gather3A_335, %mul3A_267 : vector<16xf32>
            tpu.vector_store_idx %arg7[%add3A_382], %mul3A_383 {add = true} : memref<109152xf32, #tpu.memory_space<vmem>>[vector<16xi32>], vector<16xf32>,
            %add3A_384 = arith.constant 10 : i32
            %add3A_385 = vector.broadcast %add3A_384 : i32 to vector<16xi32>
            %add3A_386 = arith.addi %add3A_343, %add3A_385 : vector<16xi32>
            %mul3A_387 = arith.mulf %gather3A_335, %mul3A_272 : vector<16xf32>
            tpu.vector_store_idx %arg7[%add3A_386], %mul3A_387 {add = true} : memref<109152xf32, #tpu.memory_space<vmem>>[vector<16xi32>], vector<16xf32>,
            %add3A_388 = arith.constant 11 : i32
            %add3A_389 = vector.broadcast %add3A_388 : i32 to vector<16xi32>
            %add3A_390 = arith.addi %add3A_343, %add3A_389 : vector<16xi32>
            %mul3A_391 = arith.mulf %gather3A_335, %mul3A_282 : vector<16xf32>
            tpu.vector_store_idx %arg7[%add3A_390], %mul3A_391 {add = true} : memref<109152xf32, #tpu.memory_space<vmem>>[vector<16xi32>], vector<16xf32>,
            %add3A_392 = arith.constant 12 : i32
            %add3A_393 = vector.broadcast %add3A_392 : i32 to vector<16xi32>
            %add3A_394 = arith.addi %add3A_343, %add3A_393 : vector<16xi32>
            %mul3A_395 = arith.mulf %gather3A_335, %mul3A_292 : vector<16xf32>
            tpu.vector_store_idx %arg7[%add3A_394], %mul3A_395 {add = true} : memref<109152xf32, #tpu.memory_space<vmem>>[vector<16xi32>], vector<16xf32>,
            %add3A_396 = arith.constant 13 : i32
            %add3A_397 = vector.broadcast %add3A_396 : i32 to vector<16xi32>
            %add3A_398 = arith.addi %add3A_343, %add3A_397 : vector<16xi32>
            %mul3A_399 = arith.mulf %gather3A_335, %mul3A_302 : vector<16xf32>
            tpu.vector_store_idx %arg7[%add3A_398], %mul3A_399 {add = true} : memref<109152xf32, #tpu.memory_space<vmem>>[vector<16xi32>], vector<16xf32>,
            %add3A_400 = arith.constant 14 : i32
            %add3A_401 = vector.broadcast %add3A_400 : i32 to vector<16xi32>
            %add3A_402 = arith.addi %add3A_343, %add3A_401 : vector<16xi32>
            %mul3A_403 = arith.mulf %gather3A_335, %mul3A_307 : vector<16xf32>
            tpu.vector_store_idx %arg7[%add3A_402], %mul3A_403 {add = true} : memref<109152xf32, #tpu.memory_space<vmem>>[vector<16xi32>], vector<16xf32>,
            %add3A_404 = arith.constant 15 : i32
            %add3A_405 = vector.broadcast %add3A_404 : i32 to vector<16xi32>
            %add3A_406 = arith.addi %add3A_343, %add3A_405 : vector<16xi32>
            %mul3A_407 = arith.mulf %gather3A_335, %mul3A_315 : vector<16xf32>
            tpu.vector_store_idx %arg7[%add3A_406], %mul3A_407 {add = true} : memref<109152xf32, #tpu.memory_space<vmem>>[vector<16xi32>], vector<16xf32>,
            %while3A_408 = arith.constant 0 : i32
            scf.yield %while3A_408 : i32
          }
          %while3A_328 = arith.constant 1 : i32
          %while3A_329 = scf.for %while3A_331 = %while3A_325 to %while3A_321 step %while3A_328 iter_args(%while3A_332 = %while3A_327) -> (i32)  : i32 {
            %add3A_333 = vector.broadcast %while3A_331 : i32 to vector<16xi32>
            %add3A_334 = arith.addi %broadcast_in_dim3A_1, %add3A_333 : vector<16xi32>
            %gather3A_335 = tpu.vector_load_idx %arg10[%add3A_149, %add3A_334] : memref<32x128xf32, #tpu.memory_space<vmem>>[vector<16xi32>, vector<16xi32>], vector<16xf32>,
            %add3A_336 = vector.broadcast %while3A_331 : i32 to vector<16xi32>
            %add3A_337 = arith.addi %select_n3A, %add3A_336 : vector<16xi32>
            tpu.vector_store_idx %arg7[%add3A_337], %gather3A_335 {add = true} : memref<109152xf32, #tpu.memory_space<vmem>>[vector<16xi32>], vector<16xf32>,
            %mul3A_338 = arith.constant 16 : i32
            %mul3A_339 = arith.muli %mul3A_338, %while3A_331 : i32
            %add3A_340 = arith.constant 20 : i32
            %add3A_341 = arith.addi %add3A_340, %mul3A_339 : i32
            %add3A_342 = vector.broadcast %add3A_341 : i32 to vector<16xi32>
            %add3A_343 = arith.addi %select_n3A, %add3A_342 : vector<16xi32>
            %add3A_344 = arith.constant 0 : i32
            %add3A_345 = vector.broadcast %add3A_344 : i32 to vector<16xi32>
            %add3A_346 = arith.addi %add3A_343, %add3A_345 : vector<16xi32>
            %mul3A_347 = arith.mulf %gather3A_335, %broadcast_in_dim3A_225 : vector<16xf32>
            tpu.vector_store_idx %arg7[%add3A_346], %mul3A_347 {add = true} : memref<109152xf32, #tpu.memory_space<vmem>>[vector<16xi32>], vector<16xf32>,
            %add3A_348 = arith.constant 1 : i32
            %add3A_349 = vector.broadcast %add3A_348 : i32 to vector<16xi32>
            %add3A_350 = arith.addi %add3A_343, %add3A_349 : vector<16xi32>
            %mul3A_351 = arith.mulf %gather3A_335, %mul3A_228 : vector<16xf32>
            tpu.vector_store_idx %arg7[%add3A_350], %mul3A_351 {add = true} : memref<109152xf32, #tpu.memory_space<vmem>>[vector<16xi32>], vector<16xf32>,
            %add3A_352 = arith.constant 2 : i32
            %add3A_353 = vector.broadcast %add3A_352 : i32 to vector<16xi32>
            %add3A_354 = arith.addi %add3A_343, %add3A_353 : vector<16xi32>
            %mul3A_355 = arith.mulf %gather3A_335, %mul3A_231 : vector<16xf32>
            tpu.vector_store_idx %arg7[%add3A_354], %mul3A_355 {add = true} : memref<109152xf32, #tpu.memory_space<vmem>>[vector<16xi32>], vector<16xf32>,
            %add3A_356 = arith.constant 3 : i32
            %add3A_357 = vector.broadcast %add3A_356 : i32 to vector<16xi32>
            %add3A_358 = arith.addi %add3A_343, %add3A_357 : vector<16xi32>
            %mul3A_359 = arith.mulf %gather3A_335, %mul3A_234 : vector<16xf32>
            tpu.vector_store_idx %arg7[%add3A_358], %mul3A_359 {add = true} : memref<109152xf32, #tpu.memory_space<vmem>>[vector<16xi32>], vector<16xf32>,
            %add3A_360 = arith.constant 4 : i32
            %add3A_361 = vector.broadcast %add3A_360 : i32 to vector<16xi32>
            %add3A_362 = arith.addi %add3A_343, %add3A_361 : vector<16xi32>
            %mul3A_363 = arith.mulf %gather3A_335, %mul3A_238 : vector<16xf32>
            tpu.vector_store_idx %arg7[%add3A_362], %mul3A_363 {add = true} : memref<109152xf32, #tpu.memory_space<vmem>>[vector<16xi32>], vector<16xf32>,
            %add3A_364 = arith.constant 5 : i32
            %add3A_365 = vector.broadcast %add3A_364 : i32 to vector<16xi32>
            %add3A_366 = arith.addi %add3A_343, %add3A_365 : vector<16xi32>
            %mul3A_367 = arith.mulf %gather3A_335, %mul3A_242 : vector<16xf32>
            tpu.vector_store_idx %arg7[%add3A_366], %mul3A_367 {add = true} : memref<109152xf32, #tpu.memory_space<vmem>>[vector<16xi32>], vector<16xf32>,
            %add3A_368 = arith.constant 6 : i32
            %add3A_369 = vector.broadcast %add3A_368 : i32 to vector<16xi32>
            %add3A_370 = arith.addi %add3A_343, %add3A_369 : vector<16xi32>
            %mul3A_371 = arith.mulf %gather3A_335, %mul3A_251 : vector<16xf32>
            tpu.vector_store_idx %arg7[%add3A_370], %mul3A_371 {add = true} : memref<109152xf32, #tpu.memory_space<vmem>>[vector<16xi32>], vector<16xf32>,
            %add3A_372 = arith.constant 7 : i32
            %add3A_373 = vector.broadcast %add3A_372 : i32 to vector<16xi32>
            %add3A_374 = arith.addi %add3A_343, %add3A_373 : vector<16xi32>
            %mul3A_375 = arith.mulf %gather3A_335, %mul3A_255 : vector<16xf32>
            tpu.vector_store_idx %arg7[%add3A_374], %mul3A_375 {add = true} : memref<109152xf32, #tpu.memory_space<vmem>>[vector<16xi32>], vector<16xf32>,
            %add3A_376 = arith.constant 8 : i32
            %add3A_377 = vector.broadcast %add3A_376 : i32 to vector<16xi32>
            %add3A_378 = arith.addi %add3A_343, %add3A_377 : vector<16xi32>
            %mul3A_379 = arith.mulf %gather3A_335, %mul3A_259 : vector<16xf32>
            tpu.vector_store_idx %arg7[%add3A_378], %mul3A_379 {add = true} : memref<109152xf32, #tpu.memory_space<vmem>>[vector<16xi32>], vector<16xf32>,
            %add3A_380 = arith.constant 9 : i32
            %add3A_381 = vector.broadcast %add3A_380 : i32 to vector<16xi32>
            %add3A_382 = arith.addi %add3A_343, %add3A_381 : vector<16xi32>
            %mul3A_383 = arith.mulf %gather3A_335, %mul3A_267 : vector<16xf32>
            tpu.vector_store_idx %arg7[%add3A_382], %mul3A_383 {add = true} : memref<109152xf32, #tpu.memory_space<vmem>>[vector<16xi32>], vector<16xf32>,
            %add3A_384 = arith.constant 10 : i32
            %add3A_385 = vector.broadcast %add3A_384 : i32 to vector<16xi32>
            %add3A_386 = arith.addi %add3A_343, %add3A_385 : vector<16xi32>
            %mul3A_387 = arith.mulf %gather3A_335, %mul3A_272 : vector<16xf32>
            tpu.vector_store_idx %arg7[%add3A_386], %mul3A_387 {add = true} : memref<109152xf32, #tpu.memory_space<vmem>>[vector<16xi32>], vector<16xf32>,
            %add3A_388 = arith.constant 11 : i32
            %add3A_389 = vector.broadcast %add3A_388 : i32 to vector<16xi32>
            %add3A_390 = arith.addi %add3A_343, %add3A_389 : vector<16xi32>
            %mul3A_391 = arith.mulf %gather3A_335, %mul3A_282 : vector<16xf32>
            tpu.vector_store_idx %arg7[%add3A_390], %mul3A_391 {add = true} : memref<109152xf32, #tpu.memory_space<vmem>>[vector<16xi32>], vector<16xf32>,
            %add3A_392 = arith.constant 12 : i32
            %add3A_393 = vector.broadcast %add3A_392 : i32 to vector<16xi32>
            %add3A_394 = arith.addi %add3A_343, %add3A_393 : vector<16xi32>
            %mul3A_395 = arith.mulf %gather3A_335, %mul3A_292 : vector<16xf32>
            tpu.vector_store_idx %arg7[%add3A_394], %mul3A_395 {add = true} : memref<109152xf32, #tpu.memory_space<vmem>>[vector<16xi32>], vector<16xf32>,
            %add3A_396 = arith.constant 13 : i32
            %add3A_397 = vector.broadcast %add3A_396 : i32 to vector<16xi32>
            %add3A_398 = arith.addi %add3A_343, %add3A_397 : vector<16xi32>
            %mul3A_399 = arith.mulf %gather3A_335, %mul3A_302 : vector<16xf32>
            tpu.vector_store_idx %arg7[%add3A_398], %mul3A_399 {add = true} : memref<109152xf32, #tpu.memory_space<vmem>>[vector<16xi32>], vector<16xf32>,
            %add3A_400 = arith.constant 14 : i32
            %add3A_401 = vector.broadcast %add3A_400 : i32 to vector<16xi32>
            %add3A_402 = arith.addi %add3A_343, %add3A_401 : vector<16xi32>
            %mul3A_403 = arith.mulf %gather3A_335, %mul3A_307 : vector<16xf32>
            tpu.vector_store_idx %arg7[%add3A_402], %mul3A_403 {add = true} : memref<109152xf32, #tpu.memory_space<vmem>>[vector<16xi32>], vector<16xf32>,
            %add3A_404 = arith.constant 15 : i32
            %add3A_405 = vector.broadcast %add3A_404 : i32 to vector<16xi32>
            %add3A_406 = arith.addi %add3A_343, %add3A_405 : vector<16xi32>
            %mul3A_407 = arith.mulf %gather3A_335, %mul3A_315 : vector<16xf32>
            tpu.vector_store_idx %arg7[%add3A_406], %mul3A_407 {add = true} : memref<109152xf32, #tpu.memory_space<vmem>>[vector<16xi32>], vector<16xf32>,
            %while3A_408 = arith.constant 0 : i32
            scf.yield %while3A_408 : i32
          }
          %while3A_330 = arith.constant 0 : i32
          scf.yield %while3A_330 : i32
        }
        %while3A_113 = arith.constant 1 : i32
        %while3A_114 = scf.for %while3A_117 = %while3A_110 to %while3A_106 step %while3A_113 iter_args(%while3A_118 = %while3A_112) -> (i32)  : i32 {
          %rem3A = arith.constant 2 : i32
          %rem3A_119 = arith.remsi %while3A_117, %rem3A : i32
          %add3A_120 = arith.constant 1 : i32
          %add3A_121 = arith.addi %while3A_117, %add3A_120 : i32
          %lt3A_122 = arith.cmpi slt, %add3A_121, %max3A_98 : i32
          %convert_element_type3A_123 = arith.extui %lt3A_122 : i1 to i32
          %cond3A_124 = arith.constant 0 : i32
          %cond3A_125 = arith.cmpi ne, %convert_element_type3A_123, %cond3A_124 : i32
          scf.if %cond3A_125 {
            %add3A_331 = arith.constant 1 : i32
            %add3A_332 = arith.addi %while3A_117, %add3A_331 : i32
            %add3A_333 = arith.constant 1 : i32
            %add3A_334 = arith.addi %while3A_117, %add3A_333 : i32
            %rem3A_335 = arith.constant 2 : i32
            %rem3A_336 = arith.remsi %add3A_334, %rem3A_335 : i32
            %eq3A_337 = arith.constant 0 : i32
            %eq3A_338 = arith.cmpi eq, %rem3A_336, %eq3A_337 : i32
            %convert_element_type3A_339 = arith.extui %eq3A_338 : i1 to i32
            %cond3A_340 = arith.constant 0 : i32
            %cond3A_341 = arith.cmpi ne, %convert_element_type3A_339, %cond3A_340 : i32
            scf.if %cond3A_341 {
              %mul3A_347 = arith.constant 16 : i32
              %mul3A_348 = arith.muli %add3A_332, %mul3A_347 : i32
              %get3A_349 = arith.index_cast %mul3A_348 : i32 to index
              %get3A_350 = tpu.vector_load %arg8[%get3A_349] {strides = array<i32>} : memref<8192xi32, #tpu.memory_space<vmem>>, vector<16xi32>,
              %and3A = arith.constant 65535 : i32
              %and3A_351 = vector.broadcast %and3A : i32 to vector<16xi32>
              %and3A_352 = arith.andi %get3A_350, %and3A_351 : vector<16xi32>
              %swap3A_353 = arith.constant 0 : index
              %swap3A_354 = tpu.vector_load %arg9[%swap3A_353] {strides = array<i32>} : memref<32xi32, #tpu.memory_space<vmem>>, vector<16xi32>,
              tpu.vector_store %arg9[%swap3A_353], %and3A_352 {strides = array<i32>} : memref<32xi32, #tpu.memory_space<vmem>>, vector<16xi32>,
              %dma_start3A_355 = arith.constant 0 : i32
              %dma_start3A_356 = arith.constant 0 : i32
              %dma_start3A_357 = tpu.memref_slice %arg10[%dma_start3A_355, %dma_start3A_356] : memref<32x128xf32, #tpu.memory_space<vmem>> -> memref<16x128xf32, #tpu.memory_space<vmem>>
              %dma_start3A_358 = arith.constant 0 : i32
              %dma_start3A_359 = tpu.memref_slice %arg9[%dma_start3A_358] : memref<32xi32, #tpu.memory_space<vmem>> -> memref<16xi32, #tpu.memory_space<vmem>>
              %dma_start3A_360 = arith.constant 0 : i32
              %dma_start3A_361 = arith.constant 0 : i32
              %dma_start3A_362 = tpu.memref_slice %arg2[%dma_start3A_360, %dma_start3A_361] : memref<50000x128xf32, #tpu.memory_space<hbm>> -> memref<50000x128xf32, #tpu.memory_space<hbm>>
              tpu.enqueue_indirect_dma source(%dma_start3A_362 : memref<50000x128xf32, #tpu.memory_space<hbm>>) target(%dma_start3A_357 : memref<16x128xf32, #tpu.memory_space<vmem>>) offsets(%dma_start3A_359 : memref<16xi32, #tpu.memory_space<vmem>>) semaphore(%arg14 : memref<!tpu.dma_semaphore, #tpu.memory_space<semaphore_mem>>)
            } else {
            }
            %ne3A_342 = arith.constant 0 : i32
            %ne3A_343 = arith.cmpi ne, %rem3A_336, %ne3A_342 : i32
            %convert_element_type3A_344 = arith.extui %ne3A_343 : i1 to i32
            %cond3A_345 = arith.constant 0 : i32
            %cond3A_346 = arith.cmpi ne, %convert_element_type3A_344, %cond3A_345 : i32
            scf.if %cond3A_346 {
              %mul3A_347 = arith.constant 16 : i32
              %mul3A_348 = arith.muli %add3A_332, %mul3A_347 : i32
              %get3A_349 = arith.index_cast %mul3A_348 : i32 to index
              %get3A_350 = tpu.vector_load %arg8[%get3A_349] {strides = array<i32>} : memref<8192xi32, #tpu.memory_space<vmem>>, vector<16xi32>,
              %and3A = arith.constant 65535 : i32
              %and3A_351 = vector.broadcast %and3A : i32 to vector<16xi32>
              %and3A_352 = arith.andi %get3A_350, %and3A_351 : vector<16xi32>
              %swap3A_353 = arith.constant 16 : index
              %swap3A_354 = tpu.vector_load %arg9[%swap3A_353] {strides = array<i32>} : memref<32xi32, #tpu.memory_space<vmem>>, vector<16xi32>,
              tpu.vector_store %arg9[%swap3A_353], %and3A_352 {strides = array<i32>} : memref<32xi32, #tpu.memory_space<vmem>>, vector<16xi32>,
              %dma_start3A_355 = arith.constant 16 : i32
              %dma_start3A_356 = arith.constant 0 : i32
              %dma_start3A_357 = tpu.memref_slice %arg10[%dma_start3A_355, %dma_start3A_356] : memref<32x128xf32, #tpu.memory_space<vmem>> -> memref<16x128xf32, #tpu.memory_space<vmem>>
              %dma_start3A_358 = arith.constant 16 : i32
              %dma_start3A_359 = tpu.memref_slice %arg9[%dma_start3A_358] : memref<32xi32, #tpu.memory_space<vmem>> -> memref<16xi32, #tpu.memory_space<vmem>>
              %dma_start3A_360 = arith.constant 0 : i32
              %dma_start3A_361 = arith.constant 0 : i32
              %dma_start3A_362 = tpu.memref_slice %arg2[%dma_start3A_360, %dma_start3A_361] : memref<50000x128xf32, #tpu.memory_space<hbm>> -> memref<50000x128xf32, #tpu.memory_space<hbm>>
              tpu.enqueue_indirect_dma source(%dma_start3A_362 : memref<50000x128xf32, #tpu.memory_space<hbm>>) target(%dma_start3A_357 : memref<16x128xf32, #tpu.memory_space<vmem>>) offsets(%dma_start3A_359 : memref<16xi32, #tpu.memory_space<vmem>>) semaphore(%arg14 : memref<!tpu.dma_semaphore, #tpu.memory_space<semaphore_mem>>)
            } else {
            }
          } else {
          }
          %eq3A = arith.constant 0 : i32
          %eq3A_126 = arith.cmpi eq, %rem3A_119, %eq3A : i32
          %convert_element_type3A_127 = arith.extui %eq3A_126 : i1 to i32
          %cond3A_128 = arith.constant 0 : i32
          %cond3A_129 = arith.cmpi ne, %convert_element_type3A_127, %cond3A_128 : i32
          scf.if %cond3A_129 {
            %dma_wait3A_331 = arith.constant 0 : i32
            %dma_wait3A_332 = arith.constant 0 : i32
            %dma_wait3A_333 = tpu.memref_slice %arg10[%dma_wait3A_331, %dma_wait3A_332] : memref<32x128xf32, #tpu.memory_space<vmem>> -> memref<16x128xf32, #tpu.memory_space<vmem>>
            %dma_wait3A_334 = arith.constant 0 : i32
            %dma_wait3A_335 = tpu.memref_slice %arg9[%dma_wait3A_334] : memref<32xi32, #tpu.memory_space<vmem>> -> memref<16xi32, #tpu.memory_space<vmem>>
            %dma_wait3A_336 = arith.constant 0 : i32
            %dma_wait3A_337 = arith.constant 0 : i32
            %dma_wait3A_338 = tpu.memref_slice %arg2[%dma_wait3A_336, %dma_wait3A_337] : memref<50000x128xf32, #tpu.memory_space<hbm>> -> memref<50000x128xf32, #tpu.memory_space<hbm>>
            tpu.wait_indirect_dma semaphore(%arg14 : memref<!tpu.dma_semaphore, #tpu.memory_space<semaphore_mem>>) src(%dma_wait3A_338 : memref<50000x128xf32, #tpu.memory_space<hbm>>) dst(%dma_wait3A_333 : memref<16x128xf32, #tpu.memory_space<vmem>>)
          } else {
          }
          %ne3A = arith.constant 0 : i32
          %ne3A_130 = arith.cmpi ne, %rem3A_119, %ne3A : i32
          %convert_element_type3A_131 = arith.extui %ne3A_130 : i1 to i32
          %cond3A_132 = arith.constant 0 : i32
          %cond3A_133 = arith.cmpi ne, %convert_element_type3A_131, %cond3A_132 : i32
          scf.if %cond3A_133 {
            %dma_wait3A_331 = arith.constant 16 : i32
            %dma_wait3A_332 = arith.constant 0 : i32
            %dma_wait3A_333 = tpu.memref_slice %arg10[%dma_wait3A_331, %dma_wait3A_332] : memref<32x128xf32, #tpu.memory_space<vmem>> -> memref<16x128xf32, #tpu.memory_space<vmem>>
            %dma_wait3A_334 = arith.constant 16 : i32
            %dma_wait3A_335 = tpu.memref_slice %arg9[%dma_wait3A_334] : memref<32xi32, #tpu.memory_space<vmem>> -> memref<16xi32, #tpu.memory_space<vmem>>
            %dma_wait3A_336 = arith.constant 0 : i32
            %dma_wait3A_337 = arith.constant 0 : i32
            %dma_wait3A_338 = tpu.memref_slice %arg2[%dma_wait3A_336, %dma_wait3A_337] : memref<50000x128xf32, #tpu.memory_space<hbm>> -> memref<50000x128xf32, #tpu.memory_space<hbm>>
            tpu.wait_indirect_dma semaphore(%arg14 : memref<!tpu.dma_semaphore, #tpu.memory_space<semaphore_mem>>) src(%dma_wait3A_338 : memref<50000x128xf32, #tpu.memory_space<hbm>>) dst(%dma_wait3A_333 : memref<16x128xf32, #tpu.memory_space<vmem>>)
          } else {
          }
          %gt3A_134 = vector.broadcast %while3A_117 : i32 to vector<16xi32>
          %gt3A_135 = arith.cmpi sgt, %get3A_34, %gt3A_134 : vector<16xi32>
          %mul3A_136 = arith.constant 16 : i32
          %mul3A_137 = arith.muli %while3A_117, %mul3A_136 : i32
          %get3A_138 = arith.index_cast %mul3A_137 : i32 to index
          %get3A_139 = tpu.vector_load %arg8[%get3A_138] {strides = array<i32>} : memref<8192xi32, #tpu.memory_space<vmem>>, vector<16xi32>,
          %shift_right_arithmetic3A = arith.constant 16 : i32
          %shift_right_arithmetic3A_140 = vector.broadcast %shift_right_arithmetic3A : i32 to vector<16xi32>
          %shift_right_arithmetic3A_141 = arith.shrsi %get3A_139, %shift_right_arithmetic3A_140 : vector<16xi32>
          %mul3A_142 = arith.constant 340 : i32
          %mul3A_143 = vector.broadcast %mul3A_142 : i32 to vector<16xi32>
          %mul3A_144 = arith.muli %shift_right_arithmetic3A_141, %mul3A_143 : vector<16xi32>
          %jit3A = arith.constant 108800 : i32
          %broadcast_in_dim3A_145 = vector.broadcast %jit3A : i32 to vector<16xi32>
          %select_n3A = arith.select %gt3A_135, %mul3A_144, %broadcast_in_dim3A_145 : vector<16xi1>, vector<16xi32>
          %mul3A_146 = arith.constant 16 : i32
          %mul3A_147 = arith.muli %rem3A_119, %mul3A_146 : i32
          %add3A_148 = vector.broadcast %mul3A_147 : i32 to vector<16xi32>
          %add3A_149 = arith.addi %add3A_148, %iota3A : vector<16xi32>
          %mul3A_150 = arith.constant 8 : i32
          %mul3A_151 = vector.broadcast %mul3A_150 : i32 to vector<16xi32>
          %mul3A_152 = arith.muli %shift_right_arithmetic3A_141, %mul3A_151 : vector<16xi32>
          %gather3A = tpu.vector_load_idx %arg11[%mul3A_152] : memref<2560xf32, #tpu.memory_space<vmem>>[vector<16xi32>], vector<16xf32>,
          %add3A_153 = arith.constant 20 : i32
          %add3A_154 = vector.broadcast %add3A_153 : i32 to vector<16xi32>
          %add3A_155 = arith.addi %broadcast_in_dim3A_1, %add3A_154 : vector<16xi32>
          %gather3A_156 = tpu.vector_load_idx %arg10[%add3A_149, %add3A_155] : memref<32x128xf32, #tpu.memory_space<vmem>>[vector<16xi32>, vector<16xi32>], vector<16xf32>,
          %sub3A = arith.subf %gather3A, %gather3A_156 : vector<16xf32>
          %add3A_157 = arith.constant 1 : i32
          %add3A_158 = vector.broadcast %add3A_157 : i32 to vector<16xi32>
          %add3A_159 = arith.addi %mul3A_152, %add3A_158 : vector<16xi32>
          %gather3A_160 = tpu.vector_load_idx %arg11[%add3A_159] : memref<2560xf32, #tpu.memory_space<vmem>>[vector<16xi32>], vector<16xf32>,
          %add3A_161 = arith.constant 21 : i32
          %add3A_162 = vector.broadcast %add3A_161 : i32 to vector<16xi32>
          %add3A_163 = arith.addi %broadcast_in_dim3A_1, %add3A_162 : vector<16xi32>
          %gather3A_164 = tpu.vector_load_idx %arg10[%add3A_149, %add3A_163] : memref<32x128xf32, #tpu.memory_space<vmem>>[vector<16xi32>, vector<16xi32>], vector<16xf32>,
          %sub3A_165 = arith.subf %gather3A_160, %gather3A_164 : vector<16xf32>
          %add3A_166 = arith.constant 2 : i32
          %add3A_167 = vector.broadcast %add3A_166 : i32 to vector<16xi32>
          %add3A_168 = arith.addi %mul3A_152, %add3A_167 : vector<16xi32>
          %gather3A_169 = tpu.vector_load_idx %arg11[%add3A_168] : memref<2560xf32, #tpu.memory_space<vmem>>[vector<16xi32>], vector<16xf32>,
          %add3A_170 = arith.constant 22 : i32
          %add3A_171 = vector.broadcast %add3A_170 : i32 to vector<16xi32>
          %add3A_172 = arith.addi %broadcast_in_dim3A_1, %add3A_171 : vector<16xi32>
          %gather3A_173 = tpu.vector_load_idx %arg10[%add3A_149, %add3A_172] : memref<32x128xf32, #tpu.memory_space<vmem>>[vector<16xi32>, vector<16xi32>], vector<16xf32>,
          %sub3A_174 = arith.subf %gather3A_169, %gather3A_173 : vector<16xf32>
          %mul3A_175 = arith.mulf %sub3A, %sub3A : vector<16xf32>
          %mul3A_176 = arith.mulf %sub3A_165, %sub3A_165 : vector<16xf32>
          %add3A_177 = arith.addf %mul3A_175, %mul3A_176 : vector<16xf32>
          %mul3A_178 = arith.mulf %sub3A_174, %sub3A_174 : vector<16xf32>
          %add3A_179 = arith.addf %add3A_177, %mul3A_178 : vector<16xf32>
          %bitcast3A_180 = vector.bitcast %add3A_179 : vector<16xf32> to vector<16xi32>
          %shift_right_arithmetic3A_181 = arith.constant 1 : i32
          %shift_right_arithmetic3A_182 = vector.broadcast %shift_right_arithmetic3A_181 : i32 to vector<16xi32>
          %shift_right_arithmetic3A_183 = arith.shrsi %bitcast3A_180, %shift_right_arithmetic3A_182 : vector<16xi32>
          %sub3A_184 = arith.constant 1597463007 : i32
          %sub3A_185 = vector.broadcast %sub3A_184 : i32 to vector<16xi32>
          %sub3A_186 = arith.subi %sub3A_185, %shift_right_arithmetic3A_183 : vector<16xi32>
          %bitcast3A_187 = vector.bitcast %sub3A_186 : vector<16xi32> to vector<16xf32>
          %mul3A_188 = arith.constant 5.000000e-01 : f32
          %mul3A_189 = vector.broadcast %mul3A_188 : f32 to vector<16xf32>
          %mul3A_190 = arith.mulf %mul3A_189, %add3A_179 : vector<16xf32>
          %mul3A_191 = arith.mulf %mul3A_190, %bitcast3A_187 : vector<16xf32>
          %mul3A_192 = arith.mulf %mul3A_191, %bitcast3A_187 : vector<16xf32>
          %sub3A_193 = arith.constant 1.500000e+00 : f32
          %sub3A_194 = vector.broadcast %sub3A_193 : f32 to vector<16xf32>
          %sub3A_195 = arith.subf %sub3A_194, %mul3A_192 : vector<16xf32>
          %mul3A_196 = arith.mulf %bitcast3A_187, %sub3A_195 : vector<16xf32>
          %mul3A_197 = arith.constant 5.000000e-01 : f32
          %mul3A_198 = vector.broadcast %mul3A_197 : f32 to vector<16xf32>
          %mul3A_199 = arith.mulf %mul3A_198, %add3A_179 : vector<16xf32>
          %mul3A_200 = arith.mulf %mul3A_199, %mul3A_196 : vector<16xf32>
          %mul3A_201 = arith.mulf %mul3A_200, %mul3A_196 : vector<16xf32>
          %sub3A_202 = arith.constant 1.500000e+00 : f32
          %sub3A_203 = vector.broadcast %sub3A_202 : f32 to vector<16xf32>
          %sub3A_204 = arith.subf %sub3A_203, %mul3A_201 : vector<16xf32>
          %mul3A_205 = arith.mulf %mul3A_196, %sub3A_204 : vector<16xf32>
          %mul3A_206 = arith.constant 5.000000e-01 : f32
          %mul3A_207 = vector.broadcast %mul3A_206 : f32 to vector<16xf32>
          %mul3A_208 = arith.mulf %mul3A_207, %add3A_179 : vector<16xf32>
          %mul3A_209 = arith.mulf %mul3A_208, %mul3A_205 : vector<16xf32>
          %mul3A_210 = arith.mulf %mul3A_209, %mul3A_205 : vector<16xf32>
          %sub3A_211 = arith.constant 1.500000e+00 : f32
          %sub3A_212 = vector.broadcast %sub3A_211 : f32 to vector<16xf32>
          %sub3A_213 = arith.subf %sub3A_212, %mul3A_210 : vector<16xf32>
          %mul3A_214 = arith.mulf %mul3A_205, %sub3A_213 : vector<16xf32>
          %mul3A_215 = arith.mulf %add3A_179, %mul3A_214 : vector<16xf32>
          %max3A_216 = arith.constant 9.99999996E-13 : f32
          %max3A_217 = vector.broadcast %max3A_216 : f32 to vector<16xf32>
          %max3A_218 = arith.maximumf %mul3A_215, %max3A_217 : vector<16xf32>
          %div3A = arith.divf %sub3A, %max3A_218 : vector<16xf32>
          %div3A_219 = arith.divf %sub3A_165, %max3A_218 : vector<16xf32>
          %div3A_220 = arith.divf %sub3A_174, %max3A_218 : vector<16xf32>
          %mul3A_221 = arith.mulf %div3A, %div3A : vector<16xf32>
          %mul3A_222 = arith.mulf %div3A_219, %div3A_219 : vector<16xf32>
          %mul3A_223 = arith.mulf %div3A_220, %div3A_220 : vector<16xf32>
          %broadcast_in_dim3A_224 = arith.constant 0.282094806 : f32
          %broadcast_in_dim3A_225 = vector.broadcast %broadcast_in_dim3A_224 : f32 to vector<16xf32>
          %mul3A_226 = arith.constant 0.488602519 : f32
          %mul3A_227 = vector.broadcast %mul3A_226 : f32 to vector<16xf32>
          %mul3A_228 = arith.mulf %mul3A_227, %div3A_219 : vector<16xf32>
          %mul3A_229 = arith.constant 0.488602519 : f32
          %mul3A_230 = vector.broadcast %mul3A_229 : f32 to vector<16xf32>
          %mul3A_231 = arith.mulf %mul3A_230, %div3A_220 : vector<16xf32>
          %mul3A_232 = arith.constant 0.488602519 : f32
          %mul3A_233 = vector.broadcast %mul3A_232 : f32 to vector<16xf32>
          %mul3A_234 = arith.mulf %mul3A_233, %div3A : vector<16xf32>
          %mul3A_235 = arith.constant 1.09254849 : f32
          %mul3A_236 = vector.broadcast %mul3A_235 : f32 to vector<16xf32>
          %mul3A_237 = arith.mulf %mul3A_236, %div3A : vector<16xf32>
          %mul3A_238 = arith.mulf %mul3A_237, %div3A_219 : vector<16xf32>
          %mul3A_239 = arith.constant 1.09254849 : f32
          %mul3A_240 = vector.broadcast %mul3A_239 : f32 to vector<16xf32>
          %mul3A_241 = arith.mulf %mul3A_240, %div3A_219 : vector<16xf32>
          %mul3A_242 = arith.mulf %mul3A_241, %div3A_220 : vector<16xf32>
          %mul3A_243 = arith.constant 3.000000e+00 : f32
          %mul3A_244 = vector.broadcast %mul3A_243 : f32 to vector<16xf32>
          %mul3A_245 = arith.mulf %mul3A_244, %mul3A_223 : vector<16xf32>
          %sub3A_246 = arith.constant 1.000000e+00 : f32
          %sub3A_247 = vector.broadcast %sub3A_246 : f32 to vector<16xf32>
          %sub3A_248 = arith.subf %mul3A_245, %sub3A_247 : vector<16xf32>
          %mul3A_249 = arith.constant 0.31539157 : f32
          %mul3A_250 = vector.broadcast %mul3A_249 : f32 to vector<16xf32>
          %mul3A_251 = arith.mulf %mul3A_250, %sub3A_248 : vector<16xf32>
          %mul3A_252 = arith.constant 1.09254849 : f32
          %mul3A_253 = vector.broadcast %mul3A_252 : f32 to vector<16xf32>
          %mul3A_254 = arith.mulf %mul3A_253, %div3A : vector<16xf32>
          %mul3A_255 = arith.mulf %mul3A_254, %div3A_220 : vector<16xf32>
          %sub3A_256 = arith.subf %mul3A_221, %mul3A_222 : vector<16xf32>
          %mul3A_257 = arith.constant 0.546274245 : f32
          %mul3A_258 = vector.broadcast %mul3A_257 : f32 to vector<16xf32>
          %mul3A_259 = arith.mulf %mul3A_258, %sub3A_256 : vector<16xf32>
          %mul3A_260 = arith.constant 0.590043604 : f32
          %mul3A_261 = vector.broadcast %mul3A_260 : f32 to vector<16xf32>
          %mul3A_262 = arith.mulf %mul3A_261, %div3A_219 : vector<16xf32>
          %mul3A_263 = arith.constant 3.000000e+00 : f32
          %mul3A_264 = vector.broadcast %mul3A_263 : f32 to vector<16xf32>
          %mul3A_265 = arith.mulf %mul3A_264, %mul3A_221 : vector<16xf32>
          %sub3A_266 = arith.subf %mul3A_265, %mul3A_222 : vector<16xf32>
          %mul3A_267 = arith.mulf %mul3A_262, %sub3A_266 : vector<16xf32>
          %mul3A_268 = arith.constant 2.89061141 : f32
          %mul3A_269 = vector.broadcast %mul3A_268 : f32 to vector<16xf32>
          %mul3A_270 = arith.mulf %mul3A_269, %div3A : vector<16xf32>
          %mul3A_271 = arith.mulf %mul3A_270, %div3A_219 : vector<16xf32>
          %mul3A_272 = arith.mulf %mul3A_271, %div3A_220 : vector<16xf32>
          %mul3A_273 = arith.constant 0.457045794 : f32
          %mul3A_274 = vector.broadcast %mul3A_273 : f32 to vector<16xf32>
          %mul3A_275 = arith.mulf %mul3A_274, %div3A_219 : vector<16xf32>
          %mul3A_276 = arith.constant 5.000000e+00 : f32
          %mul3A_277 = vector.broadcast %mul3A_276 : f32 to vector<16xf32>
          %mul3A_278 = arith.mulf %mul3A_277, %mul3A_223 : vector<16xf32>
          %sub3A_279 = arith.constant 1.000000e+00 : f32
          %sub3A_280 = vector.broadcast %sub3A_279 : f32 to vector<16xf32>
          %sub3A_281 = arith.subf %mul3A_278, %sub3A_280 : vector<16xf32>
          %mul3A_282 = arith.mulf %mul3A_275, %sub3A_281 : vector<16xf32>
          %mul3A_283 = arith.constant 0.373176336 : f32
          %mul3A_284 = vector.broadcast %mul3A_283 : f32 to vector<16xf32>
          %mul3A_285 = arith.mulf %mul3A_284, %div3A_220 : vector<16xf32>
          %mul3A_286 = arith.constant 5.000000e+00 : f32
          %mul3A_287 = vector.broadcast %mul3A_286 : f32 to vector<16xf32>
          %mul3A_288 = arith.mulf %mul3A_287, %mul3A_223 : vector<16xf32>
          %sub3A_289 = arith.constant 3.000000e+00 : f32
          %sub3A_290 = vector.broadcast %sub3A_289 : f32 to vector<16xf32>
          %sub3A_291 = arith.subf %mul3A_288, %sub3A_290 : vector<16xf32>
          %mul3A_292 = arith.mulf %mul3A_285, %sub3A_291 : vector<16xf32>
          %mul3A_293 = arith.constant 0.457045794 : f32
          %mul3A_294 = vector.broadcast %mul3A_293 : f32 to vector<16xf32>
          %mul3A_295 = arith.mulf %mul3A_294, %div3A : vector<16xf32>
          %mul3A_296 = arith.constant 5.000000e+00 : f32
          %mul3A_297 = vector.broadcast %mul3A_296 : f32 to vector<16xf32>
          %mul3A_298 = arith.mulf %mul3A_297, %mul3A_223 : vector<16xf32>
          %sub3A_299 = arith.constant 1.000000e+00 : f32
          %sub3A_300 = vector.broadcast %sub3A_299 : f32 to vector<16xf32>
          %sub3A_301 = arith.subf %mul3A_298, %sub3A_300 : vector<16xf32>
          %mul3A_302 = arith.mulf %mul3A_295, %sub3A_301 : vector<16xf32>
          %mul3A_303 = arith.constant 1.44530571 : f32
          %mul3A_304 = vector.broadcast %mul3A_303 : f32 to vector<16xf32>
          %mul3A_305 = arith.mulf %mul3A_304, %div3A_220 : vector<16xf32>
          %sub3A_306 = arith.subf %mul3A_221, %mul3A_222 : vector<16xf32>
          %mul3A_307 = arith.mulf %mul3A_305, %sub3A_306 : vector<16xf32>
          %mul3A_308 = arith.constant 0.590043604 : f32
          %mul3A_309 = vector.broadcast %mul3A_308 : f32 to vector<16xf32>
          %mul3A_310 = arith.mulf %mul3A_309, %div3A : vector<16xf32>
          %mul3A_311 = arith.constant 3.000000e+00 : f32
          %mul3A_312 = vector.broadcast %mul3A_311 : f32 to vector<16xf32>
          %mul3A_313 = arith.mulf %mul3A_312, %mul3A_221 : vector<16xf32>
          %sub3A_314 = arith.subf %mul3A_313, %mul3A_222 : vector<16xf32>
          %mul3A_315 = arith.mulf %mul3A_310, %sub3A_314 : vector<16xf32>
          %add3A_316 = arith.constant 20 : i32
          %add3A_317 = arith.addi %add3A_316, %squeeze3A : i32
          %while3A_318 = arith.constant 0 : i32
          %while3A_319 = arith.constant 0 : i32
          %while3A_320 = arith.subi %add3A_317, %while3A_318 : i32
          %while3A_321 = arith.addi %while3A_318, %while3A_320 : i32
          %while3A_322 = arith.constant 1 : i32
          %while3A_323 = arith.divsi %while3A_320, %while3A_322 : i32
          %while3A_324 = arith.muli %while3A_323, %while3A_322 : i32
          %while3A_325 = arith.addi %while3A_318, %while3A_324 : i32
          %while3A_326 = arith.constant 1 : i32
          %while3A_327 = scf.for %while3A_331 = %while3A_318 to %while3A_325 step %while3A_326 iter_args(%while3A_332 = %while3A_319) -> (i32)  : i32 {
            %add3A_333 = vector.broadcast %while3A_331 : i32 to vector<16xi32>
            %add3A_334 = arith.addi %broadcast_in_dim3A_1, %add3A_333 : vector<16xi32>
            %gather3A_335 = tpu.vector_load_idx %arg10[%add3A_149, %add3A_334] : memref<32x128xf32, #tpu.memory_space<vmem>>[vector<16xi32>, vector<16xi32>], vector<16xf32>,
            %add3A_336 = vector.broadcast %while3A_331 : i32 to vector<16xi32>
            %add3A_337 = arith.addi %select_n3A, %add3A_336 : vector<16xi32>
            tpu.vector_store_idx %arg7[%add3A_337], %gather3A_335 {add = true} : memref<109152xf32, #tpu.memory_space<vmem>>[vector<16xi32>], vector<16xf32>,
            %mul3A_338 = arith.constant 16 : i32
            %mul3A_339 = arith.muli %mul3A_338, %while3A_331 : i32
            %add3A_340 = arith.constant 20 : i32
            %add3A_341 = arith.addi %add3A_340, %mul3A_339 : i32
            %add3A_342 = vector.broadcast %add3A_341 : i32 to vector<16xi32>
            %add3A_343 = arith.addi %select_n3A, %add3A_342 : vector<16xi32>
            %add3A_344 = arith.constant 0 : i32
            %add3A_345 = vector.broadcast %add3A_344 : i32 to vector<16xi32>
            %add3A_346 = arith.addi %add3A_343, %add3A_345 : vector<16xi32>
            %mul3A_347 = arith.mulf %gather3A_335, %broadcast_in_dim3A_225 : vector<16xf32>
            tpu.vector_store_idx %arg7[%add3A_346], %mul3A_347 {add = true} : memref<109152xf32, #tpu.memory_space<vmem>>[vector<16xi32>], vector<16xf32>,
            %add3A_348 = arith.constant 1 : i32
            %add3A_349 = vector.broadcast %add3A_348 : i32 to vector<16xi32>
            %add3A_350 = arith.addi %add3A_343, %add3A_349 : vector<16xi32>
            %mul3A_351 = arith.mulf %gather3A_335, %mul3A_228 : vector<16xf32>
            tpu.vector_store_idx %arg7[%add3A_350], %mul3A_351 {add = true} : memref<109152xf32, #tpu.memory_space<vmem>>[vector<16xi32>], vector<16xf32>,
            %add3A_352 = arith.constant 2 : i32
            %add3A_353 = vector.broadcast %add3A_352 : i32 to vector<16xi32>
            %add3A_354 = arith.addi %add3A_343, %add3A_353 : vector<16xi32>
            %mul3A_355 = arith.mulf %gather3A_335, %mul3A_231 : vector<16xf32>
            tpu.vector_store_idx %arg7[%add3A_354], %mul3A_355 {add = true} : memref<109152xf32, #tpu.memory_space<vmem>>[vector<16xi32>], vector<16xf32>,
            %add3A_356 = arith.constant 3 : i32
            %add3A_357 = vector.broadcast %add3A_356 : i32 to vector<16xi32>
            %add3A_358 = arith.addi %add3A_343, %add3A_357 : vector<16xi32>
            %mul3A_359 = arith.mulf %gather3A_335, %mul3A_234 : vector<16xf32>
            tpu.vector_store_idx %arg7[%add3A_358], %mul3A_359 {add = true} : memref<109152xf32, #tpu.memory_space<vmem>>[vector<16xi32>], vector<16xf32>,
            %add3A_360 = arith.constant 4 : i32
            %add3A_361 = vector.broadcast %add3A_360 : i32 to vector<16xi32>
            %add3A_362 = arith.addi %add3A_343, %add3A_361 : vector<16xi32>
            %mul3A_363 = arith.mulf %gather3A_335, %mul3A_238 : vector<16xf32>
            tpu.vector_store_idx %arg7[%add3A_362], %mul3A_363 {add = true} : memref<109152xf32, #tpu.memory_space<vmem>>[vector<16xi32>], vector<16xf32>,
            %add3A_364 = arith.constant 5 : i32
            %add3A_365 = vector.broadcast %add3A_364 : i32 to vector<16xi32>
            %add3A_366 = arith.addi %add3A_343, %add3A_365 : vector<16xi32>
            %mul3A_367 = arith.mulf %gather3A_335, %mul3A_242 : vector<16xf32>
            tpu.vector_store_idx %arg7[%add3A_366], %mul3A_367 {add = true} : memref<109152xf32, #tpu.memory_space<vmem>>[vector<16xi32>], vector<16xf32>,
            %add3A_368 = arith.constant 6 : i32
            %add3A_369 = vector.broadcast %add3A_368 : i32 to vector<16xi32>
            %add3A_370 = arith.addi %add3A_343, %add3A_369 : vector<16xi32>
            %mul3A_371 = arith.mulf %gather3A_335, %mul3A_251 : vector<16xf32>
            tpu.vector_store_idx %arg7[%add3A_370], %mul3A_371 {add = true} : memref<109152xf32, #tpu.memory_space<vmem>>[vector<16xi32>], vector<16xf32>,
            %add3A_372 = arith.constant 7 : i32
            %add3A_373 = vector.broadcast %add3A_372 : i32 to vector<16xi32>
            %add3A_374 = arith.addi %add3A_343, %add3A_373 : vector<16xi32>
            %mul3A_375 = arith.mulf %gather3A_335, %mul3A_255 : vector<16xf32>
            tpu.vector_store_idx %arg7[%add3A_374], %mul3A_375 {add = true} : memref<109152xf32, #tpu.memory_space<vmem>>[vector<16xi32>], vector<16xf32>,
            %add3A_376 = arith.constant 8 : i32
            %add3A_377 = vector.broadcast %add3A_376 : i32 to vector<16xi32>
            %add3A_378 = arith.addi %add3A_343, %add3A_377 : vector<16xi32>
            %mul3A_379 = arith.mulf %gather3A_335, %mul3A_259 : vector<16xf32>
            tpu.vector_store_idx %arg7[%add3A_378], %mul3A_379 {add = true} : memref<109152xf32, #tpu.memory_space<vmem>>[vector<16xi32>], vector<16xf32>,
            %add3A_380 = arith.constant 9 : i32
            %add3A_381 = vector.broadcast %add3A_380 : i32 to vector<16xi32>
            %add3A_382 = arith.addi %add3A_343, %add3A_381 : vector<16xi32>
            %mul3A_383 = arith.mulf %gather3A_335, %mul3A_267 : vector<16xf32>
            tpu.vector_store_idx %arg7[%add3A_382], %mul3A_383 {add = true} : memref<109152xf32, #tpu.memory_space<vmem>>[vector<16xi32>], vector<16xf32>,
            %add3A_384 = arith.constant 10 : i32
            %add3A_385 = vector.broadcast %add3A_384 : i32 to vector<16xi32>
            %add3A_386 = arith.addi %add3A_343, %add3A_385 : vector<16xi32>
            %mul3A_387 = arith.mulf %gather3A_335, %mul3A_272 : vector<16xf32>
            tpu.vector_store_idx %arg7[%add3A_386], %mul3A_387 {add = true} : memref<109152xf32, #tpu.memory_space<vmem>>[vector<16xi32>], vector<16xf32>,
            %add3A_388 = arith.constant 11 : i32
            %add3A_389 = vector.broadcast %add3A_388 : i32 to vector<16xi32>
            %add3A_390 = arith.addi %add3A_343, %add3A_389 : vector<16xi32>
            %mul3A_391 = arith.mulf %gather3A_335, %mul3A_282 : vector<16xf32>
            tpu.vector_store_idx %arg7[%add3A_390], %mul3A_391 {add = true} : memref<109152xf32, #tpu.memory_space<vmem>>[vector<16xi32>], vector<16xf32>,
            %add3A_392 = arith.constant 12 : i32
            %add3A_393 = vector.broadcast %add3A_392 : i32 to vector<16xi32>
            %add3A_394 = arith.addi %add3A_343, %add3A_393 : vector<16xi32>
            %mul3A_395 = arith.mulf %gather3A_335, %mul3A_292 : vector<16xf32>
            tpu.vector_store_idx %arg7[%add3A_394], %mul3A_395 {add = true} : memref<109152xf32, #tpu.memory_space<vmem>>[vector<16xi32>], vector<16xf32>,
            %add3A_396 = arith.constant 13 : i32
            %add3A_397 = vector.broadcast %add3A_396 : i32 to vector<16xi32>
            %add3A_398 = arith.addi %add3A_343, %add3A_397 : vector<16xi32>
            %mul3A_399 = arith.mulf %gather3A_335, %mul3A_302 : vector<16xf32>
            tpu.vector_store_idx %arg7[%add3A_398], %mul3A_399 {add = true} : memref<109152xf32, #tpu.memory_space<vmem>>[vector<16xi32>], vector<16xf32>,
            %add3A_400 = arith.constant 14 : i32
            %add3A_401 = vector.broadcast %add3A_400 : i32 to vector<16xi32>
            %add3A_402 = arith.addi %add3A_343, %add3A_401 : vector<16xi32>
            %mul3A_403 = arith.mulf %gather3A_335, %mul3A_307 : vector<16xf32>
            tpu.vector_store_idx %arg7[%add3A_402], %mul3A_403 {add = true} : memref<109152xf32, #tpu.memory_space<vmem>>[vector<16xi32>], vector<16xf32>,
            %add3A_404 = arith.constant 15 : i32
            %add3A_405 = vector.broadcast %add3A_404 : i32 to vector<16xi32>
            %add3A_406 = arith.addi %add3A_343, %add3A_405 : vector<16xi32>
            %mul3A_407 = arith.mulf %gather3A_335, %mul3A_315 : vector<16xf32>
            tpu.vector_store_idx %arg7[%add3A_406], %mul3A_407 {add = true} : memref<109152xf32, #tpu.memory_space<vmem>>[vector<16xi32>], vector<16xf32>,
            %while3A_408 = arith.constant 0 : i32
            scf.yield %while3A_408 : i32
          }
          %while3A_328 = arith.constant 1 : i32
          %while3A_329 = scf.for %while3A_331 = %while3A_325 to %while3A_321 step %while3A_328 iter_args(%while3A_332 = %while3A_327) -> (i32)  : i32 {
            %add3A_333 = vector.broadcast %while3A_331 : i32 to vector<16xi32>
            %add3A_334 = arith.addi %broadcast_in_dim3A_1, %add3A_333 : vector<16xi32>
            %gather3A_335 = tpu.vector_load_idx %arg10[%add3A_149, %add3A_334] : memref<32x128xf32, #tpu.memory_space<vmem>>[vector<16xi32>, vector<16xi32>], vector<16xf32>,
            %add3A_336 = vector.broadcast %while3A_331 : i32 to vector<16xi32>
            %add3A_337 = arith.addi %select_n3A, %add3A_336 : vector<16xi32>
            tpu.vector_store_idx %arg7[%add3A_337], %gather3A_335 {add = true} : memref<109152xf32, #tpu.memory_space<vmem>>[vector<16xi32>], vector<16xf32>,
            %mul3A_338 = arith.constant 16 : i32
            %mul3A_339 = arith.muli %mul3A_338, %while3A_331 : i32
            %add3A_340 = arith.constant 20 : i32
            %add3A_341 = arith.addi %add3A_340, %mul3A_339 : i32
            %add3A_342 = vector.broadcast %add3A_341 : i32 to vector<16xi32>
            %add3A_343 = arith.addi %select_n3A, %add3A_342 : vector<16xi32>
            %add3A_344 = arith.constant 0 : i32
            %add3A_345 = vector.broadcast %add3A_344 : i32 to vector<16xi32>
            %add3A_346 = arith.addi %add3A_343, %add3A_345 : vector<16xi32>
            %mul3A_347 = arith.mulf %gather3A_335, %broadcast_in_dim3A_225 : vector<16xf32>
            tpu.vector_store_idx %arg7[%add3A_346], %mul3A_347 {add = true} : memref<109152xf32, #tpu.memory_space<vmem>>[vector<16xi32>], vector<16xf32>,
            %add3A_348 = arith.constant 1 : i32
            %add3A_349 = vector.broadcast %add3A_348 : i32 to vector<16xi32>
            %add3A_350 = arith.addi %add3A_343, %add3A_349 : vector<16xi32>
            %mul3A_351 = arith.mulf %gather3A_335, %mul3A_228 : vector<16xf32>
            tpu.vector_store_idx %arg7[%add3A_350], %mul3A_351 {add = true} : memref<109152xf32, #tpu.memory_space<vmem>>[vector<16xi32>], vector<16xf32>,
            %add3A_352 = arith.constant 2 : i32
            %add3A_353 = vector.broadcast %add3A_352 : i32 to vector<16xi32>
            %add3A_354 = arith.addi %add3A_343, %add3A_353 : vector<16xi32>
            %mul3A_355 = arith.mulf %gather3A_335, %mul3A_231 : vector<16xf32>
            tpu.vector_store_idx %arg7[%add3A_354], %mul3A_355 {add = true} : memref<109152xf32, #tpu.memory_space<vmem>>[vector<16xi32>], vector<16xf32>,
            %add3A_356 = arith.constant 3 : i32
            %add3A_357 = vector.broadcast %add3A_356 : i32 to vector<16xi32>
            %add3A_358 = arith.addi %add3A_343, %add3A_357 : vector<16xi32>
            %mul3A_359 = arith.mulf %gather3A_335, %mul3A_234 : vector<16xf32>
            tpu.vector_store_idx %arg7[%add3A_358], %mul3A_359 {add = true} : memref<109152xf32, #tpu.memory_space<vmem>>[vector<16xi32>], vector<16xf32>,
            %add3A_360 = arith.constant 4 : i32
            %add3A_361 = vector.broadcast %add3A_360 : i32 to vector<16xi32>
            %add3A_362 = arith.addi %add3A_343, %add3A_361 : vector<16xi32>
            %mul3A_363 = arith.mulf %gather3A_335, %mul3A_238 : vector<16xf32>
            tpu.vector_store_idx %arg7[%add3A_362], %mul3A_363 {add = true} : memref<109152xf32, #tpu.memory_space<vmem>>[vector<16xi32>], vector<16xf32>,
            %add3A_364 = arith.constant 5 : i32
            %add3A_365 = vector.broadcast %add3A_364 : i32 to vector<16xi32>
            %add3A_366 = arith.addi %add3A_343, %add3A_365 : vector<16xi32>
            %mul3A_367 = arith.mulf %gather3A_335, %mul3A_242 : vector<16xf32>
            tpu.vector_store_idx %arg7[%add3A_366], %mul3A_367 {add = true} : memref<109152xf32, #tpu.memory_space<vmem>>[vector<16xi32>], vector<16xf32>,
            %add3A_368 = arith.constant 6 : i32
            %add3A_369 = vector.broadcast %add3A_368 : i32 to vector<16xi32>
            %add3A_370 = arith.addi %add3A_343, %add3A_369 : vector<16xi32>
            %mul3A_371 = arith.mulf %gather3A_335, %mul3A_251 : vector<16xf32>
            tpu.vector_store_idx %arg7[%add3A_370], %mul3A_371 {add = true} : memref<109152xf32, #tpu.memory_space<vmem>>[vector<16xi32>], vector<16xf32>,
            %add3A_372 = arith.constant 7 : i32
            %add3A_373 = vector.broadcast %add3A_372 : i32 to vector<16xi32>
            %add3A_374 = arith.addi %add3A_343, %add3A_373 : vector<16xi32>
            %mul3A_375 = arith.mulf %gather3A_335, %mul3A_255 : vector<16xf32>
            tpu.vector_store_idx %arg7[%add3A_374], %mul3A_375 {add = true} : memref<109152xf32, #tpu.memory_space<vmem>>[vector<16xi32>], vector<16xf32>,
            %add3A_376 = arith.constant 8 : i32
            %add3A_377 = vector.broadcast %add3A_376 : i32 to vector<16xi32>
            %add3A_378 = arith.addi %add3A_343, %add3A_377 : vector<16xi32>
            %mul3A_379 = arith.mulf %gather3A_335, %mul3A_259 : vector<16xf32>
            tpu.vector_store_idx %arg7[%add3A_378], %mul3A_379 {add = true} : memref<109152xf32, #tpu.memory_space<vmem>>[vector<16xi32>], vector<16xf32>,
            %add3A_380 = arith.constant 9 : i32
            %add3A_381 = vector.broadcast %add3A_380 : i32 to vector<16xi32>
            %add3A_382 = arith.addi %add3A_343, %add3A_381 : vector<16xi32>
            %mul3A_383 = arith.mulf %gather3A_335, %mul3A_267 : vector<16xf32>
            tpu.vector_store_idx %arg7[%add3A_382], %mul3A_383 {add = true} : memref<109152xf32, #tpu.memory_space<vmem>>[vector<16xi32>], vector<16xf32>,
            %add3A_384 = arith.constant 10 : i32
            %add3A_385 = vector.broadcast %add3A_384 : i32 to vector<16xi32>
            %add3A_386 = arith.addi %add3A_343, %add3A_385 : vector<16xi32>
            %mul3A_387 = arith.mulf %gather3A_335, %mul3A_272 : vector<16xf32>
            tpu.vector_store_idx %arg7[%add3A_386], %mul3A_387 {add = true} : memref<109152xf32, #tpu.memory_space<vmem>>[vector<16xi32>], vector<16xf32>,
            %add3A_388 = arith.constant 11 : i32
            %add3A_389 = vector.broadcast %add3A_388 : i32 to vector<16xi32>
            %add3A_390 = arith.addi %add3A_343, %add3A_389 : vector<16xi32>
            %mul3A_391 = arith.mulf %gather3A_335, %mul3A_282 : vector<16xf32>
            tpu.vector_store_idx %arg7[%add3A_390], %mul3A_391 {add = true} : memref<109152xf32, #tpu.memory_space<vmem>>[vector<16xi32>], vector<16xf32>,
            %add3A_392 = arith.constant 12 : i32
            %add3A_393 = vector.broadcast %add3A_392 : i32 to vector<16xi32>
            %add3A_394 = arith.addi %add3A_343, %add3A_393 : vector<16xi32>
            %mul3A_395 = arith.mulf %gather3A_335, %mul3A_292 : vector<16xf32>
            tpu.vector_store_idx %arg7[%add3A_394], %mul3A_395 {add = true} : memref<109152xf32, #tpu.memory_space<vmem>>[vector<16xi32>], vector<16xf32>,
            %add3A_396 = arith.constant 13 : i32
            %add3A_397 = vector.broadcast %add3A_396 : i32 to vector<16xi32>
            %add3A_398 = arith.addi %add3A_343, %add3A_397 : vector<16xi32>
            %mul3A_399 = arith.mulf %gather3A_335, %mul3A_302 : vector<16xf32>
            tpu.vector_store_idx %arg7[%add3A_398], %mul3A_399 {add = true} : memref<109152xf32, #tpu.memory_space<vmem>>[vector<16xi32>], vector<16xf32>,
            %add3A_400 = arith.constant 14 : i32
            %add3A_401 = vector.broadcast %add3A_400 : i32 to vector<16xi32>
            %add3A_402 = arith.addi %add3A_343, %add3A_401 : vector<16xi32>
            %mul3A_403 = arith.mulf %gather3A_335, %mul3A_307 : vector<16xf32>
            tpu.vector_store_idx %arg7[%add3A_402], %mul3A_403 {add = true} : memref<109152xf32, #tpu.memory_space<vmem>>[vector<16xi32>], vector<16xf32>,
            %add3A_404 = arith.constant 15 : i32
            %add3A_405 = vector.broadcast %add3A_404 : i32 to vector<16xi32>
            %add3A_406 = arith.addi %add3A_343, %add3A_405 : vector<16xi32>
            %mul3A_407 = arith.mulf %gather3A_335, %mul3A_315 : vector<16xf32>
            tpu.vector_store_idx %arg7[%add3A_406], %mul3A_407 {add = true} : memref<109152xf32, #tpu.memory_space<vmem>>[vector<16xi32>], vector<16xf32>,
            %while3A_408 = arith.constant 0 : i32
            scf.yield %while3A_408 : i32
          }
          %while3A_330 = arith.constant 0 : i32
          scf.yield %while3A_330 : i32
        }
        %mul3A_115 = arith.constant 108800 : i32
        %mul3A_116 = arith.muli %add3A_23, %mul3A_115 : i32
        "tpu.region"() ({
          %run_scoped3A = tpu.sem_alloc : memref<!tpu.dma_semaphore, #tpu.memory_space<semaphore_mem>>
          %dma_start3A_117 = arith.constant 0 : i32
          %dma_start3A_118 = tpu.memref_slice %arg7[%dma_start3A_117] : memref<109152xf32, #tpu.memory_space<vmem>> -> memref<108800xf32, #tpu.memory_space<vmem>>
          %dma_start3A_119 = tpu.memref_slice %arg6[%mul3A_116] : memref<17081600xf32, #tpu.memory_space<hbm>> -> memref<108800xf32, #tpu.memory_space<hbm>>
          %dma_start3A_120 = tpu.memref_slice %arg6[%mul3A_116] : memref<17081600xf32, #tpu.memory_space<hbm>> -> memref<108800xf32, #tpu.memory_space<hbm>>
          %dma_start3A_121 = arith.constant 0 : i32
          %dma_start3A_122 = tpu.memref_slice %arg7[%dma_start3A_121] : memref<109152xf32, #tpu.memory_space<vmem>> -> memref<108800xf32, #tpu.memory_space<vmem>>
          tpu.enqueue_dma source(%dma_start3A_122 : memref<108800xf32, #tpu.memory_space<vmem>>) target(%dma_start3A_120 : memref<108800xf32, #tpu.memory_space<hbm>>) target_semaphore(%run_scoped3A : memref<!tpu.dma_semaphore, #tpu.memory_space<semaphore_mem>>)
          %dma_wait3A_123 = arith.constant 0 : i32
          %dma_wait3A_124 = tpu.memref_slice %arg7[%dma_wait3A_123] : memref<109152xf32, #tpu.memory_space<vmem>> -> memref<108800xf32, #tpu.memory_space<vmem>>
          %dma_wait3A_125 = tpu.memref_slice %arg6[%mul3A_116] : memref<17081600xf32, #tpu.memory_space<hbm>> -> memref<108800xf32, #tpu.memory_space<hbm>>
          %dma_wait3A_126 = tpu.memref_slice %arg6[%mul3A_116] : memref<17081600xf32, #tpu.memory_space<hbm>> -> memref<108800xf32, #tpu.memory_space<hbm>>
          %dma_wait3A_127 = arith.constant 0 : i32
          %dma_wait3A_128 = tpu.memref_slice %arg7[%dma_wait3A_127] : memref<109152xf32, #tpu.memory_space<vmem>> -> memref<108800xf32, #tpu.memory_space<vmem>>
          tpu.wait_dma2 semaphore(%run_scoped3A : memref<!tpu.dma_semaphore, #tpu.memory_space<semaphore_mem>>) src(%dma_wait3A_128 : memref<108800xf32, #tpu.memory_space<vmem>>) dst(%dma_wait3A_126 : memref<108800xf32, #tpu.memory_space<hbm>>)
          tpu.yield
        }) : () -> ()
      } else {
      }
      %while3A_28 = arith.constant 0 : i32
      scf.yield %while3A_28 : i32
    }
    %while3A_17 = arith.constant 1 : i32
    %while3A_18 = scf.for %while3A_19 = %while3A_14 to %while3A_10 step %while3A_17 iter_args(%while3A_20 = %while3A_16) -> (i32)  : i32 {
      %mul3A_21 = arith.constant 32 : i32
      %mul3A_22 = arith.muli %while3A_19, %mul3A_21 : i32
      %add3A_23 = arith.addi %mul3A_22, %add3A : i32
      %mul3A_24 = arith.constant 320 : i32
      %mul3A_25 = arith.muli %add3A_23, %mul3A_24 : i32
      %lt3A = arith.constant 157 : i32
      %lt3A_26 = arith.cmpi slt, %add3A_23, %lt3A : i32
      %convert_element_type3A = arith.extui %lt3A_26 : i1 to i32
      %cond3A = arith.constant 0 : i32
      %cond3A_27 = arith.cmpi ne, %convert_element_type3A, %cond3A : i32
      scf.if %cond3A_27 {
        %mul3A_29 = arith.constant 16 : i32
        %mul3A_30 = arith.muli %add3A_23, %mul3A_29 : i32
        "tpu.region"() ({
          %run_scoped3A = tpu.sem_alloc : memref<!tpu.dma_semaphore, #tpu.memory_space<semaphore_mem>>
          %dma_start3A_117 = tpu.memref_slice %arg5[%mul3A_30] : memref<2512xi32, #tpu.memory_space<hbm>> -> memref<16xi32, #tpu.memory_space<hbm>>
          %dma_start3A_118 = tpu.memref_slice %arg5[%mul3A_30] : memref<2512xi32, #tpu.memory_space<hbm>> -> memref<16xi32, #tpu.memory_space<hbm>>
          tpu.enqueue_dma source(%dma_start3A_118 : memref<16xi32, #tpu.memory_space<hbm>>) target(%arg12 : memref<16xi32, #tpu.memory_space<vmem>>) target_semaphore(%run_scoped3A : memref<!tpu.dma_semaphore, #tpu.memory_space<semaphore_mem>>)
          %dma_wait3A_119 = tpu.memref_slice %arg5[%mul3A_30] : memref<2512xi32, #tpu.memory_space<hbm>> -> memref<16xi32, #tpu.memory_space<hbm>>
          %dma_wait3A_120 = tpu.memref_slice %arg5[%mul3A_30] : memref<2512xi32, #tpu.memory_space<hbm>> -> memref<16xi32, #tpu.memory_space<hbm>>
          tpu.wait_dma2 semaphore(%run_scoped3A : memref<!tpu.dma_semaphore, #tpu.memory_space<semaphore_mem>>) src(%dma_wait3A_120 : memref<16xi32, #tpu.memory_space<hbm>>) dst(%arg12 : memref<16xi32, #tpu.memory_space<vmem>>)
          tpu.yield
        }) : () -> ()
        %mul3A_31 = arith.constant 8 : i32
        %mul3A_32 = arith.muli %mul3A_25, %mul3A_31 : i32
        "tpu.region"() ({
          %run_scoped3A = tpu.sem_alloc : memref<!tpu.dma_semaphore, #tpu.memory_space<semaphore_mem>>
          %dma_start3A_117 = tpu.memref_slice %arg3[%mul3A_32] : memref<401920xf32, #tpu.memory_space<hbm>> -> memref<2560xf32, #tpu.memory_space<hbm>>
          %dma_start3A_118 = tpu.memref_slice %arg3[%mul3A_32] : memref<401920xf32, #tpu.memory_space<hbm>> -> memref<2560xf32, #tpu.memory_space<hbm>>
          tpu.enqueue_dma source(%dma_start3A_118 : memref<2560xf32, #tpu.memory_space<hbm>>) target(%arg11 : memref<2560xf32, #tpu.memory_space<vmem>>) target_semaphore(%run_scoped3A : memref<!tpu.dma_semaphore, #tpu.memory_space<semaphore_mem>>)
          %dma_wait3A_119 = tpu.memref_slice %arg3[%mul3A_32] : memref<401920xf32, #tpu.memory_space<hbm>> -> memref<2560xf32, #tpu.memory_space<hbm>>
          %dma_wait3A_120 = tpu.memref_slice %arg3[%mul3A_32] : memref<401920xf32, #tpu.memory_space<hbm>> -> memref<2560xf32, #tpu.memory_space<hbm>>
          tpu.wait_dma2 semaphore(%run_scoped3A : memref<!tpu.dma_semaphore, #tpu.memory_space<semaphore_mem>>) src(%dma_wait3A_120 : memref<2560xf32, #tpu.memory_space<hbm>>) dst(%arg11 : memref<2560xf32, #tpu.memory_space<vmem>>)
          tpu.yield
        }) : () -> ()
        %get3A_33 = arith.constant 0 : index
        %get3A_34 = tpu.vector_load %arg12[%get3A_33] {strides = array<i32>} : memref<16xi32, #tpu.memory_space<vmem>>, vector<16xi32>,
        %mul3A_35 = arith.constant 8192 : i32
        %mul3A_36 = arith.muli %add3A_23, %mul3A_35 : i32
        %dma_start3A = tpu.memref_slice %arg4[%mul3A_36] : memref<1286144xi32, #tpu.memory_space<hbm>> -> memref<8192xi32, #tpu.memory_space<hbm>>
        %dma_start3A_37 = tpu.memref_slice %arg4[%mul3A_36] : memref<1286144xi32, #tpu.memory_space<hbm>> -> memref<8192xi32, #tpu.memory_space<hbm>>
        tpu.enqueue_dma source(%dma_start3A_37 : memref<8192xi32, #tpu.memory_space<hbm>>) target(%arg8 : memref<8192xi32, #tpu.memory_space<vmem>>) target_semaphore(%arg13 : memref<!tpu.dma_semaphore, #tpu.memory_space<semaphore_mem>>)
        %add3A_38 = arith.constant 6822 : i32
        %add3A_39 = arith.addi %add3A_38, %squeeze3A : i32
        %while3A_40 = arith.constant 0 : i32
        %while3A_41 = arith.constant 0 : i32
        %while3A_42 = arith.subi %add3A_39, %while3A_40 : i32
        %while3A_43 = arith.addi %while3A_40, %while3A_42 : i32
        %while3A_44 = arith.constant 1 : i32
        %while3A_45 = arith.divsi %while3A_42, %while3A_44 : i32
        %while3A_46 = arith.muli %while3A_45, %while3A_44 : i32
        %while3A_47 = arith.addi %while3A_40, %while3A_46 : i32
        %while3A_48 = arith.constant 1 : i32
        %while3A_49 = scf.for %while3A_117 = %while3A_40 to %while3A_47 step %while3A_48 iter_args(%while3A_118 = %while3A_41) -> (i32)  : i32 {
          %broadcast_in_dim3A_119 = arith.constant 0.000000e+00 : f32
          %broadcast_in_dim3A_120 = vector.broadcast %broadcast_in_dim3A_119 : f32 to vector<16xf32>
          %mul3A_121 = arith.constant 16 : i32
          %mul3A_122 = arith.muli %while3A_117, %mul3A_121 : i32
          %swap3A_123 = arith.index_cast %mul3A_122 : i32 to index
          %swap3A_124 = tpu.vector_load %arg7[%swap3A_123] {strides = array<i32>} : memref<109152xf32, #tpu.memory_space<vmem>>, vector<16xf32>,
          tpu.vector_store %arg7[%swap3A_123], %broadcast_in_dim3A_120 {strides = array<i32>} : memref<109152xf32, #tpu.memory_space<vmem>>, vector<16xf32>,
          %while3A_125 = arith.constant 0 : i32
          scf.yield %while3A_125 : i32
        }
        %while3A_50 = arith.constant 1 : i32
        %while3A_51 = scf.for %while3A_117 = %while3A_47 to %while3A_43 step %while3A_50 iter_args(%while3A_118 = %while3A_49) -> (i32)  : i32 {
          %broadcast_in_dim3A_119 = arith.constant 0.000000e+00 : f32
          %broadcast_in_dim3A_120 = vector.broadcast %broadcast_in_dim3A_119 : f32 to vector<16xf32>
          %mul3A_121 = arith.constant 16 : i32
          %mul3A_122 = arith.muli %while3A_117, %mul3A_121 : i32
          %swap3A_123 = arith.index_cast %mul3A_122 : i32 to index
          %swap3A_124 = tpu.vector_load %arg7[%swap3A_123] {strides = array<i32>} : memref<109152xf32, #tpu.memory_space<vmem>>, vector<16xf32>,
          tpu.vector_store %arg7[%swap3A_123], %broadcast_in_dim3A_120 {strides = array<i32>} : memref<109152xf32, #tpu.memory_space<vmem>>, vector<16xf32>,
          %while3A_125 = arith.constant 0 : i32
          scf.yield %while3A_125 : i32
        }
        %dma_wait3A = tpu.memref_slice %arg4[%mul3A_36] : memref<1286144xi32, #tpu.memory_space<hbm>> -> memref<8192xi32, #tpu.memory_space<hbm>>
        %dma_wait3A_52 = tpu.memref_slice %arg4[%mul3A_36] : memref<1286144xi32, #tpu.memory_space<hbm>> -> memref<8192xi32, #tpu.memory_space<hbm>>
        tpu.wait_dma2 semaphore(%arg13 : memref<!tpu.dma_semaphore, #tpu.memory_space<semaphore_mem>>) src(%dma_wait3A_52 : memref<8192xi32, #tpu.memory_space<hbm>>) dst(%arg8 : memref<8192xi32, #tpu.memory_space<vmem>>)
        %slice3A_53 = vector.extract_strided_slice %get3A_34 {offsets = [0], sizes = [1], strides = [1]} : vector<16xi32> to vector<1xi32>
        %squeeze3A_54 = vector.extract %slice3A_53[0] : i32 from vector<1xi32>
        %slice3A_55 = vector.extract_strided_slice %get3A_34 {offsets = [1], sizes = [1], strides = [1]} : vector<16xi32> to vector<1xi32>
        %squeeze3A_56 = vector.extract %slice3A_55[0] : i32 from vector<1xi32>
        %max3A = arith.maxsi %squeeze3A_54, %squeeze3A_56 : i32
        %slice3A_57 = vector.extract_strided_slice %get3A_34 {offsets = [2], sizes = [1], strides = [1]} : vector<16xi32> to vector<1xi32>
        %squeeze3A_58 = vector.extract %slice3A_57[0] : i32 from vector<1xi32>
        %max3A_59 = arith.maxsi %max3A, %squeeze3A_58 : i32
        %slice3A_60 = vector.extract_strided_slice %get3A_34 {offsets = [3], sizes = [1], strides = [1]} : vector<16xi32> to vector<1xi32>
        %squeeze3A_61 = vector.extract %slice3A_60[0] : i32 from vector<1xi32>
        %max3A_62 = arith.maxsi %max3A_59, %squeeze3A_61 : i32
        %slice3A_63 = vector.extract_strided_slice %get3A_34 {offsets = [4], sizes = [1], strides = [1]} : vector<16xi32> to vector<1xi32>
        %squeeze3A_64 = vector.extract %slice3A_63[0] : i32 from vector<1xi32>
        %max3A_65 = arith.maxsi %max3A_62, %squeeze3A_64 : i32
        %slice3A_66 = vector.extract_strided_slice %get3A_34 {offsets = [5], sizes = [1], strides = [1]} : vector<16xi32> to vector<1xi32>
        %squeeze3A_67 = vector.extract %slice3A_66[0] : i32 from vector<1xi32>
        %max3A_68 = arith.maxsi %max3A_65, %squeeze3A_67 : i32
        %slice3A_69 = vector.extract_strided_slice %get3A_34 {offsets = [6], sizes = [1], strides = [1]} : vector<16xi32> to vector<1xi32>
        %squeeze3A_70 = vector.extract %slice3A_69[0] : i32 from vector<1xi32>
        %max3A_71 = arith.maxsi %max3A_68, %squeeze3A_70 : i32
        %slice3A_72 = vector.extract_strided_slice %get3A_34 {offsets = [7], sizes = [1], strides = [1]} : vector<16xi32> to vector<1xi32>
        %squeeze3A_73 = vector.extract %slice3A_72[0] : i32 from vector<1xi32>
        %max3A_74 = arith.maxsi %max3A_71, %squeeze3A_73 : i32
        %slice3A_75 = vector.extract_strided_slice %get3A_34 {offsets = [8], sizes = [1], strides = [1]} : vector<16xi32> to vector<1xi32>
        %squeeze3A_76 = vector.extract %slice3A_75[0] : i32 from vector<1xi32>
        %max3A_77 = arith.maxsi %max3A_74, %squeeze3A_76 : i32
        %slice3A_78 = vector.extract_strided_slice %get3A_34 {offsets = [9], sizes = [1], strides = [1]} : vector<16xi32> to vector<1xi32>
        %squeeze3A_79 = vector.extract %slice3A_78[0] : i32 from vector<1xi32>
        %max3A_80 = arith.maxsi %max3A_77, %squeeze3A_79 : i32
        %slice3A_81 = vector.extract_strided_slice %get3A_34 {offsets = [10], sizes = [1], strides = [1]} : vector<16xi32> to vector<1xi32>
        %squeeze3A_82 = vector.extract %slice3A_81[0] : i32 from vector<1xi32>
        %max3A_83 = arith.maxsi %max3A_80, %squeeze3A_82 : i32
        %slice3A_84 = vector.extract_strided_slice %get3A_34 {offsets = [11], sizes = [1], strides = [1]} : vector<16xi32> to vector<1xi32>
        %squeeze3A_85 = vector.extract %slice3A_84[0] : i32 from vector<1xi32>
        %max3A_86 = arith.maxsi %max3A_83, %squeeze3A_85 : i32
        %slice3A_87 = vector.extract_strided_slice %get3A_34 {offsets = [12], sizes = [1], strides = [1]} : vector<16xi32> to vector<1xi32>
        %squeeze3A_88 = vector.extract %slice3A_87[0] : i32 from vector<1xi32>
        %max3A_89 = arith.maxsi %max3A_86, %squeeze3A_88 : i32
        %slice3A_90 = vector.extract_strided_slice %get3A_34 {offsets = [13], sizes = [1], strides = [1]} : vector<16xi32> to vector<1xi32>
        %squeeze3A_91 = vector.extract %slice3A_90[0] : i32 from vector<1xi32>
        %max3A_92 = arith.maxsi %max3A_89, %squeeze3A_91 : i32
        %slice3A_93 = vector.extract_strided_slice %get3A_34 {offsets = [14], sizes = [1], strides = [1]} : vector<16xi32> to vector<1xi32>
        %squeeze3A_94 = vector.extract %slice3A_93[0] : i32 from vector<1xi32>
        %max3A_95 = arith.maxsi %max3A_92, %squeeze3A_94 : i32
        %slice3A_96 = vector.extract_strided_slice %get3A_34 {offsets = [15], sizes = [1], strides = [1]} : vector<16xi32> to vector<1xi32>
        %squeeze3A_97 = vector.extract %slice3A_96[0] : i32 from vector<1xi32>
        %max3A_98 = arith.maxsi %max3A_95, %squeeze3A_97 : i32
        %gt3A = arith.constant 0 : i32
        %gt3A_99 = arith.cmpi sgt, %max3A_98, %gt3A : i32
        %convert_element_type3A_100 = arith.extui %gt3A_99 : i1 to i32
        %cond3A_101 = arith.constant 0 : i32
        %cond3A_102 = arith.cmpi ne, %convert_element_type3A_100, %cond3A_101 : i32
        scf.if %cond3A_102 {
          %get3A_117 = arith.constant 0 : index
          %get3A_118 = tpu.vector_load %arg8[%get3A_117] {strides = array<i32>} : memref<8192xi32, #tpu.memory_space<vmem>>, vector<16xi32>,
          %and3A = arith.constant 65535 : i32
          %and3A_119 = vector.broadcast %and3A : i32 to vector<16xi32>
          %and3A_120 = arith.andi %get3A_118, %and3A_119 : vector<16xi32>
          %swap3A_121 = arith.constant 0 : index
          %swap3A_122 = tpu.vector_load %arg9[%swap3A_121] {strides = array<i32>} : memref<32xi32, #tpu.memory_space<vmem>>, vector<16xi32>,
          tpu.vector_store %arg9[%swap3A_121], %and3A_120 {strides = array<i32>} : memref<32xi32, #tpu.memory_space<vmem>>, vector<16xi32>,
          %dma_start3A_123 = arith.constant 0 : i32
          %dma_start3A_124 = arith.constant 0 : i32
          %dma_start3A_125 = tpu.memref_slice %arg10[%dma_start3A_123, %dma_start3A_124] : memref<32x128xf32, #tpu.memory_space<vmem>> -> memref<16x128xf32, #tpu.memory_space<vmem>>
          %dma_start3A_126 = arith.constant 0 : i32
          %dma_start3A_127 = tpu.memref_slice %arg9[%dma_start3A_126] : memref<32xi32, #tpu.memory_space<vmem>> -> memref<16xi32, #tpu.memory_space<vmem>>
          %dma_start3A_128 = arith.constant 0 : i32
          %dma_start3A_129 = arith.constant 0 : i32
          %dma_start3A_130 = tpu.memref_slice %arg2[%dma_start3A_128, %dma_start3A_129] : memref<50000x128xf32, #tpu.memory_space<hbm>> -> memref<50000x128xf32, #tpu.memory_space<hbm>>
          tpu.enqueue_indirect_dma source(%dma_start3A_130 : memref<50000x128xf32, #tpu.memory_space<hbm>>) target(%dma_start3A_125 : memref<16x128xf32, #tpu.memory_space<vmem>>) offsets(%dma_start3A_127 : memref<16xi32, #tpu.memory_space<vmem>>) semaphore(%arg14 : memref<!tpu.dma_semaphore, #tpu.memory_space<semaphore_mem>>)
        } else {
        }
        %while3A_103 = arith.constant 0 : i32
        %while3A_104 = arith.constant 0 : i32
        %while3A_105 = arith.subi %max3A_98, %while3A_103 : i32
        %while3A_106 = arith.addi %while3A_103, %while3A_105 : i32
        %while3A_107 = arith.constant 1 : i32
        %while3A_108 = arith.divsi %while3A_105, %while3A_107 : i32
        %while3A_109 = arith.muli %while3A_108, %while3A_107 : i32
        %while3A_110 = arith.addi %while3A_103, %while3A_109 : i32
        %while3A_111 = arith.constant 1 : i32
        %while3A_112 = scf.for %while3A_117 = %while3A_103 to %while3A_110 step %while3A_111 iter_args(%while3A_118 = %while3A_104) -> (i32)  : i32 {
          %rem3A = arith.constant 2 : i32
          %rem3A_119 = arith.remsi %while3A_117, %rem3A : i32
          %add3A_120 = arith.constant 1 : i32
          %add3A_121 = arith.addi %while3A_117, %add3A_120 : i32
          %lt3A_122 = arith.cmpi slt, %add3A_121, %max3A_98 : i32
          %convert_element_type3A_123 = arith.extui %lt3A_122 : i1 to i32
          %cond3A_124 = arith.constant 0 : i32
          %cond3A_125 = arith.cmpi ne, %convert_element_type3A_123, %cond3A_124 : i32
          scf.if %cond3A_125 {
            %add3A_331 = arith.constant 1 : i32
            %add3A_332 = arith.addi %while3A_117, %add3A_331 : i32
            %add3A_333 = arith.constant 1 : i32
            %add3A_334 = arith.addi %while3A_117, %add3A_333 : i32
            %rem3A_335 = arith.constant 2 : i32
            %rem3A_336 = arith.remsi %add3A_334, %rem3A_335 : i32
            %eq3A_337 = arith.constant 0 : i32
            %eq3A_338 = arith.cmpi eq, %rem3A_336, %eq3A_337 : i32
            %convert_element_type3A_339 = arith.extui %eq3A_338 : i1 to i32
            %cond3A_340 = arith.constant 0 : i32
            %cond3A_341 = arith.cmpi ne, %convert_element_type3A_339, %cond3A_340 : i32
            scf.if %cond3A_341 {
              %mul3A_347 = arith.constant 16 : i32
              %mul3A_348 = arith.muli %add3A_332, %mul3A_347 : i32
              %get3A_349 = arith.index_cast %mul3A_348 : i32 to index
              %get3A_350 = tpu.vector_load %arg8[%get3A_349] {strides = array<i32>} : memref<8192xi32, #tpu.memory_space<vmem>>, vector<16xi32>,
              %and3A = arith.constant 65535 : i32
              %and3A_351 = vector.broadcast %and3A : i32 to vector<16xi32>
              %and3A_352 = arith.andi %get3A_350, %and3A_351 : vector<16xi32>
              %swap3A_353 = arith.constant 0 : index
              %swap3A_354 = tpu.vector_load %arg9[%swap3A_353] {strides = array<i32>} : memref<32xi32, #tpu.memory_space<vmem>>, vector<16xi32>,
              tpu.vector_store %arg9[%swap3A_353], %and3A_352 {strides = array<i32>} : memref<32xi32, #tpu.memory_space<vmem>>, vector<16xi32>,
              %dma_start3A_355 = arith.constant 0 : i32
              %dma_start3A_356 = arith.constant 0 : i32
              %dma_start3A_357 = tpu.memref_slice %arg10[%dma_start3A_355, %dma_start3A_356] : memref<32x128xf32, #tpu.memory_space<vmem>> -> memref<16x128xf32, #tpu.memory_space<vmem>>
              %dma_start3A_358 = arith.constant 0 : i32
              %dma_start3A_359 = tpu.memref_slice %arg9[%dma_start3A_358] : memref<32xi32, #tpu.memory_space<vmem>> -> memref<16xi32, #tpu.memory_space<vmem>>
              %dma_start3A_360 = arith.constant 0 : i32
              %dma_start3A_361 = arith.constant 0 : i32
              %dma_start3A_362 = tpu.memref_slice %arg2[%dma_start3A_360, %dma_start3A_361] : memref<50000x128xf32, #tpu.memory_space<hbm>> -> memref<50000x128xf32, #tpu.memory_space<hbm>>
              tpu.enqueue_indirect_dma source(%dma_start3A_362 : memref<50000x128xf32, #tpu.memory_space<hbm>>) target(%dma_start3A_357 : memref<16x128xf32, #tpu.memory_space<vmem>>) offsets(%dma_start3A_359 : memref<16xi32, #tpu.memory_space<vmem>>) semaphore(%arg14 : memref<!tpu.dma_semaphore, #tpu.memory_space<semaphore_mem>>)
            } else {
            }
            %ne3A_342 = arith.constant 0 : i32
            %ne3A_343 = arith.cmpi ne, %rem3A_336, %ne3A_342 : i32
            %convert_element_type3A_344 = arith.extui %ne3A_343 : i1 to i32
            %cond3A_345 = arith.constant 0 : i32
            %cond3A_346 = arith.cmpi ne, %convert_element_type3A_344, %cond3A_345 : i32
            scf.if %cond3A_346 {
              %mul3A_347 = arith.constant 16 : i32
              %mul3A_348 = arith.muli %add3A_332, %mul3A_347 : i32
              %get3A_349 = arith.index_cast %mul3A_348 : i32 to index
              %get3A_350 = tpu.vector_load %arg8[%get3A_349] {strides = array<i32>} : memref<8192xi32, #tpu.memory_space<vmem>>, vector<16xi32>,
              %and3A = arith.constant 65535 : i32
              %and3A_351 = vector.broadcast %and3A : i32 to vector<16xi32>
              %and3A_352 = arith.andi %get3A_350, %and3A_351 : vector<16xi32>
              %swap3A_353 = arith.constant 16 : index
              %swap3A_354 = tpu.vector_load %arg9[%swap3A_353] {strides = array<i32>} : memref<32xi32, #tpu.memory_space<vmem>>, vector<16xi32>,
              tpu.vector_store %arg9[%swap3A_353], %and3A_352 {strides = array<i32>} : memref<32xi32, #tpu.memory_space<vmem>>, vector<16xi32>,
              %dma_start3A_355 = arith.constant 16 : i32
              %dma_start3A_356 = arith.constant 0 : i32
              %dma_start3A_357 = tpu.memref_slice %arg10[%dma_start3A_355, %dma_start3A_356] : memref<32x128xf32, #tpu.memory_space<vmem>> -> memref<16x128xf32, #tpu.memory_space<vmem>>
              %dma_start3A_358 = arith.constant 16 : i32
              %dma_start3A_359 = tpu.memref_slice %arg9[%dma_start3A_358] : memref<32xi32, #tpu.memory_space<vmem>> -> memref<16xi32, #tpu.memory_space<vmem>>
              %dma_start3A_360 = arith.constant 0 : i32
              %dma_start3A_361 = arith.constant 0 : i32
              %dma_start3A_362 = tpu.memref_slice %arg2[%dma_start3A_360, %dma_start3A_361] : memref<50000x128xf32, #tpu.memory_space<hbm>> -> memref<50000x128xf32, #tpu.memory_space<hbm>>
              tpu.enqueue_indirect_dma source(%dma_start3A_362 : memref<50000x128xf32, #tpu.memory_space<hbm>>) target(%dma_start3A_357 : memref<16x128xf32, #tpu.memory_space<vmem>>) offsets(%dma_start3A_359 : memref<16xi32, #tpu.memory_space<vmem>>) semaphore(%arg14 : memref<!tpu.dma_semaphore, #tpu.memory_space<semaphore_mem>>)
            } else {
            }
          } else {
          }
          %eq3A = arith.constant 0 : i32
          %eq3A_126 = arith.cmpi eq, %rem3A_119, %eq3A : i32
          %convert_element_type3A_127 = arith.extui %eq3A_126 : i1 to i32
          %cond3A_128 = arith.constant 0 : i32
          %cond3A_129 = arith.cmpi ne, %convert_element_type3A_127, %cond3A_128 : i32
          scf.if %cond3A_129 {
            %dma_wait3A_331 = arith.constant 0 : i32
            %dma_wait3A_332 = arith.constant 0 : i32
            %dma_wait3A_333 = tpu.memref_slice %arg10[%dma_wait3A_331, %dma_wait3A_332] : memref<32x128xf32, #tpu.memory_space<vmem>> -> memref<16x128xf32, #tpu.memory_space<vmem>>
            %dma_wait3A_334 = arith.constant 0 : i32
            %dma_wait3A_335 = tpu.memref_slice %arg9[%dma_wait3A_334] : memref<32xi32, #tpu.memory_space<vmem>> -> memref<16xi32, #tpu.memory_space<vmem>>
            %dma_wait3A_336 = arith.constant 0 : i32
            %dma_wait3A_337 = arith.constant 0 : i32
            %dma_wait3A_338 = tpu.memref_slice %arg2[%dma_wait3A_336, %dma_wait3A_337] : memref<50000x128xf32, #tpu.memory_space<hbm>> -> memref<50000x128xf32, #tpu.memory_space<hbm>>
            tpu.wait_indirect_dma semaphore(%arg14 : memref<!tpu.dma_semaphore, #tpu.memory_space<semaphore_mem>>) src(%dma_wait3A_338 : memref<50000x128xf32, #tpu.memory_space<hbm>>) dst(%dma_wait3A_333 : memref<16x128xf32, #tpu.memory_space<vmem>>)
          } else {
          }
          %ne3A = arith.constant 0 : i32
          %ne3A_130 = arith.cmpi ne, %rem3A_119, %ne3A : i32
          %convert_element_type3A_131 = arith.extui %ne3A_130 : i1 to i32
          %cond3A_132 = arith.constant 0 : i32
          %cond3A_133 = arith.cmpi ne, %convert_element_type3A_131, %cond3A_132 : i32
          scf.if %cond3A_133 {
            %dma_wait3A_331 = arith.constant 16 : i32
            %dma_wait3A_332 = arith.constant 0 : i32
            %dma_wait3A_333 = tpu.memref_slice %arg10[%dma_wait3A_331, %dma_wait3A_332] : memref<32x128xf32, #tpu.memory_space<vmem>> -> memref<16x128xf32, #tpu.memory_space<vmem>>
            %dma_wait3A_334 = arith.constant 16 : i32
            %dma_wait3A_335 = tpu.memref_slice %arg9[%dma_wait3A_334] : memref<32xi32, #tpu.memory_space<vmem>> -> memref<16xi32, #tpu.memory_space<vmem>>
            %dma_wait3A_336 = arith.constant 0 : i32
            %dma_wait3A_337 = arith.constant 0 : i32
            %dma_wait3A_338 = tpu.memref_slice %arg2[%dma_wait3A_336, %dma_wait3A_337] : memref<50000x128xf32, #tpu.memory_space<hbm>> -> memref<50000x128xf32, #tpu.memory_space<hbm>>
            tpu.wait_indirect_dma semaphore(%arg14 : memref<!tpu.dma_semaphore, #tpu.memory_space<semaphore_mem>>) src(%dma_wait3A_338 : memref<50000x128xf32, #tpu.memory_space<hbm>>) dst(%dma_wait3A_333 : memref<16x128xf32, #tpu.memory_space<vmem>>)
          } else {
          }
          %gt3A_134 = vector.broadcast %while3A_117 : i32 to vector<16xi32>
          %gt3A_135 = arith.cmpi sgt, %get3A_34, %gt3A_134 : vector<16xi32>
          %mul3A_136 = arith.constant 16 : i32
          %mul3A_137 = arith.muli %while3A_117, %mul3A_136 : i32
          %get3A_138 = arith.index_cast %mul3A_137 : i32 to index
          %get3A_139 = tpu.vector_load %arg8[%get3A_138] {strides = array<i32>} : memref<8192xi32, #tpu.memory_space<vmem>>, vector<16xi32>,
          %shift_right_arithmetic3A = arith.constant 16 : i32
          %shift_right_arithmetic3A_140 = vector.broadcast %shift_right_arithmetic3A : i32 to vector<16xi32>
          %shift_right_arithmetic3A_141 = arith.shrsi %get3A_139, %shift_right_arithmetic3A_140 : vector<16xi32>
          %mul3A_142 = arith.constant 340 : i32
          %mul3A_143 = vector.broadcast %mul3A_142 : i32 to vector<16xi32>
          %mul3A_144 = arith.muli %shift_right_arithmetic3A_141, %mul3A_143 : vector<16xi32>
          %jit3A = arith.constant 108800 : i32
          %broadcast_in_dim3A_145 = vector.broadcast %jit3A : i32 to vector<16xi32>
          %select_n3A = arith.select %gt3A_135, %mul3A_144, %broadcast_in_dim3A_145 : vector<16xi1>, vector<16xi32>
          %mul3A_146 = arith.constant 16 : i32
          %mul3A_147 = arith.muli %rem3A_119, %mul3A_146 : i32
          %add3A_148 = vector.broadcast %mul3A_147 : i32 to vector<16xi32>
          %add3A_149 = arith.addi %add3A_148, %iota3A : vector<16xi32>
          %mul3A_150 = arith.constant 8 : i32
          %mul3A_151 = vector.broadcast %mul3A_150 : i32 to vector<16xi32>
          %mul3A_152 = arith.muli %shift_right_arithmetic3A_141, %mul3A_151 : vector<16xi32>
          %gather3A = tpu.vector_load_idx %arg11[%mul3A_152] : memref<2560xf32, #tpu.memory_space<vmem>>[vector<16xi32>], vector<16xf32>,
          %add3A_153 = arith.constant 20 : i32
          %add3A_154 = vector.broadcast %add3A_153 : i32 to vector<16xi32>
          %add3A_155 = arith.addi %broadcast_in_dim3A_1, %add3A_154 : vector<16xi32>
          %gather3A_156 = tpu.vector_load_idx %arg10[%add3A_149, %add3A_155] : memref<32x128xf32, #tpu.memory_space<vmem>>[vector<16xi32>, vector<16xi32>], vector<16xf32>,
          %sub3A = arith.subf %gather3A, %gather3A_156 : vector<16xf32>
          %add3A_157 = arith.constant 1 : i32
          %add3A_158 = vector.broadcast %add3A_157 : i32 to vector<16xi32>
          %add3A_159 = arith.addi %mul3A_152, %add3A_158 : vector<16xi32>
          %gather3A_160 = tpu.vector_load_idx %arg11[%add3A_159] : memref<2560xf32, #tpu.memory_space<vmem>>[vector<16xi32>], vector<16xf32>,
          %add3A_161 = arith.constant 21 : i32
          %add3A_162 = vector.broadcast %add3A_161 : i32 to vector<16xi32>
          %add3A_163 = arith.addi %broadcast_in_dim3A_1, %add3A_162 : vector<16xi32>
          %gather3A_164 = tpu.vector_load_idx %arg10[%add3A_149, %add3A_163] : memref<32x128xf32, #tpu.memory_space<vmem>>[vector<16xi32>, vector<16xi32>], vector<16xf32>,
          %sub3A_165 = arith.subf %gather3A_160, %gather3A_164 : vector<16xf32>
          %add3A_166 = arith.constant 2 : i32
          %add3A_167 = vector.broadcast %add3A_166 : i32 to vector<16xi32>
          %add3A_168 = arith.addi %mul3A_152, %add3A_167 : vector<16xi32>
          %gather3A_169 = tpu.vector_load_idx %arg11[%add3A_168] : memref<2560xf32, #tpu.memory_space<vmem>>[vector<16xi32>], vector<16xf32>,
          %add3A_170 = arith.constant 22 : i32
          %add3A_171 = vector.broadcast %add3A_170 : i32 to vector<16xi32>
          %add3A_172 = arith.addi %broadcast_in_dim3A_1, %add3A_171 : vector<16xi32>
          %gather3A_173 = tpu.vector_load_idx %arg10[%add3A_149, %add3A_172] : memref<32x128xf32, #tpu.memory_space<vmem>>[vector<16xi32>, vector<16xi32>], vector<16xf32>,
          %sub3A_174 = arith.subf %gather3A_169, %gather3A_173 : vector<16xf32>
          %mul3A_175 = arith.mulf %sub3A, %sub3A : vector<16xf32>
          %mul3A_176 = arith.mulf %sub3A_165, %sub3A_165 : vector<16xf32>
          %add3A_177 = arith.addf %mul3A_175, %mul3A_176 : vector<16xf32>
          %mul3A_178 = arith.mulf %sub3A_174, %sub3A_174 : vector<16xf32>
          %add3A_179 = arith.addf %add3A_177, %mul3A_178 : vector<16xf32>
          %bitcast3A_180 = vector.bitcast %add3A_179 : vector<16xf32> to vector<16xi32>
          %shift_right_arithmetic3A_181 = arith.constant 1 : i32
          %shift_right_arithmetic3A_182 = vector.broadcast %shift_right_arithmetic3A_181 : i32 to vector<16xi32>
          %shift_right_arithmetic3A_183 = arith.shrsi %bitcast3A_180, %shift_right_arithmetic3A_182 : vector<16xi32>
          %sub3A_184 = arith.constant 1597463007 : i32
          %sub3A_185 = vector.broadcast %sub3A_184 : i32 to vector<16xi32>
          %sub3A_186 = arith.subi %sub3A_185, %shift_right_arithmetic3A_183 : vector<16xi32>
          %bitcast3A_187 = vector.bitcast %sub3A_186 : vector<16xi32> to vector<16xf32>
          %mul3A_188 = arith.constant 5.000000e-01 : f32
          %mul3A_189 = vector.broadcast %mul3A_188 : f32 to vector<16xf32>
          %mul3A_190 = arith.mulf %mul3A_189, %add3A_179 : vector<16xf32>
          %mul3A_191 = arith.mulf %mul3A_190, %bitcast3A_187 : vector<16xf32>
          %mul3A_192 = arith.mulf %mul3A_191, %bitcast3A_187 : vector<16xf32>
          %sub3A_193 = arith.constant 1.500000e+00 : f32
          %sub3A_194 = vector.broadcast %sub3A_193 : f32 to vector<16xf32>
          %sub3A_195 = arith.subf %sub3A_194, %mul3A_192 : vector<16xf32>
          %mul3A_196 = arith.mulf %bitcast3A_187, %sub3A_195 : vector<16xf32>
          %mul3A_197 = arith.constant 5.000000e-01 : f32
          %mul3A_198 = vector.broadcast %mul3A_197 : f32 to vector<16xf32>
          %mul3A_199 = arith.mulf %mul3A_198, %add3A_179 : vector<16xf32>
          %mul3A_200 = arith.mulf %mul3A_199, %mul3A_196 : vector<16xf32>
          %mul3A_201 = arith.mulf %mul3A_200, %mul3A_196 : vector<16xf32>
          %sub3A_202 = arith.constant 1.500000e+00 : f32
          %sub3A_203 = vector.broadcast %sub3A_202 : f32 to vector<16xf32>
          %sub3A_204 = arith.subf %sub3A_203, %mul3A_201 : vector<16xf32>
          %mul3A_205 = arith.mulf %mul3A_196, %sub3A_204 : vector<16xf32>
          %mul3A_206 = arith.constant 5.000000e-01 : f32
          %mul3A_207 = vector.broadcast %mul3A_206 : f32 to vector<16xf32>
          %mul3A_208 = arith.mulf %mul3A_207, %add3A_179 : vector<16xf32>
          %mul3A_209 = arith.mulf %mul3A_208, %mul3A_205 : vector<16xf32>
          %mul3A_210 = arith.mulf %mul3A_209, %mul3A_205 : vector<16xf32>
          %sub3A_211 = arith.constant 1.500000e+00 : f32
          %sub3A_212 = vector.broadcast %sub3A_211 : f32 to vector<16xf32>
          %sub3A_213 = arith.subf %sub3A_212, %mul3A_210 : vector<16xf32>
          %mul3A_214 = arith.mulf %mul3A_205, %sub3A_213 : vector<16xf32>
          %mul3A_215 = arith.mulf %add3A_179, %mul3A_214 : vector<16xf32>
          %max3A_216 = arith.constant 9.99999996E-13 : f32
          %max3A_217 = vector.broadcast %max3A_216 : f32 to vector<16xf32>
          %max3A_218 = arith.maximumf %mul3A_215, %max3A_217 : vector<16xf32>
          %div3A = arith.divf %sub3A, %max3A_218 : vector<16xf32>
          %div3A_219 = arith.divf %sub3A_165, %max3A_218 : vector<16xf32>
          %div3A_220 = arith.divf %sub3A_174, %max3A_218 : vector<16xf32>
          %mul3A_221 = arith.mulf %div3A, %div3A : vector<16xf32>
          %mul3A_222 = arith.mulf %div3A_219, %div3A_219 : vector<16xf32>
          %mul3A_223 = arith.mulf %div3A_220, %div3A_220 : vector<16xf32>
          %broadcast_in_dim3A_224 = arith.constant 0.282094806 : f32
          %broadcast_in_dim3A_225 = vector.broadcast %broadcast_in_dim3A_224 : f32 to vector<16xf32>
          %mul3A_226 = arith.constant 0.488602519 : f32
          %mul3A_227 = vector.broadcast %mul3A_226 : f32 to vector<16xf32>
          %mul3A_228 = arith.mulf %mul3A_227, %div3A_219 : vector<16xf32>
          %mul3A_229 = arith.constant 0.488602519 : f32
          %mul3A_230 = vector.broadcast %mul3A_229 : f32 to vector<16xf32>
          %mul3A_231 = arith.mulf %mul3A_230, %div3A_220 : vector<16xf32>
          %mul3A_232 = arith.constant 0.488602519 : f32
          %mul3A_233 = vector.broadcast %mul3A_232 : f32 to vector<16xf32>
          %mul3A_234 = arith.mulf %mul3A_233, %div3A : vector<16xf32>
          %mul3A_235 = arith.constant 1.09254849 : f32
          %mul3A_236 = vector.broadcast %mul3A_235 : f32 to vector<16xf32>
          %mul3A_237 = arith.mulf %mul3A_236, %div3A : vector<16xf32>
          %mul3A_238 = arith.mulf %mul3A_237, %div3A_219 : vector<16xf32>
          %mul3A_239 = arith.constant 1.09254849 : f32
          %mul3A_240 = vector.broadcast %mul3A_239 : f32 to vector<16xf32>
          %mul3A_241 = arith.mulf %mul3A_240, %div3A_219 : vector<16xf32>
          %mul3A_242 = arith.mulf %mul3A_241, %div3A_220 : vector<16xf32>
          %mul3A_243 = arith.constant 3.000000e+00 : f32
          %mul3A_244 = vector.broadcast %mul3A_243 : f32 to vector<16xf32>
          %mul3A_245 = arith.mulf %mul3A_244, %mul3A_223 : vector<16xf32>
          %sub3A_246 = arith.constant 1.000000e+00 : f32
          %sub3A_247 = vector.broadcast %sub3A_246 : f32 to vector<16xf32>
          %sub3A_248 = arith.subf %mul3A_245, %sub3A_247 : vector<16xf32>
          %mul3A_249 = arith.constant 0.31539157 : f32
          %mul3A_250 = vector.broadcast %mul3A_249 : f32 to vector<16xf32>
          %mul3A_251 = arith.mulf %mul3A_250, %sub3A_248 : vector<16xf32>
          %mul3A_252 = arith.constant 1.09254849 : f32
          %mul3A_253 = vector.broadcast %mul3A_252 : f32 to vector<16xf32>
          %mul3A_254 = arith.mulf %mul3A_253, %div3A : vector<16xf32>
          %mul3A_255 = arith.mulf %mul3A_254, %div3A_220 : vector<16xf32>
          %sub3A_256 = arith.subf %mul3A_221, %mul3A_222 : vector<16xf32>
          %mul3A_257 = arith.constant 0.546274245 : f32
          %mul3A_258 = vector.broadcast %mul3A_257 : f32 to vector<16xf32>
          %mul3A_259 = arith.mulf %mul3A_258, %sub3A_256 : vector<16xf32>
          %mul3A_260 = arith.constant 0.590043604 : f32
          %mul3A_261 = vector.broadcast %mul3A_260 : f32 to vector<16xf32>
          %mul3A_262 = arith.mulf %mul3A_261, %div3A_219 : vector<16xf32>
          %mul3A_263 = arith.constant 3.000000e+00 : f32
          %mul3A_264 = vector.broadcast %mul3A_263 : f32 to vector<16xf32>
          %mul3A_265 = arith.mulf %mul3A_264, %mul3A_221 : vector<16xf32>
          %sub3A_266 = arith.subf %mul3A_265, %mul3A_222 : vector<16xf32>
          %mul3A_267 = arith.mulf %mul3A_262, %sub3A_266 : vector<16xf32>
          %mul3A_268 = arith.constant 2.89061141 : f32
          %mul3A_269 = vector.broadcast %mul3A_268 : f32 to vector<16xf32>
          %mul3A_270 = arith.mulf %mul3A_269, %div3A : vector<16xf32>
          %mul3A_271 = arith.mulf %mul3A_270, %div3A_219 : vector<16xf32>
          %mul3A_272 = arith.mulf %mul3A_271, %div3A_220 : vector<16xf32>
          %mul3A_273 = arith.constant 0.457045794 : f32
          %mul3A_274 = vector.broadcast %mul3A_273 : f32 to vector<16xf32>
          %mul3A_275 = arith.mulf %mul3A_274, %div3A_219 : vector<16xf32>
          %mul3A_276 = arith.constant 5.000000e+00 : f32
          %mul3A_277 = vector.broadcast %mul3A_276 : f32 to vector<16xf32>
          %mul3A_278 = arith.mulf %mul3A_277, %mul3A_223 : vector<16xf32>
          %sub3A_279 = arith.constant 1.000000e+00 : f32
          %sub3A_280 = vector.broadcast %sub3A_279 : f32 to vector<16xf32>
          %sub3A_281 = arith.subf %mul3A_278, %sub3A_280 : vector<16xf32>
          %mul3A_282 = arith.mulf %mul3A_275, %sub3A_281 : vector<16xf32>
          %mul3A_283 = arith.constant 0.373176336 : f32
          %mul3A_284 = vector.broadcast %mul3A_283 : f32 to vector<16xf32>
          %mul3A_285 = arith.mulf %mul3A_284, %div3A_220 : vector<16xf32>
          %mul3A_286 = arith.constant 5.000000e+00 : f32
          %mul3A_287 = vector.broadcast %mul3A_286 : f32 to vector<16xf32>
          %mul3A_288 = arith.mulf %mul3A_287, %mul3A_223 : vector<16xf32>
          %sub3A_289 = arith.constant 3.000000e+00 : f32
          %sub3A_290 = vector.broadcast %sub3A_289 : f32 to vector<16xf32>
          %sub3A_291 = arith.subf %mul3A_288, %sub3A_290 : vector<16xf32>
          %mul3A_292 = arith.mulf %mul3A_285, %sub3A_291 : vector<16xf32>
          %mul3A_293 = arith.constant 0.457045794 : f32
          %mul3A_294 = vector.broadcast %mul3A_293 : f32 to vector<16xf32>
          %mul3A_295 = arith.mulf %mul3A_294, %div3A : vector<16xf32>
          %mul3A_296 = arith.constant 5.000000e+00 : f32
          %mul3A_297 = vector.broadcast %mul3A_296 : f32 to vector<16xf32>
          %mul3A_298 = arith.mulf %mul3A_297, %mul3A_223 : vector<16xf32>
          %sub3A_299 = arith.constant 1.000000e+00 : f32
          %sub3A_300 = vector.broadcast %sub3A_299 : f32 to vector<16xf32>
          %sub3A_301 = arith.subf %mul3A_298, %sub3A_300 : vector<16xf32>
          %mul3A_302 = arith.mulf %mul3A_295, %sub3A_301 : vector<16xf32>
          %mul3A_303 = arith.constant 1.44530571 : f32
          %mul3A_304 = vector.broadcast %mul3A_303 : f32 to vector<16xf32>
          %mul3A_305 = arith.mulf %mul3A_304, %div3A_220 : vector<16xf32>
          %sub3A_306 = arith.subf %mul3A_221, %mul3A_222 : vector<16xf32>
          %mul3A_307 = arith.mulf %mul3A_305, %sub3A_306 : vector<16xf32>
          %mul3A_308 = arith.constant 0.590043604 : f32
          %mul3A_309 = vector.broadcast %mul3A_308 : f32 to vector<16xf32>
          %mul3A_310 = arith.mulf %mul3A_309, %div3A : vector<16xf32>
          %mul3A_311 = arith.constant 3.000000e+00 : f32
          %mul3A_312 = vector.broadcast %mul3A_311 : f32 to vector<16xf32>
          %mul3A_313 = arith.mulf %mul3A_312, %mul3A_221 : vector<16xf32>
          %sub3A_314 = arith.subf %mul3A_313, %mul3A_222 : vector<16xf32>
          %mul3A_315 = arith.mulf %mul3A_310, %sub3A_314 : vector<16xf32>
          %add3A_316 = arith.constant 20 : i32
          %add3A_317 = arith.addi %add3A_316, %squeeze3A : i32
          %while3A_318 = arith.constant 0 : i32
          %while3A_319 = arith.constant 0 : i32
          %while3A_320 = arith.subi %add3A_317, %while3A_318 : i32
          %while3A_321 = arith.addi %while3A_318, %while3A_320 : i32
          %while3A_322 = arith.constant 1 : i32
          %while3A_323 = arith.divsi %while3A_320, %while3A_322 : i32
          %while3A_324 = arith.muli %while3A_323, %while3A_322 : i32
          %while3A_325 = arith.addi %while3A_318, %while3A_324 : i32
          %while3A_326 = arith.constant 1 : i32
          %while3A_327 = scf.for %while3A_331 = %while3A_318 to %while3A_325 step %while3A_326 iter_args(%while3A_332 = %while3A_319) -> (i32)  : i32 {
            %add3A_333 = vector.broadcast %while3A_331 : i32 to vector<16xi32>
            %add3A_334 = arith.addi %broadcast_in_dim3A_1, %add3A_333 : vector<16xi32>
            %gather3A_335 = tpu.vector_load_idx %arg10[%add3A_149, %add3A_334] : memref<32x128xf32, #tpu.memory_space<vmem>>[vector<16xi32>, vector<16xi32>], vector<16xf32>,
            %add3A_336 = vector.broadcast %while3A_331 : i32 to vector<16xi32>
            %add3A_337 = arith.addi %select_n3A, %add3A_336 : vector<16xi32>
            tpu.vector_store_idx %arg7[%add3A_337], %gather3A_335 {add = true} : memref<109152xf32, #tpu.memory_space<vmem>>[vector<16xi32>], vector<16xf32>,
            %mul3A_338 = arith.constant 16 : i32
            %mul3A_339 = arith.muli %mul3A_338, %while3A_331 : i32
            %add3A_340 = arith.constant 20 : i32
            %add3A_341 = arith.addi %add3A_340, %mul3A_339 : i32
            %add3A_342 = vector.broadcast %add3A_341 : i32 to vector<16xi32>
            %add3A_343 = arith.addi %select_n3A, %add3A_342 : vector<16xi32>
            %add3A_344 = arith.constant 0 : i32
            %add3A_345 = vector.broadcast %add3A_344 : i32 to vector<16xi32>
            %add3A_346 = arith.addi %add3A_343, %add3A_345 : vector<16xi32>
            %mul3A_347 = arith.mulf %gather3A_335, %broadcast_in_dim3A_225 : vector<16xf32>
            tpu.vector_store_idx %arg7[%add3A_346], %mul3A_347 {add = true} : memref<109152xf32, #tpu.memory_space<vmem>>[vector<16xi32>], vector<16xf32>,
            %add3A_348 = arith.constant 1 : i32
            %add3A_349 = vector.broadcast %add3A_348 : i32 to vector<16xi32>
            %add3A_350 = arith.addi %add3A_343, %add3A_349 : vector<16xi32>
            %mul3A_351 = arith.mulf %gather3A_335, %mul3A_228 : vector<16xf32>
            tpu.vector_store_idx %arg7[%add3A_350], %mul3A_351 {add = true} : memref<109152xf32, #tpu.memory_space<vmem>>[vector<16xi32>], vector<16xf32>,
            %add3A_352 = arith.constant 2 : i32
            %add3A_353 = vector.broadcast %add3A_352 : i32 to vector<16xi32>
            %add3A_354 = arith.addi %add3A_343, %add3A_353 : vector<16xi32>
            %mul3A_355 = arith.mulf %gather3A_335, %mul3A_231 : vector<16xf32>
            tpu.vector_store_idx %arg7[%add3A_354], %mul3A_355 {add = true} : memref<109152xf32, #tpu.memory_space<vmem>>[vector<16xi32>], vector<16xf32>,
            %add3A_356 = arith.constant 3 : i32
            %add3A_357 = vector.broadcast %add3A_356 : i32 to vector<16xi32>
            %add3A_358 = arith.addi %add3A_343, %add3A_357 : vector<16xi32>
            %mul3A_359 = arith.mulf %gather3A_335, %mul3A_234 : vector<16xf32>
            tpu.vector_store_idx %arg7[%add3A_358], %mul3A_359 {add = true} : memref<109152xf32, #tpu.memory_space<vmem>>[vector<16xi32>], vector<16xf32>,
            %add3A_360 = arith.constant 4 : i32
            %add3A_361 = vector.broadcast %add3A_360 : i32 to vector<16xi32>
            %add3A_362 = arith.addi %add3A_343, %add3A_361 : vector<16xi32>
            %mul3A_363 = arith.mulf %gather3A_335, %mul3A_238 : vector<16xf32>
            tpu.vector_store_idx %arg7[%add3A_362], %mul3A_363 {add = true} : memref<109152xf32, #tpu.memory_space<vmem>>[vector<16xi32>], vector<16xf32>,
            %add3A_364 = arith.constant 5 : i32
            %add3A_365 = vector.broadcast %add3A_364 : i32 to vector<16xi32>
            %add3A_366 = arith.addi %add3A_343, %add3A_365 : vector<16xi32>
            %mul3A_367 = arith.mulf %gather3A_335, %mul3A_242 : vector<16xf32>
            tpu.vector_store_idx %arg7[%add3A_366], %mul3A_367 {add = true} : memref<109152xf32, #tpu.memory_space<vmem>>[vector<16xi32>], vector<16xf32>,
            %add3A_368 = arith.constant 6 : i32
            %add3A_369 = vector.broadcast %add3A_368 : i32 to vector<16xi32>
            %add3A_370 = arith.addi %add3A_343, %add3A_369 : vector<16xi32>
            %mul3A_371 = arith.mulf %gather3A_335, %mul3A_251 : vector<16xf32>
            tpu.vector_store_idx %arg7[%add3A_370], %mul3A_371 {add = true} : memref<109152xf32, #tpu.memory_space<vmem>>[vector<16xi32>], vector<16xf32>,
            %add3A_372 = arith.constant 7 : i32
            %add3A_373 = vector.broadcast %add3A_372 : i32 to vector<16xi32>
            %add3A_374 = arith.addi %add3A_343, %add3A_373 : vector<16xi32>
            %mul3A_375 = arith.mulf %gather3A_335, %mul3A_255 : vector<16xf32>
            tpu.vector_store_idx %arg7[%add3A_374], %mul3A_375 {add = true} : memref<109152xf32, #tpu.memory_space<vmem>>[vector<16xi32>], vector<16xf32>,
            %add3A_376 = arith.constant 8 : i32
            %add3A_377 = vector.broadcast %add3A_376 : i32 to vector<16xi32>
            %add3A_378 = arith.addi %add3A_343, %add3A_377 : vector<16xi32>
            %mul3A_379 = arith.mulf %gather3A_335, %mul3A_259 : vector<16xf32>
            tpu.vector_store_idx %arg7[%add3A_378], %mul3A_379 {add = true} : memref<109152xf32, #tpu.memory_space<vmem>>[vector<16xi32>], vector<16xf32>,
            %add3A_380 = arith.constant 9 : i32
            %add3A_381 = vector.broadcast %add3A_380 : i32 to vector<16xi32>
            %add3A_382 = arith.addi %add3A_343, %add3A_381 : vector<16xi32>
            %mul3A_383 = arith.mulf %gather3A_335, %mul3A_267 : vector<16xf32>
            tpu.vector_store_idx %arg7[%add3A_382], %mul3A_383 {add = true} : memref<109152xf32, #tpu.memory_space<vmem>>[vector<16xi32>], vector<16xf32>,
            %add3A_384 = arith.constant 10 : i32
            %add3A_385 = vector.broadcast %add3A_384 : i32 to vector<16xi32>
            %add3A_386 = arith.addi %add3A_343, %add3A_385 : vector<16xi32>
            %mul3A_387 = arith.mulf %gather3A_335, %mul3A_272 : vector<16xf32>
            tpu.vector_store_idx %arg7[%add3A_386], %mul3A_387 {add = true} : memref<109152xf32, #tpu.memory_space<vmem>>[vector<16xi32>], vector<16xf32>,
            %add3A_388 = arith.constant 11 : i32
            %add3A_389 = vector.broadcast %add3A_388 : i32 to vector<16xi32>
            %add3A_390 = arith.addi %add3A_343, %add3A_389 : vector<16xi32>
            %mul3A_391 = arith.mulf %gather3A_335, %mul3A_282 : vector<16xf32>
            tpu.vector_store_idx %arg7[%add3A_390], %mul3A_391 {add = true} : memref<109152xf32, #tpu.memory_space<vmem>>[vector<16xi32>], vector<16xf32>,
            %add3A_392 = arith.constant 12 : i32
            %add3A_393 = vector.broadcast %add3A_392 : i32 to vector<16xi32>
            %add3A_394 = arith.addi %add3A_343, %add3A_393 : vector<16xi32>
            %mul3A_395 = arith.mulf %gather3A_335, %mul3A_292 : vector<16xf32>
            tpu.vector_store_idx %arg7[%add3A_394], %mul3A_395 {add = true} : memref<109152xf32, #tpu.memory_space<vmem>>[vector<16xi32>], vector<16xf32>,
            %add3A_396 = arith.constant 13 : i32
            %add3A_397 = vector.broadcast %add3A_396 : i32 to vector<16xi32>
            %add3A_398 = arith.addi %add3A_343, %add3A_397 : vector<16xi32>
            %mul3A_399 = arith.mulf %gather3A_335, %mul3A_302 : vector<16xf32>
            tpu.vector_store_idx %arg7[%add3A_398], %mul3A_399 {add = true} : memref<109152xf32, #tpu.memory_space<vmem>>[vector<16xi32>], vector<16xf32>,
            %add3A_400 = arith.constant 14 : i32
            %add3A_401 = vector.broadcast %add3A_400 : i32 to vector<16xi32>
            %add3A_402 = arith.addi %add3A_343, %add3A_401 : vector<16xi32>
            %mul3A_403 = arith.mulf %gather3A_335, %mul3A_307 : vector<16xf32>
            tpu.vector_store_idx %arg7[%add3A_402], %mul3A_403 {add = true} : memref<109152xf32, #tpu.memory_space<vmem>>[vector<16xi32>], vector<16xf32>,
            %add3A_404 = arith.constant 15 : i32
            %add3A_405 = vector.broadcast %add3A_404 : i32 to vector<16xi32>
            %add3A_406 = arith.addi %add3A_343, %add3A_405 : vector<16xi32>
            %mul3A_407 = arith.mulf %gather3A_335, %mul3A_315 : vector<16xf32>
            tpu.vector_store_idx %arg7[%add3A_406], %mul3A_407 {add = true} : memref<109152xf32, #tpu.memory_space<vmem>>[vector<16xi32>], vector<16xf32>,
            %while3A_408 = arith.constant 0 : i32
            scf.yield %while3A_408 : i32
          }
          %while3A_328 = arith.constant 1 : i32
          %while3A_329 = scf.for %while3A_331 = %while3A_325 to %while3A_321 step %while3A_328 iter_args(%while3A_332 = %while3A_327) -> (i32)  : i32 {
            %add3A_333 = vector.broadcast %while3A_331 : i32 to vector<16xi32>
            %add3A_334 = arith.addi %broadcast_in_dim3A_1, %add3A_333 : vector<16xi32>
            %gather3A_335 = tpu.vector_load_idx %arg10[%add3A_149, %add3A_334] : memref<32x128xf32, #tpu.memory_space<vmem>>[vector<16xi32>, vector<16xi32>], vector<16xf32>,
            %add3A_336 = vector.broadcast %while3A_331 : i32 to vector<16xi32>
            %add3A_337 = arith.addi %select_n3A, %add3A_336 : vector<16xi32>
            tpu.vector_store_idx %arg7[%add3A_337], %gather3A_335 {add = true} : memref<109152xf32, #tpu.memory_space<vmem>>[vector<16xi32>], vector<16xf32>,
            %mul3A_338 = arith.constant 16 : i32
            %mul3A_339 = arith.muli %mul3A_338, %while3A_331 : i32
            %add3A_340 = arith.constant 20 : i32
            %add3A_341 = arith.addi %add3A_340, %mul3A_339 : i32
            %add3A_342 = vector.broadcast %add3A_341 : i32 to vector<16xi32>
            %add3A_343 = arith.addi %select_n3A, %add3A_342 : vector<16xi32>
            %add3A_344 = arith.constant 0 : i32
            %add3A_345 = vector.broadcast %add3A_344 : i32 to vector<16xi32>
            %add3A_346 = arith.addi %add3A_343, %add3A_345 : vector<16xi32>
            %mul3A_347 = arith.mulf %gather3A_335, %broadcast_in_dim3A_225 : vector<16xf32>
            tpu.vector_store_idx %arg7[%add3A_346], %mul3A_347 {add = true} : memref<109152xf32, #tpu.memory_space<vmem>>[vector<16xi32>], vector<16xf32>,
            %add3A_348 = arith.constant 1 : i32
            %add3A_349 = vector.broadcast %add3A_348 : i32 to vector<16xi32>
            %add3A_350 = arith.addi %add3A_343, %add3A_349 : vector<16xi32>
            %mul3A_351 = arith.mulf %gather3A_335, %mul3A_228 : vector<16xf32>
            tpu.vector_store_idx %arg7[%add3A_350], %mul3A_351 {add = true} : memref<109152xf32, #tpu.memory_space<vmem>>[vector<16xi32>], vector<16xf32>,
            %add3A_352 = arith.constant 2 : i32
            %add3A_353 = vector.broadcast %add3A_352 : i32 to vector<16xi32>
            %add3A_354 = arith.addi %add3A_343, %add3A_353 : vector<16xi32>
            %mul3A_355 = arith.mulf %gather3A_335, %mul3A_231 : vector<16xf32>
            tpu.vector_store_idx %arg7[%add3A_354], %mul3A_355 {add = true} : memref<109152xf32, #tpu.memory_space<vmem>>[vector<16xi32>], vector<16xf32>,
            %add3A_356 = arith.constant 3 : i32
            %add3A_357 = vector.broadcast %add3A_356 : i32 to vector<16xi32>
            %add3A_358 = arith.addi %add3A_343, %add3A_357 : vector<16xi32>
            %mul3A_359 = arith.mulf %gather3A_335, %mul3A_234 : vector<16xf32>
            tpu.vector_store_idx %arg7[%add3A_358], %mul3A_359 {add = true} : memref<109152xf32, #tpu.memory_space<vmem>>[vector<16xi32>], vector<16xf32>,
            %add3A_360 = arith.constant 4 : i32
            %add3A_361 = vector.broadcast %add3A_360 : i32 to vector<16xi32>
            %add3A_362 = arith.addi %add3A_343, %add3A_361 : vector<16xi32>
            %mul3A_363 = arith.mulf %gather3A_335, %mul3A_238 : vector<16xf32>
            tpu.vector_store_idx %arg7[%add3A_362], %mul3A_363 {add = true} : memref<109152xf32, #tpu.memory_space<vmem>>[vector<16xi32>], vector<16xf32>,
            %add3A_364 = arith.constant 5 : i32
            %add3A_365 = vector.broadcast %add3A_364 : i32 to vector<16xi32>
            %add3A_366 = arith.addi %add3A_343, %add3A_365 : vector<16xi32>
            %mul3A_367 = arith.mulf %gather3A_335, %mul3A_242 : vector<16xf32>
            tpu.vector_store_idx %arg7[%add3A_366], %mul3A_367 {add = true} : memref<109152xf32, #tpu.memory_space<vmem>>[vector<16xi32>], vector<16xf32>,
            %add3A_368 = arith.constant 6 : i32
            %add3A_369 = vector.broadcast %add3A_368 : i32 to vector<16xi32>
            %add3A_370 = arith.addi %add3A_343, %add3A_369 : vector<16xi32>
            %mul3A_371 = arith.mulf %gather3A_335, %mul3A_251 : vector<16xf32>
            tpu.vector_store_idx %arg7[%add3A_370], %mul3A_371 {add = true} : memref<109152xf32, #tpu.memory_space<vmem>>[vector<16xi32>], vector<16xf32>,
            %add3A_372 = arith.constant 7 : i32
            %add3A_373 = vector.broadcast %add3A_372 : i32 to vector<16xi32>
            %add3A_374 = arith.addi %add3A_343, %add3A_373 : vector<16xi32>
            %mul3A_375 = arith.mulf %gather3A_335, %mul3A_255 : vector<16xf32>
            tpu.vector_store_idx %arg7[%add3A_374], %mul3A_375 {add = true} : memref<109152xf32, #tpu.memory_space<vmem>>[vector<16xi32>], vector<16xf32>,
            %add3A_376 = arith.constant 8 : i32
            %add3A_377 = vector.broadcast %add3A_376 : i32 to vector<16xi32>
            %add3A_378 = arith.addi %add3A_343, %add3A_377 : vector<16xi32>
            %mul3A_379 = arith.mulf %gather3A_335, %mul3A_259 : vector<16xf32>
            tpu.vector_store_idx %arg7[%add3A_378], %mul3A_379 {add = true} : memref<109152xf32, #tpu.memory_space<vmem>>[vector<16xi32>], vector<16xf32>,
            %add3A_380 = arith.constant 9 : i32
            %add3A_381 = vector.broadcast %add3A_380 : i32 to vector<16xi32>
            %add3A_382 = arith.addi %add3A_343, %add3A_381 : vector<16xi32>
            %mul3A_383 = arith.mulf %gather3A_335, %mul3A_267 : vector<16xf32>
            tpu.vector_store_idx %arg7[%add3A_382], %mul3A_383 {add = true} : memref<109152xf32, #tpu.memory_space<vmem>>[vector<16xi32>], vector<16xf32>,
            %add3A_384 = arith.constant 10 : i32
            %add3A_385 = vector.broadcast %add3A_384 : i32 to vector<16xi32>
            %add3A_386 = arith.addi %add3A_343, %add3A_385 : vector<16xi32>
            %mul3A_387 = arith.mulf %gather3A_335, %mul3A_272 : vector<16xf32>
            tpu.vector_store_idx %arg7[%add3A_386], %mul3A_387 {add = true} : memref<109152xf32, #tpu.memory_space<vmem>>[vector<16xi32>], vector<16xf32>,
            %add3A_388 = arith.constant 11 : i32
            %add3A_389 = vector.broadcast %add3A_388 : i32 to vector<16xi32>
            %add3A_390 = arith.addi %add3A_343, %add3A_389 : vector<16xi32>
            %mul3A_391 = arith.mulf %gather3A_335, %mul3A_282 : vector<16xf32>
            tpu.vector_store_idx %arg7[%add3A_390], %mul3A_391 {add = true} : memref<109152xf32, #tpu.memory_space<vmem>>[vector<16xi32>], vector<16xf32>,
            %add3A_392 = arith.constant 12 : i32
            %add3A_393 = vector.broadcast %add3A_392 : i32 to vector<16xi32>
            %add3A_394 = arith.addi %add3A_343, %add3A_393 : vector<16xi32>
            %mul3A_395 = arith.mulf %gather3A_335, %mul3A_292 : vector<16xf32>
            tpu.vector_store_idx %arg7[%add3A_394], %mul3A_395 {add = true} : memref<109152xf32, #tpu.memory_space<vmem>>[vector<16xi32>], vector<16xf32>,
            %add3A_396 = arith.constant 13 : i32
            %add3A_397 = vector.broadcast %add3A_396 : i32 to vector<16xi32>
            %add3A_398 = arith.addi %add3A_343, %add3A_397 : vector<16xi32>
            %mul3A_399 = arith.mulf %gather3A_335, %mul3A_302 : vector<16xf32>
            tpu.vector_store_idx %arg7[%add3A_398], %mul3A_399 {add = true} : memref<109152xf32, #tpu.memory_space<vmem>>[vector<16xi32>], vector<16xf32>,
            %add3A_400 = arith.constant 14 : i32
            %add3A_401 = vector.broadcast %add3A_400 : i32 to vector<16xi32>
            %add3A_402 = arith.addi %add3A_343, %add3A_401 : vector<16xi32>
            %mul3A_403 = arith.mulf %gather3A_335, %mul3A_307 : vector<16xf32>
            tpu.vector_store_idx %arg7[%add3A_402], %mul3A_403 {add = true} : memref<109152xf32, #tpu.memory_space<vmem>>[vector<16xi32>], vector<16xf32>,
            %add3A_404 = arith.constant 15 : i32
            %add3A_405 = vector.broadcast %add3A_404 : i32 to vector<16xi32>
            %add3A_406 = arith.addi %add3A_343, %add3A_405 : vector<16xi32>
            %mul3A_407 = arith.mulf %gather3A_335, %mul3A_315 : vector<16xf32>
            tpu.vector_store_idx %arg7[%add3A_406], %mul3A_407 {add = true} : memref<109152xf32, #tpu.memory_space<vmem>>[vector<16xi32>], vector<16xf32>,
            %while3A_408 = arith.constant 0 : i32
            scf.yield %while3A_408 : i32
          }
          %while3A_330 = arith.constant 0 : i32
          scf.yield %while3A_330 : i32
        }
        %while3A_113 = arith.constant 1 : i32
        %while3A_114 = scf.for %while3A_117 = %while3A_110 to %while3A_106 step %while3A_113 iter_args(%while3A_118 = %while3A_112) -> (i32)  : i32 {
          %rem3A = arith.constant 2 : i32
          %rem3A_119 = arith.remsi %while3A_117, %rem3A : i32
          %add3A_120 = arith.constant 1 : i32
          %add3A_121 = arith.addi %while3A_117, %add3A_120 : i32
          %lt3A_122 = arith.cmpi slt, %add3A_121, %max3A_98 : i32
          %convert_element_type3A_123 = arith.extui %lt3A_122 : i1 to i32
          %cond3A_124 = arith.constant 0 : i32
          %cond3A_125 = arith.cmpi ne, %convert_element_type3A_123, %cond3A_124 : i32
          scf.if %cond3A_125 {
            %add3A_331 = arith.constant 1 : i32
            %add3A_332 = arith.addi %while3A_117, %add3A_331 : i32
            %add3A_333 = arith.constant 1 : i32
            %add3A_334 = arith.addi %while3A_117, %add3A_333 : i32
            %rem3A_335 = arith.constant 2 : i32
            %rem3A_336 = arith.remsi %add3A_334, %rem3A_335 : i32
            %eq3A_337 = arith.constant 0 : i32
            %eq3A_338 = arith.cmpi eq, %rem3A_336, %eq3A_337 : i32
            %convert_element_type3A_339 = arith.extui %eq3A_338 : i1 to i32
            %cond3A_340 = arith.constant 0 : i32
            %cond3A_341 = arith.cmpi ne, %convert_element_type3A_339, %cond3A_340 : i32
            scf.if %cond3A_341 {
              %mul3A_347 = arith.constant 16 : i32
              %mul3A_348 = arith.muli %add3A_332, %mul3A_347 : i32
              %get3A_349 = arith.index_cast %mul3A_348 : i32 to index
              %get3A_350 = tpu.vector_load %arg8[%get3A_349] {strides = array<i32>} : memref<8192xi32, #tpu.memory_space<vmem>>, vector<16xi32>,
              %and3A = arith.constant 65535 : i32
              %and3A_351 = vector.broadcast %and3A : i32 to vector<16xi32>
              %and3A_352 = arith.andi %get3A_350, %and3A_351 : vector<16xi32>
              %swap3A_353 = arith.constant 0 : index
              %swap3A_354 = tpu.vector_load %arg9[%swap3A_353] {strides = array<i32>} : memref<32xi32, #tpu.memory_space<vmem>>, vector<16xi32>,
              tpu.vector_store %arg9[%swap3A_353], %and3A_352 {strides = array<i32>} : memref<32xi32, #tpu.memory_space<vmem>>, vector<16xi32>,
              %dma_start3A_355 = arith.constant 0 : i32
              %dma_start3A_356 = arith.constant 0 : i32
              %dma_start3A_357 = tpu.memref_slice %arg10[%dma_start3A_355, %dma_start3A_356] : memref<32x128xf32, #tpu.memory_space<vmem>> -> memref<16x128xf32, #tpu.memory_space<vmem>>
              %dma_start3A_358 = arith.constant 0 : i32
              %dma_start3A_359 = tpu.memref_slice %arg9[%dma_start3A_358] : memref<32xi32, #tpu.memory_space<vmem>> -> memref<16xi32, #tpu.memory_space<vmem>>
              %dma_start3A_360 = arith.constant 0 : i32
              %dma_start3A_361 = arith.constant 0 : i32
              %dma_start3A_362 = tpu.memref_slice %arg2[%dma_start3A_360, %dma_start3A_361] : memref<50000x128xf32, #tpu.memory_space<hbm>> -> memref<50000x128xf32, #tpu.memory_space<hbm>>
              tpu.enqueue_indirect_dma source(%dma_start3A_362 : memref<50000x128xf32, #tpu.memory_space<hbm>>) target(%dma_start3A_357 : memref<16x128xf32, #tpu.memory_space<vmem>>) offsets(%dma_start3A_359 : memref<16xi32, #tpu.memory_space<vmem>>) semaphore(%arg14 : memref<!tpu.dma_semaphore, #tpu.memory_space<semaphore_mem>>)
            } else {
            }
            %ne3A_342 = arith.constant 0 : i32
            %ne3A_343 = arith.cmpi ne, %rem3A_336, %ne3A_342 : i32
            %convert_element_type3A_344 = arith.extui %ne3A_343 : i1 to i32
            %cond3A_345 = arith.constant 0 : i32
            %cond3A_346 = arith.cmpi ne, %convert_element_type3A_344, %cond3A_345 : i32
            scf.if %cond3A_346 {
              %mul3A_347 = arith.constant 16 : i32
              %mul3A_348 = arith.muli %add3A_332, %mul3A_347 : i32
              %get3A_349 = arith.index_cast %mul3A_348 : i32 to index
              %get3A_350 = tpu.vector_load %arg8[%get3A_349] {strides = array<i32>} : memref<8192xi32, #tpu.memory_space<vmem>>, vector<16xi32>,
              %and3A = arith.constant 65535 : i32
              %and3A_351 = vector.broadcast %and3A : i32 to vector<16xi32>
              %and3A_352 = arith.andi %get3A_350, %and3A_351 : vector<16xi32>
              %swap3A_353 = arith.constant 16 : index
              %swap3A_354 = tpu.vector_load %arg9[%swap3A_353] {strides = array<i32>} : memref<32xi32, #tpu.memory_space<vmem>>, vector<16xi32>,
              tpu.vector_store %arg9[%swap3A_353], %and3A_352 {strides = array<i32>} : memref<32xi32, #tpu.memory_space<vmem>>, vector<16xi32>,
              %dma_start3A_355 = arith.constant 16 : i32
              %dma_start3A_356 = arith.constant 0 : i32
              %dma_start3A_357 = tpu.memref_slice %arg10[%dma_start3A_355, %dma_start3A_356] : memref<32x128xf32, #tpu.memory_space<vmem>> -> memref<16x128xf32, #tpu.memory_space<vmem>>
              %dma_start3A_358 = arith.constant 16 : i32
              %dma_start3A_359 = tpu.memref_slice %arg9[%dma_start3A_358] : memref<32xi32, #tpu.memory_space<vmem>> -> memref<16xi32, #tpu.memory_space<vmem>>
              %dma_start3A_360 = arith.constant 0 : i32
              %dma_start3A_361 = arith.constant 0 : i32
              %dma_start3A_362 = tpu.memref_slice %arg2[%dma_start3A_360, %dma_start3A_361] : memref<50000x128xf32, #tpu.memory_space<hbm>> -> memref<50000x128xf32, #tpu.memory_space<hbm>>
              tpu.enqueue_indirect_dma source(%dma_start3A_362 : memref<50000x128xf32, #tpu.memory_space<hbm>>) target(%dma_start3A_357 : memref<16x128xf32, #tpu.memory_space<vmem>>) offsets(%dma_start3A_359 : memref<16xi32, #tpu.memory_space<vmem>>) semaphore(%arg14 : memref<!tpu.dma_semaphore, #tpu.memory_space<semaphore_mem>>)
            } else {
            }
          } else {
          }
          %eq3A = arith.constant 0 : i32
          %eq3A_126 = arith.cmpi eq, %rem3A_119, %eq3A : i32
          %convert_element_type3A_127 = arith.extui %eq3A_126 : i1 to i32
          %cond3A_128 = arith.constant 0 : i32
          %cond3A_129 = arith.cmpi ne, %convert_element_type3A_127, %cond3A_128 : i32
          scf.if %cond3A_129 {
            %dma_wait3A_331 = arith.constant 0 : i32
            %dma_wait3A_332 = arith.constant 0 : i32
            %dma_wait3A_333 = tpu.memref_slice %arg10[%dma_wait3A_331, %dma_wait3A_332] : memref<32x128xf32, #tpu.memory_space<vmem>> -> memref<16x128xf32, #tpu.memory_space<vmem>>
            %dma_wait3A_334 = arith.constant 0 : i32
            %dma_wait3A_335 = tpu.memref_slice %arg9[%dma_wait3A_334] : memref<32xi32, #tpu.memory_space<vmem>> -> memref<16xi32, #tpu.memory_space<vmem>>
            %dma_wait3A_336 = arith.constant 0 : i32
            %dma_wait3A_337 = arith.constant 0 : i32
            %dma_wait3A_338 = tpu.memref_slice %arg2[%dma_wait3A_336, %dma_wait3A_337] : memref<50000x128xf32, #tpu.memory_space<hbm>> -> memref<50000x128xf32, #tpu.memory_space<hbm>>
            tpu.wait_indirect_dma semaphore(%arg14 : memref<!tpu.dma_semaphore, #tpu.memory_space<semaphore_mem>>) src(%dma_wait3A_338 : memref<50000x128xf32, #tpu.memory_space<hbm>>) dst(%dma_wait3A_333 : memref<16x128xf32, #tpu.memory_space<vmem>>)
          } else {
          }
          %ne3A = arith.constant 0 : i32
          %ne3A_130 = arith.cmpi ne, %rem3A_119, %ne3A : i32
          %convert_element_type3A_131 = arith.extui %ne3A_130 : i1 to i32
          %cond3A_132 = arith.constant 0 : i32
          %cond3A_133 = arith.cmpi ne, %convert_element_type3A_131, %cond3A_132 : i32
          scf.if %cond3A_133 {
            %dma_wait3A_331 = arith.constant 16 : i32
            %dma_wait3A_332 = arith.constant 0 : i32
            %dma_wait3A_333 = tpu.memref_slice %arg10[%dma_wait3A_331, %dma_wait3A_332] : memref<32x128xf32, #tpu.memory_space<vmem>> -> memref<16x128xf32, #tpu.memory_space<vmem>>
            %dma_wait3A_334 = arith.constant 16 : i32
            %dma_wait3A_335 = tpu.memref_slice %arg9[%dma_wait3A_334] : memref<32xi32, #tpu.memory_space<vmem>> -> memref<16xi32, #tpu.memory_space<vmem>>
            %dma_wait3A_336 = arith.constant 0 : i32
            %dma_wait3A_337 = arith.constant 0 : i32
            %dma_wait3A_338 = tpu.memref_slice %arg2[%dma_wait3A_336, %dma_wait3A_337] : memref<50000x128xf32, #tpu.memory_space<hbm>> -> memref<50000x128xf32, #tpu.memory_space<hbm>>
            tpu.wait_indirect_dma semaphore(%arg14 : memref<!tpu.dma_semaphore, #tpu.memory_space<semaphore_mem>>) src(%dma_wait3A_338 : memref<50000x128xf32, #tpu.memory_space<hbm>>) dst(%dma_wait3A_333 : memref<16x128xf32, #tpu.memory_space<vmem>>)
          } else {
          }
          %gt3A_134 = vector.broadcast %while3A_117 : i32 to vector<16xi32>
          %gt3A_135 = arith.cmpi sgt, %get3A_34, %gt3A_134 : vector<16xi32>
          %mul3A_136 = arith.constant 16 : i32
          %mul3A_137 = arith.muli %while3A_117, %mul3A_136 : i32
          %get3A_138 = arith.index_cast %mul3A_137 : i32 to index
          %get3A_139 = tpu.vector_load %arg8[%get3A_138] {strides = array<i32>} : memref<8192xi32, #tpu.memory_space<vmem>>, vector<16xi32>,
          %shift_right_arithmetic3A = arith.constant 16 : i32
          %shift_right_arithmetic3A_140 = vector.broadcast %shift_right_arithmetic3A : i32 to vector<16xi32>
          %shift_right_arithmetic3A_141 = arith.shrsi %get3A_139, %shift_right_arithmetic3A_140 : vector<16xi32>
          %mul3A_142 = arith.constant 340 : i32
          %mul3A_143 = vector.broadcast %mul3A_142 : i32 to vector<16xi32>
          %mul3A_144 = arith.muli %shift_right_arithmetic3A_141, %mul3A_143 : vector<16xi32>
          %jit3A = arith.constant 108800 : i32
          %broadcast_in_dim3A_145 = vector.broadcast %jit3A : i32 to vector<16xi32>
          %select_n3A = arith.select %gt3A_135, %mul3A_144, %broadcast_in_dim3A_145 : vector<16xi1>, vector<16xi32>
          %mul3A_146 = arith.constant 16 : i32
          %mul3A_147 = arith.muli %rem3A_119, %mul3A_146 : i32
          %add3A_148 = vector.broadcast %mul3A_147 : i32 to vector<16xi32>
          %add3A_149 = arith.addi %add3A_148, %iota3A : vector<16xi32>
          %mul3A_150 = arith.constant 8 : i32
          %mul3A_151 = vector.broadcast %mul3A_150 : i32 to vector<16xi32>
          %mul3A_152 = arith.muli %shift_right_arithmetic3A_141, %mul3A_151 : vector<16xi32>
          %gather3A = tpu.vector_load_idx %arg11[%mul3A_152] : memref<2560xf32, #tpu.memory_space<vmem>>[vector<16xi32>], vector<16xf32>,
          %add3A_153 = arith.constant 20 : i32
          %add3A_154 = vector.broadcast %add3A_153 : i32 to vector<16xi32>
          %add3A_155 = arith.addi %broadcast_in_dim3A_1, %add3A_154 : vector<16xi32>
          %gather3A_156 = tpu.vector_load_idx %arg10[%add3A_149, %add3A_155] : memref<32x128xf32, #tpu.memory_space<vmem>>[vector<16xi32>, vector<16xi32>], vector<16xf32>,
          %sub3A = arith.subf %gather3A, %gather3A_156 : vector<16xf32>
          %add3A_157 = arith.constant 1 : i32
          %add3A_158 = vector.broadcast %add3A_157 : i32 to vector<16xi32>
          %add3A_159 = arith.addi %mul3A_152, %add3A_158 : vector<16xi32>
          %gather3A_160 = tpu.vector_load_idx %arg11[%add3A_159] : memref<2560xf32, #tpu.memory_space<vmem>>[vector<16xi32>], vector<16xf32>,
          %add3A_161 = arith.constant 21 : i32
          %add3A_162 = vector.broadcast %add3A_161 : i32 to vector<16xi32>
          %add3A_163 = arith.addi %broadcast_in_dim3A_1, %add3A_162 : vector<16xi32>
          %gather3A_164 = tpu.vector_load_idx %arg10[%add3A_149, %add3A_163] : memref<32x128xf32, #tpu.memory_space<vmem>>[vector<16xi32>, vector<16xi32>], vector<16xf32>,
          %sub3A_165 = arith.subf %gather3A_160, %gather3A_164 : vector<16xf32>
          %add3A_166 = arith.constant 2 : i32
          %add3A_167 = vector.broadcast %add3A_166 : i32 to vector<16xi32>
          %add3A_168 = arith.addi %mul3A_152, %add3A_167 : vector<16xi32>
          %gather3A_169 = tpu.vector_load_idx %arg11[%add3A_168] : memref<2560xf32, #tpu.memory_space<vmem>>[vector<16xi32>], vector<16xf32>,
          %add3A_170 = arith.constant 22 : i32
          %add3A_171 = vector.broadcast %add3A_170 : i32 to vector<16xi32>
          %add3A_172 = arith.addi %broadcast_in_dim3A_1, %add3A_171 : vector<16xi32>
          %gather3A_173 = tpu.vector_load_idx %arg10[%add3A_149, %add3A_172] : memref<32x128xf32, #tpu.memory_space<vmem>>[vector<16xi32>, vector<16xi32>], vector<16xf32>,
          %sub3A_174 = arith.subf %gather3A_169, %gather3A_173 : vector<16xf32>
          %mul3A_175 = arith.mulf %sub3A, %sub3A : vector<16xf32>
          %mul3A_176 = arith.mulf %sub3A_165, %sub3A_165 : vector<16xf32>
          %add3A_177 = arith.addf %mul3A_175, %mul3A_176 : vector<16xf32>
          %mul3A_178 = arith.mulf %sub3A_174, %sub3A_174 : vector<16xf32>
          %add3A_179 = arith.addf %add3A_177, %mul3A_178 : vector<16xf32>
          %bitcast3A_180 = vector.bitcast %add3A_179 : vector<16xf32> to vector<16xi32>
          %shift_right_arithmetic3A_181 = arith.constant 1 : i32
          %shift_right_arithmetic3A_182 = vector.broadcast %shift_right_arithmetic3A_181 : i32 to vector<16xi32>
          %shift_right_arithmetic3A_183 = arith.shrsi %bitcast3A_180, %shift_right_arithmetic3A_182 : vector<16xi32>
          %sub3A_184 = arith.constant 1597463007 : i32
          %sub3A_185 = vector.broadcast %sub3A_184 : i32 to vector<16xi32>
          %sub3A_186 = arith.subi %sub3A_185, %shift_right_arithmetic3A_183 : vector<16xi32>
          %bitcast3A_187 = vector.bitcast %sub3A_186 : vector<16xi32> to vector<16xf32>
          %mul3A_188 = arith.constant 5.000000e-01 : f32
          %mul3A_189 = vector.broadcast %mul3A_188 : f32 to vector<16xf32>
          %mul3A_190 = arith.mulf %mul3A_189, %add3A_179 : vector<16xf32>
          %mul3A_191 = arith.mulf %mul3A_190, %bitcast3A_187 : vector<16xf32>
          %mul3A_192 = arith.mulf %mul3A_191, %bitcast3A_187 : vector<16xf32>
          %sub3A_193 = arith.constant 1.500000e+00 : f32
          %sub3A_194 = vector.broadcast %sub3A_193 : f32 to vector<16xf32>
          %sub3A_195 = arith.subf %sub3A_194, %mul3A_192 : vector<16xf32>
          %mul3A_196 = arith.mulf %bitcast3A_187, %sub3A_195 : vector<16xf32>
          %mul3A_197 = arith.constant 5.000000e-01 : f32
          %mul3A_198 = vector.broadcast %mul3A_197 : f32 to vector<16xf32>
          %mul3A_199 = arith.mulf %mul3A_198, %add3A_179 : vector<16xf32>
          %mul3A_200 = arith.mulf %mul3A_199, %mul3A_196 : vector<16xf32>
          %mul3A_201 = arith.mulf %mul3A_200, %mul3A_196 : vector<16xf32>
          %sub3A_202 = arith.constant 1.500000e+00 : f32
          %sub3A_203 = vector.broadcast %sub3A_202 : f32 to vector<16xf32>
          %sub3A_204 = arith.subf %sub3A_203, %mul3A_201 : vector<16xf32>
          %mul3A_205 = arith.mulf %mul3A_196, %sub3A_204 : vector<16xf32>
          %mul3A_206 = arith.constant 5.000000e-01 : f32
          %mul3A_207 = vector.broadcast %mul3A_206 : f32 to vector<16xf32>
          %mul3A_208 = arith.mulf %mul3A_207, %add3A_179 : vector<16xf32>
          %mul3A_209 = arith.mulf %mul3A_208, %mul3A_205 : vector<16xf32>
          %mul3A_210 = arith.mulf %mul3A_209, %mul3A_205 : vector<16xf32>
          %sub3A_211 = arith.constant 1.500000e+00 : f32
          %sub3A_212 = vector.broadcast %sub3A_211 : f32 to vector<16xf32>
          %sub3A_213 = arith.subf %sub3A_212, %mul3A_210 : vector<16xf32>
          %mul3A_214 = arith.mulf %mul3A_205, %sub3A_213 : vector<16xf32>
          %mul3A_215 = arith.mulf %add3A_179, %mul3A_214 : vector<16xf32>
          %max3A_216 = arith.constant 9.99999996E-13 : f32
          %max3A_217 = vector.broadcast %max3A_216 : f32 to vector<16xf32>
          %max3A_218 = arith.maximumf %mul3A_215, %max3A_217 : vector<16xf32>
          %div3A = arith.divf %sub3A, %max3A_218 : vector<16xf32>
          %div3A_219 = arith.divf %sub3A_165, %max3A_218 : vector<16xf32>
          %div3A_220 = arith.divf %sub3A_174, %max3A_218 : vector<16xf32>
          %mul3A_221 = arith.mulf %div3A, %div3A : vector<16xf32>
          %mul3A_222 = arith.mulf %div3A_219, %div3A_219 : vector<16xf32>
          %mul3A_223 = arith.mulf %div3A_220, %div3A_220 : vector<16xf32>
          %broadcast_in_dim3A_224 = arith.constant 0.282094806 : f32
          %broadcast_in_dim3A_225 = vector.broadcast %broadcast_in_dim3A_224 : f32 to vector<16xf32>
          %mul3A_226 = arith.constant 0.488602519 : f32
          %mul3A_227 = vector.broadcast %mul3A_226 : f32 to vector<16xf32>
          %mul3A_228 = arith.mulf %mul3A_227, %div3A_219 : vector<16xf32>
          %mul3A_229 = arith.constant 0.488602519 : f32
          %mul3A_230 = vector.broadcast %mul3A_229 : f32 to vector<16xf32>
          %mul3A_231 = arith.mulf %mul3A_230, %div3A_220 : vector<16xf32>
          %mul3A_232 = arith.constant 0.488602519 : f32
          %mul3A_233 = vector.broadcast %mul3A_232 : f32 to vector<16xf32>
          %mul3A_234 = arith.mulf %mul3A_233, %div3A : vector<16xf32>
          %mul3A_235 = arith.constant 1.09254849 : f32
          %mul3A_236 = vector.broadcast %mul3A_235 : f32 to vector<16xf32>
          %mul3A_237 = arith.mulf %mul3A_236, %div3A : vector<16xf32>
          %mul3A_238 = arith.mulf %mul3A_237, %div3A_219 : vector<16xf32>
          %mul3A_239 = arith.constant 1.09254849 : f32
          %mul3A_240 = vector.broadcast %mul3A_239 : f32 to vector<16xf32>
          %mul3A_241 = arith.mulf %mul3A_240, %div3A_219 : vector<16xf32>
          %mul3A_242 = arith.mulf %mul3A_241, %div3A_220 : vector<16xf32>
          %mul3A_243 = arith.constant 3.000000e+00 : f32
          %mul3A_244 = vector.broadcast %mul3A_243 : f32 to vector<16xf32>
          %mul3A_245 = arith.mulf %mul3A_244, %mul3A_223 : vector<16xf32>
          %sub3A_246 = arith.constant 1.000000e+00 : f32
          %sub3A_247 = vector.broadcast %sub3A_246 : f32 to vector<16xf32>
          %sub3A_248 = arith.subf %mul3A_245, %sub3A_247 : vector<16xf32>
          %mul3A_249 = arith.constant 0.31539157 : f32
          %mul3A_250 = vector.broadcast %mul3A_249 : f32 to vector<16xf32>
          %mul3A_251 = arith.mulf %mul3A_250, %sub3A_248 : vector<16xf32>
          %mul3A_252 = arith.constant 1.09254849 : f32
          %mul3A_253 = vector.broadcast %mul3A_252 : f32 to vector<16xf32>
          %mul3A_254 = arith.mulf %mul3A_253, %div3A : vector<16xf32>
          %mul3A_255 = arith.mulf %mul3A_254, %div3A_220 : vector<16xf32>
          %sub3A_256 = arith.subf %mul3A_221, %mul3A_222 : vector<16xf32>
          %mul3A_257 = arith.constant 0.546274245 : f32
          %mul3A_258 = vector.broadcast %mul3A_257 : f32 to vector<16xf32>
          %mul3A_259 = arith.mulf %mul3A_258, %sub3A_256 : vector<16xf32>
          %mul3A_260 = arith.constant 0.590043604 : f32
          %mul3A_261 = vector.broadcast %mul3A_260 : f32 to vector<16xf32>
          %mul3A_262 = arith.mulf %mul3A_261, %div3A_219 : vector<16xf32>
          %mul3A_263 = arith.constant 3.000000e+00 : f32
          %mul3A_264 = vector.broadcast %mul3A_263 : f32 to vector<16xf32>
          %mul3A_265 = arith.mulf %mul3A_264, %mul3A_221 : vector<16xf32>
          %sub3A_266 = arith.subf %mul3A_265, %mul3A_222 : vector<16xf32>
          %mul3A_267 = arith.mulf %mul3A_262, %sub3A_266 : vector<16xf32>
          %mul3A_268 = arith.constant 2.89061141 : f32
          %mul3A_269 = vector.broadcast %mul3A_268 : f32 to vector<16xf32>
          %mul3A_270 = arith.mulf %mul3A_269, %div3A : vector<16xf32>
          %mul3A_271 = arith.mulf %mul3A_270, %div3A_219 : vector<16xf32>
          %mul3A_272 = arith.mulf %mul3A_271, %div3A_220 : vector<16xf32>
          %mul3A_273 = arith.constant 0.457045794 : f32
          %mul3A_274 = vector.broadcast %mul3A_273 : f32 to vector<16xf32>
          %mul3A_275 = arith.mulf %mul3A_274, %div3A_219 : vector<16xf32>
          %mul3A_276 = arith.constant 5.000000e+00 : f32
          %mul3A_277 = vector.broadcast %mul3A_276 : f32 to vector<16xf32>
          %mul3A_278 = arith.mulf %mul3A_277, %mul3A_223 : vector<16xf32>
          %sub3A_279 = arith.constant 1.000000e+00 : f32
          %sub3A_280 = vector.broadcast %sub3A_279 : f32 to vector<16xf32>
          %sub3A_281 = arith.subf %mul3A_278, %sub3A_280 : vector<16xf32>
          %mul3A_282 = arith.mulf %mul3A_275, %sub3A_281 : vector<16xf32>
          %mul3A_283 = arith.constant 0.373176336 : f32
          %mul3A_284 = vector.broadcast %mul3A_283 : f32 to vector<16xf32>
          %mul3A_285 = arith.mulf %mul3A_284, %div3A_220 : vector<16xf32>
          %mul3A_286 = arith.constant 5.000000e+00 : f32
          %mul3A_287 = vector.broadcast %mul3A_286 : f32 to vector<16xf32>
          %mul3A_288 = arith.mulf %mul3A_287, %mul3A_223 : vector<16xf32>
          %sub3A_289 = arith.constant 3.000000e+00 : f32
          %sub3A_290 = vector.broadcast %sub3A_289 : f32 to vector<16xf32>
          %sub3A_291 = arith.subf %mul3A_288, %sub3A_290 : vector<16xf32>
          %mul3A_292 = arith.mulf %mul3A_285, %sub3A_291 : vector<16xf32>
          %mul3A_293 = arith.constant 0.457045794 : f32
          %mul3A_294 = vector.broadcast %mul3A_293 : f32 to vector<16xf32>
          %mul3A_295 = arith.mulf %mul3A_294, %div3A : vector<16xf32>
          %mul3A_296 = arith.constant 5.000000e+00 : f32
          %mul3A_297 = vector.broadcast %mul3A_296 : f32 to vector<16xf32>
          %mul3A_298 = arith.mulf %mul3A_297, %mul3A_223 : vector<16xf32>
          %sub3A_299 = arith.constant 1.000000e+00 : f32
          %sub3A_300 = vector.broadcast %sub3A_299 : f32 to vector<16xf32>
          %sub3A_301 = arith.subf %mul3A_298, %sub3A_300 : vector<16xf32>
          %mul3A_302 = arith.mulf %mul3A_295, %sub3A_301 : vector<16xf32>
          %mul3A_303 = arith.constant 1.44530571 : f32
          %mul3A_304 = vector.broadcast %mul3A_303 : f32 to vector<16xf32>
          %mul3A_305 = arith.mulf %mul3A_304, %div3A_220 : vector<16xf32>
          %sub3A_306 = arith.subf %mul3A_221, %mul3A_222 : vector<16xf32>
          %mul3A_307 = arith.mulf %mul3A_305, %sub3A_306 : vector<16xf32>
          %mul3A_308 = arith.constant 0.590043604 : f32
          %mul3A_309 = vector.broadcast %mul3A_308 : f32 to vector<16xf32>
          %mul3A_310 = arith.mulf %mul3A_309, %div3A : vector<16xf32>
          %mul3A_311 = arith.constant 3.000000e+00 : f32
          %mul3A_312 = vector.broadcast %mul3A_311 : f32 to vector<16xf32>
          %mul3A_313 = arith.mulf %mul3A_312, %mul3A_221 : vector<16xf32>
          %sub3A_314 = arith.subf %mul3A_313, %mul3A_222 : vector<16xf32>
          %mul3A_315 = arith.mulf %mul3A_310, %sub3A_314 : vector<16xf32>
          %add3A_316 = arith.constant 20 : i32
          %add3A_317 = arith.addi %add3A_316, %squeeze3A : i32
          %while3A_318 = arith.constant 0 : i32
          %while3A_319 = arith.constant 0 : i32
          %while3A_320 = arith.subi %add3A_317, %while3A_318 : i32
          %while3A_321 = arith.addi %while3A_318, %while3A_320 : i32
          %while3A_322 = arith.constant 1 : i32
          %while3A_323 = arith.divsi %while3A_320, %while3A_322 : i32
          %while3A_324 = arith.muli %while3A_323, %while3A_322 : i32
          %while3A_325 = arith.addi %while3A_318, %while3A_324 : i32
          %while3A_326 = arith.constant 1 : i32
          %while3A_327 = scf.for %while3A_331 = %while3A_318 to %while3A_325 step %while3A_326 iter_args(%while3A_332 = %while3A_319) -> (i32)  : i32 {
            %add3A_333 = vector.broadcast %while3A_331 : i32 to vector<16xi32>
            %add3A_334 = arith.addi %broadcast_in_dim3A_1, %add3A_333 : vector<16xi32>
            %gather3A_335 = tpu.vector_load_idx %arg10[%add3A_149, %add3A_334] : memref<32x128xf32, #tpu.memory_space<vmem>>[vector<16xi32>, vector<16xi32>], vector<16xf32>,
            %add3A_336 = vector.broadcast %while3A_331 : i32 to vector<16xi32>
            %add3A_337 = arith.addi %select_n3A, %add3A_336 : vector<16xi32>
            tpu.vector_store_idx %arg7[%add3A_337], %gather3A_335 {add = true} : memref<109152xf32, #tpu.memory_space<vmem>>[vector<16xi32>], vector<16xf32>,
            %mul3A_338 = arith.constant 16 : i32
            %mul3A_339 = arith.muli %mul3A_338, %while3A_331 : i32
            %add3A_340 = arith.constant 20 : i32
            %add3A_341 = arith.addi %add3A_340, %mul3A_339 : i32
            %add3A_342 = vector.broadcast %add3A_341 : i32 to vector<16xi32>
            %add3A_343 = arith.addi %select_n3A, %add3A_342 : vector<16xi32>
            %add3A_344 = arith.constant 0 : i32
            %add3A_345 = vector.broadcast %add3A_344 : i32 to vector<16xi32>
            %add3A_346 = arith.addi %add3A_343, %add3A_345 : vector<16xi32>
            %mul3A_347 = arith.mulf %gather3A_335, %broadcast_in_dim3A_225 : vector<16xf32>
            tpu.vector_store_idx %arg7[%add3A_346], %mul3A_347 {add = true} : memref<109152xf32, #tpu.memory_space<vmem>>[vector<16xi32>], vector<16xf32>,
            %add3A_348 = arith.constant 1 : i32
            %add3A_349 = vector.broadcast %add3A_348 : i32 to vector<16xi32>
            %add3A_350 = arith.addi %add3A_343, %add3A_349 : vector<16xi32>
            %mul3A_351 = arith.mulf %gather3A_335, %mul3A_228 : vector<16xf32>
            tpu.vector_store_idx %arg7[%add3A_350], %mul3A_351 {add = true} : memref<109152xf32, #tpu.memory_space<vmem>>[vector<16xi32>], vector<16xf32>,
            %add3A_352 = arith.constant 2 : i32
            %add3A_353 = vector.broadcast %add3A_352 : i32 to vector<16xi32>
            %add3A_354 = arith.addi %add3A_343, %add3A_353 : vector<16xi32>
            %mul3A_355 = arith.mulf %gather3A_335, %mul3A_231 : vector<16xf32>
            tpu.vector_store_idx %arg7[%add3A_354], %mul3A_355 {add = true} : memref<109152xf32, #tpu.memory_space<vmem>>[vector<16xi32>], vector<16xf32>,
            %add3A_356 = arith.constant 3 : i32
            %add3A_357 = vector.broadcast %add3A_356 : i32 to vector<16xi32>
            %add3A_358 = arith.addi %add3A_343, %add3A_357 : vector<16xi32>
            %mul3A_359 = arith.mulf %gather3A_335, %mul3A_234 : vector<16xf32>
            tpu.vector_store_idx %arg7[%add3A_358], %mul3A_359 {add = true} : memref<109152xf32, #tpu.memory_space<vmem>>[vector<16xi32>], vector<16xf32>,
            %add3A_360 = arith.constant 4 : i32
            %add3A_361 = vector.broadcast %add3A_360 : i32 to vector<16xi32>
            %add3A_362 = arith.addi %add3A_343, %add3A_361 : vector<16xi32>
            %mul3A_363 = arith.mulf %gather3A_335, %mul3A_238 : vector<16xf32>
            tpu.vector_store_idx %arg7[%add3A_362], %mul3A_363 {add = true} : memref<109152xf32, #tpu.memory_space<vmem>>[vector<16xi32>], vector<16xf32>,
            %add3A_364 = arith.constant 5 : i32
            %add3A_365 = vector.broadcast %add3A_364 : i32 to vector<16xi32>
            %add3A_366 = arith.addi %add3A_343, %add3A_365 : vector<16xi32>
            %mul3A_367 = arith.mulf %gather3A_335, %mul3A_242 : vector<16xf32>
            tpu.vector_store_idx %arg7[%add3A_366], %mul3A_367 {add = true} : memref<109152xf32, #tpu.memory_space<vmem>>[vector<16xi32>], vector<16xf32>,
            %add3A_368 = arith.constant 6 : i32
            %add3A_369 = vector.broadcast %add3A_368 : i32 to vector<16xi32>
            %add3A_370 = arith.addi %add3A_343, %add3A_369 : vector<16xi32>
            %mul3A_371 = arith.mulf %gather3A_335, %mul3A_251 : vector<16xf32>
            tpu.vector_store_idx %arg7[%add3A_370], %mul3A_371 {add = true} : memref<109152xf32, #tpu.memory_space<vmem>>[vector<16xi32>], vector<16xf32>,
            %add3A_372 = arith.constant 7 : i32
            %add3A_373 = vector.broadcast %add3A_372 : i32 to vector<16xi32>
            %add3A_374 = arith.addi %add3A_343, %add3A_373 : vector<16xi32>
            %mul3A_375 = arith.mulf %gather3A_335, %mul3A_255 : vector<16xf32>
            tpu.vector_store_idx %arg7[%add3A_374], %mul3A_375 {add = true} : memref<109152xf32, #tpu.memory_space<vmem>>[vector<16xi32>], vector<16xf32>,
            %add3A_376 = arith.constant 8 : i32
            %add3A_377 = vector.broadcast %add3A_376 : i32 to vector<16xi32>
            %add3A_378 = arith.addi %add3A_343, %add3A_377 : vector<16xi32>
            %mul3A_379 = arith.mulf %gather3A_335, %mul3A_259 : vector<16xf32>
            tpu.vector_store_idx %arg7[%add3A_378], %mul3A_379 {add = true} : memref<109152xf32, #tpu.memory_space<vmem>>[vector<16xi32>], vector<16xf32>,
            %add3A_380 = arith.constant 9 : i32
            %add3A_381 = vector.broadcast %add3A_380 : i32 to vector<16xi32>
            %add3A_382 = arith.addi %add3A_343, %add3A_381 : vector<16xi32>
            %mul3A_383 = arith.mulf %gather3A_335, %mul3A_267 : vector<16xf32>
            tpu.vector_store_idx %arg7[%add3A_382], %mul3A_383 {add = true} : memref<109152xf32, #tpu.memory_space<vmem>>[vector<16xi32>], vector<16xf32>,
            %add3A_384 = arith.constant 10 : i32
            %add3A_385 = vector.broadcast %add3A_384 : i32 to vector<16xi32>
            %add3A_386 = arith.addi %add3A_343, %add3A_385 : vector<16xi32>
            %mul3A_387 = arith.mulf %gather3A_335, %mul3A_272 : vector<16xf32>
            tpu.vector_store_idx %arg7[%add3A_386], %mul3A_387 {add = true} : memref<109152xf32, #tpu.memory_space<vmem>>[vector<16xi32>], vector<16xf32>,
            %add3A_388 = arith.constant 11 : i32
            %add3A_389 = vector.broadcast %add3A_388 : i32 to vector<16xi32>
            %add3A_390 = arith.addi %add3A_343, %add3A_389 : vector<16xi32>
            %mul3A_391 = arith.mulf %gather3A_335, %mul3A_282 : vector<16xf32>
            tpu.vector_store_idx %arg7[%add3A_390], %mul3A_391 {add = true} : memref<109152xf32, #tpu.memory_space<vmem>>[vector<16xi32>], vector<16xf32>,
            %add3A_392 = arith.constant 12 : i32
            %add3A_393 = vector.broadcast %add3A_392 : i32 to vector<16xi32>
            %add3A_394 = arith.addi %add3A_343, %add3A_393 : vector<16xi32>
            %mul3A_395 = arith.mulf %gather3A_335, %mul3A_292 : vector<16xf32>
            tpu.vector_store_idx %arg7[%add3A_394], %mul3A_395 {add = true} : memref<109152xf32, #tpu.memory_space<vmem>>[vector<16xi32>], vector<16xf32>,
            %add3A_396 = arith.constant 13 : i32
            %add3A_397 = vector.broadcast %add3A_396 : i32 to vector<16xi32>
            %add3A_398 = arith.addi %add3A_343, %add3A_397 : vector<16xi32>
            %mul3A_399 = arith.mulf %gather3A_335, %mul3A_302 : vector<16xf32>
            tpu.vector_store_idx %arg7[%add3A_398], %mul3A_399 {add = true} : memref<109152xf32, #tpu.memory_space<vmem>>[vector<16xi32>], vector<16xf32>,
            %add3A_400 = arith.constant 14 : i32
            %add3A_401 = vector.broadcast %add3A_400 : i32 to vector<16xi32>
            %add3A_402 = arith.addi %add3A_343, %add3A_401 : vector<16xi32>
            %mul3A_403 = arith.mulf %gather3A_335, %mul3A_307 : vector<16xf32>
            tpu.vector_store_idx %arg7[%add3A_402], %mul3A_403 {add = true} : memref<109152xf32, #tpu.memory_space<vmem>>[vector<16xi32>], vector<16xf32>,
            %add3A_404 = arith.constant 15 : i32
            %add3A_405 = vector.broadcast %add3A_404 : i32 to vector<16xi32>
            %add3A_406 = arith.addi %add3A_343, %add3A_405 : vector<16xi32>
            %mul3A_407 = arith.mulf %gather3A_335, %mul3A_315 : vector<16xf32>
            tpu.vector_store_idx %arg7[%add3A_406], %mul3A_407 {add = true} : memref<109152xf32, #tpu.memory_space<vmem>>[vector<16xi32>], vector<16xf32>,
            %while3A_408 = arith.constant 0 : i32
            scf.yield %while3A_408 : i32
          }
          %while3A_328 = arith.constant 1 : i32
          %while3A_329 = scf.for %while3A_331 = %while3A_325 to %while3A_321 step %while3A_328 iter_args(%while3A_332 = %while3A_327) -> (i32)  : i32 {
            %add3A_333 = vector.broadcast %while3A_331 : i32 to vector<16xi32>
            %add3A_334 = arith.addi %broadcast_in_dim3A_1, %add3A_333 : vector<16xi32>
            %gather3A_335 = tpu.vector_load_idx %arg10[%add3A_149, %add3A_334] : memref<32x128xf32, #tpu.memory_space<vmem>>[vector<16xi32>, vector<16xi32>], vector<16xf32>,
            %add3A_336 = vector.broadcast %while3A_331 : i32 to vector<16xi32>
            %add3A_337 = arith.addi %select_n3A, %add3A_336 : vector<16xi32>
            tpu.vector_store_idx %arg7[%add3A_337], %gather3A_335 {add = true} : memref<109152xf32, #tpu.memory_space<vmem>>[vector<16xi32>], vector<16xf32>,
            %mul3A_338 = arith.constant 16 : i32
            %mul3A_339 = arith.muli %mul3A_338, %while3A_331 : i32
            %add3A_340 = arith.constant 20 : i32
            %add3A_341 = arith.addi %add3A_340, %mul3A_339 : i32
            %add3A_342 = vector.broadcast %add3A_341 : i32 to vector<16xi32>
            %add3A_343 = arith.addi %select_n3A, %add3A_342 : vector<16xi32>
            %add3A_344 = arith.constant 0 : i32
            %add3A_345 = vector.broadcast %add3A_344 : i32 to vector<16xi32>
            %add3A_346 = arith.addi %add3A_343, %add3A_345 : vector<16xi32>
            %mul3A_347 = arith.mulf %gather3A_335, %broadcast_in_dim3A_225 : vector<16xf32>
            tpu.vector_store_idx %arg7[%add3A_346], %mul3A_347 {add = true} : memref<109152xf32, #tpu.memory_space<vmem>>[vector<16xi32>], vector<16xf32>,
            %add3A_348 = arith.constant 1 : i32
            %add3A_349 = vector.broadcast %add3A_348 : i32 to vector<16xi32>
            %add3A_350 = arith.addi %add3A_343, %add3A_349 : vector<16xi32>
            %mul3A_351 = arith.mulf %gather3A_335, %mul3A_228 : vector<16xf32>
            tpu.vector_store_idx %arg7[%add3A_350], %mul3A_351 {add = true} : memref<109152xf32, #tpu.memory_space<vmem>>[vector<16xi32>], vector<16xf32>,
            %add3A_352 = arith.constant 2 : i32
            %add3A_353 = vector.broadcast %add3A_352 : i32 to vector<16xi32>
            %add3A_354 = arith.addi %add3A_343, %add3A_353 : vector<16xi32>
            %mul3A_355 = arith.mulf %gather3A_335, %mul3A_231 : vector<16xf32>
            tpu.vector_store_idx %arg7[%add3A_354], %mul3A_355 {add = true} : memref<109152xf32, #tpu.memory_space<vmem>>[vector<16xi32>], vector<16xf32>,
            %add3A_356 = arith.constant 3 : i32
            %add3A_357 = vector.broadcast %add3A_356 : i32 to vector<16xi32>
            %add3A_358 = arith.addi %add3A_343, %add3A_357 : vector<16xi32>
            %mul3A_359 = arith.mulf %gather3A_335, %mul3A_234 : vector<16xf32>
            tpu.vector_store_idx %arg7[%add3A_358], %mul3A_359 {add = true} : memref<109152xf32, #tpu.memory_space<vmem>>[vector<16xi32>], vector<16xf32>,
            %add3A_360 = arith.constant 4 : i32
            %add3A_361 = vector.broadcast %add3A_360 : i32 to vector<16xi32>
            %add3A_362 = arith.addi %add3A_343, %add3A_361 : vector<16xi32>
            %mul3A_363 = arith.mulf %gather3A_335, %mul3A_238 : vector<16xf32>
            tpu.vector_store_idx %arg7[%add3A_362], %mul3A_363 {add = true} : memref<109152xf32, #tpu.memory_space<vmem>>[vector<16xi32>], vector<16xf32>,
            %add3A_364 = arith.constant 5 : i32
            %add3A_365 = vector.broadcast %add3A_364 : i32 to vector<16xi32>
            %add3A_366 = arith.addi %add3A_343, %add3A_365 : vector<16xi32>
            %mul3A_367 = arith.mulf %gather3A_335, %mul3A_242 : vector<16xf32>
            tpu.vector_store_idx %arg7[%add3A_366], %mul3A_367 {add = true} : memref<109152xf32, #tpu.memory_space<vmem>>[vector<16xi32>], vector<16xf32>,
            %add3A_368 = arith.constant 6 : i32
            %add3A_369 = vector.broadcast %add3A_368 : i32 to vector<16xi32>
            %add3A_370 = arith.addi %add3A_343, %add3A_369 : vector<16xi32>
            %mul3A_371 = arith.mulf %gather3A_335, %mul3A_251 : vector<16xf32>
            tpu.vector_store_idx %arg7[%add3A_370], %mul3A_371 {add = true} : memref<109152xf32, #tpu.memory_space<vmem>>[vector<16xi32>], vector<16xf32>,
            %add3A_372 = arith.constant 7 : i32
            %add3A_373 = vector.broadcast %add3A_372 : i32 to vector<16xi32>
            %add3A_374 = arith.addi %add3A_343, %add3A_373 : vector<16xi32>
            %mul3A_375 = arith.mulf %gather3A_335, %mul3A_255 : vector<16xf32>
            tpu.vector_store_idx %arg7[%add3A_374], %mul3A_375 {add = true} : memref<109152xf32, #tpu.memory_space<vmem>>[vector<16xi32>], vector<16xf32>,
            %add3A_376 = arith.constant 8 : i32
            %add3A_377 = vector.broadcast %add3A_376 : i32 to vector<16xi32>
            %add3A_378 = arith.addi %add3A_343, %add3A_377 : vector<16xi32>
            %mul3A_379 = arith.mulf %gather3A_335, %mul3A_259 : vector<16xf32>
            tpu.vector_store_idx %arg7[%add3A_378], %mul3A_379 {add = true} : memref<109152xf32, #tpu.memory_space<vmem>>[vector<16xi32>], vector<16xf32>,
            %add3A_380 = arith.constant 9 : i32
            %add3A_381 = vector.broadcast %add3A_380 : i32 to vector<16xi32>
            %add3A_382 = arith.addi %add3A_343, %add3A_381 : vector<16xi32>
            %mul3A_383 = arith.mulf %gather3A_335, %mul3A_267 : vector<16xf32>
            tpu.vector_store_idx %arg7[%add3A_382], %mul3A_383 {add = true} : memref<109152xf32, #tpu.memory_space<vmem>>[vector<16xi32>], vector<16xf32>,
            %add3A_384 = arith.constant 10 : i32
            %add3A_385 = vector.broadcast %add3A_384 : i32 to vector<16xi32>
            %add3A_386 = arith.addi %add3A_343, %add3A_385 : vector<16xi32>
            %mul3A_387 = arith.mulf %gather3A_335, %mul3A_272 : vector<16xf32>
            tpu.vector_store_idx %arg7[%add3A_386], %mul3A_387 {add = true} : memref<109152xf32, #tpu.memory_space<vmem>>[vector<16xi32>], vector<16xf32>,
            %add3A_388 = arith.constant 11 : i32
            %add3A_389 = vector.broadcast %add3A_388 : i32 to vector<16xi32>
            %add3A_390 = arith.addi %add3A_343, %add3A_389 : vector<16xi32>
            %mul3A_391 = arith.mulf %gather3A_335, %mul3A_282 : vector<16xf32>
            tpu.vector_store_idx %arg7[%add3A_390], %mul3A_391 {add = true} : memref<109152xf32, #tpu.memory_space<vmem>>[vector<16xi32>], vector<16xf32>,
            %add3A_392 = arith.constant 12 : i32
            %add3A_393 = vector.broadcast %add3A_392 : i32 to vector<16xi32>
            %add3A_394 = arith.addi %add3A_343, %add3A_393 : vector<16xi32>
            %mul3A_395 = arith.mulf %gather3A_335, %mul3A_292 : vector<16xf32>
            tpu.vector_store_idx %arg7[%add3A_394], %mul3A_395 {add = true} : memref<109152xf32, #tpu.memory_space<vmem>>[vector<16xi32>], vector<16xf32>,
            %add3A_396 = arith.constant 13 : i32
            %add3A_397 = vector.broadcast %add3A_396 : i32 to vector<16xi32>
            %add3A_398 = arith.addi %add3A_343, %add3A_397 : vector<16xi32>
            %mul3A_399 = arith.mulf %gather3A_335, %mul3A_302 : vector<16xf32>
            tpu.vector_store_idx %arg7[%add3A_398], %mul3A_399 {add = true} : memref<109152xf32, #tpu.memory_space<vmem>>[vector<16xi32>], vector<16xf32>,
            %add3A_400 = arith.constant 14 : i32
            %add3A_401 = vector.broadcast %add3A_400 : i32 to vector<16xi32>
            %add3A_402 = arith.addi %add3A_343, %add3A_401 : vector<16xi32>
            %mul3A_403 = arith.mulf %gather3A_335, %mul3A_307 : vector<16xf32>
            tpu.vector_store_idx %arg7[%add3A_402], %mul3A_403 {add = true} : memref<109152xf32, #tpu.memory_space<vmem>>[vector<16xi32>], vector<16xf32>,
            %add3A_404 = arith.constant 15 : i32
            %add3A_405 = vector.broadcast %add3A_404 : i32 to vector<16xi32>
            %add3A_406 = arith.addi %add3A_343, %add3A_405 : vector<16xi32>
            %mul3A_407 = arith.mulf %gather3A_335, %mul3A_315 : vector<16xf32>
            tpu.vector_store_idx %arg7[%add3A_406], %mul3A_407 {add = true} : memref<109152xf32, #tpu.memory_space<vmem>>[vector<16xi32>], vector<16xf32>,
            %while3A_408 = arith.constant 0 : i32
            scf.yield %while3A_408 : i32
          }
          %while3A_330 = arith.constant 0 : i32
          scf.yield %while3A_330 : i32
        }
        %mul3A_115 = arith.constant 108800 : i32
        %mul3A_116 = arith.muli %add3A_23, %mul3A_115 : i32
        "tpu.region"() ({
          %run_scoped3A = tpu.sem_alloc : memref<!tpu.dma_semaphore, #tpu.memory_space<semaphore_mem>>
          %dma_start3A_117 = arith.constant 0 : i32
          %dma_start3A_118 = tpu.memref_slice %arg7[%dma_start3A_117] : memref<109152xf32, #tpu.memory_space<vmem>> -> memref<108800xf32, #tpu.memory_space<vmem>>
          %dma_start3A_119 = tpu.memref_slice %arg6[%mul3A_116] : memref<17081600xf32, #tpu.memory_space<hbm>> -> memref<108800xf32, #tpu.memory_space<hbm>>
          %dma_start3A_120 = tpu.memref_slice %arg6[%mul3A_116] : memref<17081600xf32, #tpu.memory_space<hbm>> -> memref<108800xf32, #tpu.memory_space<hbm>>
          %dma_start3A_121 = arith.constant 0 : i32
          %dma_start3A_122 = tpu.memref_slice %arg7[%dma_start3A_121] : memref<109152xf32, #tpu.memory_space<vmem>> -> memref<108800xf32, #tpu.memory_space<vmem>>
          tpu.enqueue_dma source(%dma_start3A_122 : memref<108800xf32, #tpu.memory_space<vmem>>) target(%dma_start3A_120 : memref<108800xf32, #tpu.memory_space<hbm>>) target_semaphore(%run_scoped3A : memref<!tpu.dma_semaphore, #tpu.memory_space<semaphore_mem>>)
          %dma_wait3A_123 = arith.constant 0 : i32
          %dma_wait3A_124 = tpu.memref_slice %arg7[%dma_wait3A_123] : memref<109152xf32, #tpu.memory_space<vmem>> -> memref<108800xf32, #tpu.memory_space<vmem>>
          %dma_wait3A_125 = tpu.memref_slice %arg6[%mul3A_116] : memref<17081600xf32, #tpu.memory_space<hbm>> -> memref<108800xf32, #tpu.memory_space<hbm>>
          %dma_wait3A_126 = tpu.memref_slice %arg6[%mul3A_116] : memref<17081600xf32, #tpu.memory_space<hbm>> -> memref<108800xf32, #tpu.memory_space<hbm>>
          %dma_wait3A_127 = arith.constant 0 : i32
          %dma_wait3A_128 = tpu.memref_slice %arg7[%dma_wait3A_127] : memref<109152xf32, #tpu.memory_space<vmem>> -> memref<108800xf32, #tpu.memory_space<vmem>>
          tpu.wait_dma2 semaphore(%run_scoped3A : memref<!tpu.dma_semaphore, #tpu.memory_space<semaphore_mem>>) src(%dma_wait3A_128 : memref<108800xf32, #tpu.memory_space<vmem>>) dst(%dma_wait3A_126 : memref<108800xf32, #tpu.memory_space<hbm>>)
          tpu.yield
        }) : () -> ()
      } else {
      }
      %while3A_28 = arith.constant 0 : i32
      scf.yield %while3A_28 : i32
    }
    return
  }
}

#map = affine_map<(d0, d1) -> (0)>
module attributes {stable_mosaic.version = 14 : i64} {
  func.func @_scan_body(%arg0: i32, %arg1: i32, %arg2: memref<800000xi32, #tpu.memory_space<hbm>>, %arg3: memref<800000xi32, #tpu.memory_space<hbm>>, %arg4: memref<1286144xi32, #tpu.memory_space<hbm>>, %arg5: memref<2512xi32, #tpu.memory_space<hbm>>, %arg6: memref<8000xi32, #tpu.memory_space<vmem>>, %arg7: memref<8000xi32, #tpu.memory_space<vmem>>, %arg8: memref<40976xi32, #tpu.memory_space<vmem>>, %arg9: memref<16xi32, #tpu.memory_space<vmem>>, %arg10: memref<16xi32, #tpu.memory_space<vmem>>, %arg11: memref<!tpu.dma_semaphore, #tpu.memory_space<semaphore_mem>>, %arg12: memref<!tpu.dma_semaphore, #tpu.memory_space<semaphore_mem>>) attributes {dimension_semantics = [#tpu.dimension_semantics<core_parallel>, #tpu.dimension_semantics<subcore_parallel>], iteration_bounds = array<i64: 2, 16>, scalar_prefetch = 0 : i64, scratch_operands = 7 : i64, tpu.core_type = #tpu.core_type<sc_vector_subcore>, window_params = [{transform_indices = #map}, {transform_indices = #map}, {transform_indices = #map}, {transform_indices = #map}]} {
    %mul3A = arith.constant 2 : i32
    %mul3A_0 = arith.muli %arg1, %mul3A : i32
    %add3A = arith.addi %mul3A_0, %arg0 : i32
    %iota3A = tpu.iota {dimensions = array<i32: 0>} : vector<16xi32>
    %broadcast_in_dim3A = arith.constant 0 : i32
    %broadcast_in_dim3A_1 = vector.broadcast %broadcast_in_dim3A : i32 to vector<16xi32>
    %scan3A = arith.constant 0 : i32
    %scan3A_2 = arith.constant 0 : i32
    %scan3A_3 = arith.constant 2561 : i32
    %scan3A_4 = arith.addi %scan3A_2, %scan3A_3 : i32
    %scan3A_5 = arith.constant 1 : i32
    %scan3A_6 = scf.for %scan3A_68 = %scan3A_2 to %scan3A_4 step %scan3A_5 iter_args(%scan3A_69 = %scan3A) -> (i32)  : i32 {
      %mul3A_70 = arith.constant 16 : i32
      %mul3A_71 = arith.muli %scan3A_68, %mul3A_70 : i32
      %swap3A = arith.index_cast %mul3A_71 : i32 to index
      %swap3A_72 = tpu.vector_load %arg8[%swap3A] {strides = array<i32>} : memref<40976xi32, #tpu.memory_space<vmem>>, vector<16xi32>,
      tpu.vector_store %arg8[%swap3A], %broadcast_in_dim3A_1 {strides = array<i32>} : memref<40976xi32, #tpu.memory_space<vmem>>, vector<16xi32>,
      %scan3A_73 = arith.constant 0 : i32
      scf.yield %scan3A_73 : i32
    }
    %scan3A_7 = arith.constant 2561 : i32
    %get3A = arith.constant 0 : index
    %get3A_8 = tpu.vector_load %arg8[%get3A] {strides = array<i32>} : memref<40976xi32, #tpu.memory_space<vmem>>, vector<16xi32>,
    %slice3A = vector.extract_strided_slice %get3A_8 {offsets = [0], sizes = [1], strides = [1]} : vector<16xi32> to vector<1xi32>
    %squeeze3A = vector.extract %slice3A[0] : i32 from vector<1xi32>
    %dma_start3A = arith.constant 0 : i32
    %dma_start3A_9 = tpu.memref_slice %arg6[%dma_start3A] : memref<8000xi32, #tpu.memory_space<vmem>> -> memref<4000xi32, #tpu.memory_space<vmem>>
    %dma_start3A_10 = arith.constant 0 : i32
    %dma_start3A_11 = tpu.memref_slice %arg3[%dma_start3A_10] : memref<800000xi32, #tpu.memory_space<hbm>> -> memref<4000xi32, #tpu.memory_space<hbm>>
    %dma_start3A_12 = arith.constant 0 : i32
    %dma_start3A_13 = tpu.memref_slice %arg6[%dma_start3A_12] : memref<8000xi32, #tpu.memory_space<vmem>> -> memref<4000xi32, #tpu.memory_space<vmem>>
    %dma_start3A_14 = arith.constant 0 : i32
    %dma_start3A_15 = tpu.memref_slice %arg3[%dma_start3A_14] : memref<800000xi32, #tpu.memory_space<hbm>> -> memref<4000xi32, #tpu.memory_space<hbm>>
    tpu.enqueue_dma source(%dma_start3A_15 : memref<4000xi32, #tpu.memory_space<hbm>>) target(%dma_start3A_13 : memref<4000xi32, #tpu.memory_space<vmem>>) target_semaphore(%arg11 : memref<!tpu.dma_semaphore, #tpu.memory_space<semaphore_mem>>)
    %dma_start3A_16 = arith.constant 0 : i32
    %dma_start3A_17 = tpu.memref_slice %arg7[%dma_start3A_16] : memref<8000xi32, #tpu.memory_space<vmem>> -> memref<4000xi32, #tpu.memory_space<vmem>>
    %dma_start3A_18 = arith.constant 0 : i32
    %dma_start3A_19 = tpu.memref_slice %arg2[%dma_start3A_18] : memref<800000xi32, #tpu.memory_space<hbm>> -> memref<4000xi32, #tpu.memory_space<hbm>>
    %dma_start3A_20 = arith.constant 0 : i32
    %dma_start3A_21 = tpu.memref_slice %arg7[%dma_start3A_20] : memref<8000xi32, #tpu.memory_space<vmem>> -> memref<4000xi32, #tpu.memory_space<vmem>>
    %dma_start3A_22 = arith.constant 0 : i32
    %dma_start3A_23 = tpu.memref_slice %arg2[%dma_start3A_22] : memref<800000xi32, #tpu.memory_space<hbm>> -> memref<4000xi32, #tpu.memory_space<hbm>>
    tpu.enqueue_dma source(%dma_start3A_23 : memref<4000xi32, #tpu.memory_space<hbm>>) target(%dma_start3A_21 : memref<4000xi32, #tpu.memory_space<vmem>>) target_semaphore(%arg12 : memref<!tpu.dma_semaphore, #tpu.memory_space<semaphore_mem>>)
    %add3A_24 = arith.constant 200 : i32
    %add3A_25 = arith.addi %add3A_24, %squeeze3A : i32
    %while3A = arith.constant 0 : i32
    %while3A_26 = arith.subi %add3A_25, %while3A : i32
    %while3A_27 = arith.addi %while3A, %while3A_26 : i32
    %while3A_28 = arith.constant 1 : i32
    %while3A_29 = arith.divsi %while3A_26, %while3A_28 : i32
    %while3A_30 = arith.muli %while3A_29, %while3A_28 : i32
    %while3A_31 = arith.addi %while3A, %while3A_30 : i32
    %while3A_32 = arith.constant 1 : i32
    %while3A_33:5 = scf.for %while3A_68 = %while3A to %while3A_31 step %while3A_32 iter_args(%while3A_69 = %broadcast_in_dim3A_1, %while3A_70 = %broadcast_in_dim3A_1, %while3A_71 = %broadcast_in_dim3A_1, %while3A_72 = %broadcast_in_dim3A_1, %while3A_73 = %broadcast_in_dim3A_1) -> (vector<16xi32>, vector<16xi32>, vector<16xi32>, vector<16xi32>, vector<16xi32>)  : i32 {
      %rem3A = arith.constant 2 : i32
      %rem3A_74 = arith.remsi %while3A_68, %rem3A : i32
      %add3A_75 = arith.constant 1 : i32
      %add3A_76 = arith.addi %while3A_68, %add3A_75 : i32
      %lt3A_77 = arith.constant 200 : i32
      %lt3A_78 = arith.cmpi slt, %add3A_76, %lt3A_77 : i32
      %convert_element_type3A_79 = arith.extui %lt3A_78 : i1 to i32
      %cond3A_80 = arith.constant 0 : i32
      %cond3A_81 = arith.cmpi ne, %convert_element_type3A_79, %cond3A_80 : i32
      scf.if %cond3A_81 {
        %add3A_105 = arith.constant 1 : i32
        %add3A_106 = arith.addi %while3A_68, %add3A_105 : i32
        %add3A_107 = arith.constant 1 : i32
        %add3A_108 = arith.addi %while3A_68, %add3A_107 : i32
        %rem3A_109 = arith.constant 2 : i32
        %rem3A_110 = arith.remsi %add3A_108, %rem3A_109 : i32
        %eq3A_111 = arith.constant 0 : i32
        %eq3A_112 = arith.cmpi eq, %rem3A_110, %eq3A_111 : i32
        %convert_element_type3A_113 = arith.extui %eq3A_112 : i1 to i32
        %cond3A_114 = arith.constant 0 : i32
        %cond3A_115 = arith.cmpi ne, %convert_element_type3A_113, %cond3A_114 : i32
        scf.if %cond3A_115 {
          %mul3A_121 = arith.constant 4000 : i32
          %mul3A_122 = arith.muli %add3A_106, %mul3A_121 : i32
          %dma_start3A_123 = arith.constant 0 : i32
          %dma_start3A_124 = tpu.memref_slice %arg6[%dma_start3A_123] : memref<8000xi32, #tpu.memory_space<vmem>> -> memref<4000xi32, #tpu.memory_space<vmem>>
          %dma_start3A_125 = tpu.memref_slice %arg3[%mul3A_122] : memref<800000xi32, #tpu.memory_space<hbm>> -> memref<4000xi32, #tpu.memory_space<hbm>>
          %dma_start3A_126 = arith.constant 0 : i32
          %dma_start3A_127 = tpu.memref_slice %arg6[%dma_start3A_126] : memref<8000xi32, #tpu.memory_space<vmem>> -> memref<4000xi32, #tpu.memory_space<vmem>>
          %dma_start3A_128 = tpu.memref_slice %arg3[%mul3A_122] : memref<800000xi32, #tpu.memory_space<hbm>> -> memref<4000xi32, #tpu.memory_space<hbm>>
          tpu.enqueue_dma source(%dma_start3A_128 : memref<4000xi32, #tpu.memory_space<hbm>>) target(%dma_start3A_127 : memref<4000xi32, #tpu.memory_space<vmem>>) target_semaphore(%arg11 : memref<!tpu.dma_semaphore, #tpu.memory_space<semaphore_mem>>)
          %mul3A_129 = arith.constant 4000 : i32
          %mul3A_130 = arith.muli %add3A_106, %mul3A_129 : i32
          %dma_start3A_131 = arith.constant 0 : i32
          %dma_start3A_132 = tpu.memref_slice %arg7[%dma_start3A_131] : memref<8000xi32, #tpu.memory_space<vmem>> -> memref<4000xi32, #tpu.memory_space<vmem>>
          %dma_start3A_133 = tpu.memref_slice %arg2[%mul3A_130] : memref<800000xi32, #tpu.memory_space<hbm>> -> memref<4000xi32, #tpu.memory_space<hbm>>
          %dma_start3A_134 = arith.constant 0 : i32
          %dma_start3A_135 = tpu.memref_slice %arg7[%dma_start3A_134] : memref<8000xi32, #tpu.memory_space<vmem>> -> memref<4000xi32, #tpu.memory_space<vmem>>
          %dma_start3A_136 = tpu.memref_slice %arg2[%mul3A_130] : memref<800000xi32, #tpu.memory_space<hbm>> -> memref<4000xi32, #tpu.memory_space<hbm>>
          tpu.enqueue_dma source(%dma_start3A_136 : memref<4000xi32, #tpu.memory_space<hbm>>) target(%dma_start3A_135 : memref<4000xi32, #tpu.memory_space<vmem>>) target_semaphore(%arg12 : memref<!tpu.dma_semaphore, #tpu.memory_space<semaphore_mem>>)
        } else {
        }
        %ne3A_116 = arith.constant 0 : i32
        %ne3A_117 = arith.cmpi ne, %rem3A_110, %ne3A_116 : i32
        %convert_element_type3A_118 = arith.extui %ne3A_117 : i1 to i32
        %cond3A_119 = arith.constant 0 : i32
        %cond3A_120 = arith.cmpi ne, %convert_element_type3A_118, %cond3A_119 : i32
        scf.if %cond3A_120 {
          %mul3A_121 = arith.constant 4000 : i32
          %mul3A_122 = arith.muli %add3A_106, %mul3A_121 : i32
          %dma_start3A_123 = arith.constant 4000 : i32
          %dma_start3A_124 = tpu.memref_slice %arg6[%dma_start3A_123] : memref<8000xi32, #tpu.memory_space<vmem>> -> memref<4000xi32, #tpu.memory_space<vmem>>
          %dma_start3A_125 = tpu.memref_slice %arg3[%mul3A_122] : memref<800000xi32, #tpu.memory_space<hbm>> -> memref<4000xi32, #tpu.memory_space<hbm>>
          %dma_start3A_126 = arith.constant 4000 : i32
          %dma_start3A_127 = tpu.memref_slice %arg6[%dma_start3A_126] : memref<8000xi32, #tpu.memory_space<vmem>> -> memref<4000xi32, #tpu.memory_space<vmem>>
          %dma_start3A_128 = tpu.memref_slice %arg3[%mul3A_122] : memref<800000xi32, #tpu.memory_space<hbm>> -> memref<4000xi32, #tpu.memory_space<hbm>>
          tpu.enqueue_dma source(%dma_start3A_128 : memref<4000xi32, #tpu.memory_space<hbm>>) target(%dma_start3A_127 : memref<4000xi32, #tpu.memory_space<vmem>>) target_semaphore(%arg11 : memref<!tpu.dma_semaphore, #tpu.memory_space<semaphore_mem>>)
          %mul3A_129 = arith.constant 4000 : i32
          %mul3A_130 = arith.muli %add3A_106, %mul3A_129 : i32
          %dma_start3A_131 = arith.constant 4000 : i32
          %dma_start3A_132 = tpu.memref_slice %arg7[%dma_start3A_131] : memref<8000xi32, #tpu.memory_space<vmem>> -> memref<4000xi32, #tpu.memory_space<vmem>>
          %dma_start3A_133 = tpu.memref_slice %arg2[%mul3A_130] : memref<800000xi32, #tpu.memory_space<hbm>> -> memref<4000xi32, #tpu.memory_space<hbm>>
          %dma_start3A_134 = arith.constant 4000 : i32
          %dma_start3A_135 = tpu.memref_slice %arg7[%dma_start3A_134] : memref<8000xi32, #tpu.memory_space<vmem>> -> memref<4000xi32, #tpu.memory_space<vmem>>
          %dma_start3A_136 = tpu.memref_slice %arg2[%mul3A_130] : memref<800000xi32, #tpu.memory_space<hbm>> -> memref<4000xi32, #tpu.memory_space<hbm>>
          tpu.enqueue_dma source(%dma_start3A_136 : memref<4000xi32, #tpu.memory_space<hbm>>) target(%dma_start3A_135 : memref<4000xi32, #tpu.memory_space<vmem>>) target_semaphore(%arg12 : memref<!tpu.dma_semaphore, #tpu.memory_space<semaphore_mem>>)
        } else {
        }
      } else {
      }
      %eq3A = arith.constant 0 : i32
      %eq3A_82 = arith.cmpi eq, %rem3A_74, %eq3A : i32
      %convert_element_type3A_83 = arith.extui %eq3A_82 : i1 to i32
      %cond3A_84 = arith.constant 0 : i32
      %cond3A_85 = arith.cmpi ne, %convert_element_type3A_83, %cond3A_84 : i32
      scf.if %cond3A_85 {
        %dma_wait3A = arith.constant 0 : i32
        %dma_wait3A_105 = tpu.memref_slice %arg6[%dma_wait3A] : memref<8000xi32, #tpu.memory_space<vmem>> -> memref<4000xi32, #tpu.memory_space<vmem>>
        %dma_wait3A_106 = arith.constant 0 : i32
        %dma_wait3A_107 = tpu.memref_slice %arg3[%dma_wait3A_106] : memref<800000xi32, #tpu.memory_space<hbm>> -> memref<4000xi32, #tpu.memory_space<hbm>>
        %dma_wait3A_108 = arith.constant 0 : i32
        %dma_wait3A_109 = tpu.memref_slice %arg6[%dma_wait3A_108] : memref<8000xi32, #tpu.memory_space<vmem>> -> memref<4000xi32, #tpu.memory_space<vmem>>
        %dma_wait3A_110 = arith.constant 0 : i32
        %dma_wait3A_111 = tpu.memref_slice %arg3[%dma_wait3A_110] : memref<800000xi32, #tpu.memory_space<hbm>> -> memref<4000xi32, #tpu.memory_space<hbm>>
        tpu.wait_dma2 semaphore(%arg11 : memref<!tpu.dma_semaphore, #tpu.memory_space<semaphore_mem>>) src(%dma_wait3A_111 : memref<4000xi32, #tpu.memory_space<hbm>>) dst(%dma_wait3A_109 : memref<4000xi32, #tpu.memory_space<vmem>>)
        %dma_wait3A_112 = arith.constant 0 : i32
        %dma_wait3A_113 = tpu.memref_slice %arg7[%dma_wait3A_112] : memref<8000xi32, #tpu.memory_space<vmem>> -> memref<4000xi32, #tpu.memory_space<vmem>>
        %dma_wait3A_114 = arith.constant 0 : i32
        %dma_wait3A_115 = tpu.memref_slice %arg2[%dma_wait3A_114] : memref<800000xi32, #tpu.memory_space<hbm>> -> memref<4000xi32, #tpu.memory_space<hbm>>
        %dma_wait3A_116 = arith.constant 0 : i32
        %dma_wait3A_117 = tpu.memref_slice %arg7[%dma_wait3A_116] : memref<8000xi32, #tpu.memory_space<vmem>> -> memref<4000xi32, #tpu.memory_space<vmem>>
        %dma_wait3A_118 = arith.constant 0 : i32
        %dma_wait3A_119 = tpu.memref_slice %arg2[%dma_wait3A_118] : memref<800000xi32, #tpu.memory_space<hbm>> -> memref<4000xi32, #tpu.memory_space<hbm>>
        tpu.wait_dma2 semaphore(%arg12 : memref<!tpu.dma_semaphore, #tpu.memory_space<semaphore_mem>>) src(%dma_wait3A_119 : memref<4000xi32, #tpu.memory_space<hbm>>) dst(%dma_wait3A_117 : memref<4000xi32, #tpu.memory_space<vmem>>)
      } else {
      }
      %ne3A = arith.constant 0 : i32
      %ne3A_86 = arith.cmpi ne, %rem3A_74, %ne3A : i32
      %convert_element_type3A_87 = arith.extui %ne3A_86 : i1 to i32
      %cond3A_88 = arith.constant 0 : i32
      %cond3A_89 = arith.cmpi ne, %convert_element_type3A_87, %cond3A_88 : i32
      scf.if %cond3A_89 {
        %dma_wait3A = arith.constant 4000 : i32
        %dma_wait3A_105 = tpu.memref_slice %arg6[%dma_wait3A] : memref<8000xi32, #tpu.memory_space<vmem>> -> memref<4000xi32, #tpu.memory_space<vmem>>
        %dma_wait3A_106 = arith.constant 0 : i32
        %dma_wait3A_107 = tpu.memref_slice %arg3[%dma_wait3A_106] : memref<800000xi32, #tpu.memory_space<hbm>> -> memref<4000xi32, #tpu.memory_space<hbm>>
        %dma_wait3A_108 = arith.constant 4000 : i32
        %dma_wait3A_109 = tpu.memref_slice %arg6[%dma_wait3A_108] : memref<8000xi32, #tpu.memory_space<vmem>> -> memref<4000xi32, #tpu.memory_space<vmem>>
        %dma_wait3A_110 = arith.constant 0 : i32
        %dma_wait3A_111 = tpu.memref_slice %arg3[%dma_wait3A_110] : memref<800000xi32, #tpu.memory_space<hbm>> -> memref<4000xi32, #tpu.memory_space<hbm>>
        tpu.wait_dma2 semaphore(%arg11 : memref<!tpu.dma_semaphore, #tpu.memory_space<semaphore_mem>>) src(%dma_wait3A_111 : memref<4000xi32, #tpu.memory_space<hbm>>) dst(%dma_wait3A_109 : memref<4000xi32, #tpu.memory_space<vmem>>)
        %dma_wait3A_112 = arith.constant 4000 : i32
        %dma_wait3A_113 = tpu.memref_slice %arg7[%dma_wait3A_112] : memref<8000xi32, #tpu.memory_space<vmem>> -> memref<4000xi32, #tpu.memory_space<vmem>>
        %dma_wait3A_114 = arith.constant 0 : i32
        %dma_wait3A_115 = tpu.memref_slice %arg2[%dma_wait3A_114] : memref<800000xi32, #tpu.memory_space<hbm>> -> memref<4000xi32, #tpu.memory_space<hbm>>
        %dma_wait3A_116 = arith.constant 4000 : i32
        %dma_wait3A_117 = tpu.memref_slice %arg7[%dma_wait3A_116] : memref<8000xi32, #tpu.memory_space<vmem>> -> memref<4000xi32, #tpu.memory_space<vmem>>
        %dma_wait3A_118 = arith.constant 0 : i32
        %dma_wait3A_119 = tpu.memref_slice %arg2[%dma_wait3A_118] : memref<800000xi32, #tpu.memory_space<hbm>> -> memref<4000xi32, #tpu.memory_space<hbm>>
        tpu.wait_dma2 semaphore(%arg12 : memref<!tpu.dma_semaphore, #tpu.memory_space<semaphore_mem>>) src(%dma_wait3A_119 : memref<4000xi32, #tpu.memory_space<hbm>>) dst(%dma_wait3A_117 : memref<4000xi32, #tpu.memory_space<vmem>>)
      } else {
      }
      %mul3A_90 = arith.constant 4000 : i32
      %mul3A_91 = arith.muli %rem3A_74, %mul3A_90 : i32
      %add3A_92 = arith.constant 250 : i32
      %add3A_93 = arith.addi %add3A_92, %squeeze3A : i32
      %while3A_94 = arith.constant 0 : i32
      %while3A_95 = arith.subi %add3A_93, %while3A_94 : i32
      %while3A_96 = arith.addi %while3A_94, %while3A_95 : i32
      %while3A_97 = arith.constant 1 : i32
      %while3A_98 = arith.divsi %while3A_95, %while3A_97 : i32
      %while3A_99 = arith.muli %while3A_98, %while3A_97 : i32
      %while3A_100 = arith.addi %while3A_94, %while3A_99 : i32
      %while3A_101 = arith.constant 1 : i32
      %while3A_102:5 = scf.for %while3A_105 = %while3A_94 to %while3A_100 step %while3A_101 iter_args(%while3A_106 = %while3A_69, %while3A_107 = %while3A_70, %while3A_108 = %while3A_71, %while3A_109 = %while3A_72, %while3A_110 = %while3A_73) -> (vector<16xi32>, vector<16xi32>, vector<16xi32>, vector<16xi32>, vector<16xi32>)  : i32 {
        %mul3A_111 = arith.constant 16 : i32
        %mul3A_112 = arith.muli %while3A_105, %mul3A_111 : i32
        %add3A_113 = arith.addi %mul3A_91, %mul3A_112 : i32
        %get3A_114 = arith.index_cast %add3A_113 : i32 to index
        %get3A_115 = tpu.vector_load %arg6[%get3A_114] {strides = array<i32>} : memref<8000xi32, #tpu.memory_space<vmem>>, vector<16xi32>,
        %mul3A_116 = arith.constant 16 : i32
        %mul3A_117 = arith.muli %while3A_105, %mul3A_116 : i32
        %add3A_118 = arith.addi %mul3A_91, %mul3A_117 : i32
        %get3A_119 = arith.index_cast %add3A_118 : i32 to index
        %get3A_120 = tpu.vector_load %arg7[%get3A_119] {strides = array<i32>} : memref<8000xi32, #tpu.memory_space<vmem>>, vector<16xi32>,
        %shift_right_arithmetic3A = arith.constant 6 : i32
        %shift_right_arithmetic3A_121 = vector.broadcast %shift_right_arithmetic3A : i32 to vector<16xi32>
        %shift_right_arithmetic3A_122 = arith.shrsi %get3A_115, %shift_right_arithmetic3A_121 : vector<16xi32>
        %mul3A_123 = arith.constant 52429 : i32
        %mul3A_124 = vector.broadcast %mul3A_123 : i32 to vector<16xi32>
        %mul3A_125 = arith.muli %shift_right_arithmetic3A_122, %mul3A_124 : vector<16xi32>
        %shift_right_arithmetic3A_126 = arith.constant 18 : i32
        %shift_right_arithmetic3A_127 = vector.broadcast %shift_right_arithmetic3A_126 : i32 to vector<16xi32>
        %shift_right_arithmetic3A_128 = arith.shrsi %mul3A_125, %shift_right_arithmetic3A_127 : vector<16xi32>
        %and3A = arith.constant 31 : i32
        %and3A_129 = vector.broadcast %and3A : i32 to vector<16xi32>
        %and3A_130 = arith.andi %shift_right_arithmetic3A_128, %and3A_129 : vector<16xi32>
        %eq3A_131 = vector.broadcast %add3A : i32 to vector<16xi32>
        %eq3A_132 = arith.cmpi eq, %and3A_130, %eq3A_131 : vector<16xi32>
        %shift_right_arithmetic3A_133 = arith.constant 5 : i32
        %shift_right_arithmetic3A_134 = vector.broadcast %shift_right_arithmetic3A_133 : i32 to vector<16xi32>
        %shift_right_arithmetic3A_135 = arith.shrsi %shift_right_arithmetic3A_128, %shift_right_arithmetic3A_134 : vector<16xi32>
        %mul3A_136 = arith.constant 320 : i32
        %mul3A_137 = vector.broadcast %mul3A_136 : i32 to vector<16xi32>
        %mul3A_138 = arith.muli %shift_right_arithmetic3A_128, %mul3A_137 : vector<16xi32>
        %sub3A = arith.subi %get3A_115, %mul3A_138 : vector<16xi32>
        %shift_left3A = arith.constant 16 : i32
        %shift_left3A_139 = vector.broadcast %shift_left3A : i32 to vector<16xi32>
        %shift_left3A_140 = arith.shli %sub3A, %shift_left3A_139 : vector<16xi32>
        %or3A = arith.ori %shift_left3A_140, %get3A_120 : vector<16xi32>
        %eq3A_141 = arith.constant 0 : i32
        %eq3A_142 = vector.broadcast %eq3A_141 : i32 to vector<16xi32>
        %eq3A_143 = arith.cmpi eq, %shift_right_arithmetic3A_135, %eq3A_142 : vector<16xi32>
        %eq3A_144 = arith.constant 1 : i32
        %eq3A_145 = vector.broadcast %eq3A_144 : i32 to vector<16xi32>
        %eq3A_146 = arith.cmpi eq, %shift_right_arithmetic3A_135, %eq3A_145 : vector<16xi32>
        %eq3A_147 = arith.constant 2 : i32
        %eq3A_148 = vector.broadcast %eq3A_147 : i32 to vector<16xi32>
        %eq3A_149 = arith.cmpi eq, %shift_right_arithmetic3A_135, %eq3A_148 : vector<16xi32>
        %eq3A_150 = arith.constant 3 : i32
        %eq3A_151 = vector.broadcast %eq3A_150 : i32 to vector<16xi32>
        %eq3A_152 = arith.cmpi eq, %shift_right_arithmetic3A_135, %eq3A_151 : vector<16xi32>
        %select_n3A = arith.select %eq3A_152, %while3A_109, %while3A_110 : vector<16xi1>, vector<16xi32>
        %select_n3A_153 = arith.select %eq3A_149, %while3A_108, %select_n3A : vector<16xi1>, vector<16xi32>
        %select_n3A_154 = arith.select %eq3A_146, %while3A_107, %select_n3A_153 : vector<16xi1>, vector<16xi32>
        %select_n3A_155 = arith.select %eq3A_143, %while3A_106, %select_n3A_154 : vector<16xi1>, vector<16xi32>
        %mul3A_156 = arith.constant 8192 : i32
        %mul3A_157 = vector.broadcast %mul3A_156 : i32 to vector<16xi32>
        %mul3A_158 = arith.muli %shift_right_arithmetic3A_135, %mul3A_157 : vector<16xi32>
        %mul3A_159 = arith.constant 16 : i32
        %mul3A_160 = vector.broadcast %mul3A_159 : i32 to vector<16xi32>
        %mul3A_161 = arith.muli %select_n3A_155, %mul3A_160 : vector<16xi32>
        %add3A_162 = arith.addi %mul3A_158, %mul3A_161 : vector<16xi32>
        %add3A_163 = arith.addi %add3A_162, %iota3A : vector<16xi32>
        %add3A_164 = arith.constant 40960 : i32
        %add3A_165 = vector.broadcast %add3A_164 : i32 to vector<16xi32>
        %add3A_166 = arith.addi %add3A_165, %iota3A : vector<16xi32>
        %select_n3A_167 = arith.select %eq3A_132, %add3A_163, %add3A_166 : vector<16xi1>, vector<16xi32>
        tpu.vector_store_idx %arg8[%select_n3A_167], %or3A : memref<40976xi32, #tpu.memory_space<vmem>>[vector<16xi32>], vector<16xi32>,
        %eq3A_168 = arith.constant 0 : i32
        %eq3A_169 = vector.broadcast %eq3A_168 : i32 to vector<16xi32>
        %eq3A_170 = arith.cmpi eq, %shift_right_arithmetic3A_135, %eq3A_169 : vector<16xi32>
        %and3A_171 = arith.andi %eq3A_132, %eq3A_170 : vector<16xi1>
        %convert_element_type3A_172 = arith.extui %and3A_171 : vector<16xi1> to vector<16xi32>
        %add3A_173 = arith.addi %while3A_106, %convert_element_type3A_172 : vector<16xi32>
        %min3A = arith.constant 511 : i32
        %min3A_174 = vector.broadcast %min3A : i32 to vector<16xi32>
        %min3A_175 = arith.minsi %add3A_173, %min3A_174 : vector<16xi32>
        %eq3A_176 = arith.constant 1 : i32
        %eq3A_177 = vector.broadcast %eq3A_176 : i32 to vector<16xi32>
        %eq3A_178 = arith.cmpi eq, %shift_right_arithmetic3A_135, %eq3A_177 : vector<16xi32>
        %and3A_179 = arith.andi %eq3A_132, %eq3A_178 : vector<16xi1>
        %convert_element_type3A_180 = arith.extui %and3A_179 : vector<16xi1> to vector<16xi32>
        %add3A_181 = arith.addi %while3A_107, %convert_element_type3A_180 : vector<16xi32>
        %min3A_182 = arith.constant 511 : i32
        %min3A_183 = vector.broadcast %min3A_182 : i32 to vector<16xi32>
        %min3A_184 = arith.minsi %add3A_181, %min3A_183 : vector<16xi32>
        %eq3A_185 = arith.constant 2 : i32
        %eq3A_186 = vector.broadcast %eq3A_185 : i32 to vector<16xi32>
        %eq3A_187 = arith.cmpi eq, %shift_right_arithmetic3A_135, %eq3A_186 : vector<16xi32>
        %and3A_188 = arith.andi %eq3A_132, %eq3A_187 : vector<16xi1>
        %convert_element_type3A_189 = arith.extui %and3A_188 : vector<16xi1> to vector<16xi32>
        %add3A_190 = arith.addi %while3A_108, %convert_element_type3A_189 : vector<16xi32>
        %min3A_191 = arith.constant 511 : i32
        %min3A_192 = vector.broadcast %min3A_191 : i32 to vector<16xi32>
        %min3A_193 = arith.minsi %add3A_190, %min3A_192 : vector<16xi32>
        %eq3A_194 = arith.constant 3 : i32
        %eq3A_195 = vector.broadcast %eq3A_194 : i32 to vector<16xi32>
        %eq3A_196 = arith.cmpi eq, %shift_right_arithmetic3A_135, %eq3A_195 : vector<16xi32>
        %and3A_197 = arith.andi %eq3A_132, %eq3A_196 : vector<16xi1>
        %convert_element_type3A_198 = arith.extui %and3A_197 : vector<16xi1> to vector<16xi32>
        %add3A_199 = arith.addi %while3A_109, %convert_element_type3A_198 : vector<16xi32>
        %min3A_200 = arith.constant 511 : i32
        %min3A_201 = vector.broadcast %min3A_200 : i32 to vector<16xi32>
        %min3A_202 = arith.minsi %add3A_199, %min3A_201 : vector<16xi32>
        %eq3A_203 = arith.constant 4 : i32
        %eq3A_204 = vector.broadcast %eq3A_203 : i32 to vector<16xi32>
        %eq3A_205 = arith.cmpi eq, %shift_right_arithmetic3A_135, %eq3A_204 : vector<16xi32>
        %and3A_206 = arith.andi %eq3A_132, %eq3A_205 : vector<16xi1>
        %convert_element_type3A_207 = arith.extui %and3A_206 : vector<16xi1> to vector<16xi32>
        %add3A_208 = arith.addi %while3A_110, %convert_element_type3A_207 : vector<16xi32>
        %min3A_209 = arith.constant 511 : i32
        %min3A_210 = vector.broadcast %min3A_209 : i32 to vector<16xi32>
        %min3A_211 = arith.minsi %add3A_208, %min3A_210 : vector<16xi32>
        scf.yield %min3A_175, %min3A_184, %min3A_193, %min3A_202, %min3A_211 : vector<16xi32>, vector<16xi32>, vector<16xi32>, vector<16xi32>, vector<16xi32>
      }
      %while3A_103 = arith.constant 1 : i32
      %while3A_104:5 = scf.for %while3A_105 = %while3A_100 to %while3A_96 step %while3A_103 iter_args(%while3A_106 = %while3A_102#0, %while3A_107 = %while3A_102#1, %while3A_108 = %while3A_102#2, %while3A_109 = %while3A_102#3, %while3A_110 = %while3A_102#4) -> (vector<16xi32>, vector<16xi32>, vector<16xi32>, vector<16xi32>, vector<16xi32>)  : i32 {
        %mul3A_111 = arith.constant 16 : i32
        %mul3A_112 = arith.muli %while3A_105, %mul3A_111 : i32
        %add3A_113 = arith.addi %mul3A_91, %mul3A_112 : i32
        %get3A_114 = arith.index_cast %add3A_113 : i32 to index
        %get3A_115 = tpu.vector_load %arg6[%get3A_114] {strides = array<i32>} : memref<8000xi32, #tpu.memory_space<vmem>>, vector<16xi32>,
        %mul3A_116 = arith.constant 16 : i32
        %mul3A_117 = arith.muli %while3A_105, %mul3A_116 : i32
        %add3A_118 = arith.addi %mul3A_91, %mul3A_117 : i32
        %get3A_119 = arith.index_cast %add3A_118 : i32 to index
        %get3A_120 = tpu.vector_load %arg7[%get3A_119] {strides = array<i32>} : memref<8000xi32, #tpu.memory_space<vmem>>, vector<16xi32>,
        %shift_right_arithmetic3A = arith.constant 6 : i32
        %shift_right_arithmetic3A_121 = vector.broadcast %shift_right_arithmetic3A : i32 to vector<16xi32>
        %shift_right_arithmetic3A_122 = arith.shrsi %get3A_115, %shift_right_arithmetic3A_121 : vector<16xi32>
        %mul3A_123 = arith.constant 52429 : i32
        %mul3A_124 = vector.broadcast %mul3A_123 : i32 to vector<16xi32>
        %mul3A_125 = arith.muli %shift_right_arithmetic3A_122, %mul3A_124 : vector<16xi32>
        %shift_right_arithmetic3A_126 = arith.constant 18 : i32
        %shift_right_arithmetic3A_127 = vector.broadcast %shift_right_arithmetic3A_126 : i32 to vector<16xi32>
        %shift_right_arithmetic3A_128 = arith.shrsi %mul3A_125, %shift_right_arithmetic3A_127 : vector<16xi32>
        %and3A = arith.constant 31 : i32
        %and3A_129 = vector.broadcast %and3A : i32 to vector<16xi32>
        %and3A_130 = arith.andi %shift_right_arithmetic3A_128, %and3A_129 : vector<16xi32>
        %eq3A_131 = vector.broadcast %add3A : i32 to vector<16xi32>
        %eq3A_132 = arith.cmpi eq, %and3A_130, %eq3A_131 : vector<16xi32>
        %shift_right_arithmetic3A_133 = arith.constant 5 : i32
        %shift_right_arithmetic3A_134 = vector.broadcast %shift_right_arithmetic3A_133 : i32 to vector<16xi32>
        %shift_right_arithmetic3A_135 = arith.shrsi %shift_right_arithmetic3A_128, %shift_right_arithmetic3A_134 : vector<16xi32>
        %mul3A_136 = arith.constant 320 : i32
        %mul3A_137 = vector.broadcast %mul3A_136 : i32 to vector<16xi32>
        %mul3A_138 = arith.muli %shift_right_arithmetic3A_128, %mul3A_137 : vector<16xi32>
        %sub3A = arith.subi %get3A_115, %mul3A_138 : vector<16xi32>
        %shift_left3A = arith.constant 16 : i32
        %shift_left3A_139 = vector.broadcast %shift_left3A : i32 to vector<16xi32>
        %shift_left3A_140 = arith.shli %sub3A, %shift_left3A_139 : vector<16xi32>
        %or3A = arith.ori %shift_left3A_140, %get3A_120 : vector<16xi32>
        %eq3A_141 = arith.constant 0 : i32
        %eq3A_142 = vector.broadcast %eq3A_141 : i32 to vector<16xi32>
        %eq3A_143 = arith.cmpi eq, %shift_right_arithmetic3A_135, %eq3A_142 : vector<16xi32>
        %eq3A_144 = arith.constant 1 : i32
        %eq3A_145 = vector.broadcast %eq3A_144 : i32 to vector<16xi32>
        %eq3A_146 = arith.cmpi eq, %shift_right_arithmetic3A_135, %eq3A_145 : vector<16xi32>
        %eq3A_147 = arith.constant 2 : i32
        %eq3A_148 = vector.broadcast %eq3A_147 : i32 to vector<16xi32>
        %eq3A_149 = arith.cmpi eq, %shift_right_arithmetic3A_135, %eq3A_148 : vector<16xi32>
        %eq3A_150 = arith.constant 3 : i32
        %eq3A_151 = vector.broadcast %eq3A_150 : i32 to vector<16xi32>
        %eq3A_152 = arith.cmpi eq, %shift_right_arithmetic3A_135, %eq3A_151 : vector<16xi32>
        %select_n3A = arith.select %eq3A_152, %while3A_109, %while3A_110 : vector<16xi1>, vector<16xi32>
        %select_n3A_153 = arith.select %eq3A_149, %while3A_108, %select_n3A : vector<16xi1>, vector<16xi32>
        %select_n3A_154 = arith.select %eq3A_146, %while3A_107, %select_n3A_153 : vector<16xi1>, vector<16xi32>
        %select_n3A_155 = arith.select %eq3A_143, %while3A_106, %select_n3A_154 : vector<16xi1>, vector<16xi32>
        %mul3A_156 = arith.constant 8192 : i32
        %mul3A_157 = vector.broadcast %mul3A_156 : i32 to vector<16xi32>
        %mul3A_158 = arith.muli %shift_right_arithmetic3A_135, %mul3A_157 : vector<16xi32>
        %mul3A_159 = arith.constant 16 : i32
        %mul3A_160 = vector.broadcast %mul3A_159 : i32 to vector<16xi32>
        %mul3A_161 = arith.muli %select_n3A_155, %mul3A_160 : vector<16xi32>
        %add3A_162 = arith.addi %mul3A_158, %mul3A_161 : vector<16xi32>
        %add3A_163 = arith.addi %add3A_162, %iota3A : vector<16xi32>
        %add3A_164 = arith.constant 40960 : i32
        %add3A_165 = vector.broadcast %add3A_164 : i32 to vector<16xi32>
        %add3A_166 = arith.addi %add3A_165, %iota3A : vector<16xi32>
        %select_n3A_167 = arith.select %eq3A_132, %add3A_163, %add3A_166 : vector<16xi1>, vector<16xi32>
        tpu.vector_store_idx %arg8[%select_n3A_167], %or3A : memref<40976xi32, #tpu.memory_space<vmem>>[vector<16xi32>], vector<16xi32>,
        %eq3A_168 = arith.constant 0 : i32
        %eq3A_169 = vector.broadcast %eq3A_168 : i32 to vector<16xi32>
        %eq3A_170 = arith.cmpi eq, %shift_right_arithmetic3A_135, %eq3A_169 : vector<16xi32>
        %and3A_171 = arith.andi %eq3A_132, %eq3A_170 : vector<16xi1>
        %convert_element_type3A_172 = arith.extui %and3A_171 : vector<16xi1> to vector<16xi32>
        %add3A_173 = arith.addi %while3A_106, %convert_element_type3A_172 : vector<16xi32>
        %min3A = arith.constant 511 : i32
        %min3A_174 = vector.broadcast %min3A : i32 to vector<16xi32>
        %min3A_175 = arith.minsi %add3A_173, %min3A_174 : vector<16xi32>
        %eq3A_176 = arith.constant 1 : i32
        %eq3A_177 = vector.broadcast %eq3A_176 : i32 to vector<16xi32>
        %eq3A_178 = arith.cmpi eq, %shift_right_arithmetic3A_135, %eq3A_177 : vector<16xi32>
        %and3A_179 = arith.andi %eq3A_132, %eq3A_178 : vector<16xi1>
        %convert_element_type3A_180 = arith.extui %and3A_179 : vector<16xi1> to vector<16xi32>
        %add3A_181 = arith.addi %while3A_107, %convert_element_type3A_180 : vector<16xi32>
        %min3A_182 = arith.constant 511 : i32
        %min3A_183 = vector.broadcast %min3A_182 : i32 to vector<16xi32>
        %min3A_184 = arith.minsi %add3A_181, %min3A_183 : vector<16xi32>
        %eq3A_185 = arith.constant 2 : i32
        %eq3A_186 = vector.broadcast %eq3A_185 : i32 to vector<16xi32>
        %eq3A_187 = arith.cmpi eq, %shift_right_arithmetic3A_135, %eq3A_186 : vector<16xi32>
        %and3A_188 = arith.andi %eq3A_132, %eq3A_187 : vector<16xi1>
        %convert_element_type3A_189 = arith.extui %and3A_188 : vector<16xi1> to vector<16xi32>
        %add3A_190 = arith.addi %while3A_108, %convert_element_type3A_189 : vector<16xi32>
        %min3A_191 = arith.constant 511 : i32
        %min3A_192 = vector.broadcast %min3A_191 : i32 to vector<16xi32>
        %min3A_193 = arith.minsi %add3A_190, %min3A_192 : vector<16xi32>
        %eq3A_194 = arith.constant 3 : i32
        %eq3A_195 = vector.broadcast %eq3A_194 : i32 to vector<16xi32>
        %eq3A_196 = arith.cmpi eq, %shift_right_arithmetic3A_135, %eq3A_195 : vector<16xi32>
        %and3A_197 = arith.andi %eq3A_132, %eq3A_196 : vector<16xi1>
        %convert_element_type3A_198 = arith.extui %and3A_197 : vector<16xi1> to vector<16xi32>
        %add3A_199 = arith.addi %while3A_109, %convert_element_type3A_198 : vector<16xi32>
        %min3A_200 = arith.constant 511 : i32
        %min3A_201 = vector.broadcast %min3A_200 : i32 to vector<16xi32>
        %min3A_202 = arith.minsi %add3A_199, %min3A_201 : vector<16xi32>
        %eq3A_203 = arith.constant 4 : i32
        %eq3A_204 = vector.broadcast %eq3A_203 : i32 to vector<16xi32>
        %eq3A_205 = arith.cmpi eq, %shift_right_arithmetic3A_135, %eq3A_204 : vector<16xi32>
        %and3A_206 = arith.andi %eq3A_132, %eq3A_205 : vector<16xi1>
        %convert_element_type3A_207 = arith.extui %and3A_206 : vector<16xi1> to vector<16xi32>
        %add3A_208 = arith.addi %while3A_110, %convert_element_type3A_207 : vector<16xi32>
        %min3A_209 = arith.constant 511 : i32
        %min3A_210 = vector.broadcast %min3A_209 : i32 to vector<16xi32>
        %min3A_211 = arith.minsi %add3A_208, %min3A_210 : vector<16xi32>
        scf.yield %min3A_175, %min3A_184, %min3A_193, %min3A_202, %min3A_211 : vector<16xi32>, vector<16xi32>, vector<16xi32>, vector<16xi32>, vector<16xi32>
      }
      scf.yield %while3A_104#0, %while3A_104#1, %while3A_104#2, %while3A_104#3, %while3A_104#4 : vector<16xi32>, vector<16xi32>, vector<16xi32>, vector<16xi32>, vector<16xi32>
    }
    %while3A_34 = arith.constant 1 : i32
    %while3A_35:5 = scf.for %while3A_68 = %while3A_31 to %while3A_27 step %while3A_34 iter_args(%while3A_69 = %while3A_33#0, %while3A_70 = %while3A_33#1, %while3A_71 = %while3A_33#2, %while3A_72 = %while3A_33#3, %while3A_73 = %while3A_33#4) -> (vector<16xi32>, vector<16xi32>, vector<16xi32>, vector<16xi32>, vector<16xi32>)  : i32 {
      %rem3A = arith.constant 2 : i32
      %rem3A_74 = arith.remsi %while3A_68, %rem3A : i32
      %add3A_75 = arith.constant 1 : i32
      %add3A_76 = arith.addi %while3A_68, %add3A_75 : i32
      %lt3A_77 = arith.constant 200 : i32
      %lt3A_78 = arith.cmpi slt, %add3A_76, %lt3A_77 : i32
      %convert_element_type3A_79 = arith.extui %lt3A_78 : i1 to i32
      %cond3A_80 = arith.constant 0 : i32
      %cond3A_81 = arith.cmpi ne, %convert_element_type3A_79, %cond3A_80 : i32
      scf.if %cond3A_81 {
        %add3A_105 = arith.constant 1 : i32
        %add3A_106 = arith.addi %while3A_68, %add3A_105 : i32
        %add3A_107 = arith.constant 1 : i32
        %add3A_108 = arith.addi %while3A_68, %add3A_107 : i32
        %rem3A_109 = arith.constant 2 : i32
        %rem3A_110 = arith.remsi %add3A_108, %rem3A_109 : i32
        %eq3A_111 = arith.constant 0 : i32
        %eq3A_112 = arith.cmpi eq, %rem3A_110, %eq3A_111 : i32
        %convert_element_type3A_113 = arith.extui %eq3A_112 : i1 to i32
        %cond3A_114 = arith.constant 0 : i32
        %cond3A_115 = arith.cmpi ne, %convert_element_type3A_113, %cond3A_114 : i32
        scf.if %cond3A_115 {
          %mul3A_121 = arith.constant 4000 : i32
          %mul3A_122 = arith.muli %add3A_106, %mul3A_121 : i32
          %dma_start3A_123 = arith.constant 0 : i32
          %dma_start3A_124 = tpu.memref_slice %arg6[%dma_start3A_123] : memref<8000xi32, #tpu.memory_space<vmem>> -> memref<4000xi32, #tpu.memory_space<vmem>>
          %dma_start3A_125 = tpu.memref_slice %arg3[%mul3A_122] : memref<800000xi32, #tpu.memory_space<hbm>> -> memref<4000xi32, #tpu.memory_space<hbm>>
          %dma_start3A_126 = arith.constant 0 : i32
          %dma_start3A_127 = tpu.memref_slice %arg6[%dma_start3A_126] : memref<8000xi32, #tpu.memory_space<vmem>> -> memref<4000xi32, #tpu.memory_space<vmem>>
          %dma_start3A_128 = tpu.memref_slice %arg3[%mul3A_122] : memref<800000xi32, #tpu.memory_space<hbm>> -> memref<4000xi32, #tpu.memory_space<hbm>>
          tpu.enqueue_dma source(%dma_start3A_128 : memref<4000xi32, #tpu.memory_space<hbm>>) target(%dma_start3A_127 : memref<4000xi32, #tpu.memory_space<vmem>>) target_semaphore(%arg11 : memref<!tpu.dma_semaphore, #tpu.memory_space<semaphore_mem>>)
          %mul3A_129 = arith.constant 4000 : i32
          %mul3A_130 = arith.muli %add3A_106, %mul3A_129 : i32
          %dma_start3A_131 = arith.constant 0 : i32
          %dma_start3A_132 = tpu.memref_slice %arg7[%dma_start3A_131] : memref<8000xi32, #tpu.memory_space<vmem>> -> memref<4000xi32, #tpu.memory_space<vmem>>
          %dma_start3A_133 = tpu.memref_slice %arg2[%mul3A_130] : memref<800000xi32, #tpu.memory_space<hbm>> -> memref<4000xi32, #tpu.memory_space<hbm>>
          %dma_start3A_134 = arith.constant 0 : i32
          %dma_start3A_135 = tpu.memref_slice %arg7[%dma_start3A_134] : memref<8000xi32, #tpu.memory_space<vmem>> -> memref<4000xi32, #tpu.memory_space<vmem>>
          %dma_start3A_136 = tpu.memref_slice %arg2[%mul3A_130] : memref<800000xi32, #tpu.memory_space<hbm>> -> memref<4000xi32, #tpu.memory_space<hbm>>
          tpu.enqueue_dma source(%dma_start3A_136 : memref<4000xi32, #tpu.memory_space<hbm>>) target(%dma_start3A_135 : memref<4000xi32, #tpu.memory_space<vmem>>) target_semaphore(%arg12 : memref<!tpu.dma_semaphore, #tpu.memory_space<semaphore_mem>>)
        } else {
        }
        %ne3A_116 = arith.constant 0 : i32
        %ne3A_117 = arith.cmpi ne, %rem3A_110, %ne3A_116 : i32
        %convert_element_type3A_118 = arith.extui %ne3A_117 : i1 to i32
        %cond3A_119 = arith.constant 0 : i32
        %cond3A_120 = arith.cmpi ne, %convert_element_type3A_118, %cond3A_119 : i32
        scf.if %cond3A_120 {
          %mul3A_121 = arith.constant 4000 : i32
          %mul3A_122 = arith.muli %add3A_106, %mul3A_121 : i32
          %dma_start3A_123 = arith.constant 4000 : i32
          %dma_start3A_124 = tpu.memref_slice %arg6[%dma_start3A_123] : memref<8000xi32, #tpu.memory_space<vmem>> -> memref<4000xi32, #tpu.memory_space<vmem>>
          %dma_start3A_125 = tpu.memref_slice %arg3[%mul3A_122] : memref<800000xi32, #tpu.memory_space<hbm>> -> memref<4000xi32, #tpu.memory_space<hbm>>
          %dma_start3A_126 = arith.constant 4000 : i32
          %dma_start3A_127 = tpu.memref_slice %arg6[%dma_start3A_126] : memref<8000xi32, #tpu.memory_space<vmem>> -> memref<4000xi32, #tpu.memory_space<vmem>>
          %dma_start3A_128 = tpu.memref_slice %arg3[%mul3A_122] : memref<800000xi32, #tpu.memory_space<hbm>> -> memref<4000xi32, #tpu.memory_space<hbm>>
          tpu.enqueue_dma source(%dma_start3A_128 : memref<4000xi32, #tpu.memory_space<hbm>>) target(%dma_start3A_127 : memref<4000xi32, #tpu.memory_space<vmem>>) target_semaphore(%arg11 : memref<!tpu.dma_semaphore, #tpu.memory_space<semaphore_mem>>)
          %mul3A_129 = arith.constant 4000 : i32
          %mul3A_130 = arith.muli %add3A_106, %mul3A_129 : i32
          %dma_start3A_131 = arith.constant 4000 : i32
          %dma_start3A_132 = tpu.memref_slice %arg7[%dma_start3A_131] : memref<8000xi32, #tpu.memory_space<vmem>> -> memref<4000xi32, #tpu.memory_space<vmem>>
          %dma_start3A_133 = tpu.memref_slice %arg2[%mul3A_130] : memref<800000xi32, #tpu.memory_space<hbm>> -> memref<4000xi32, #tpu.memory_space<hbm>>
          %dma_start3A_134 = arith.constant 4000 : i32
          %dma_start3A_135 = tpu.memref_slice %arg7[%dma_start3A_134] : memref<8000xi32, #tpu.memory_space<vmem>> -> memref<4000xi32, #tpu.memory_space<vmem>>
          %dma_start3A_136 = tpu.memref_slice %arg2[%mul3A_130] : memref<800000xi32, #tpu.memory_space<hbm>> -> memref<4000xi32, #tpu.memory_space<hbm>>
          tpu.enqueue_dma source(%dma_start3A_136 : memref<4000xi32, #tpu.memory_space<hbm>>) target(%dma_start3A_135 : memref<4000xi32, #tpu.memory_space<vmem>>) target_semaphore(%arg12 : memref<!tpu.dma_semaphore, #tpu.memory_space<semaphore_mem>>)
        } else {
        }
      } else {
      }
      %eq3A = arith.constant 0 : i32
      %eq3A_82 = arith.cmpi eq, %rem3A_74, %eq3A : i32
      %convert_element_type3A_83 = arith.extui %eq3A_82 : i1 to i32
      %cond3A_84 = arith.constant 0 : i32
      %cond3A_85 = arith.cmpi ne, %convert_element_type3A_83, %cond3A_84 : i32
      scf.if %cond3A_85 {
        %dma_wait3A = arith.constant 0 : i32
        %dma_wait3A_105 = tpu.memref_slice %arg6[%dma_wait3A] : memref<8000xi32, #tpu.memory_space<vmem>> -> memref<4000xi32, #tpu.memory_space<vmem>>
        %dma_wait3A_106 = arith.constant 0 : i32
        %dma_wait3A_107 = tpu.memref_slice %arg3[%dma_wait3A_106] : memref<800000xi32, #tpu.memory_space<hbm>> -> memref<4000xi32, #tpu.memory_space<hbm>>
        %dma_wait3A_108 = arith.constant 0 : i32
        %dma_wait3A_109 = tpu.memref_slice %arg6[%dma_wait3A_108] : memref<8000xi32, #tpu.memory_space<vmem>> -> memref<4000xi32, #tpu.memory_space<vmem>>
        %dma_wait3A_110 = arith.constant 0 : i32
        %dma_wait3A_111 = tpu.memref_slice %arg3[%dma_wait3A_110] : memref<800000xi32, #tpu.memory_space<hbm>> -> memref<4000xi32, #tpu.memory_space<hbm>>
        tpu.wait_dma2 semaphore(%arg11 : memref<!tpu.dma_semaphore, #tpu.memory_space<semaphore_mem>>) src(%dma_wait3A_111 : memref<4000xi32, #tpu.memory_space<hbm>>) dst(%dma_wait3A_109 : memref<4000xi32, #tpu.memory_space<vmem>>)
        %dma_wait3A_112 = arith.constant 0 : i32
        %dma_wait3A_113 = tpu.memref_slice %arg7[%dma_wait3A_112] : memref<8000xi32, #tpu.memory_space<vmem>> -> memref<4000xi32, #tpu.memory_space<vmem>>
        %dma_wait3A_114 = arith.constant 0 : i32
        %dma_wait3A_115 = tpu.memref_slice %arg2[%dma_wait3A_114] : memref<800000xi32, #tpu.memory_space<hbm>> -> memref<4000xi32, #tpu.memory_space<hbm>>
        %dma_wait3A_116 = arith.constant 0 : i32
        %dma_wait3A_117 = tpu.memref_slice %arg7[%dma_wait3A_116] : memref<8000xi32, #tpu.memory_space<vmem>> -> memref<4000xi32, #tpu.memory_space<vmem>>
        %dma_wait3A_118 = arith.constant 0 : i32
        %dma_wait3A_119 = tpu.memref_slice %arg2[%dma_wait3A_118] : memref<800000xi32, #tpu.memory_space<hbm>> -> memref<4000xi32, #tpu.memory_space<hbm>>
        tpu.wait_dma2 semaphore(%arg12 : memref<!tpu.dma_semaphore, #tpu.memory_space<semaphore_mem>>) src(%dma_wait3A_119 : memref<4000xi32, #tpu.memory_space<hbm>>) dst(%dma_wait3A_117 : memref<4000xi32, #tpu.memory_space<vmem>>)
      } else {
      }
      %ne3A = arith.constant 0 : i32
      %ne3A_86 = arith.cmpi ne, %rem3A_74, %ne3A : i32
      %convert_element_type3A_87 = arith.extui %ne3A_86 : i1 to i32
      %cond3A_88 = arith.constant 0 : i32
      %cond3A_89 = arith.cmpi ne, %convert_element_type3A_87, %cond3A_88 : i32
      scf.if %cond3A_89 {
        %dma_wait3A = arith.constant 4000 : i32
        %dma_wait3A_105 = tpu.memref_slice %arg6[%dma_wait3A] : memref<8000xi32, #tpu.memory_space<vmem>> -> memref<4000xi32, #tpu.memory_space<vmem>>
        %dma_wait3A_106 = arith.constant 0 : i32
        %dma_wait3A_107 = tpu.memref_slice %arg3[%dma_wait3A_106] : memref<800000xi32, #tpu.memory_space<hbm>> -> memref<4000xi32, #tpu.memory_space<hbm>>
        %dma_wait3A_108 = arith.constant 4000 : i32
        %dma_wait3A_109 = tpu.memref_slice %arg6[%dma_wait3A_108] : memref<8000xi32, #tpu.memory_space<vmem>> -> memref<4000xi32, #tpu.memory_space<vmem>>
        %dma_wait3A_110 = arith.constant 0 : i32
        %dma_wait3A_111 = tpu.memref_slice %arg3[%dma_wait3A_110] : memref<800000xi32, #tpu.memory_space<hbm>> -> memref<4000xi32, #tpu.memory_space<hbm>>
        tpu.wait_dma2 semaphore(%arg11 : memref<!tpu.dma_semaphore, #tpu.memory_space<semaphore_mem>>) src(%dma_wait3A_111 : memref<4000xi32, #tpu.memory_space<hbm>>) dst(%dma_wait3A_109 : memref<4000xi32, #tpu.memory_space<vmem>>)
        %dma_wait3A_112 = arith.constant 4000 : i32
        %dma_wait3A_113 = tpu.memref_slice %arg7[%dma_wait3A_112] : memref<8000xi32, #tpu.memory_space<vmem>> -> memref<4000xi32, #tpu.memory_space<vmem>>
        %dma_wait3A_114 = arith.constant 0 : i32
        %dma_wait3A_115 = tpu.memref_slice %arg2[%dma_wait3A_114] : memref<800000xi32, #tpu.memory_space<hbm>> -> memref<4000xi32, #tpu.memory_space<hbm>>
        %dma_wait3A_116 = arith.constant 4000 : i32
        %dma_wait3A_117 = tpu.memref_slice %arg7[%dma_wait3A_116] : memref<8000xi32, #tpu.memory_space<vmem>> -> memref<4000xi32, #tpu.memory_space<vmem>>
        %dma_wait3A_118 = arith.constant 0 : i32
        %dma_wait3A_119 = tpu.memref_slice %arg2[%dma_wait3A_118] : memref<800000xi32, #tpu.memory_space<hbm>> -> memref<4000xi32, #tpu.memory_space<hbm>>
        tpu.wait_dma2 semaphore(%arg12 : memref<!tpu.dma_semaphore, #tpu.memory_space<semaphore_mem>>) src(%dma_wait3A_119 : memref<4000xi32, #tpu.memory_space<hbm>>) dst(%dma_wait3A_117 : memref<4000xi32, #tpu.memory_space<vmem>>)
      } else {
      }
      %mul3A_90 = arith.constant 4000 : i32
      %mul3A_91 = arith.muli %rem3A_74, %mul3A_90 : i32
      %add3A_92 = arith.constant 250 : i32
      %add3A_93 = arith.addi %add3A_92, %squeeze3A : i32
      %while3A_94 = arith.constant 0 : i32
      %while3A_95 = arith.subi %add3A_93, %while3A_94 : i32
      %while3A_96 = arith.addi %while3A_94, %while3A_95 : i32
      %while3A_97 = arith.constant 1 : i32
      %while3A_98 = arith.divsi %while3A_95, %while3A_97 : i32
      %while3A_99 = arith.muli %while3A_98, %while3A_97 : i32
      %while3A_100 = arith.addi %while3A_94, %while3A_99 : i32
      %while3A_101 = arith.constant 1 : i32
      %while3A_102:5 = scf.for %while3A_105 = %while3A_94 to %while3A_100 step %while3A_101 iter_args(%while3A_106 = %while3A_69, %while3A_107 = %while3A_70, %while3A_108 = %while3A_71, %while3A_109 = %while3A_72, %while3A_110 = %while3A_73) -> (vector<16xi32>, vector<16xi32>, vector<16xi32>, vector<16xi32>, vector<16xi32>)  : i32 {
        %mul3A_111 = arith.constant 16 : i32
        %mul3A_112 = arith.muli %while3A_105, %mul3A_111 : i32
        %add3A_113 = arith.addi %mul3A_91, %mul3A_112 : i32
        %get3A_114 = arith.index_cast %add3A_113 : i32 to index
        %get3A_115 = tpu.vector_load %arg6[%get3A_114] {strides = array<i32>} : memref<8000xi32, #tpu.memory_space<vmem>>, vector<16xi32>,
        %mul3A_116 = arith.constant 16 : i32
        %mul3A_117 = arith.muli %while3A_105, %mul3A_116 : i32
        %add3A_118 = arith.addi %mul3A_91, %mul3A_117 : i32
        %get3A_119 = arith.index_cast %add3A_118 : i32 to index
        %get3A_120 = tpu.vector_load %arg7[%get3A_119] {strides = array<i32>} : memref<8000xi32, #tpu.memory_space<vmem>>, vector<16xi32>,
        %shift_right_arithmetic3A = arith.constant 6 : i32
        %shift_right_arithmetic3A_121 = vector.broadcast %shift_right_arithmetic3A : i32 to vector<16xi32>
        %shift_right_arithmetic3A_122 = arith.shrsi %get3A_115, %shift_right_arithmetic3A_121 : vector<16xi32>
        %mul3A_123 = arith.constant 52429 : i32
        %mul3A_124 = vector.broadcast %mul3A_123 : i32 to vector<16xi32>
        %mul3A_125 = arith.muli %shift_right_arithmetic3A_122, %mul3A_124 : vector<16xi32>
        %shift_right_arithmetic3A_126 = arith.constant 18 : i32
        %shift_right_arithmetic3A_127 = vector.broadcast %shift_right_arithmetic3A_126 : i32 to vector<16xi32>
        %shift_right_arithmetic3A_128 = arith.shrsi %mul3A_125, %shift_right_arithmetic3A_127 : vector<16xi32>
        %and3A = arith.constant 31 : i32
        %and3A_129 = vector.broadcast %and3A : i32 to vector<16xi32>
        %and3A_130 = arith.andi %shift_right_arithmetic3A_128, %and3A_129 : vector<16xi32>
        %eq3A_131 = vector.broadcast %add3A : i32 to vector<16xi32>
        %eq3A_132 = arith.cmpi eq, %and3A_130, %eq3A_131 : vector<16xi32>
        %shift_right_arithmetic3A_133 = arith.constant 5 : i32
        %shift_right_arithmetic3A_134 = vector.broadcast %shift_right_arithmetic3A_133 : i32 to vector<16xi32>
        %shift_right_arithmetic3A_135 = arith.shrsi %shift_right_arithmetic3A_128, %shift_right_arithmetic3A_134 : vector<16xi32>
        %mul3A_136 = arith.constant 320 : i32
        %mul3A_137 = vector.broadcast %mul3A_136 : i32 to vector<16xi32>
        %mul3A_138 = arith.muli %shift_right_arithmetic3A_128, %mul3A_137 : vector<16xi32>
        %sub3A = arith.subi %get3A_115, %mul3A_138 : vector<16xi32>
        %shift_left3A = arith.constant 16 : i32
        %shift_left3A_139 = vector.broadcast %shift_left3A : i32 to vector<16xi32>
        %shift_left3A_140 = arith.shli %sub3A, %shift_left3A_139 : vector<16xi32>
        %or3A = arith.ori %shift_left3A_140, %get3A_120 : vector<16xi32>
        %eq3A_141 = arith.constant 0 : i32
        %eq3A_142 = vector.broadcast %eq3A_141 : i32 to vector<16xi32>
        %eq3A_143 = arith.cmpi eq, %shift_right_arithmetic3A_135, %eq3A_142 : vector<16xi32>
        %eq3A_144 = arith.constant 1 : i32
        %eq3A_145 = vector.broadcast %eq3A_144 : i32 to vector<16xi32>
        %eq3A_146 = arith.cmpi eq, %shift_right_arithmetic3A_135, %eq3A_145 : vector<16xi32>
        %eq3A_147 = arith.constant 2 : i32
        %eq3A_148 = vector.broadcast %eq3A_147 : i32 to vector<16xi32>
        %eq3A_149 = arith.cmpi eq, %shift_right_arithmetic3A_135, %eq3A_148 : vector<16xi32>
        %eq3A_150 = arith.constant 3 : i32
        %eq3A_151 = vector.broadcast %eq3A_150 : i32 to vector<16xi32>
        %eq3A_152 = arith.cmpi eq, %shift_right_arithmetic3A_135, %eq3A_151 : vector<16xi32>
        %select_n3A = arith.select %eq3A_152, %while3A_109, %while3A_110 : vector<16xi1>, vector<16xi32>
        %select_n3A_153 = arith.select %eq3A_149, %while3A_108, %select_n3A : vector<16xi1>, vector<16xi32>
        %select_n3A_154 = arith.select %eq3A_146, %while3A_107, %select_n3A_153 : vector<16xi1>, vector<16xi32>
        %select_n3A_155 = arith.select %eq3A_143, %while3A_106, %select_n3A_154 : vector<16xi1>, vector<16xi32>
        %mul3A_156 = arith.constant 8192 : i32
        %mul3A_157 = vector.broadcast %mul3A_156 : i32 to vector<16xi32>
        %mul3A_158 = arith.muli %shift_right_arithmetic3A_135, %mul3A_157 : vector<16xi32>
        %mul3A_159 = arith.constant 16 : i32
        %mul3A_160 = vector.broadcast %mul3A_159 : i32 to vector<16xi32>
        %mul3A_161 = arith.muli %select_n3A_155, %mul3A_160 : vector<16xi32>
        %add3A_162 = arith.addi %mul3A_158, %mul3A_161 : vector<16xi32>
        %add3A_163 = arith.addi %add3A_162, %iota3A : vector<16xi32>
        %add3A_164 = arith.constant 40960 : i32
        %add3A_165 = vector.broadcast %add3A_164 : i32 to vector<16xi32>
        %add3A_166 = arith.addi %add3A_165, %iota3A : vector<16xi32>
        %select_n3A_167 = arith.select %eq3A_132, %add3A_163, %add3A_166 : vector<16xi1>, vector<16xi32>
        tpu.vector_store_idx %arg8[%select_n3A_167], %or3A : memref<40976xi32, #tpu.memory_space<vmem>>[vector<16xi32>], vector<16xi32>,
        %eq3A_168 = arith.constant 0 : i32
        %eq3A_169 = vector.broadcast %eq3A_168 : i32 to vector<16xi32>
        %eq3A_170 = arith.cmpi eq, %shift_right_arithmetic3A_135, %eq3A_169 : vector<16xi32>
        %and3A_171 = arith.andi %eq3A_132, %eq3A_170 : vector<16xi1>
        %convert_element_type3A_172 = arith.extui %and3A_171 : vector<16xi1> to vector<16xi32>
        %add3A_173 = arith.addi %while3A_106, %convert_element_type3A_172 : vector<16xi32>
        %min3A = arith.constant 511 : i32
        %min3A_174 = vector.broadcast %min3A : i32 to vector<16xi32>
        %min3A_175 = arith.minsi %add3A_173, %min3A_174 : vector<16xi32>
        %eq3A_176 = arith.constant 1 : i32
        %eq3A_177 = vector.broadcast %eq3A_176 : i32 to vector<16xi32>
        %eq3A_178 = arith.cmpi eq, %shift_right_arithmetic3A_135, %eq3A_177 : vector<16xi32>
        %and3A_179 = arith.andi %eq3A_132, %eq3A_178 : vector<16xi1>
        %convert_element_type3A_180 = arith.extui %and3A_179 : vector<16xi1> to vector<16xi32>
        %add3A_181 = arith.addi %while3A_107, %convert_element_type3A_180 : vector<16xi32>
        %min3A_182 = arith.constant 511 : i32
        %min3A_183 = vector.broadcast %min3A_182 : i32 to vector<16xi32>
        %min3A_184 = arith.minsi %add3A_181, %min3A_183 : vector<16xi32>
        %eq3A_185 = arith.constant 2 : i32
        %eq3A_186 = vector.broadcast %eq3A_185 : i32 to vector<16xi32>
        %eq3A_187 = arith.cmpi eq, %shift_right_arithmetic3A_135, %eq3A_186 : vector<16xi32>
        %and3A_188 = arith.andi %eq3A_132, %eq3A_187 : vector<16xi1>
        %convert_element_type3A_189 = arith.extui %and3A_188 : vector<16xi1> to vector<16xi32>
        %add3A_190 = arith.addi %while3A_108, %convert_element_type3A_189 : vector<16xi32>
        %min3A_191 = arith.constant 511 : i32
        %min3A_192 = vector.broadcast %min3A_191 : i32 to vector<16xi32>
        %min3A_193 = arith.minsi %add3A_190, %min3A_192 : vector<16xi32>
        %eq3A_194 = arith.constant 3 : i32
        %eq3A_195 = vector.broadcast %eq3A_194 : i32 to vector<16xi32>
        %eq3A_196 = arith.cmpi eq, %shift_right_arithmetic3A_135, %eq3A_195 : vector<16xi32>
        %and3A_197 = arith.andi %eq3A_132, %eq3A_196 : vector<16xi1>
        %convert_element_type3A_198 = arith.extui %and3A_197 : vector<16xi1> to vector<16xi32>
        %add3A_199 = arith.addi %while3A_109, %convert_element_type3A_198 : vector<16xi32>
        %min3A_200 = arith.constant 511 : i32
        %min3A_201 = vector.broadcast %min3A_200 : i32 to vector<16xi32>
        %min3A_202 = arith.minsi %add3A_199, %min3A_201 : vector<16xi32>
        %eq3A_203 = arith.constant 4 : i32
        %eq3A_204 = vector.broadcast %eq3A_203 : i32 to vector<16xi32>
        %eq3A_205 = arith.cmpi eq, %shift_right_arithmetic3A_135, %eq3A_204 : vector<16xi32>
        %and3A_206 = arith.andi %eq3A_132, %eq3A_205 : vector<16xi1>
        %convert_element_type3A_207 = arith.extui %and3A_206 : vector<16xi1> to vector<16xi32>
        %add3A_208 = arith.addi %while3A_110, %convert_element_type3A_207 : vector<16xi32>
        %min3A_209 = arith.constant 511 : i32
        %min3A_210 = vector.broadcast %min3A_209 : i32 to vector<16xi32>
        %min3A_211 = arith.minsi %add3A_208, %min3A_210 : vector<16xi32>
        scf.yield %min3A_175, %min3A_184, %min3A_193, %min3A_202, %min3A_211 : vector<16xi32>, vector<16xi32>, vector<16xi32>, vector<16xi32>, vector<16xi32>
      }
      %while3A_103 = arith.constant 1 : i32
      %while3A_104:5 = scf.for %while3A_105 = %while3A_100 to %while3A_96 step %while3A_103 iter_args(%while3A_106 = %while3A_102#0, %while3A_107 = %while3A_102#1, %while3A_108 = %while3A_102#2, %while3A_109 = %while3A_102#3, %while3A_110 = %while3A_102#4) -> (vector<16xi32>, vector<16xi32>, vector<16xi32>, vector<16xi32>, vector<16xi32>)  : i32 {
        %mul3A_111 = arith.constant 16 : i32
        %mul3A_112 = arith.muli %while3A_105, %mul3A_111 : i32
        %add3A_113 = arith.addi %mul3A_91, %mul3A_112 : i32
        %get3A_114 = arith.index_cast %add3A_113 : i32 to index
        %get3A_115 = tpu.vector_load %arg6[%get3A_114] {strides = array<i32>} : memref<8000xi32, #tpu.memory_space<vmem>>, vector<16xi32>,
        %mul3A_116 = arith.constant 16 : i32
        %mul3A_117 = arith.muli %while3A_105, %mul3A_116 : i32
        %add3A_118 = arith.addi %mul3A_91, %mul3A_117 : i32
        %get3A_119 = arith.index_cast %add3A_118 : i32 to index
        %get3A_120 = tpu.vector_load %arg7[%get3A_119] {strides = array<i32>} : memref<8000xi32, #tpu.memory_space<vmem>>, vector<16xi32>,
        %shift_right_arithmetic3A = arith.constant 6 : i32
        %shift_right_arithmetic3A_121 = vector.broadcast %shift_right_arithmetic3A : i32 to vector<16xi32>
        %shift_right_arithmetic3A_122 = arith.shrsi %get3A_115, %shift_right_arithmetic3A_121 : vector<16xi32>
        %mul3A_123 = arith.constant 52429 : i32
        %mul3A_124 = vector.broadcast %mul3A_123 : i32 to vector<16xi32>
        %mul3A_125 = arith.muli %shift_right_arithmetic3A_122, %mul3A_124 : vector<16xi32>
        %shift_right_arithmetic3A_126 = arith.constant 18 : i32
        %shift_right_arithmetic3A_127 = vector.broadcast %shift_right_arithmetic3A_126 : i32 to vector<16xi32>
        %shift_right_arithmetic3A_128 = arith.shrsi %mul3A_125, %shift_right_arithmetic3A_127 : vector<16xi32>
        %and3A = arith.constant 31 : i32
        %and3A_129 = vector.broadcast %and3A : i32 to vector<16xi32>
        %and3A_130 = arith.andi %shift_right_arithmetic3A_128, %and3A_129 : vector<16xi32>
        %eq3A_131 = vector.broadcast %add3A : i32 to vector<16xi32>
        %eq3A_132 = arith.cmpi eq, %and3A_130, %eq3A_131 : vector<16xi32>
        %shift_right_arithmetic3A_133 = arith.constant 5 : i32
        %shift_right_arithmetic3A_134 = vector.broadcast %shift_right_arithmetic3A_133 : i32 to vector<16xi32>
        %shift_right_arithmetic3A_135 = arith.shrsi %shift_right_arithmetic3A_128, %shift_right_arithmetic3A_134 : vector<16xi32>
        %mul3A_136 = arith.constant 320 : i32
        %mul3A_137 = vector.broadcast %mul3A_136 : i32 to vector<16xi32>
        %mul3A_138 = arith.muli %shift_right_arithmetic3A_128, %mul3A_137 : vector<16xi32>
        %sub3A = arith.subi %get3A_115, %mul3A_138 : vector<16xi32>
        %shift_left3A = arith.constant 16 : i32
        %shift_left3A_139 = vector.broadcast %shift_left3A : i32 to vector<16xi32>
        %shift_left3A_140 = arith.shli %sub3A, %shift_left3A_139 : vector<16xi32>
        %or3A = arith.ori %shift_left3A_140, %get3A_120 : vector<16xi32>
        %eq3A_141 = arith.constant 0 : i32
        %eq3A_142 = vector.broadcast %eq3A_141 : i32 to vector<16xi32>
        %eq3A_143 = arith.cmpi eq, %shift_right_arithmetic3A_135, %eq3A_142 : vector<16xi32>
        %eq3A_144 = arith.constant 1 : i32
        %eq3A_145 = vector.broadcast %eq3A_144 : i32 to vector<16xi32>
        %eq3A_146 = arith.cmpi eq, %shift_right_arithmetic3A_135, %eq3A_145 : vector<16xi32>
        %eq3A_147 = arith.constant 2 : i32
        %eq3A_148 = vector.broadcast %eq3A_147 : i32 to vector<16xi32>
        %eq3A_149 = arith.cmpi eq, %shift_right_arithmetic3A_135, %eq3A_148 : vector<16xi32>
        %eq3A_150 = arith.constant 3 : i32
        %eq3A_151 = vector.broadcast %eq3A_150 : i32 to vector<16xi32>
        %eq3A_152 = arith.cmpi eq, %shift_right_arithmetic3A_135, %eq3A_151 : vector<16xi32>
        %select_n3A = arith.select %eq3A_152, %while3A_109, %while3A_110 : vector<16xi1>, vector<16xi32>
        %select_n3A_153 = arith.select %eq3A_149, %while3A_108, %select_n3A : vector<16xi1>, vector<16xi32>
        %select_n3A_154 = arith.select %eq3A_146, %while3A_107, %select_n3A_153 : vector<16xi1>, vector<16xi32>
        %select_n3A_155 = arith.select %eq3A_143, %while3A_106, %select_n3A_154 : vector<16xi1>, vector<16xi32>
        %mul3A_156 = arith.constant 8192 : i32
        %mul3A_157 = vector.broadcast %mul3A_156 : i32 to vector<16xi32>
        %mul3A_158 = arith.muli %shift_right_arithmetic3A_135, %mul3A_157 : vector<16xi32>
        %mul3A_159 = arith.constant 16 : i32
        %mul3A_160 = vector.broadcast %mul3A_159 : i32 to vector<16xi32>
        %mul3A_161 = arith.muli %select_n3A_155, %mul3A_160 : vector<16xi32>
        %add3A_162 = arith.addi %mul3A_158, %mul3A_161 : vector<16xi32>
        %add3A_163 = arith.addi %add3A_162, %iota3A : vector<16xi32>
        %add3A_164 = arith.constant 40960 : i32
        %add3A_165 = vector.broadcast %add3A_164 : i32 to vector<16xi32>
        %add3A_166 = arith.addi %add3A_165, %iota3A : vector<16xi32>
        %select_n3A_167 = arith.select %eq3A_132, %add3A_163, %add3A_166 : vector<16xi1>, vector<16xi32>
        tpu.vector_store_idx %arg8[%select_n3A_167], %or3A : memref<40976xi32, #tpu.memory_space<vmem>>[vector<16xi32>], vector<16xi32>,
        %eq3A_168 = arith.constant 0 : i32
        %eq3A_169 = vector.broadcast %eq3A_168 : i32 to vector<16xi32>
        %eq3A_170 = arith.cmpi eq, %shift_right_arithmetic3A_135, %eq3A_169 : vector<16xi32>
        %and3A_171 = arith.andi %eq3A_132, %eq3A_170 : vector<16xi1>
        %convert_element_type3A_172 = arith.extui %and3A_171 : vector<16xi1> to vector<16xi32>
        %add3A_173 = arith.addi %while3A_106, %convert_element_type3A_172 : vector<16xi32>
        %min3A = arith.constant 511 : i32
        %min3A_174 = vector.broadcast %min3A : i32 to vector<16xi32>
        %min3A_175 = arith.minsi %add3A_173, %min3A_174 : vector<16xi32>
        %eq3A_176 = arith.constant 1 : i32
        %eq3A_177 = vector.broadcast %eq3A_176 : i32 to vector<16xi32>
        %eq3A_178 = arith.cmpi eq, %shift_right_arithmetic3A_135, %eq3A_177 : vector<16xi32>
        %and3A_179 = arith.andi %eq3A_132, %eq3A_178 : vector<16xi1>
        %convert_element_type3A_180 = arith.extui %and3A_179 : vector<16xi1> to vector<16xi32>
        %add3A_181 = arith.addi %while3A_107, %convert_element_type3A_180 : vector<16xi32>
        %min3A_182 = arith.constant 511 : i32
        %min3A_183 = vector.broadcast %min3A_182 : i32 to vector<16xi32>
        %min3A_184 = arith.minsi %add3A_181, %min3A_183 : vector<16xi32>
        %eq3A_185 = arith.constant 2 : i32
        %eq3A_186 = vector.broadcast %eq3A_185 : i32 to vector<16xi32>
        %eq3A_187 = arith.cmpi eq, %shift_right_arithmetic3A_135, %eq3A_186 : vector<16xi32>
        %and3A_188 = arith.andi %eq3A_132, %eq3A_187 : vector<16xi1>
        %convert_element_type3A_189 = arith.extui %and3A_188 : vector<16xi1> to vector<16xi32>
        %add3A_190 = arith.addi %while3A_108, %convert_element_type3A_189 : vector<16xi32>
        %min3A_191 = arith.constant 511 : i32
        %min3A_192 = vector.broadcast %min3A_191 : i32 to vector<16xi32>
        %min3A_193 = arith.minsi %add3A_190, %min3A_192 : vector<16xi32>
        %eq3A_194 = arith.constant 3 : i32
        %eq3A_195 = vector.broadcast %eq3A_194 : i32 to vector<16xi32>
        %eq3A_196 = arith.cmpi eq, %shift_right_arithmetic3A_135, %eq3A_195 : vector<16xi32>
        %and3A_197 = arith.andi %eq3A_132, %eq3A_196 : vector<16xi1>
        %convert_element_type3A_198 = arith.extui %and3A_197 : vector<16xi1> to vector<16xi32>
        %add3A_199 = arith.addi %while3A_109, %convert_element_type3A_198 : vector<16xi32>
        %min3A_200 = arith.constant 511 : i32
        %min3A_201 = vector.broadcast %min3A_200 : i32 to vector<16xi32>
        %min3A_202 = arith.minsi %add3A_199, %min3A_201 : vector<16xi32>
        %eq3A_203 = arith.constant 4 : i32
        %eq3A_204 = vector.broadcast %eq3A_203 : i32 to vector<16xi32>
        %eq3A_205 = arith.cmpi eq, %shift_right_arithmetic3A_135, %eq3A_204 : vector<16xi32>
        %and3A_206 = arith.andi %eq3A_132, %eq3A_205 : vector<16xi1>
        %convert_element_type3A_207 = arith.extui %and3A_206 : vector<16xi1> to vector<16xi32>
        %add3A_208 = arith.addi %while3A_110, %convert_element_type3A_207 : vector<16xi32>
        %min3A_209 = arith.constant 511 : i32
        %min3A_210 = vector.broadcast %min3A_209 : i32 to vector<16xi32>
        %min3A_211 = arith.minsi %add3A_208, %min3A_210 : vector<16xi32>
        scf.yield %min3A_175, %min3A_184, %min3A_193, %min3A_202, %min3A_211 : vector<16xi32>, vector<16xi32>, vector<16xi32>, vector<16xi32>, vector<16xi32>
      }
      scf.yield %while3A_104#0, %while3A_104#1, %while3A_104#2, %while3A_104#3, %while3A_104#4 : vector<16xi32>, vector<16xi32>, vector<16xi32>, vector<16xi32>, vector<16xi32>
    }
    %add3A_36 = arith.constant 0 : i32
    %add3A_37 = arith.addi %add3A_36, %add3A : i32
    %lt3A = arith.constant 157 : i32
    %lt3A_38 = arith.cmpi slt, %add3A_37, %lt3A : i32
    %convert_element_type3A = arith.extui %lt3A_38 : i1 to i32
    %cond3A = arith.constant 0 : i32
    %cond3A_39 = arith.cmpi ne, %convert_element_type3A, %cond3A : i32
    scf.if %cond3A_39 {
      %mul3A_68 = arith.constant 8192 : i32
      %mul3A_69 = arith.muli %add3A_37, %mul3A_68 : i32
      "tpu.region"() ({
        %run_scoped3A = tpu.sem_alloc : memref<!tpu.dma_semaphore, #tpu.memory_space<semaphore_mem>>
        %dma_start3A_73 = arith.constant 0 : i32
        %dma_start3A_74 = tpu.memref_slice %arg8[%dma_start3A_73] : memref<40976xi32, #tpu.memory_space<vmem>> -> memref<8192xi32, #tpu.memory_space<vmem>>
        %dma_start3A_75 = tpu.memref_slice %arg4[%mul3A_69] : memref<1286144xi32, #tpu.memory_space<hbm>> -> memref<8192xi32, #tpu.memory_space<hbm>>
        %dma_start3A_76 = tpu.memref_slice %arg4[%mul3A_69] : memref<1286144xi32, #tpu.memory_space<hbm>> -> memref<8192xi32, #tpu.memory_space<hbm>>
        %dma_start3A_77 = arith.constant 0 : i32
        %dma_start3A_78 = tpu.memref_slice %arg8[%dma_start3A_77] : memref<40976xi32, #tpu.memory_space<vmem>> -> memref<8192xi32, #tpu.memory_space<vmem>>
        tpu.enqueue_dma source(%dma_start3A_78 : memref<8192xi32, #tpu.memory_space<vmem>>) target(%dma_start3A_76 : memref<8192xi32, #tpu.memory_space<hbm>>) target_semaphore(%run_scoped3A : memref<!tpu.dma_semaphore, #tpu.memory_space<semaphore_mem>>)
        %dma_wait3A = arith.constant 0 : i32
        %dma_wait3A_79 = tpu.memref_slice %arg8[%dma_wait3A] : memref<40976xi32, #tpu.memory_space<vmem>> -> memref<8192xi32, #tpu.memory_space<vmem>>
        %dma_wait3A_80 = tpu.memref_slice %arg4[%mul3A_69] : memref<1286144xi32, #tpu.memory_space<hbm>> -> memref<8192xi32, #tpu.memory_space<hbm>>
        %dma_wait3A_81 = tpu.memref_slice %arg4[%mul3A_69] : memref<1286144xi32, #tpu.memory_space<hbm>> -> memref<8192xi32, #tpu.memory_space<hbm>>
        %dma_wait3A_82 = arith.constant 0 : i32
        %dma_wait3A_83 = tpu.memref_slice %arg8[%dma_wait3A_82] : memref<40976xi32, #tpu.memory_space<vmem>> -> memref<8192xi32, #tpu.memory_space<vmem>>
        tpu.wait_dma2 semaphore(%run_scoped3A : memref<!tpu.dma_semaphore, #tpu.memory_space<semaphore_mem>>) src(%dma_wait3A_83 : memref<8192xi32, #tpu.memory_space<vmem>>) dst(%dma_wait3A_81 : memref<8192xi32, #tpu.memory_space<hbm>>)
        tpu.yield
      }) : () -> ()
      %swap3A = arith.constant 0 : index
      %swap3A_70 = tpu.vector_load %arg10[%swap3A] {strides = array<i32>} : memref<16xi32, #tpu.memory_space<vmem>>, vector<16xi32>,
      tpu.vector_store %arg10[%swap3A], %while3A_35#0 {strides = array<i32>} : memref<16xi32, #tpu.memory_space<vmem>>, vector<16xi32>,
      %mul3A_71 = arith.constant 16 : i32
      %mul3A_72 = arith.muli %add3A_37, %mul3A_71 : i32
      "tpu.region"() ({
        %run_scoped3A = tpu.sem_alloc : memref<!tpu.dma_semaphore, #tpu.memory_space<semaphore_mem>>
        %dma_start3A_73 = tpu.memref_slice %arg5[%mul3A_72] : memref<2512xi32, #tpu.memory_space<hbm>> -> memref<16xi32, #tpu.memory_space<hbm>>
        %dma_start3A_74 = tpu.memref_slice %arg5[%mul3A_72] : memref<2512xi32, #tpu.memory_space<hbm>> -> memref<16xi32, #tpu.memory_space<hbm>>
        tpu.enqueue_dma source(%arg10 : memref<16xi32, #tpu.memory_space<vmem>>) target(%dma_start3A_74 : memref<16xi32, #tpu.memory_space<hbm>>) target_semaphore(%run_scoped3A : memref<!tpu.dma_semaphore, #tpu.memory_space<semaphore_mem>>)
        %dma_wait3A = tpu.memref_slice %arg5[%mul3A_72] : memref<2512xi32, #tpu.memory_space<hbm>> -> memref<16xi32, #tpu.memory_space<hbm>>
        %dma_wait3A_75 = tpu.memref_slice %arg5[%mul3A_72] : memref<2512xi32, #tpu.memory_space<hbm>> -> memref<16xi32, #tpu.memory_space<hbm>>
        tpu.wait_dma2 semaphore(%run_scoped3A : memref<!tpu.dma_semaphore, #tpu.memory_space<semaphore_mem>>) src(%arg10 : memref<16xi32, #tpu.memory_space<vmem>>) dst(%dma_wait3A_75 : memref<16xi32, #tpu.memory_space<hbm>>)
        tpu.yield
      }) : () -> ()
    } else {
    }
    %add3A_40 = arith.constant 32 : i32
    %add3A_41 = arith.addi %add3A_40, %add3A : i32
    %lt3A_42 = arith.constant 157 : i32
    %lt3A_43 = arith.cmpi slt, %add3A_41, %lt3A_42 : i32
    %convert_element_type3A_44 = arith.extui %lt3A_43 : i1 to i32
    %cond3A_45 = arith.constant 0 : i32
    %cond3A_46 = arith.cmpi ne, %convert_element_type3A_44, %cond3A_45 : i32
    scf.if %cond3A_46 {
      %mul3A_68 = arith.constant 8192 : i32
      %mul3A_69 = arith.muli %add3A_41, %mul3A_68 : i32
      "tpu.region"() ({
        %run_scoped3A = tpu.sem_alloc : memref<!tpu.dma_semaphore, #tpu.memory_space<semaphore_mem>>
        %dma_start3A_73 = arith.constant 8192 : i32
        %dma_start3A_74 = tpu.memref_slice %arg8[%dma_start3A_73] : memref<40976xi32, #tpu.memory_space<vmem>> -> memref<8192xi32, #tpu.memory_space<vmem>>
        %dma_start3A_75 = tpu.memref_slice %arg4[%mul3A_69] : memref<1286144xi32, #tpu.memory_space<hbm>> -> memref<8192xi32, #tpu.memory_space<hbm>>
        %dma_start3A_76 = tpu.memref_slice %arg4[%mul3A_69] : memref<1286144xi32, #tpu.memory_space<hbm>> -> memref<8192xi32, #tpu.memory_space<hbm>>
        %dma_start3A_77 = arith.constant 8192 : i32
        %dma_start3A_78 = tpu.memref_slice %arg8[%dma_start3A_77] : memref<40976xi32, #tpu.memory_space<vmem>> -> memref<8192xi32, #tpu.memory_space<vmem>>
        tpu.enqueue_dma source(%dma_start3A_78 : memref<8192xi32, #tpu.memory_space<vmem>>) target(%dma_start3A_76 : memref<8192xi32, #tpu.memory_space<hbm>>) target_semaphore(%run_scoped3A : memref<!tpu.dma_semaphore, #tpu.memory_space<semaphore_mem>>)
        %dma_wait3A = arith.constant 8192 : i32
        %dma_wait3A_79 = tpu.memref_slice %arg8[%dma_wait3A] : memref<40976xi32, #tpu.memory_space<vmem>> -> memref<8192xi32, #tpu.memory_space<vmem>>
        %dma_wait3A_80 = tpu.memref_slice %arg4[%mul3A_69] : memref<1286144xi32, #tpu.memory_space<hbm>> -> memref<8192xi32, #tpu.memory_space<hbm>>
        %dma_wait3A_81 = tpu.memref_slice %arg4[%mul3A_69] : memref<1286144xi32, #tpu.memory_space<hbm>> -> memref<8192xi32, #tpu.memory_space<hbm>>
        %dma_wait3A_82 = arith.constant 8192 : i32
        %dma_wait3A_83 = tpu.memref_slice %arg8[%dma_wait3A_82] : memref<40976xi32, #tpu.memory_space<vmem>> -> memref<8192xi32, #tpu.memory_space<vmem>>
        tpu.wait_dma2 semaphore(%run_scoped3A : memref<!tpu.dma_semaphore, #tpu.memory_space<semaphore_mem>>) src(%dma_wait3A_83 : memref<8192xi32, #tpu.memory_space<vmem>>) dst(%dma_wait3A_81 : memref<8192xi32, #tpu.memory_space<hbm>>)
        tpu.yield
      }) : () -> ()
      %swap3A = arith.constant 0 : index
      %swap3A_70 = tpu.vector_load %arg10[%swap3A] {strides = array<i32>} : memref<16xi32, #tpu.memory_space<vmem>>, vector<16xi32>,
      tpu.vector_store %arg10[%swap3A], %while3A_35#1 {strides = array<i32>} : memref<16xi32, #tpu.memory_space<vmem>>, vector<16xi32>,
      %mul3A_71 = arith.constant 16 : i32
      %mul3A_72 = arith.muli %add3A_41, %mul3A_71 : i32
      "tpu.region"() ({
        %run_scoped3A = tpu.sem_alloc : memref<!tpu.dma_semaphore, #tpu.memory_space<semaphore_mem>>
        %dma_start3A_73 = tpu.memref_slice %arg5[%mul3A_72] : memref<2512xi32, #tpu.memory_space<hbm>> -> memref<16xi32, #tpu.memory_space<hbm>>
        %dma_start3A_74 = tpu.memref_slice %arg5[%mul3A_72] : memref<2512xi32, #tpu.memory_space<hbm>> -> memref<16xi32, #tpu.memory_space<hbm>>
        tpu.enqueue_dma source(%arg10 : memref<16xi32, #tpu.memory_space<vmem>>) target(%dma_start3A_74 : memref<16xi32, #tpu.memory_space<hbm>>) target_semaphore(%run_scoped3A : memref<!tpu.dma_semaphore, #tpu.memory_space<semaphore_mem>>)
        %dma_wait3A = tpu.memref_slice %arg5[%mul3A_72] : memref<2512xi32, #tpu.memory_space<hbm>> -> memref<16xi32, #tpu.memory_space<hbm>>
        %dma_wait3A_75 = tpu.memref_slice %arg5[%mul3A_72] : memref<2512xi32, #tpu.memory_space<hbm>> -> memref<16xi32, #tpu.memory_space<hbm>>
        tpu.wait_dma2 semaphore(%run_scoped3A : memref<!tpu.dma_semaphore, #tpu.memory_space<semaphore_mem>>) src(%arg10 : memref<16xi32, #tpu.memory_space<vmem>>) dst(%dma_wait3A_75 : memref<16xi32, #tpu.memory_space<hbm>>)
        tpu.yield
      }) : () -> ()
    } else {
    }
    %add3A_47 = arith.constant 64 : i32
    %add3A_48 = arith.addi %add3A_47, %add3A : i32
    %lt3A_49 = arith.constant 157 : i32
    %lt3A_50 = arith.cmpi slt, %add3A_48, %lt3A_49 : i32
    %convert_element_type3A_51 = arith.extui %lt3A_50 : i1 to i32
    %cond3A_52 = arith.constant 0 : i32
    %cond3A_53 = arith.cmpi ne, %convert_element_type3A_51, %cond3A_52 : i32
    scf.if %cond3A_53 {
      %mul3A_68 = arith.constant 8192 : i32
      %mul3A_69 = arith.muli %add3A_48, %mul3A_68 : i32
      "tpu.region"() ({
        %run_scoped3A = tpu.sem_alloc : memref<!tpu.dma_semaphore, #tpu.memory_space<semaphore_mem>>
        %dma_start3A_73 = arith.constant 16384 : i32
        %dma_start3A_74 = tpu.memref_slice %arg8[%dma_start3A_73] : memref<40976xi32, #tpu.memory_space<vmem>> -> memref<8192xi32, #tpu.memory_space<vmem>>
        %dma_start3A_75 = tpu.memref_slice %arg4[%mul3A_69] : memref<1286144xi32, #tpu.memory_space<hbm>> -> memref<8192xi32, #tpu.memory_space<hbm>>
        %dma_start3A_76 = tpu.memref_slice %arg4[%mul3A_69] : memref<1286144xi32, #tpu.memory_space<hbm>> -> memref<8192xi32, #tpu.memory_space<hbm>>
        %dma_start3A_77 = arith.constant 16384 : i32
        %dma_start3A_78 = tpu.memref_slice %arg8[%dma_start3A_77] : memref<40976xi32, #tpu.memory_space<vmem>> -> memref<8192xi32, #tpu.memory_space<vmem>>
        tpu.enqueue_dma source(%dma_start3A_78 : memref<8192xi32, #tpu.memory_space<vmem>>) target(%dma_start3A_76 : memref<8192xi32, #tpu.memory_space<hbm>>) target_semaphore(%run_scoped3A : memref<!tpu.dma_semaphore, #tpu.memory_space<semaphore_mem>>)
        %dma_wait3A = arith.constant 16384 : i32
        %dma_wait3A_79 = tpu.memref_slice %arg8[%dma_wait3A] : memref<40976xi32, #tpu.memory_space<vmem>> -> memref<8192xi32, #tpu.memory_space<vmem>>
        %dma_wait3A_80 = tpu.memref_slice %arg4[%mul3A_69] : memref<1286144xi32, #tpu.memory_space<hbm>> -> memref<8192xi32, #tpu.memory_space<hbm>>
        %dma_wait3A_81 = tpu.memref_slice %arg4[%mul3A_69] : memref<1286144xi32, #tpu.memory_space<hbm>> -> memref<8192xi32, #tpu.memory_space<hbm>>
        %dma_wait3A_82 = arith.constant 16384 : i32
        %dma_wait3A_83 = tpu.memref_slice %arg8[%dma_wait3A_82] : memref<40976xi32, #tpu.memory_space<vmem>> -> memref<8192xi32, #tpu.memory_space<vmem>>
        tpu.wait_dma2 semaphore(%run_scoped3A : memref<!tpu.dma_semaphore, #tpu.memory_space<semaphore_mem>>) src(%dma_wait3A_83 : memref<8192xi32, #tpu.memory_space<vmem>>) dst(%dma_wait3A_81 : memref<8192xi32, #tpu.memory_space<hbm>>)
        tpu.yield
      }) : () -> ()
      %swap3A = arith.constant 0 : index
      %swap3A_70 = tpu.vector_load %arg10[%swap3A] {strides = array<i32>} : memref<16xi32, #tpu.memory_space<vmem>>, vector<16xi32>,
      tpu.vector_store %arg10[%swap3A], %while3A_35#2 {strides = array<i32>} : memref<16xi32, #tpu.memory_space<vmem>>, vector<16xi32>,
      %mul3A_71 = arith.constant 16 : i32
      %mul3A_72 = arith.muli %add3A_48, %mul3A_71 : i32
      "tpu.region"() ({
        %run_scoped3A = tpu.sem_alloc : memref<!tpu.dma_semaphore, #tpu.memory_space<semaphore_mem>>
        %dma_start3A_73 = tpu.memref_slice %arg5[%mul3A_72] : memref<2512xi32, #tpu.memory_space<hbm>> -> memref<16xi32, #tpu.memory_space<hbm>>
        %dma_start3A_74 = tpu.memref_slice %arg5[%mul3A_72] : memref<2512xi32, #tpu.memory_space<hbm>> -> memref<16xi32, #tpu.memory_space<hbm>>
        tpu.enqueue_dma source(%arg10 : memref<16xi32, #tpu.memory_space<vmem>>) target(%dma_start3A_74 : memref<16xi32, #tpu.memory_space<hbm>>) target_semaphore(%run_scoped3A : memref<!tpu.dma_semaphore, #tpu.memory_space<semaphore_mem>>)
        %dma_wait3A = tpu.memref_slice %arg5[%mul3A_72] : memref<2512xi32, #tpu.memory_space<hbm>> -> memref<16xi32, #tpu.memory_space<hbm>>
        %dma_wait3A_75 = tpu.memref_slice %arg5[%mul3A_72] : memref<2512xi32, #tpu.memory_space<hbm>> -> memref<16xi32, #tpu.memory_space<hbm>>
        tpu.wait_dma2 semaphore(%run_scoped3A : memref<!tpu.dma_semaphore, #tpu.memory_space<semaphore_mem>>) src(%arg10 : memref<16xi32, #tpu.memory_space<vmem>>) dst(%dma_wait3A_75 : memref<16xi32, #tpu.memory_space<hbm>>)
        tpu.yield
      }) : () -> ()
    } else {
    }
    %add3A_54 = arith.constant 96 : i32
    %add3A_55 = arith.addi %add3A_54, %add3A : i32
    %lt3A_56 = arith.constant 157 : i32
    %lt3A_57 = arith.cmpi slt, %add3A_55, %lt3A_56 : i32
    %convert_element_type3A_58 = arith.extui %lt3A_57 : i1 to i32
    %cond3A_59 = arith.constant 0 : i32
    %cond3A_60 = arith.cmpi ne, %convert_element_type3A_58, %cond3A_59 : i32
    scf.if %cond3A_60 {
      %mul3A_68 = arith.constant 8192 : i32
      %mul3A_69 = arith.muli %add3A_55, %mul3A_68 : i32
      "tpu.region"() ({
        %run_scoped3A = tpu.sem_alloc : memref<!tpu.dma_semaphore, #tpu.memory_space<semaphore_mem>>
        %dma_start3A_73 = arith.constant 24576 : i32
        %dma_start3A_74 = tpu.memref_slice %arg8[%dma_start3A_73] : memref<40976xi32, #tpu.memory_space<vmem>> -> memref<8192xi32, #tpu.memory_space<vmem>>
        %dma_start3A_75 = tpu.memref_slice %arg4[%mul3A_69] : memref<1286144xi32, #tpu.memory_space<hbm>> -> memref<8192xi32, #tpu.memory_space<hbm>>
        %dma_start3A_76 = tpu.memref_slice %arg4[%mul3A_69] : memref<1286144xi32, #tpu.memory_space<hbm>> -> memref<8192xi32, #tpu.memory_space<hbm>>
        %dma_start3A_77 = arith.constant 24576 : i32
        %dma_start3A_78 = tpu.memref_slice %arg8[%dma_start3A_77] : memref<40976xi32, #tpu.memory_space<vmem>> -> memref<8192xi32, #tpu.memory_space<vmem>>
        tpu.enqueue_dma source(%dma_start3A_78 : memref<8192xi32, #tpu.memory_space<vmem>>) target(%dma_start3A_76 : memref<8192xi32, #tpu.memory_space<hbm>>) target_semaphore(%run_scoped3A : memref<!tpu.dma_semaphore, #tpu.memory_space<semaphore_mem>>)
        %dma_wait3A = arith.constant 24576 : i32
        %dma_wait3A_79 = tpu.memref_slice %arg8[%dma_wait3A] : memref<40976xi32, #tpu.memory_space<vmem>> -> memref<8192xi32, #tpu.memory_space<vmem>>
        %dma_wait3A_80 = tpu.memref_slice %arg4[%mul3A_69] : memref<1286144xi32, #tpu.memory_space<hbm>> -> memref<8192xi32, #tpu.memory_space<hbm>>
        %dma_wait3A_81 = tpu.memref_slice %arg4[%mul3A_69] : memref<1286144xi32, #tpu.memory_space<hbm>> -> memref<8192xi32, #tpu.memory_space<hbm>>
        %dma_wait3A_82 = arith.constant 24576 : i32
        %dma_wait3A_83 = tpu.memref_slice %arg8[%dma_wait3A_82] : memref<40976xi32, #tpu.memory_space<vmem>> -> memref<8192xi32, #tpu.memory_space<vmem>>
        tpu.wait_dma2 semaphore(%run_scoped3A : memref<!tpu.dma_semaphore, #tpu.memory_space<semaphore_mem>>) src(%dma_wait3A_83 : memref<8192xi32, #tpu.memory_space<vmem>>) dst(%dma_wait3A_81 : memref<8192xi32, #tpu.memory_space<hbm>>)
        tpu.yield
      }) : () -> ()
      %swap3A = arith.constant 0 : index
      %swap3A_70 = tpu.vector_load %arg10[%swap3A] {strides = array<i32>} : memref<16xi32, #tpu.memory_space<vmem>>, vector<16xi32>,
      tpu.vector_store %arg10[%swap3A], %while3A_35#3 {strides = array<i32>} : memref<16xi32, #tpu.memory_space<vmem>>, vector<16xi32>,
      %mul3A_71 = arith.constant 16 : i32
      %mul3A_72 = arith.muli %add3A_55, %mul3A_71 : i32
      "tpu.region"() ({
        %run_scoped3A = tpu.sem_alloc : memref<!tpu.dma_semaphore, #tpu.memory_space<semaphore_mem>>
        %dma_start3A_73 = tpu.memref_slice %arg5[%mul3A_72] : memref<2512xi32, #tpu.memory_space<hbm>> -> memref<16xi32, #tpu.memory_space<hbm>>
        %dma_start3A_74 = tpu.memref_slice %arg5[%mul3A_72] : memref<2512xi32, #tpu.memory_space<hbm>> -> memref<16xi32, #tpu.memory_space<hbm>>
        tpu.enqueue_dma source(%arg10 : memref<16xi32, #tpu.memory_space<vmem>>) target(%dma_start3A_74 : memref<16xi32, #tpu.memory_space<hbm>>) target_semaphore(%run_scoped3A : memref<!tpu.dma_semaphore, #tpu.memory_space<semaphore_mem>>)
        %dma_wait3A = tpu.memref_slice %arg5[%mul3A_72] : memref<2512xi32, #tpu.memory_space<hbm>> -> memref<16xi32, #tpu.memory_space<hbm>>
        %dma_wait3A_75 = tpu.memref_slice %arg5[%mul3A_72] : memref<2512xi32, #tpu.memory_space<hbm>> -> memref<16xi32, #tpu.memory_space<hbm>>
        tpu.wait_dma2 semaphore(%run_scoped3A : memref<!tpu.dma_semaphore, #tpu.memory_space<semaphore_mem>>) src(%arg10 : memref<16xi32, #tpu.memory_space<vmem>>) dst(%dma_wait3A_75 : memref<16xi32, #tpu.memory_space<hbm>>)
        tpu.yield
      }) : () -> ()
    } else {
    }
    %add3A_61 = arith.constant 128 : i32
    %add3A_62 = arith.addi %add3A_61, %add3A : i32
    %lt3A_63 = arith.constant 157 : i32
    %lt3A_64 = arith.cmpi slt, %add3A_62, %lt3A_63 : i32
    %convert_element_type3A_65 = arith.extui %lt3A_64 : i1 to i32
    %cond3A_66 = arith.constant 0 : i32
    %cond3A_67 = arith.cmpi ne, %convert_element_type3A_65, %cond3A_66 : i32
    scf.if %cond3A_67 {
      %mul3A_68 = arith.constant 8192 : i32
      %mul3A_69 = arith.muli %add3A_62, %mul3A_68 : i32
      "tpu.region"() ({
        %run_scoped3A = tpu.sem_alloc : memref<!tpu.dma_semaphore, #tpu.memory_space<semaphore_mem>>
        %dma_start3A_73 = arith.constant 32768 : i32
        %dma_start3A_74 = tpu.memref_slice %arg8[%dma_start3A_73] : memref<40976xi32, #tpu.memory_space<vmem>> -> memref<8192xi32, #tpu.memory_space<vmem>>
        %dma_start3A_75 = tpu.memref_slice %arg4[%mul3A_69] : memref<1286144xi32, #tpu.memory_space<hbm>> -> memref<8192xi32, #tpu.memory_space<hbm>>
        %dma_start3A_76 = tpu.memref_slice %arg4[%mul3A_69] : memref<1286144xi32, #tpu.memory_space<hbm>> -> memref<8192xi32, #tpu.memory_space<hbm>>
        %dma_start3A_77 = arith.constant 32768 : i32
        %dma_start3A_78 = tpu.memref_slice %arg8[%dma_start3A_77] : memref<40976xi32, #tpu.memory_space<vmem>> -> memref<8192xi32, #tpu.memory_space<vmem>>
        tpu.enqueue_dma source(%dma_start3A_78 : memref<8192xi32, #tpu.memory_space<vmem>>) target(%dma_start3A_76 : memref<8192xi32, #tpu.memory_space<hbm>>) target_semaphore(%run_scoped3A : memref<!tpu.dma_semaphore, #tpu.memory_space<semaphore_mem>>)
        %dma_wait3A = arith.constant 32768 : i32
        %dma_wait3A_79 = tpu.memref_slice %arg8[%dma_wait3A] : memref<40976xi32, #tpu.memory_space<vmem>> -> memref<8192xi32, #tpu.memory_space<vmem>>
        %dma_wait3A_80 = tpu.memref_slice %arg4[%mul3A_69] : memref<1286144xi32, #tpu.memory_space<hbm>> -> memref<8192xi32, #tpu.memory_space<hbm>>
        %dma_wait3A_81 = tpu.memref_slice %arg4[%mul3A_69] : memref<1286144xi32, #tpu.memory_space<hbm>> -> memref<8192xi32, #tpu.memory_space<hbm>>
        %dma_wait3A_82 = arith.constant 32768 : i32
        %dma_wait3A_83 = tpu.memref_slice %arg8[%dma_wait3A_82] : memref<40976xi32, #tpu.memory_space<vmem>> -> memref<8192xi32, #tpu.memory_space<vmem>>
        tpu.wait_dma2 semaphore(%run_scoped3A : memref<!tpu.dma_semaphore, #tpu.memory_space<semaphore_mem>>) src(%dma_wait3A_83 : memref<8192xi32, #tpu.memory_space<vmem>>) dst(%dma_wait3A_81 : memref<8192xi32, #tpu.memory_space<hbm>>)
        tpu.yield
      }) : () -> ()
      %swap3A = arith.constant 0 : index
      %swap3A_70 = tpu.vector_load %arg10[%swap3A] {strides = array<i32>} : memref<16xi32, #tpu.memory_space<vmem>>, vector<16xi32>,
      tpu.vector_store %arg10[%swap3A], %while3A_35#4 {strides = array<i32>} : memref<16xi32, #tpu.memory_space<vmem>>, vector<16xi32>,
      %mul3A_71 = arith.constant 16 : i32
      %mul3A_72 = arith.muli %add3A_62, %mul3A_71 : i32
      "tpu.region"() ({
        %run_scoped3A = tpu.sem_alloc : memref<!tpu.dma_semaphore, #tpu.memory_space<semaphore_mem>>
        %dma_start3A_73 = tpu.memref_slice %arg5[%mul3A_72] : memref<2512xi32, #tpu.memory_space<hbm>> -> memref<16xi32, #tpu.memory_space<hbm>>
        %dma_start3A_74 = tpu.memref_slice %arg5[%mul3A_72] : memref<2512xi32, #tpu.memory_space<hbm>> -> memref<16xi32, #tpu.memory_space<hbm>>
        tpu.enqueue_dma source(%arg10 : memref<16xi32, #tpu.memory_space<vmem>>) target(%dma_start3A_74 : memref<16xi32, #tpu.memory_space<hbm>>) target_semaphore(%run_scoped3A : memref<!tpu.dma_semaphore, #tpu.memory_space<semaphore_mem>>)
        %dma_wait3A = tpu.memref_slice %arg5[%mul3A_72] : memref<2512xi32, #tpu.memory_space<hbm>> -> memref<16xi32, #tpu.memory_space<hbm>>
        %dma_wait3A_75 = tpu.memref_slice %arg5[%mul3A_72] : memref<2512xi32, #tpu.memory_space<hbm>> -> memref<16xi32, #tpu.memory_space<hbm>>
        tpu.wait_dma2 semaphore(%run_scoped3A : memref<!tpu.dma_semaphore, #tpu.memory_space<semaphore_mem>>) src(%arg10 : memref<16xi32, #tpu.memory_space<vmem>>) dst(%dma_wait3A_75 : memref<16xi32, #tpu.memory_space<hbm>>)
        tpu.yield
      }) : () -> ()
    } else {
    }
    return
  }
}

module attributes {stable_mosaic.version = 14 : i64} {
  func.func @_mlp_body(%arg0: i32, %arg1: memref<2000x20xf32, #tpu.memory_space<vmem>>, %arg2: memref<20x20xf32, #tpu.memory_space<vmem>>, %arg3: memref<20xf32, #tpu.memory_space<vmem>>, %arg4: memref<20x20xf32, #tpu.memory_space<vmem>>, %arg5: memref<20xf32, #tpu.memory_space<vmem>>, %arg6: memref<20x20xf32, #tpu.memory_space<vmem>>, %arg7: memref<20xf32, #tpu.memory_space<vmem>>, %arg8: memref<2000x20xf32, #tpu.memory_space<vmem>>) attributes {dimension_semantics = [#tpu.dimension_semantics<arbitrary>], iteration_bounds = array<i64: 25>, scalar_prefetch = 0 : i64, scratch_operands = 0 : i64, tpu.core_type = #tpu.core_type<tc>, window_params = [{transform_indices = @transform_0, window_bounds = array<i64: 2000, 20>}, {pipeline_mode = #tpu.pipeline_mode<synchronous>, transform_indices = @transform_1, window_bounds = array<i64: 20, 20>}, {pipeline_mode = #tpu.pipeline_mode<synchronous>, transform_indices = @transform_2, window_bounds = array<i64: 20>}, {pipeline_mode = #tpu.pipeline_mode<synchronous>, transform_indices = @transform_3, window_bounds = array<i64: 20, 20>}, {pipeline_mode = #tpu.pipeline_mode<synchronous>, transform_indices = @transform_4, window_bounds = array<i64: 20>}, {pipeline_mode = #tpu.pipeline_mode<synchronous>, transform_indices = @transform_5, window_bounds = array<i64: 20, 20>}, {pipeline_mode = #tpu.pipeline_mode<synchronous>, transform_indices = @transform_6, window_bounds = array<i64: 20>}, {transform_indices = @transform_7, window_bounds = array<i64: 2000, 20>}]} {
    %get3A = arith.constant 0 : index
    %get3A_0 = arith.constant 0 : index
    %get3A_1 = vector.load %arg1[%get3A, %get3A_0] : memref<2000x20xf32, #tpu.memory_space<vmem>>, vector<2000x20xf32>
    %get3A_2 = arith.constant 0 : index
    %get3A_3 = arith.constant 0 : index
    %get3A_4 = vector.load %arg2[%get3A_2, %get3A_3] : memref<20x20xf32, #tpu.memory_space<vmem>>, vector<20x20xf32>
    %dot_general3A = arith.constant dense<0.000000e+00> : vector<2000x20xf32>
    %dot_general3A_5 = tpu.matmul %get3A_1, %get3A_4, %dot_general3A {dimension_numbers = #tpu.dot_dimension_numbers<[1], [0], [0], [1], [0, 0, 1, 1], [], []>, transpose_lhs_hint = false} : vector<2000x20xf32>, vector<20x20xf32>, vector<2000x20xf32> -> vector<2000x20xf32>
    %get3A_6 = arith.constant 0 : index
    %get3A_7 = vector.load %arg3[%get3A_6] : memref<20xf32, #tpu.memory_space<vmem>>, vector<20xf32>
    %broadcast_in_dim3A = vector.shape_cast %get3A_7 : vector<20xf32> to vector<1x20xf32>
    %add3A = vector.broadcast %broadcast_in_dim3A : vector<1x20xf32> to vector<2000x20xf32>
    %add3A_8 = arith.addf %dot_general3A_5, %add3A : vector<2000x20xf32>
    %max3A = arith.constant 0.000000e+00 : f32
    %max3A_9 = vector.broadcast %max3A : f32 to vector<2000x20xf32>
    %max3A_10 = arith.maximumf %add3A_8, %max3A_9 : vector<2000x20xf32>
    %get3A_11 = arith.constant 0 : index
    %get3A_12 = arith.constant 0 : index
    %get3A_13 = vector.load %arg4[%get3A_11, %get3A_12] : memref<20x20xf32, #tpu.memory_space<vmem>>, vector<20x20xf32>
    %dot_general3A_14 = arith.constant dense<0.000000e+00> : vector<2000x20xf32>
    %dot_general3A_15 = tpu.matmul %max3A_10, %get3A_13, %dot_general3A_14 {dimension_numbers = #tpu.dot_dimension_numbers<[1], [0], [0], [1], [0, 0, 1, 1], [], []>, transpose_lhs_hint = false} : vector<2000x20xf32>, vector<20x20xf32>, vector<2000x20xf32> -> vector<2000x20xf32>
    %get3A_16 = arith.constant 0 : index
    %get3A_17 = vector.load %arg5[%get3A_16] : memref<20xf32, #tpu.memory_space<vmem>>, vector<20xf32>
    %broadcast_in_dim3A_18 = vector.shape_cast %get3A_17 : vector<20xf32> to vector<1x20xf32>
    %add3A_19 = vector.broadcast %broadcast_in_dim3A_18 : vector<1x20xf32> to vector<2000x20xf32>
    %add3A_20 = arith.addf %dot_general3A_15, %add3A_19 : vector<2000x20xf32>
    %get3A_21 = arith.constant 0 : index
    %get3A_22 = arith.constant 0 : index
    %get3A_23 = vector.load %arg6[%get3A_21, %get3A_22] : memref<20x20xf32, #tpu.memory_space<vmem>>, vector<20x20xf32>
    %dot_general3A_24 = arith.constant dense<0.000000e+00> : vector<2000x20xf32>
    %dot_general3A_25 = tpu.matmul %get3A_1, %get3A_23, %dot_general3A_24 {dimension_numbers = #tpu.dot_dimension_numbers<[1], [0], [0], [1], [0, 0, 1, 1], [], []>, transpose_lhs_hint = false} : vector<2000x20xf32>, vector<20x20xf32>, vector<2000x20xf32> -> vector<2000x20xf32>
    %get3A_26 = arith.constant 0 : index
    %get3A_27 = vector.load %arg7[%get3A_26] : memref<20xf32, #tpu.memory_space<vmem>>, vector<20xf32>
    %broadcast_in_dim3A_28 = vector.shape_cast %get3A_27 : vector<20xf32> to vector<1x20xf32>
    %add3A_29 = vector.broadcast %broadcast_in_dim3A_28 : vector<1x20xf32> to vector<2000x20xf32>
    %add3A_30 = arith.addf %dot_general3A_25, %add3A_29 : vector<2000x20xf32>
    %add3A_31 = arith.addf %add3A_30, %add3A_20 : vector<2000x20xf32>
    %swap3A = arith.constant 0 : index
    %swap3A_32 = arith.constant 0 : index
    %swap3A_33 = vector.load %arg8[%swap3A, %swap3A_32] : memref<2000x20xf32, #tpu.memory_space<vmem>>, vector<2000x20xf32>
    tpu.vector_store %arg8[%swap3A, %swap3A_32], %add3A_31 {strides = array<i32>} : memref<2000x20xf32, #tpu.memory_space<vmem>>, vector<2000x20xf32>,
    return
  }
  func.func @transform_0(%arg0: i32) -> (i32, i32) {
    %c0_i32 = arith.constant 0 : i32
    %c0_i32_0 = arith.constant 0 : i32
    return %arg0, %c0_i32 : i32, i32
  }
  func.func @transform_1(%arg0: i32) -> (i32, i32) {
    %c0_i32 = arith.constant 0 : i32
    %c0_i32_0 = arith.constant 0 : i32
    %c0_i32_1 = arith.constant 0 : i32
    return %c0_i32, %c0_i32_0 : i32, i32
  }
  func.func @transform_2(%arg0: i32) -> i32 {
    %c0_i32 = arith.constant 0 : i32
    %c0_i32_0 = arith.constant 0 : i32
    return %c0_i32 : i32
  }
  func.func @transform_3(%arg0: i32) -> (i32, i32) {
    %c0_i32 = arith.constant 0 : i32
    %c0_i32_0 = arith.constant 0 : i32
    %c0_i32_1 = arith.constant 0 : i32
    return %c0_i32, %c0_i32_0 : i32, i32
  }
  func.func @transform_4(%arg0: i32) -> i32 {
    %c0_i32 = arith.constant 0 : i32
    %c0_i32_0 = arith.constant 0 : i32
    return %c0_i32 : i32
  }
  func.func @transform_5(%arg0: i32) -> (i32, i32) {
    %c0_i32 = arith.constant 0 : i32
    %c0_i32_0 = arith.constant 0 : i32
    %c0_i32_1 = arith.constant 0 : i32
    return %c0_i32, %c0_i32_0 : i32, i32
  }
  func.func @transform_6(%arg0: i32) -> i32 {
    %c0_i32 = arith.constant 0 : i32
    %c0_i32_0 = arith.constant 0 : i32
    return %c0_i32 : i32
  }
  func.func @transform_7(%arg0: i32) -> (i32, i32) {
    %c0_i32 = arith.constant 0 : i32
    %c0_i32_0 = arith.constant 0 : i32
    return %arg0, %c0_i32 : i32, i32
  }
}

</mosaic_0001>

<sc_bundles>
// kernel: kernel.5.cloned.1.call-start
scs
__scs_entry_jumppad:
0x0: {  	(pc) =	sbr.rel $0x88, $3  }
0x1: {  	(tag) =	ssettag $0x0;
	lr =	simm.s32 $0x1  }
0x2: {  	[smem:$0x3F98] =	sst lr;
	_ =	strace $0xD0000000  }
0x3: {  	_ = 	snop  }
0x4: {  	_ = 	snop  }
0x5: {  	_ = 	snop  }
0x6: {  	_ = 	snop  }
0x7: {  	_ = 	snop  }
__scs_overlays_trampoline_lowered:
0x8: {  	[smem:$0x3FA7] =	sst s0  }
0x9: {  	[smem:$0x3FA8] =	sst s1  }
0xa: {  	[smem:$0x3FA9] =	sst s2  }
0xb: {  	[smem:$0x3FAA] =	sst s3  }
0xc: {  	[smem:$0x3FAB] =	sst s4  }
0xd: {  	[smem:$0x3FAC] =	sst s5  }
0xe: {  	[smem:$0x3FAD] =	sst s6  }
0xf: {  	[smem:$0x3FAE] =	sst s7  }
0x10: {  	[smem:$0x3FAF] =	sst s8  }
0x11: {  	[smem:$0x3FB0] =	sst s9;
	s0 =	simm.s32 @!p0 $0x0  }
0x12: {  	s1 =	sld [smem:$0x3F96];
	s0 =	simm.s32 @p0 $0x1  }
0x13: {  	[smem:$0x3FB1] =	sst s0;
	s0 =	simm.s32 @!p1 $0x0  }
0x14: {  	s2 =	sld [smem:$0x3F95];
	s0 =	simm.s32 @p1 $0x1  }
0x15: {  	[smem:$0x3FB2] =	sst s0;
	s0 =	simm.s32 @!p2 $0x0  }
0x16: {  	s3 =	sld [smem:$0x3FDB];
	s0 =	simm.s32 @p2 $0x1  }
0x17: {  	s4 =	simm.s32 $0x1BF5;
	[smem:$0x3FB4] =	sst s0  }
0x18: {  	s0 =	sld [smem:$0x3F97];
	_ =	swait.ge [sflag:s4], $0x0  }
0x19: {  	s7 =	sld [smem:$0x3F98]  }
0x1a: {  	s8 =	sadd.s32 $0xFFFFE003, lr  }
0x1b: {  	s9 =	sadd.s32 $0xFFFFFEF7, lr;
	s5 =	simm.s32 $0xFFFFFFFF;
	p2 =	slt.u32 s8, $0xFFFFF086  }
0x1c: {  	p1 =	slt.u32 s9, $0xF7A;
	s5 =	simm.s32 @!p2 $0x0  }
0x1d: {  	s5 =	simm.s32 @p1 $0x1;
	p0 =	seq.s32 s7, s2  }
0x1e: {  	s7 =	smul.u32 @!p0 $0xF7A, s2;
	p2 =	seq.s32 @!p0 s5, $0x0  }
0x1f: {  	s9 =	smul.u32 $0xF7A, s1;
	s8 =	simm.s32 @!p0 $0x1BF5;
	p2 =	por !p2, p0  }
0x20: {  	[sflag:s8] =	ssyncset.s32 @!p0 $0xFFFFF086;
	s6 =	sadd.s32 @!p0 s3, s7;
	s7 =	simm.s32 @!p0 $0x108  }
0x21: {  	s3 =	sadd.s32 s3, s9;
	s6 =	sadd.s32 @!p0 $0x88, s6;
	s7 =	simm.s32 @p2 $0x1082  }
0x22: {  	[simem:s7], [sflag:s8] =	dma.local @!p0 [hbm:s6], $0xF7A  }
0x23: {  	s9 =	sor.u32 $0xD0000000, s2;
	s6 =	simm.s32 $0x108;
	_ =	swait.ge @!p0 [sflag:s8], $0x0  }
0x24: {  	s3 =	sadd.s32 $0x88, s3;
	s6 =	simm.s32 @!p1 $0x1082;
	[sflag:s4] =	ssyncset.s32 $0xFFFFF086  }
0x25: {  	[simem:s6], [sflag:s4] =	dma.local [hbm:s3], $0xF7A  }
0x26: {  	[smem:$0x3F98] =	sst s1;
	(tag) =	ssettag s2;
	_ =	strace s9  }
0x27: {  	s1 =	sld [smem:$0x3FA8]  }
0x28: {  	s2 =	sld [smem:$0x3FA9]  }
0x29: {  	s4 =	sld [smem:$0x3FAB]  }
0x2a: {  	p0 =	seq.s32 s5, $0x0;
	s5 =	sld [smem:$0x3FAC]  }
0x2b: {  	s6 =	sld [smem:$0x3FAD]  }
0x2c: {  	s7 =	sld [smem:$0x3FAE]  }
0x2d: {  	s3 =	simm.s32 $0x108;
	s8 =	sld [smem:$0x3FAF]  }
0x2e: {  	s3 =	simm.s32 @!p0 $0x1082;
	s9 =	sld [smem:$0x3FB0]  }
0x2f: {  	lr =	sadd.s32 s0, s3;
	s0 =	sld [smem:$0x3FA7]  }
0x30: {  	s3 =	sld [smem:$0x3FAA]  }
0x31: {  	[smem:$0x3FB3] =	sst s10  }
0x32: {  	s10 =	sld [smem:$0x3FB1];
	_ =	sdelay $0x3  }
0x33: {  	p0 =	seq.s32 s10, $0x1;
	s10 =	sld [smem:$0x3FB3];
	_ =	sdelay $0x3  }
0x34: {  	[smem:$0x3FB3] =	sst s10  }
0x35: {  	s10 =	sld [smem:$0x3FB2];
	_ =	sdelay $0x3  }
0x36: {  	p1 =	seq.s32 s10, $0x1;
	s10 =	sld [smem:$0x3FB3];
	_ =	sdelay $0x3  }
0x37: {  	[smem:$0x3FB3] =	sst s10  }
0x38: {  	s10 =	sld [smem:$0x3FB4]  }
0x39: {  	_ = 	snop;
	(pc) =	sbr.ind lr, $3  }
0x3a: {  	_ = 	snop  }
0x3b: {  	_ = 	snop  }
0x3c: {  	p2 =	seq.s32 s10, $0x1;
	s10 =	sld [smem:$0x3FB3]  }
0x3d: {  	_ =	shalt  }
0x3e: {  	_ =	shalt  }
0x3f: {  	_ =	shalt  }
0x40: {  	_ =	shalt  }
0x41: {  	_ =	shalt  }
0x42: {  	_ =	shalt  }
0x43: {  	_ =	shalt  }
0x44: {  	_ =	shalt  }
0x45: {  	_ =	shalt  }
0x46: {  	_ =	shalt  }
0x47: {  	_ =	shalt  }
0x48: {  	_ =	shalt  }
0x49: {  	_ =	shalt  }
0x4a: {  	_ =	shalt  }
0x4b: {  	_ =	shalt  }
0x4c: {  	_ =	shalt  }
0x4d: {  	_ =	shalt  }
0x4e: {  	_ =	shalt  }
0x4f: {  	_ =	shalt  }
0x50: {  	_ =	shalt  }
0x51: {  	_ =	shalt  }
0x52: {  	_ =	shalt  }
0x53: {  	_ =	shalt  }
0x54: {  	_ =	shalt  }
0x55: {  	_ =	shalt  }
0x56: {  	_ =	shalt  }
0x57: {  	_ =	shalt  }
0x58: {  	_ =	shalt  }
0x59: {  	_ =	shalt  }
0x5a: {  	_ =	shalt  }
0x5b: {  	_ =	shalt  }
0x5c: {  	_ =	shalt  }
0x5d: {  	_ =	shalt  }
0x5e: {  	_ =	shalt  }
0x5f: {  	_ =	shalt  }
0x60: {  	_ =	shalt  }
0x61: {  	_ =	shalt  }
0x62: {  	_ =	shalt  }
0x63: {  	_ =	shalt  }
0x64: {  	_ =	shalt  }
0x65: {  	_ =	shalt  }
0x66: {  	_ =	shalt  }
0x67: {  	_ =	shalt  }
0x68: {  	_ =	shalt  }
0x69: {  	_ =	shalt  }
0x6a: {  	_ =	shalt  }
0x6b: {  	_ =	shalt  }
0x6c: {  	_ =	shalt  }
0x6d: {  	_ =	shalt  }
0x6e: {  	_ =	shalt  }
0x6f: {  	_ =	shalt  }
0x70: {  	_ =	shalt  }
0x71: {  	_ =	shalt  }
0x72: {  	_ =	shalt  }
0x73: {  	_ =	shalt  }
0x74: {  	_ =	shalt  }
0x75: {  	_ =	shalt  }
0x76: {  	_ =	shalt  }
0x77: {  	_ =	shalt  }
0x78: {  	_ =	shalt  }
0x79: {  	_ =	shalt  }
0x7a: {  	_ =	shalt  }
0x7b: {  	_ =	shalt  }
0x7c: {  	_ =	shalt  }
0x7d: {  	_ =	shalt  }
0x7e: {  	_ =	shalt  }
0x7f: {  	_ =	shalt  }
0x80: {  	_ =	shalt  }
0x81: {  	_ =	shalt  }
0x82: {  	_ =	shalt  }
0x83: {  	_ =	shalt  }
0x84: {  	_ =	shalt  }
0x85: {  	_ =	shalt  }
0x86: {  	_ =	shalt  }
0x87: {  	_ =	shalt  }
.Lfunc_end0:
.L_simem_size_0:
called_computation.1_lowered:
.L_overlay_start_0:
0x88: {  	s2 =	sld [smem:$0x3FD9]  }
0x89: {  	s3 =	sld [smem:$0x3FFE];
	_ =	sdelay $0x1  }
0x8a: {  	s1 =	srdreg.scid  }
0x8b: {  	s0 =	sand.u32 $0x1, s1  }
0x8c: {  	s14 =	sshll.u32 s0, $0xA;
	s2 =	sadd.s32 s3, s2  }
0x8d: {  	s2 =	sadd.s32 s2, s14  }
0x8e: {  	[smem:$0x3FBF] =	sst s2  }
0x8f: {  	_ = 	snop  }
0x90: {  	s2 =	sld [smem:$0x3FD0];
	_ =	sdelay $0x2  }
0x91: {  	s15 =	simm.s32 $0xA;
	s4 =	simm.s32 $0x10  }
0x92: {  	[smem:s4], [sflag:s15] =	dma.local [hbm:s2], $0x1  }
0x93: {  	_ =	swait.eq [sflag:s15], $0x1  }
0x94: {  	[sflag:s15] =	ssyncset.done $0x0  }
0x95: {  	[sflag:s15] =	ssyncadd.s32 $0xFFFFFFFF  }
0x96: {  	s16 =	sld [smem:$0x10];
	(tm) =	ssettm $0x1  }
0x97: {  	s17 =	sld [smem:$0x3FFB];
	_ =	sdelay $0x3  }
0x98: {  	_ =	strace s17  }
0x99: {  	s3 =	sld [smem:$0x3FFC];
	_ =	sdelay $0x3  }
0x9a: {  	_ =	strace s3  }
0x9b: {  	s3 =	sld [smem:$0x3FFD];
	_ =	sdelay $0x3  }
0x9c: {  	_ =	strace s3  }
0x9d: {  	_ =	strace $0x8FFFFFFF  }
0x9e: {  	s18 =	sld [smem:$0x3FDB];
	_ =	sdelay $0x1  }
0x9f: {  	s19 =	simm.s32 $_scs_section_size  }
0xa0: {  	s5 =	simm.s32 $_size__tile_overlayer_lowered;
	s6 =	simm.s32 $_tile_overlayer_lowered  }
0xa1: {  	s22 =	simm.s32 $0x1BFF;
	s21 =	sshll.u32 s6, $0x1;
	s3 =	sadd.s32 s19, s18  }
0xa2: {  	s7 =	simm.s32 $0x0;
	s20 =	sshll.u32 s5, $0x1;
	s5 =	sadd.s32 s21, s3  }
0xa3: {  	[timem:s7], [sflag:s22] =	dma.local [hbm:s5], s20  }
0xa4: {  	_ =	swait.ge [sflag:s22], s20  }
0xa5: {  	s4 =	ssub.s32 $0x0, s20;
	[sflag:s22] =	ssyncset.done $0x0  }
0xa6: {  	[sflag:s22] =	ssyncadd.s32 s4;
	_ =	sdelay $0x1  }
0xa7: {  	s23 =	simm.s32 $0x1B8B  }
0xa8: {  	_ =	swait.ge [sflag:s23], $0x1  }
0xa9: {  	[sflag:s23] =	ssyncset.done $0x0  }
0xaa: {  	s25 =	simm.s32 $0x1B8E;
	s24 =	sld [smem:$0x3FFE];
	[sflag:s23] =	ssyncadd.s32 $0xFFFFFFFF  }
0xab: {  	s26 =	simm.s32 $execute0_lowered;
	[smem:$0x3FD2] =	sst s25  }
0xac: {  	s5 =	sshll.u32 s26, $0x1;
	_ =	strace $0x80000046;
	[dreg:$0x1] =	wrdreg $0xFFFFFFFF  }
0xad: {  	s28 =	simm.s32 $_size_execute0_lowered;
	s3 =	sadd.s32 s3, s5;
	[dreg:$0x0] =	wrdreg $0x0  }
0xae: {  	s5 =	sshll.u32 s28, $0x1;
	[dreg:$0x2] =	wrdreg s3  }
0xaf: {  	[dreg:$0x3] =	wrdreg s5  }
0xb0: {  	[dreg:$0x4] =	wrdreg $0xC0  }
0xb1: {  	_ =	task [dreg:s7], $0x5FFFF  }
0xb2: {  	[dreg:$0x1] =	wrdreg $0xFFFFFFFF  }
0xb3: {  	[dreg:$0x0] =	wrdreg $0x60  }
0xb4: {  	[dreg:$0x2] =	wrdreg s24  }
0xb5: {  	[dreg:$0x3] =	wrdreg s16  }
0xb6: {  	[dreg:$0x4] =	wrdreg $0x9  }
0xb7: {  	_ =	task.clear_ibuf [dreg:s7], $0x5FFFF;
	_ =	strace $0x90000046  }
0xb8: {  	s29 =	simm.s32 $0x9;
	_ =	strace $0x80000048  }
0xb9: {  	_ =	swait.ge [sflag:s29], $0x1  }
0xba: {  	[sflag:s29] =	ssyncadd.s32 $0xFFFFFFFF  }
0xbb: {  	_ =	strace $0x90000048  }
0xbc: {  	_ =	sfence  }
0xbd: {  	s30 =	sld [smem:$0x0];
	_ =	sdelay $0x2  }
0xbe: {  	s31 =	sshll.u32 s1, $0xD;
	s1 =	sshrl.u32 s1, $0x2  }
0xbf: {  	s3 =	sand.u32 $0x4000, s31;
	s1 =	sadd.s32 s1, s30  }
0xc0: {  	s0 =	sor.u32 s3, s0;
	s1 =	sshll.u32 s1, $0x11  }
0xc1: {  	s0 =	sor.u32 s1, s0  }
0xc2: {  	s0 =	sadd.s32 $0x8F2B, s0  }
0xc3: {  	[sflag:s0] =	ssyncadd.remote.s32 $0x1  }
0xc4: {  	_ =	sfence.sel $0xFFFF  }
0xc5: {  	[dreg:$0x0] =	wrdreg $0xFFFFFFFF;
	(pc) =	sbr.abs _section_cstart, $3  }
0xc6: {  	[dreg:$0x1] =	wrdreg $0xFFFFFFFF  }
0xc7: {  	_ =	task.clear_ibuf [dreg:s7], $0x2FFFF;
	_ =	strace $0x9FFFFFFF  }
0xc8: {  	(tm) =	ssettm $0x7FFFFFFF  }
0xc9: {  	_ =	shalt  }
tec
execute0_lowered:
.L_overlay_start_1:
0x0: {  	(tag) =	ssettag $0x1  }
0x1: {  	s0 =	rddreg [dreg:$0x0]  }
0x2: {  	s1 =	rddreg [dreg:$0x1];
	s2 =	simm.s32 $0x0;
	s3 =	srdreg.scid  }
0x3: {  	s7 =	stileid.u32;
	s17 =	simm.s32 $0x1;
	s18 =	simm.s32 $0x2  }
0x4: {  	s19 =	simm.s32 $0x3F00;
	s20 =	simm.s32 $0x3;
	s21 =	simm.s32 $0xDF80  }
0x5: {  	s22 =	simm.s32 $0x5F00;
	s23 =	simm.s32 $0x7F00;
	s24 =	simm.s32 $0x9F00  }
0x6: {  	s25 =	simm.s32 $0x0;
	[smem:$0x7FF] =	sst s2;
	s3 =	sand.u32 $0x1, s3  }
0x7: {  	s4 =	sadd.s32 $0x2000, s0;
	s13 =	sadd.s32 $0x1A800, s0;
	s7 =	sshll.u32 s7, $0x1  }
0x8: {  	s0 =	sadd.s32 $0x41C00, s0;
	s5 =	ssub.s32 $0x2, s3;
	s3 =	sor.u32 s3, s7  }
0x9: {  	_ =	strace $0x80000047;
	s6 =	sshrl.u32 s5, $0x1;
	s29 =	sshll.u32 s3, $0xA  }
0xa: {  	s30 =	sshll.u32 s3, $0x1;
	s8 =	sor.u32 $0x20, s3;
	s10 =	sor.u32 $0x40, s3  }
0xb: {  	s12 =	sor.u32 $0x60, s3;
	s14 =	sor.u32 $0x80, s3;
	p0 =	sgt.u32 s3, $0x1C  }
0xc: {  	s15 =	ssub.s32 s5, s6;
	s5 =	sadd.s32 s13, s29;
	s6 =	sadd.s32 s0, s30  }
0xd: {  	s31 =	sshll.u32 s8, $0xA;
	s8 =	sshll.u32 s8, $0x1;
	s9 =	sshll.u32 s10, $0xA  }
.Ltmp0:
0xe: {  	s10 =	sshll.u32 s10, $0x1;
	s11 =	sshll.u32 s12, $0xA;
	(pc) =	sbr.rel .LBB2_1-.Ltmp0, $4  }
0xf: {  	s12 =	sshll.u32 s12, $0x1;
	s16 =	sshll.u32 s14, $0xA;
	s14 =	sshll.u32 s14, $0x1  }
0x10: {  	s7 =	sadd.s32 s13, s31;
	s8 =	sadd.s32 s0, s8;
	s9 =	sadd.s32 s13, s9  }
0x11: {  	v0 =	vlaneseq.u32;
	s10 =	sadd.s32 s0, s10;
	s11 =	sadd.s32 s13, s11;
	s12 =	sadd.s32 s0, s12  }
0x12: {  	v2 =	vimm.s32 $0x0;
	v3 =	vor.u32 $0xA000, v0;
	v1 =	vmov s3;
	s13 =	sadd.s32 s13, s16;
	s14 =	sadd.s32 s0, s14;
	s15 =	smax.u32 s15, $0x1  }
.LBB2_4:
0x13: {  	v8 =	vimm.s32 $0x0;
	v7 =	vimm.s32 $0x0  }
0x14: {  	v6 =	vimm.s32 $0x0;
	v5 =	vimm.s32 $0x0;
	v4 =	vimm.s32 $0x0  }
.LBB2_5:
0x15: {  	[hbm4b:s5+s2] =	stream.linear.scatter [tilespmem:s19], [sflag:$0x3], $0x2000, $0x38;
	[tilespmem:$0xE000] =	vst v63  }
0x16: {  	_ =	swait.ge [sflag:s20], $0x2000  }
0x17: {  	[sflag:s20] =	ssyncset.done $0x0  }
0x18: {  	[sflag:s20] =	ssyncadd.s32 $0xFFFFE000  }
0x19: {  	[tilespmem:$0xDF80] =	vst v8  }
0x1a: {  	[hbm4b:s6+s2] =	stream.linear.scatter [tilespmem:s21], [sflag:$0x3], $0x10, $0x38;
	[tilespmem:$0xE000] =	vst v63  }
0x1b: {  	_ =	swait.ge [sflag:s20], $0x10  }
0x1c: {  	[sflag:s20] =	ssyncset.done $0x0  }
0x1d: {  	[sflag:s20] =	ssyncadd.s32 $0xFFFFFFF0  }
0x1e: {  	[hbm4b:s7+s2] =	stream.linear.scatter [tilespmem:s22], [sflag:$0x3], $0x2000, $0x38;
	[tilespmem:$0xE000] =	vst v63  }
0x1f: {  	_ =	swait.ge [sflag:s20], $0x2000  }
0x20: {  	[sflag:s20] =	ssyncset.done $0x0  }
0x21: {  	[sflag:s20] =	ssyncadd.s32 $0xFFFFE000  }
0x22: {  	[tilespmem:$0xDF80] =	vst v7  }
0x23: {  	[hbm4b:s8+s2] =	stream.linear.scatter [tilespmem:s21], [sflag:$0x3], $0x10, $0x38;
	[tilespmem:$0xE000] =	vst v63  }
0x24: {  	_ =	swait.ge [sflag:s20], $0x10  }
0x25: {  	[sflag:s20] =	ssyncset.done $0x0  }
0x26: {  	[sflag:s20] =	ssyncadd.s32 $0xFFFFFFF0  }
0x27: {  	[hbm4b:s9+s2] =	stream.linear.scatter [tilespmem:s23], [sflag:$0x3], $0x2000, $0x38;
	[tilespmem:$0xE000] =	vst v63  }
0x28: {  	_ =	swait.ge [sflag:s20], $0x2000  }
0x29: {  	[sflag:s20] =	ssyncset.done $0x0  }
0x2a: {  	[sflag:s20] =	ssyncadd.s32 $0xFFFFE000  }
0x2b: {  	[tilespmem:$0xDF80] =	vst v6  }
0x2c: {  	[hbm4b:s10+s2] =	stream.linear.scatter [tilespmem:s21], [sflag:$0x3], $0x10, $0x38;
	[tilespmem:$0xE000] =	vst v63  }
0x2d: {  	_ =	swait.ge [sflag:s20], $0x10  }
0x2e: {  	[sflag:s20] =	ssyncset.done $0x0  }
0x2f: {  	[sflag:s20] =	ssyncadd.s32 $0xFFFFFFF0  }
0x30: {  	[hbm4b:s11+s2] =	stream.linear.scatter [tilespmem:s24], [sflag:$0x3], $0x2000, $0x38;
	[tilespmem:$0xE000] =	vst v63  }
0x31: {  	_ =	swait.ge [sflag:s20], $0x2000  }
0x32: {  	[sflag:s20] =	ssyncset.done $0x0  }
0x33: {  	[sflag:s20] =	ssyncadd.s32 $0xFFFFE000  }
0x34: {  	[tilespmem:$0xDF80] =	vst v5  }
0x35: {  	[hbm4b:s12+s2] =	stream.linear.scatter [tilespmem:s21], [sflag:$0x3], $0x10, $0x38;
	[tilespmem:$0xE000] =	vst v63  }
0x36: {  	_ =	swait.ge [sflag:s20], $0x10  }
0x37: {  	[sflag:s20] =	ssyncset.done $0x0  }
0x38: {  	s0 =	simm.s32 @!p0 $0x0;
	s3 =	simm.s32 @!p0 $0xBF00;
	[sflag:s20] =	ssyncadd.s32 $0xFFFFFFF0  }
0x39: {  	[hbm4b:s13+s0] =	stream.linear.scatter @!p0 [tilespmem:s3], [sflag:$0x3], $0x2000, $0x38;
	[tilespmem:$0xE000] =	vst v63  }
0x3a: {  	s3 =	simm.s32 @!p0 $0x3  }
0x3b: {  	_ =	swait.ge @!p0 [sflag:s3], $0x2000  }
0x3c: {  	s25 =	sadd.s32 $0x1, s25;
	[sflag:s3] =	ssyncset.done @!p0 $0x0  }
0x3d: {  	p1 =	sne.s32 s25, s15;
	[sflag:s3] =	ssyncadd.s32 @!p0 $0xFFFFE000  }
.Ltmp1:
0x3e: {  	s16 =	simm.s32 @!p0 $0xDF80;
	[tilespmem:$0xDF80] =	vst @!p0 v4;
	(pc) =	sbr.rel @!p1 .LBB2_6-.Ltmp1, $4  }
0x3f: {  	[hbm4b:s14+s0] =	stream.linear.scatter @!p0 [tilespmem:s16], [sflag:$0x3], $0x10, $0x38;
	[tilespmem:$0xE000] =	vst v63  }
0x40: {  	_ =	swait.ge @!p0 [sflag:s3], $0x10  }
0x41: {  	[sflag:s3] =	ssyncset.done @!p0 $0x0  }
0x42: {  	[sflag:s3] =	ssyncadd.s32 @!p0 $0xFFFFFFF0  }
.LBB2_1:
0x43: {  	s0 =	simm.s32 $0x40;
	s3 =	simm.s32 $0x0  }
.LBB2_2:
0x44: {  	p1 =	sne.s32 s0, $0x28000;
	[tilespmem:s3+$0x3F00] =	vst v2;
	s3 =	smov.u32 s0;
	s0 =	sadd.s32 $0x40, s0  }
.Ltmp2:
0x45: {  	(pc) =	sbr.rel @p1 .LBB2_2-.Ltmp2, $2  }
0x46: {  	_ =	sdelay $0x2  }
0x47: {  	s3 =	sshra.s32 s3, $0x2  }
0x48: {  	[tilespmem:s3+$0x3F00] =	vst v2  }
0x49: {  	v4 =	vld [tilespmem:$0x3F00];
	_ =	sdelay $0x4  }
0x4a: {  	(v2sf) =	vpush v4, $0x0;
	_ =	sdelay $0xe  }
0x4b: {  	s0 =	spop (v2sf)  }
0x4c: {  	s26 =	sadd.s32 $0xC8, s0  }
0x4d: {  	p1 =	slt.s32 s26, $0x1  }
.Ltmp3:
0x4e: {  	_ = 	snop;
	(pc) =	sbr.rel @p1 .LBB2_4-.Ltmp3, $4  }
0x4f: {  	_ = 	snop  }
0x50: {  	[tilespmem:s2], [sflag:$0x1] =	stream.linear.gather [hbm4b:s1+s2], $0xFA0, $0x38;
	[tilespmem:$0xE000] =	vst v63  }
0x51: {  	s31 =	simm.s32 $0x1F80  }
0x52: {  	[tilespmem:s31], [sflag:$0x2] =	stream.linear.gather [hbm4b:s4+s2], $0xFA0, $0x38;
	[tilespmem:$0xE000] =	vst v63  }
.Ltmp4:
0x53: {  	(pc) =	sbr.rel .LBB2_9-.Ltmp4, $3  }
0x54: {  	_ =	sdelay $0x1  }
0x55: {  	s28 =	sadd.s32 $0xFA, s0;
	v4 =	vimm.s32 $0x0;
	v5 =	vimm.s32 $0x0  }
0x56: {  	s29 =	simm.s32 $0x0;
	v6 =	vimm.s32 $0x0;
	v7 =	vimm.s32 $0x0;
	v8 =	vimm.s32 $0x0;
	p1 =	slt.s32 s28, $0x1  }
.LBB2_11:
0x57: {  	v10 =	vmov v7;
	v11 =	vmov v8;
	s31 =	smov.u32 s30  }
.LBB2_15:
0x58: {  	v14 =	vshra.s32 v9, $0x6  }
0x59: {  	v15 =	vsel @p2 vm0, $0x1, v2;
	v10 =	vadd.s32 @p2 v13, v10;
	vm0 =	vlt.s32 @p2 v12, $0x1FF  }
0x5a: {  	v57 =	vmul.u32 $0xCCCD, v14;
	v11 =	vadd.s32 @p2 v15, v11;
	vm1 =	vlt.s32 @p2 v10, $0x1FF  }
0x5b: {  	v12 =	vnsel @p2 vm0, $0x1FF, v12;
	vm0 =	vlt.s32 @p2 v11, $0x1FF;
	v10 =	vnsel @p2 vm1, $0x1FF, v10  }
0x5c: {  	v6 =	vpsel p2, v12, v6;
	v14 =	vshra.s32 v57, $0x17;
	v11 =	vnsel @p2 vm0, $0x1FF, v11  }
0x5d: {  	v7 =	vpsel p2, v10, v7;
	vm8 =	veq.s32 v14, $0x3;
	vm2 =	veq.s32 v14, $0x2  }
0x5e: {  	vm9 =	veq.s32 v14, $0x1;
	vm3 =	veq.s32 v14, $0x0;
	v8 =	vpsel p2, v11, v8  }
0x5f: {  	v11 =	vshra.s32 v57, $0x12;
	v59 =	vshll.u32 v14, $0xD;
	v58 =	vsel vm8, v5, v4  }
0x60: {  	vm4 =	veq.s32 v14, $0x4;
	v13 =	vand.u32 $0x1F, v11;
	v12 =	vsel vm2, v6, v58  }
0x61: {  	s0 =	sadd.s32 @p2 $0x10, s31;
	v11 =	vmul.u32 $0xFEC0, v11;
	vm5 =	veq.s32 v13, v1;
	v10 =	vsel vm9, v7, v12  }
0x62: {  	s30 =	smov.u32 @p2 s0;
	vm4 =	vmand vm4, vm5;
	vm2 =	vmand vm2, vm5;
	vm1 =	vmand vm8, vm5  }
0x63: {  	v60 =	vld [tilespmem:s30+$0x0];
	v9 =	vadd.s32 v9, v11;
	vm0 =	vmand vm9, vm5;
	v10 =	vsel vm3, v8, v10  }
0x64: {  	vm12 =	vmand vm3, vm5;
	v61 =	vsel vm4, $0x1, v2;
	v10 =	vshll.u32 v10, $0x4  }
0x65: {  	v11 =	vsel vm1, $0x1, v2;
	v9 =	vshll.u32 v9, $0x10;
	v10 =	vadd.s32 v59, v10  }
0x66: {  	v62 =	vsel vm0, $0x1, v2;
	v63 =	vsel vm12, $0x1, v2;
	v10 =	vor.u32 v0, v10  }
0x67: {  	v4 =	vadd.s32 v61, v4;
	v5 =	vadd.s32 v11, v5;
	v10 =	vsel vm5, v10, v3  }
0x68: {  	v9 =	vor.u32 v60, v9;
	v11 =	vsel vm2, $0x1, v2;
	v7 =	vadd.s32 v62, v7  }
0x69: {  	v8 =	vadd.s32 v63, v8;
	vm10 =	vlt.s32 v4, $0x1FF;
	vm11 =	vlt.s32 v5, $0x1FF  }
0x6a: {  	v6 =	vadd.s32 v11, v6;
	vm14 =	vlt.s32 v7, $0x1FF;
	vm15 =	vlt.s32 v8, $0x1FF  }
0x6b: {  	v4 =	vnsel vm10, $0x1FF, v4;
	v5 =	vnsel vm11, $0x1FF, v5;
	vm13 =	vlt.s32 v6, $0x1FF  }
0x6c: {  	v7 =	vnsel vm14, $0x1FF, v7;
	v8 =	vnsel vm15, $0x1FF, v8;
	v6 =	vnsel vm13, $0x1FF, v6;
	[tilespmem:v10+s19+$0x0] =	vst.idx.msk $0xffff, v9  }
.LBB2_8:
0x6d: {  	p2 =	seq.s32 s29, s26  }
.Ltmp5:
0x6e: {  	_ = 	snop;
	(pc) =	sbr.rel @p2 .LBB2_5-.Ltmp5, $1  }
0x6f: {  	_ =	sdelay $0x3  }
.LBB2_9:
0x70: {  	s0 =	smov.u32 s29;
	p2 =	sgt.u32 s29, $0xC6  }
0x71: {  	s29 =	sadd.s32 $0x1, s29;
	s3 =	sand.u32 @!p2 $0x1, s0  }
0x72: {  	p3 =	seq.s32 @!p2 s3, $0x1;
	s3 =	smul.u32 @!p2 $0x1F4, s29  }
0x73: {  	s30 =	simm.s32 @!p2 $0x0;
	p3 =	por !p3, p2  }
0x74: {  	s16 =	simm.s32 @!p2 $0x0;
	s31 =	sadd.s32 @!p2 s1, s3;
	s30 =	simm.s32 @p3 $0xFA0  }
0x75: {  	[tilespmem:s30], [sflag:$0x1] =	stream.linear.gather @!p2 [hbm4b:s31+s16], $0xFA0, $0x38;
	[tilespmem:$0xE000] =	vst v63  }
0x76: {  	s3 =	sadd.s32 @!p2 s4, s3;
	s30 =	sadd.s32 @!p2 $0x1F80, s30  }
0x77: {  	[tilespmem:s30], [sflag:$0x2] =	stream.linear.gather @!p2 [hbm4b:s3+s16], $0xFA0, $0x38;
	[tilespmem:$0xE000] =	vst v63  }
0x78: {  	_ =	swait.ge [sflag:s17], $0xFA0  }
.Ltmp6:
0x79: {  	[sflag:s17] =	ssyncset.done $0x0;
	(pc) =	sbr.rel @p1 .LBB2_8-.Ltmp6, $4  }
0x7a: {  	[sflag:s17] =	ssyncadd.s32 $0xFFFFF060  }
0x7b: {  	_ =	swait.ge [sflag:s18], $0xFA0  }
0x7c: {  	[sflag:s18] =	ssyncset.done $0x0  }
0x7d: {  	[sflag:s18] =	ssyncadd.s32 $0xFFFFF060  }
0x7e: {  	s0 =	sand.u32 $0x1, s0  }
0x7f: {  	p2 =	seq.s32 s0, $0x1;
	s0 =	simm.s32 $0xFA0  }
0x80: {  	p3 =	seq.s32 s28, $0x1;
	s0 =	simm.s32 @!p2 $0x0  }
.Ltmp7:
0x81: {  	v9 =	vld [tilespmem:s0+$0x0];
	(pc) =	sbr.rel @p3 .LBB2_11-.Ltmp7, $2  }
0x82: {  	_ =	sdelay $0x2  }
0x83: {  	s3 =	sadd.s32 $0xFFFFFFFF, s28;
	p2 =	por $0x0, $0x0;
	s30 =	sadd.s32 $0x1F80, s0  }
0x84: {  	v10 =	vshra.s32 v9, $0x6  }
0x85: {  	v10 =	vmul.u32 $0xCCCD, v10;
	_ =	sdelay $0x1  }
0x86: {  	v11 =	vshra.s32 v10, $0x17  }
0x87: {  	vm1 =	veq.s32 v11, $0x3  }
0x88: {  	vm2 =	veq.s32 v11, $0x2;
	v12 =	vsel vm1, v5, v4  }
0x89: {  	vm3 =	veq.s32 v11, $0x1;
	v12 =	vsel vm2, v6, v12  }
0x8a: {  	vm0 =	veq.s32 v11, $0x0;
	v12 =	vsel vm3, v7, v12  }
0x8b: {  	v12 =	vsel vm0, v8, v12  }
0x8c: {  	v10 =	vshra.s32 v10, $0x12;
	v13 =	vshll.u32 v11, $0xD;
	v12 =	vshll.u32 v12, $0x4  }
0x8d: {  	v12 =	vadd.s32 v13, v12;
	v13 =	vand.u32 $0x1F, v10  }
0x8e: {  	vm4 =	veq.s32 v11, $0x4;
	v11 =	vld [tilespmem:s30+$0x0];
	vm5 =	veq.s32 v13, v1;
	v12 =	vor.u32 v0, v12  }
0x8f: {  	v10 =	vmul.u32 $0xFEC0, v10;
	v12 =	vsel vm5, v12, v3;
	_ =	sdelay $0x1  }
0x90: {  	v9 =	vadd.s32 v9, v10  }
0x91: {  	v9 =	vshll.u32 v9, $0x10  }
0x92: {  	v9 =	vor.u32 v11, v9  }
0x93: {  	p3 =	seq.s32 s3, $0x1;
	s0 =	sadd.s32 $0x10, s0;
	vm4 =	vmand vm4, vm5;
	vm1 =	vmand vm1, vm5;
	[tilespmem:v12+s19+$0x0] =	vst.idx.msk $0xffff, v9  }
.Ltmp8:
0x94: {  	vm2 =	vmand vm2, vm5;
	v13 =	vsel vm4, $0x1, v2;
	v10 =	vsel vm1, $0x1, v2;
	v9 =	vld [tilespmem:s0+$0x0];
	(pc) =	sbr.rel @p3 .LBB2_13-.Ltmp8, $4  }
0x95: {  	v4 =	vadd.s32 v13, v4;
	v5 =	vadd.s32 v10, v5;
	v10 =	vsel vm2, $0x1, v2  }
0x96: {  	vm0 =	vmand vm0, vm5;
	vm1 =	vlt.s32 v4, $0x1FF  }
0x97: {  	vm15 =	vlt.s32 v5, $0x1FF;
	v4 =	vnsel vm1, $0x1FF, v4;
	vm1 =	vmand vm3, vm5  }
0x98: {  	s3 =	sadd.s32 $0xFFFFFFFF, s3;
	p2 =	por $0x1, $0x1;
	s31 =	smov.u32 s30;
	v11 =	vmovc v8;
	v5 =	vnsel vm15, $0x1FF, v5;
	v13 =	vsel vm1, $0x1, v2;
	v12 =	vadd.s32 v10, v6;
	v10 =	vmovc v7  }
.LBB2_14:
0x99: {  	p3 =	seq.s32 s3, $0x1;
	v14 =	vsel vm0, $0x1, v2;
	v10 =	vadd.s32 v13, v10;
	vm0 =	vlt.s32 v12, $0x1FF  }
0x9a: {  	v11 =	vadd.s32 v14, v11;
	vm1 =	vlt.s32 v10, $0x1FF;
	v12 =	vnsel vm0, $0x1FF, v12  }
0x9b: {  	vm0 =	vlt.s32 v11, $0x1FF;
	v10 =	vnsel vm1, $0x1FF, v10  }
0x9c: {  	v11 =	vnsel vm0, $0x1FF, v11  }
0x9d: {  	v13 =	vshra.s32 v9, $0x6  }
0x9e: {  	v13 =	vmul.u32 $0xCCCD, v13;
	_ =	sdelay $0x1  }
0x9f: {  	v14 =	vshra.s32 v13, $0x17  }
0xa0: {  	vm2 =	veq.s32 v14, $0x3;
	vm3 =	veq.s32 v14, $0x4  }
0xa1: {  	vm4 =	veq.s32 v14, $0x2;
	v15 =	vsel vm2, v5, v4  }
0xa2: {  	vm1 =	veq.s32 v14, $0x1;
	v15 =	vsel vm4, v12, v15  }
0xa3: {  	vm0 =	veq.s32 v14, $0x0;
	v15 =	vsel vm1, v10, v15  }
0xa4: {  	v15 =	vsel vm0, v11, v15  }
0xa5: {  	v13 =	vshra.s32 v13, $0x12;
	v14 =	vshll.u32 v14, $0xD;
	v15 =	vshll.u32 v15, $0x4  }
0xa6: {  	s31 =	sadd.s32 $0x10, s31;
	v16 =	vand.u32 $0x1F, v13;
	v14 =	vadd.s32 v14, v15  }
0xa7: {  	vm5 =	veq.s32 v16, v1;
	v14 =	vor.u32 v0, v14;
	v15 =	vld [tilespmem:s31+$0x0]  }
0xa8: {  	v13 =	vmul.u32 $0xFEC0, v13;
	vm3 =	vmand vm3, vm5;
	v14 =	vsel vm5, v14, v3  }
0xa9: {  	vm4 =	vmand vm4, vm5;
	vm2 =	vmand vm2, vm5;
	v16 =	vsel vm3, $0x1, v2  }
.Ltmp9:
0xaa: {  	v9 =	vadd.s32 v9, v13;
	v13 =	vsel vm2, $0x1, v2;
	v4 =	vadd.s32 v16, v4;
	(pc) =	sbr.rel @!p3 .LBB2_14-.Ltmp9, $4  }
0xab: {  	v9 =	vshll.u32 v9, $0x10;
	v5 =	vadd.s32 v13, v5;
	vm2 =	vlt.s32 v4, $0x1FF  }
0xac: {  	vm3 =	vlt.s32 v5, $0x1FF;
	v4 =	vnsel vm2, $0x1FF, v4;
	v9 =	vor.u32 v15, v9  }
0xad: {  	s0 =	sadd.s32 $0x10, s0;
	vm1 =	vmand vm1, vm5;
	v5 =	vnsel vm3, $0x1FF, v5;
	[tilespmem:v14+s19+$0x0] =	vst.idx.msk $0xffff, v9;
	v14 =	vsel vm4, $0x1, v2  }
0xae: {  	s3 =	sadd.s32 $0xFFFFFFFF, s3;
	vm0 =	vmand vm0, vm5;
	v13 =	vsel vm1, $0x1, v2;
	v9 =	vld [tilespmem:s0+$0x0];
	v12 =	vadd.s32 v14, v12  }
.Ltmp10:
0xaf: {  	_ = 	snop;
	(pc) =	sbr.rel .LBB2_15-.Ltmp10, $1  }
0xb0: {  	_ =	sdelay $0x3  }
.LBB2_13:
.Ltmp11:
0xb1: {  	(pc) =	sbr.rel .LBB2_15-.Ltmp11, $2  }
0xb2: {  	_ =	sdelay $0x2  }
0xb3: {  	v10 =	vmov v7;
	v11 =	vmov v8;
	s31 =	smov.u32 s30  }
.LBB2_6:
0xb4: {  	_ =	sfence.sel $0x180000  }
0xb5: {  	[bflag:$0x0] =	sbarrier.arrive $0xFFFF  }
0xb6: {  	_ =	strace $0x90000047  }
0xb7: {  	s0 =	stileid.u32;
	[bflag:$0x2] =	sbarrier.arrive $0xFFFF  }
0xb8: {  	p0 =	sne.s32 s0, $0x0;
	s0 =	rddreg [dreg:$0x2]  }
0xb9: {  	s0 =	sadd.s32 @!p0 $0x100000, s0  }
0xba: {  	[sflag:s0] =	ssyncadd.tile.s32 @!p0 $0x1;
	_ =	shalt  }
.Lfunc_end2:
_tile_overlayer_lowered:
.L_overlay_start_2:
0xbb: {  	(tag) =	ssettag $0x2  }
0xbc: {  	s0 =	rddreg [dreg:$0x0];
	s2 =	stileid.u32  }
0xbd: {  	s1 =	rddreg [dreg:$0x1];
	p0 =	sne.s32 s2, $0x0  }
0xbe: {  	s3 =	rddreg [dreg:$0x2];
	[bflag:$0x3] =	sbarrier.arrive $0xFFFF;
	s2 =	simm.s32 @!p0 $0x1C03  }
0xbf: {  	[timem:s3], [sflag:s2] =	dma.local @!p0 [hbm:s0], s1  }
0xc0: {  	s0 =	simm.s32 @!p0 $0x3  }
0xc1: {  	_ =	swait.ge @!p0 [sflag:s0], s1  }
0xc2: {  	s1 =	ssub.s32 @!p0 $0x0, s1;
	[sflag:s0] =	ssyncset.done @!p0 $0x0  }
0xc3: {  	[sflag:s0] =	ssyncadd.s32 @!p0 s1  }
0xc4: {  	[bflag:$0x3] =	sbarrier.arrive $0xFFFF  }
0xc5: {  	_ =	shalt  }

// kernel: kernel.8.cloned.1.call-start
scs
__scs_entry_jumppad:
0x0: {  	(pc) =	sbr.rel $0x88, $3  }
0x1: {  	(tag) =	ssettag $0x0;
	lr =	simm.s32 $0x1  }
0x2: {  	[smem:$0x3F98] =	sst lr;
	_ =	strace $0xD0000000  }
0x3: {  	_ = 	snop  }
0x4: {  	_ = 	snop  }
0x5: {  	_ = 	snop  }
0x6: {  	_ = 	snop  }
0x7: {  	_ = 	snop  }
__scs_overlays_trampoline_lowered:
0x8: {  	[smem:$0x3FA7] =	sst s0  }
0x9: {  	[smem:$0x3FA8] =	sst s1  }
0xa: {  	[smem:$0x3FA9] =	sst s2  }
0xb: {  	[smem:$0x3FAA] =	sst s3  }
0xc: {  	[smem:$0x3FAB] =	sst s4  }
0xd: {  	[smem:$0x3FAC] =	sst s5  }
0xe: {  	[smem:$0x3FAD] =	sst s6  }
0xf: {  	[smem:$0x3FAE] =	sst s7  }
0x10: {  	[smem:$0x3FAF] =	sst s8  }
0x11: {  	[smem:$0x3FB0] =	sst s9;
	s0 =	simm.s32 @!p0 $0x0  }
0x12: {  	s1 =	sld [smem:$0x3F96];
	s0 =	simm.s32 @p0 $0x1  }
0x13: {  	[smem:$0x3FB1] =	sst s0;
	s0 =	simm.s32 @!p1 $0x0  }
0x14: {  	s2 =	sld [smem:$0x3F95];
	s0 =	simm.s32 @p1 $0x1  }
0x15: {  	[smem:$0x3FB2] =	sst s0;
	s0 =	simm.s32 @!p2 $0x0  }
0x16: {  	s3 =	sld [smem:$0x3FDB];
	s0 =	simm.s32 @p2 $0x1  }
0x17: {  	s4 =	simm.s32 $0x1BF5;
	[smem:$0x3FB4] =	sst s0  }
0x18: {  	s0 =	sld [smem:$0x3F97];
	_ =	swait.ge [sflag:s4], $0x0  }
0x19: {  	s7 =	sld [smem:$0x3F98]  }
0x1a: {  	s8 =	sadd.s32 $0xFFFFE003, lr  }
0x1b: {  	s9 =	sadd.s32 $0xFFFFFEF7, lr;
	s5 =	simm.s32 $0xFFFFFFFF;
	p2 =	slt.u32 s8, $0xFFFFF086  }
0x1c: {  	p1 =	slt.u32 s9, $0xF7A;
	s5 =	simm.s32 @!p2 $0x0  }
0x1d: {  	s5 =	simm.s32 @p1 $0x1;
	p0 =	seq.s32 s7, s2  }
0x1e: {  	s7 =	smul.u32 @!p0 $0xF7A, s2;
	p2 =	seq.s32 @!p0 s5, $0x0  }
0x1f: {  	s9 =	smul.u32 $0xF7A, s1;
	s8 =	simm.s32 @!p0 $0x1BF5;
	p2 =	por !p2, p0  }
0x20: {  	[sflag:s8] =	ssyncset.s32 @!p0 $0xFFFFF086;
	s6 =	sadd.s32 @!p0 s3, s7;
	s7 =	simm.s32 @!p0 $0x108  }
0x21: {  	s3 =	sadd.s32 s3, s9;
	s6 =	sadd.s32 @!p0 $0x88, s6;
	s7 =	simm.s32 @p2 $0x1082  }
0x22: {  	[simem:s7], [sflag:s8] =	dma.local @!p0 [hbm:s6], $0xF7A  }
0x23: {  	s9 =	sor.u32 $0xD0000000, s2;
	s6 =	simm.s32 $0x108;
	_ =	swait.ge @!p0 [sflag:s8], $0x0  }
0x24: {  	s3 =	sadd.s32 $0x88, s3;
	s6 =	simm.s32 @!p1 $0x1082;
	[sflag:s4] =	ssyncset.s32 $0xFFFFF086  }
0x25: {  	[simem:s6], [sflag:s4] =	dma.local [hbm:s3], $0xF7A  }
0x26: {  	[smem:$0x3F98] =	sst s1;
	(tag) =	ssettag s2;
	_ =	strace s9  }
0x27: {  	s1 =	sld [smem:$0x3FA8]  }
0x28: {  	s2 =	sld [smem:$0x3FA9]  }
0x29: {  	s4 =	sld [smem:$0x3FAB]  }
0x2a: {  	p0 =	seq.s32 s5, $0x0;
	s5 =	sld [smem:$0x3FAC]  }
0x2b: {  	s6 =	sld [smem:$0x3FAD]  }
0x2c: {  	s7 =	sld [smem:$0x3FAE]  }
0x2d: {  	s3 =	simm.s32 $0x108;
	s8 =	sld [smem:$0x3FAF]  }
0x2e: {  	s3 =	simm.s32 @!p0 $0x1082;
	s9 =	sld [smem:$0x3FB0]  }
0x2f: {  	lr =	sadd.s32 s0, s3;
	s0 =	sld [smem:$0x3FA7]  }
0x30: {  	s3 =	sld [smem:$0x3FAA]  }
0x31: {  	[smem:$0x3FB3] =	sst s10  }
0x32: {  	s10 =	sld [smem:$0x3FB1];
	_ =	sdelay $0x3  }
0x33: {  	p0 =	seq.s32 s10, $0x1;
	s10 =	sld [smem:$0x3FB3];
	_ =	sdelay $0x3  }
0x34: {  	[smem:$0x3FB3] =	sst s10  }
0x35: {  	s10 =	sld [smem:$0x3FB2];
	_ =	sdelay $0x3  }
0x36: {  	p1 =	seq.s32 s10, $0x1;
	s10 =	sld [smem:$0x3FB3];
	_ =	sdelay $0x3  }
0x37: {  	[smem:$0x3FB3] =	sst s10  }
0x38: {  	s10 =	sld [smem:$0x3FB4]  }
0x39: {  	_ = 	snop;
	(pc) =	sbr.ind lr, $3  }
0x3a: {  	_ = 	snop  }
0x3b: {  	_ = 	snop  }
0x3c: {  	p2 =	seq.s32 s10, $0x1;
	s10 =	sld [smem:$0x3FB3]  }
0x3d: {  	_ =	shalt  }
0x3e: {  	_ =	shalt  }
0x3f: {  	_ =	shalt  }
0x40: {  	_ =	shalt  }
0x41: {  	_ =	shalt  }
0x42: {  	_ =	shalt  }
0x43: {  	_ =	shalt  }
0x44: {  	_ =	shalt  }
0x45: {  	_ =	shalt  }
0x46: {  	_ =	shalt  }
0x47: {  	_ =	shalt  }
0x48: {  	_ =	shalt  }
0x49: {  	_ =	shalt  }
0x4a: {  	_ =	shalt  }
0x4b: {  	_ =	shalt  }
0x4c: {  	_ =	shalt  }
0x4d: {  	_ =	shalt  }
0x4e: {  	_ =	shalt  }
0x4f: {  	_ =	shalt  }
0x50: {  	_ =	shalt  }
0x51: {  	_ =	shalt  }
0x52: {  	_ =	shalt  }
0x53: {  	_ =	shalt  }
0x54: {  	_ =	shalt  }
0x55: {  	_ =	shalt  }
0x56: {  	_ =	shalt  }
0x57: {  	_ =	shalt  }
0x58: {  	_ =	shalt  }
0x59: {  	_ =	shalt  }
0x5a: {  	_ =	shalt  }
0x5b: {  	_ =	shalt  }
0x5c: {  	_ =	shalt  }
0x5d: {  	_ =	shalt  }
0x5e: {  	_ =	shalt  }
0x5f: {  	_ =	shalt  }
0x60: {  	_ =	shalt  }
0x61: {  	_ =	shalt  }
0x62: {  	_ =	shalt  }
0x63: {  	_ =	shalt  }
0x64: {  	_ =	shalt  }
0x65: {  	_ =	shalt  }
0x66: {  	_ =	shalt  }
0x67: {  	_ =	shalt  }
0x68: {  	_ =	shalt  }
0x69: {  	_ =	shalt  }
0x6a: {  	_ =	shalt  }
0x6b: {  	_ =	shalt  }
0x6c: {  	_ =	shalt  }
0x6d: {  	_ =	shalt  }
0x6e: {  	_ =	shalt  }
0x6f: {  	_ =	shalt  }
0x70: {  	_ =	shalt  }
0x71: {  	_ =	shalt  }
0x72: {  	_ =	shalt  }
0x73: {  	_ =	shalt  }
0x74: {  	_ =	shalt  }
0x75: {  	_ =	shalt  }
0x76: {  	_ =	shalt  }
0x77: {  	_ =	shalt  }
0x78: {  	_ =	shalt  }
0x79: {  	_ =	shalt  }
0x7a: {  	_ =	shalt  }
0x7b: {  	_ =	shalt  }
0x7c: {  	_ =	shalt  }
0x7d: {  	_ =	shalt  }
0x7e: {  	_ =	shalt  }
0x7f: {  	_ =	shalt  }
0x80: {  	_ =	shalt  }
0x81: {  	_ =	shalt  }
0x82: {  	_ =	shalt  }
0x83: {  	_ =	shalt  }
0x84: {  	_ =	shalt  }
0x85: {  	_ =	shalt  }
0x86: {  	_ =	shalt  }
0x87: {  	_ =	shalt  }
.Lfunc_end0:
.L_simem_size_0:
called_computation.2_lowered:
.L_overlay_start_0:
0x88: {  	s2 =	sld [smem:$0x3FD9]  }
0x89: {  	s3 =	sld [smem:$0x3FFE];
	_ =	sdelay $0x1  }
0x8a: {  	s1 =	srdreg.scid  }
0x8b: {  	s0 =	sand.u32 $0x1, s1  }
0x8c: {  	s14 =	sshll.u32 s0, $0xA;
	s2 =	sadd.s32 s3, s2  }
0x8d: {  	s2 =	sadd.s32 s2, s14  }
0x8e: {  	[smem:$0x3FBF] =	sst s2  }
0x8f: {  	_ = 	snop  }
0x90: {  	s2 =	sld [smem:$0x3FD0];
	_ =	sdelay $0x2  }
0x91: {  	s15 =	simm.s32 $0xA;
	s4 =	simm.s32 $0x10  }
0x92: {  	[smem:s4], [sflag:s15] =	dma.local [hbm:s2], $0x1  }
0x93: {  	_ =	swait.eq [sflag:s15], $0x1  }
0x94: {  	[sflag:s15] =	ssyncset.done $0x0  }
0x95: {  	[sflag:s15] =	ssyncadd.s32 $0xFFFFFFFF  }
0x96: {  	s16 =	sld [smem:$0x11];
	(tm) =	ssettm $0x1  }
0x97: {  	s17 =	sld [smem:$0x3FFB];
	_ =	sdelay $0x3  }
0x98: {  	_ =	strace s17  }
0x99: {  	s3 =	sld [smem:$0x3FFC];
	_ =	sdelay $0x3  }
0x9a: {  	_ =	strace s3  }
0x9b: {  	s3 =	sld [smem:$0x3FFD];
	_ =	sdelay $0x3  }
0x9c: {  	_ =	strace s3  }
0x9d: {  	_ =	strace $0x8FFFFFFF  }
0x9e: {  	s18 =	sld [smem:$0x3FDB];
	_ =	sdelay $0x1  }
0x9f: {  	s19 =	simm.s32 $_scs_section_size  }
0xa0: {  	s5 =	simm.s32 $_size__tile_overlayer_lowered;
	s6 =	simm.s32 $_tile_overlayer_lowered  }
0xa1: {  	s22 =	simm.s32 $0x1BFF;
	s21 =	sshll.u32 s6, $0x1;
	s3 =	sadd.s32 s19, s18  }
0xa2: {  	s7 =	simm.s32 $0x0;
	s20 =	sshll.u32 s5, $0x1;
	s5 =	sadd.s32 s21, s3  }
0xa3: {  	[timem:s7], [sflag:s22] =	dma.local [hbm:s5], s20  }
0xa4: {  	_ =	swait.ge [sflag:s22], s20  }
0xa5: {  	s4 =	ssub.s32 $0x0, s20;
	[sflag:s22] =	ssyncset.done $0x0  }
0xa6: {  	[sflag:s22] =	ssyncadd.s32 s4;
	_ =	sdelay $0x1  }
0xa7: {  	s23 =	simm.s32 $0x1B8B  }
0xa8: {  	_ =	swait.ge [sflag:s23], $0x1  }
0xa9: {  	[sflag:s23] =	ssyncset.done $0x0  }
0xaa: {  	s25 =	simm.s32 $0x1B8E;
	s24 =	sld [smem:$0x3FFE];
	[sflag:s23] =	ssyncadd.s32 $0xFFFFFFFF  }
0xab: {  	s26 =	simm.s32 $execute0_lowered;
	[smem:$0x3FD2] =	sst s25  }
0xac: {  	s5 =	sshll.u32 s26, $0x1;
	_ =	strace $0x80000049;
	[dreg:$0x1] =	wrdreg $0xFFFFFFFF  }
0xad: {  	s28 =	simm.s32 $_size_execute0_lowered;
	s3 =	sadd.s32 s3, s5;
	[dreg:$0x0] =	wrdreg $0x0  }
0xae: {  	s5 =	sshll.u32 s28, $0x1;
	[dreg:$0x2] =	wrdreg s3  }
0xaf: {  	[dreg:$0x3] =	wrdreg s5  }
0xb0: {  	[dreg:$0x4] =	wrdreg $0xC0  }
0xb1: {  	_ =	task [dreg:s7], $0x5FFFF  }
0xb2: {  	[dreg:$0x1] =	wrdreg $0xFFFFFFFF  }
0xb3: {  	[dreg:$0x0] =	wrdreg $0x60  }
0xb4: {  	[dreg:$0x2] =	wrdreg s24  }
0xb5: {  	[dreg:$0x3] =	wrdreg s16  }
0xb6: {  	[dreg:$0x4] =	wrdreg $0x9  }
0xb7: {  	_ =	task.clear_ibuf [dreg:s7], $0x5FFFF;
	_ =	strace $0x90000049  }
0xb8: {  	s29 =	simm.s32 $0x9;
	_ =	strace $0x8000004B  }
0xb9: {  	_ =	swait.ge [sflag:s29], $0x1  }
0xba: {  	[sflag:s29] =	ssyncadd.s32 $0xFFFFFFFF  }
0xbb: {  	_ =	strace $0x9000004B  }
0xbc: {  	_ =	sfence  }
0xbd: {  	s30 =	sld [smem:$0x0];
	_ =	sdelay $0x2  }
0xbe: {  	s31 =	sshll.u32 s1, $0xD;
	s1 =	sshrl.u32 s1, $0x2  }
0xbf: {  	s3 =	sand.u32 $0x4000, s31;
	s1 =	sadd.s32 s1, s30  }
0xc0: {  	s0 =	sor.u32 s3, s0;
	s1 =	sshll.u32 s1, $0x11  }
0xc1: {  	s0 =	sor.u32 s1, s0  }
0xc2: {  	s0 =	sadd.s32 $0x8F2B, s0  }
0xc3: {  	[sflag:s0] =	ssyncadd.remote.s32 $0x1  }
0xc4: {  	_ =	sfence.sel $0xFFFF  }
0xc5: {  	[dreg:$0x0] =	wrdreg $0xFFFFFFFF;
	(pc) =	sbr.abs _section_cstart, $3  }
0xc6: {  	[dreg:$0x1] =	wrdreg $0xFFFFFFFF  }
0xc7: {  	_ =	task.clear_ibuf [dreg:s7], $0x2FFFF;
	_ =	strace $0x9FFFFFFF  }
0xc8: {  	(tm) =	ssettm $0x7FFFFFFF  }
0xc9: {  	_ =	shalt  }
tec
execute0_lowered:
.L_overlay_start_1:
0x0: {  	(tag) =	ssettag $0x1  }
0x1: {  	s8 =	rddreg [dreg:$0x0]  }
0x2: {  	s1 =	rddreg [dreg:$0x1]  }
0x3: {  	s0 =	rddreg [dreg:$0x2]  }
0x4: {  	s2 =	simm.s32 $0x0;
	s3 =	srdreg.scid;
	s4 =	stileid.u32  }
0x5: {  	s11 =	simm.s32 $0x1E500;
	s12 =	simm.s32 $0x4;
	s13 =	simm.s32 $0x1DB00  }
0x6: {  	s14 =	simm.s32 $0x1AA80;
	s15 =	simm.s32 $0x1;
	s16 =	simm.s32 $0x10  }
0x7: {  	s17 =	simm.s32 $0x1CA80;
	s18 =	simm.s32 $0x1CB00;
	s19 =	simm.s32 $0x2  }
.Ltmp0:
0x8: {  	s20 =	simm.s32 $0x3;
	s3 =	sand.u32 $0x1, s3;
	(pc) =	sbr.rel .LBB2_1-.Ltmp0, $4  }
0x9: {  	s21 =	simm.s32 $0x0;
	[smem:$0x7FF] =	sst s2;
	s9 =	ssub.s32 $0x2, s3  }
0xa: {  	s5 =	sadd.s32 $0x41E00, s8;
	s6 =	sadd.s32 $0x105400, s8;
	s10 =	sshrl.u32 s9, $0x1  }
0xb: {  	v1 =	vlaneseq.u32;
	s7 =	sadd.s32 $0x1A800, s8;
	s8 =	sadd.s32 $0x41C00, s8;
	s10 =	ssub.s32 s9, s10  }
0xc: {  	v0 =	vimm.f32 $0.0e+00;
	v1 =	vmul.u32 $0x80, v1;
	_ =	strace $0x8000004A;
	s9 =	sshll.u32 s4, $0x1;
	s10 =	smax.u32 s10, $0x1  }
.LBB2_13:
0xd: {  	s21 =	sadd.s32 $0x1, s21  }
0xe: {  	p0 =	sne.s32 s21, s10  }
.Ltmp1:
0xf: {  	_ = 	snop;
	(pc) =	sbr.rel @!p0 .LBB2_14-.Ltmp1, $1  }
0x10: {  	_ =	sdelay $0x3  }
.LBB2_1:
.Ltmp2:
0x11: {  	(pc) =	sbr.rel .LBB2_2-.Ltmp2, $2  }
0x12: {  	_ =	sdelay $0x2  }
0x13: {  	[tilespmem:$0x0] =	vst v0;
	s22 =	simm.s32 $0x0  }
.LBB2_11:
0x14: {  	s23 =	smul.u32 $0x3520, s23;
	_ =	sdelay $0x1  }
0x15: {  	s23 =	sadd.s32 s1, s23  }
0x16: {  	[hbm4b:s23+s2] =	stream.linear.scatter [tilespmem:s2], [sflag:$0x3], $0x1A900, $0x38;
	[tilespmem:$0x1E580] =	vst v63  }
0x17: {  	_ =	swait.ge [sflag:s20], $0x1A900  }
0x18: {  	[sflag:s20] =	ssyncset.done $0x0  }
0x19: {  	[sflag:s20] =	ssyncadd.s32 $0xFFFE5700  }
.LBB2_12:
0x1a: {  	s22 =	sadd.s32 $0x1, s22  }
0x1b: {  	p0 =	sne.s32 s22, $0x5  }
.Ltmp3:
0x1c: {  	_ = 	snop;
	(pc) =	sbr.rel @!p0 .LBB2_13-.Ltmp3, $1  }
0x1d: {  	_ =	sdelay $0x3  }
.LBB2_2:
0x1e: {  	s23 =	sshll.u32 s22, $0x5  }
0x1f: {  	s23 =	sor.u32 s23, s9  }
0x20: {  	s23 =	sor.u32 s3, s23  }
0x21: {  	p0 =	sgt.u32 s23, $0x9C  }
.Ltmp4:
0x22: {  	_ = 	snop;
	(pc) =	sbr.rel @p0 .LBB2_12-.Ltmp4, $1  }
0x23: {  	_ =	sdelay $0x3  }
0x24: {  	s24 =	sshll.u32 s23, $0x1  }
0x25: {  	s25 =	simm.s32 $0x0;
	s24 =	sadd.s32 s8, s24  }
0x26: {  	[tilespmem:s11], [sflag:$0x4] =	stream.linear.gather [hbm4b:s24+s25], $0x10, $0x38;
	[tilespmem:$0x1E580] =	vst v63  }
0x27: {  	s30 =	smul.u32 $0x140, s23;
	_ =	swait.ge [sflag:s12], $0x10  }
0x28: {  	[sflag:s12] =	ssyncset.done $0x0  }
0x29: {  	s24 =	sadd.s32 s6, s30;
	[sflag:s12] =	ssyncadd.s32 $0xFFFFFFF0  }
0x2a: {  	[tilespmem:s13], [sflag:$0x4] =	stream.linear.gather [hbm4b:s24+s25], $0xA00, $0x38;
	[tilespmem:$0x1E580] =	vst v63  }
0x2b: {  	_ =	swait.ge [sflag:s12], $0xA00  }
0x2c: {  	s31 =	sshll.u32 s23, $0xA;
	[sflag:s12] =	ssyncset.done $0x0  }
0x2d: {  	s24 =	sadd.s32 s7, s31;
	[sflag:s12] =	ssyncadd.s32 $0xFFFFF600  }
0x2e: {  	v2 =	vld [tilespmem:$0x1E500];
	[tilespmem:s14], [sflag:$0x1] =	stream.linear.gather [hbm4b:s24+s25], $0x2000, $0x38  }
0x2f: {  	s24 =	simm.s32 $0x40;
	s25 =	simm.s32 $0x0  }
.LBB2_4:
0x30: {  	p0 =	sne.s32 s24, $0x6A940;
	[tilespmem:s25+$0x0] =	vst v0;
	s25 =	smov.u32 s24;
	s24 =	sadd.s32 $0x40, s24  }
.Ltmp5:
0x31: {  	(pc) =	sbr.rel @p0 .LBB2_4-.Ltmp5, $2  }
0x32: {  	_ =	sdelay $0x2  }
0x33: {  	s25 =	sshra.s32 s25, $0x2  }
0x34: {  	[tilespmem:s25+$0x0] =	vst v0  }
0x35: {  	_ =	swait.ge [sflag:s15], $0x2000  }
0x36: {  	(v2sf) =	vpush v2, $0x0  }
0x37: {  	(v2sf) =	vpush v2, $0x1;
	_ =	sdelay $0x1  }
0x38: {  	(v2sf) =	vpush v2, $0x2;
	_ =	sdelay $0x1  }
0x39: {  	(v2sf) =	vpush v2, $0x3;
	_ =	sdelay $0x1  }
0x3a: {  	(v2sf) =	vpush v2, $0x4;
	_ =	sdelay $0x1  }
0x3b: {  	(v2sf) =	vpush v2, $0x5;
	_ =	sdelay $0x1  }
0x3c: {  	(v2sf) =	vpush v2, $0x6;
	_ =	sdelay $0x1  }
0x3d: {  	(v2sf) =	vpush v2, $0x7;
	_ =	sdelay $0x1  }
0x3e: {  	s24 =	spop (v2sf);
	(v2sf) =	vpush v2, $0x8  }
0x3f: {  	s25 =	spop (v2sf)  }
0x40: {  	(v2sf) =	vpush v2, $0x9;
	p0 =	sgt.s32 s24, s25  }
0x41: {  	s25 =	smov.u32 @p0 s24;
	s24 =	spop (v2sf)  }
0x42: {  	(v2sf) =	vpush v2, $0xA;
	p0 =	sgt.s32 s25, s24  }
0x43: {  	s24 =	smov.u32 @p0 s25;
	s25 =	spop (v2sf)  }
0x44: {  	(v2sf) =	vpush v2, $0xB;
	p0 =	sgt.s32 s24, s25  }
0x45: {  	s25 =	smov.u32 @p0 s24;
	s24 =	spop (v2sf)  }
0x46: {  	(v2sf) =	vpush v2, $0xC;
	p0 =	sgt.s32 s25, s24  }
0x47: {  	s24 =	smov.u32 @p0 s25;
	s25 =	spop (v2sf)  }
0x48: {  	(v2sf) =	vpush v2, $0xD;
	p0 =	sgt.s32 s24, s25  }
0x49: {  	s25 =	smov.u32 @p0 s24;
	s24 =	spop (v2sf)  }
0x4a: {  	(v2sf) =	vpush v2, $0xE;
	p0 =	sgt.s32 s25, s24  }
0x4b: {  	s24 =	smov.u32 @p0 s25;
	s25 =	spop (v2sf)  }
0x4c: {  	(v2sf) =	vpush v2, $0xF;
	p0 =	sgt.s32 s24, s25  }
0x4d: {  	s25 =	smov.u32 @p0 s24;
	s24 =	spop (v2sf)  }
0x4e: {  	p0 =	sgt.s32 s25, s24  }
0x4f: {  	s24 =	smov.u32 @p0 s25;
	s25 =	spop (v2sf)  }
0x50: {  	p0 =	sgt.s32 s24, s25  }
0x51: {  	s25 =	smov.u32 @p0 s24;
	s24 =	spop (v2sf)  }
0x52: {  	p0 =	sgt.s32 s25, s24  }
0x53: {  	s24 =	smov.u32 @p0 s25;
	s25 =	spop (v2sf)  }
0x54: {  	p0 =	sgt.s32 s24, s25  }
0x55: {  	s25 =	smov.u32 @p0 s24;
	s24 =	spop (v2sf)  }
0x56: {  	p0 =	sgt.s32 s25, s24  }
0x57: {  	s24 =	smov.u32 @p0 s25;
	s25 =	spop (v2sf)  }
0x58: {  	p0 =	sgt.s32 s24, s25  }
0x59: {  	s26 =	spop (v2sf);
	s25 =	smov.u32 @p0 s24  }
0x5a: {  	p0 =	sgt.s32 s25, s26  }
0x5b: {  	s24 =	spop (v2sf);
	s26 =	smov.u32 @p0 s25  }
0x5c: {  	p0 =	sgt.s32 s26, s24  }
0x5d: {  	s24 =	smov.u32 @p0 s26  }
0x5e: {  	p0 =	slt.s32 s24, $0x1  }
.Ltmp6:
0x5f: {  	_ = 	snop;
	(pc) =	sbr.rel @p0 .LBB2_11-.Ltmp6, $3  }
0x60: {  	_ =	sdelay $0x1  }
0x61: {  	[sflag:s15] =	ssyncset.done $0x0  }
0x62: {  	[sflag:s15] =	ssyncadd.s32 $0xFFFFE000  }
0x63: {  	v3 =	vld [tilespmem:$0x1AA80];
	_ =	sdelay $0x4  }
0x64: {  	v3 =	vand.u32 $0xFFFF, v3  }
0x65: {  	s25 =	simm.s32 $0x0;
	s26 =	simm.s32 $0x0;
	[tilespmem:$0x1CA80] =	vst v3  }
0x66: {  	[tilespmem:s18], [sflag:$0x2] =	stream.indirect.gather [hbm4b:s5+s16], $0x80, s17, s16, $0xb8;
	[tilespmem:$0x1E580] =	vst v63  }
.LBB2_8:
0x67: {  	s28 =	smov.u32 s26;
	s26 =	sadd.s32 $0x1, s26  }
0x68: {  	p0 =	sge.s32 s26, s24  }
0x69: {  	s29 =	sshll.u32 @!p0 s26, $0x6  }
0x6a: {  	s29 =	sshra.s32 @!p0 s29, $0x2  }
0x6b: {  	v3 =	vld @!p0 [tilespmem:s29+$0x1AA80];
	_ =	sdelay $0x1  }
0x6c: {  	s29 =	sand.u32 @!p0 $0x1, s28  }
0x6d: {  	p1 =	seq.s32 @!p0 s29, $0x0  }
0x6e: {  	p2 =	por !p1, p0  }
0x6f: {  	s29 =	simm.s32 @!p2 $0x10;
	v3 =	vand.u32 @!p0 $0xFFFF, v3  }
0x70: {  	s30 =	simm.s32 @!p2 $0x1CA90;
	s31 =	simm.s32 @!p2 $0x1D300;
	p0 =	por p1, p0;
	[tilespmem:$0x1CA90] =	vst @!p2 v3  }
0x71: {  	[tilespmem:s31], [sflag:$0x2] =	stream.indirect.gather @!p2 [hbm4b:s5+s29], $0x80, s30, s29, $0xb8;
	[tilespmem:$0x1E580] =	vst v63  }
0x72: {  	s29 =	simm.s32 @!p0 $0x10;
	s30 =	simm.s32 @!p0 $0x1CA80;
	s31 =	simm.s32 @!p0 $0x1CB00;
	[tilespmem:$0x1CA80] =	vst @!p0 v3  }
0x73: {  	[tilespmem:s31], [sflag:$0x2] =	stream.indirect.gather @!p0 [hbm4b:s5+s29], $0x80, s30, s29, $0xb8;
	[tilespmem:$0x1E580] =	vst v63  }
0x74: {  	_ =	swait.ge [sflag:s19], $0x800  }
0x75: {  	s29 =	sshll.u32 s28, $0x6;
	[sflag:s19] =	ssyncset.done $0x0  }
0x76: {  	s29 =	sshra.s32 s29, $0x2;
	[sflag:s19] =	ssyncadd.s32 $0xFFFFF800  }
0x77: {  	v3 =	vld [tilespmem:s29+$0x1AA80];
	_ =	sdelay $0x1  }
0x78: {  	s29 =	sshll.u32 s28, $0x4  }
0x79: {  	s29 =	sand.u32 $0x10, s29  }
0x7a: {  	v4 =	vmov s29  }
0x7b: {  	v5 =	vshra.s32 v3, $0x10;
	v3 =	vshll.u32 v4, $0x7  }
0x7c: {  	v4 =	vshll.u32 v5, $0x3;
	v3 =	vor.u32 v1, v3  }
0x7d: {  	v6 =	vor.u32 $0x14, v3  }
0x7e: {  	v7 =	vor.u32 $0x1, v4  }
0x7f: {  	v8 =	vor.u32 $0x15, v3  }
0x80: {  	v9 =	vor.u32 $0x2, v4  }
0x81: {  	v10 =	vor.u32 $0x16, v3;
	v4 =	vld.idx.msk [tilespmem:v4+s13+$0x0], $0xffff  }
0x82: {  	v6 =	vld.idx.msk [tilespmem:v6+s18+$0x0], $0xffff  }
0x83: {  	v7 =	vld.idx.msk [tilespmem:v7+s13+$0x0], $0xffff  }
0x84: {  	v8 =	vld.idx.msk [tilespmem:v8+s18+$0x0], $0xffff  }
0x85: {  	v9 =	vld.idx.msk [tilespmem:v9+s13+$0x0], $0xffff  }
0x86: {  	v10 =	vld.idx.msk [tilespmem:v10+s18+$0x0], $0xffff;
	_ =	sdelay $0x2  }
0x87: {  	v4 =	vsub.f32 v4, v6;
	v6 =	vsub.f32 v7, v8;
	_ =	sdelay $0x1  }
0x88: {  	v7 =	vsub.f32 v9, v10;
	v8 =	vmul.f32 v4, v4;
	v9 =	vmul.f32 v6, v6;
	_ =	sdelay $0x1  }
0x89: {  	v8 =	vadd.f32 v9, v8;
	v9 =	vmul.f32 v7, v7;
	_ =	sdelay $0x1  }
0x8a: {  	v8 =	vadd.f32 v9, v8;
	_ =	sdelay $0x1  }
0x8b: {  	v9 =	vshra.s32 v8, $0x1;
	v10 =	vmul.f32 $5.000000000e-01, v8  }
0x8c: {  	v9 =	vsub.s32 $0x5F3759DF, v9  }
0x8d: {  	v11 =	vmul.f32 v9, v10;
	_ =	sdelay $0x1  }
0x8e: {  	v11 =	vmul.f32 v9, v11;
	_ =	sdelay $0x1  }
0x8f: {  	v11 =	vsub.f32 $1.500000000e+00, v11;
	_ =	sdelay $0x1  }
0x90: {  	v9 =	vmul.f32 v9, v11;
	_ =	sdelay $0x1  }
0x91: {  	v11 =	vmul.f32 v9, v10;
	_ =	sdelay $0x1  }
0x92: {  	v11 =	vmul.f32 v11, v9;
	_ =	sdelay $0x1  }
0x93: {  	v11 =	vsub.f32 $1.500000000e+00, v11;
	_ =	sdelay $0x1  }
0x94: {  	v9 =	vmul.f32 v11, v9;
	_ =	sdelay $0x1  }
0x95: {  	v10 =	vmul.f32 v9, v10;
	_ =	sdelay $0x1  }
0x96: {  	v10 =	vmul.f32 v10, v9;
	_ =	sdelay $0x1  }
0x97: {  	v10 =	vsub.f32 $1.500000000e+00, v10;
	_ =	sdelay $0x1  }
0x98: {  	v9 =	vmul.f32 v10, v9;
	_ =	sdelay $0x1  }
0x99: {  	v8 =	vmul.f32 v9, v8;
	_ =	sdelay $0x1  }
0x9a: {  	v8 =	vmax.f32 v8, $9.999999960e-13  }
0x9b: {  	(erf) = vrcp.f32 v8;
	_ =	sdelay $0x1  }
0x9c: {  	v12 =	vor.u32 s25, v3;
	_ =	sdelay $0x4  }
0x9d: {  	v22 =	vld.idx.msk [tilespmem:v12+s18+$0x0], $0xffff;
	_ =	sdelay $0x1  }
0x9e: {  	v8 =	vpop (erf)  }
0x9f: {  	v13 =	vmul.u32 $0x154, v5;
	v17 =	vmul.f32 v8, v7  }
0xa0: {  	vm0 =	vgt.s32 v2, s28;
	v19 =	vmul.f32 v8, v4;
	v15 =	vmul.f32 v8, v6  }
0xa1: {  	v14 =	vnsel vm0, $0x1A900, v13;
	v26 =	vmul.f32 $2.820948060e-01, v22;
	v16 =	vmul.f32 v17, v17  }
0xa2: {  	s28 =	simm.s32 $0x14;
	v21 =	vadd.s32 s25, v14;
	v9 =	vmul.f32 v19, v19;
	v11 =	vmul.f32 v15, v15  }
0xa3: {  	v25 =	vadd.s32 s28, v14;
	v6 =	vmul.f32 $4.886025190e-01, v15;
	v18 =	vmul.f32 $1.092548490e+00, v19  }
0xa4: {  	v27 =	vor.u32 $0x3, v25;
	v5 =	vmul.f32 $1.092548490e+00, v15;
	v10 =	vmul.f32 $4.886025190e-01, v17  }
0xa5: {  	v28 =	vadd.s32 $0x4, v25;
	v7 =	vmul.f32 $4.886025190e-01, v19;
	v13 =	vmul.f32 $3.000000000e+00, v9  }
0xa6: {  	v29 =	vadd.s32 $0x5, v25;
	v23 =	vmul.f32 $5.900436040e-01, v15;
	v31 =	vmul.f32 $3.731763360e-01, v17  }
0xa7: {  	v60 =	vmul.f32 $4.570457940e-01, v19;
	v32 =	vmul.f32 $1.445305710e+00, v17;
	v24 =	vsub.f32 v13, v11  }
0xa8: {  	v8 =	vmul.f32 v18, v15;
	v12 =	vmul.f32 v18, v17;
	v18 =	vor.u32 $0x1, v25  }
0xa9: {  	v20 =	vsub.f32 v9, v11;
	v11 =	vmul.f32 v24, v23;
	v23 =	vor.u32 $0x2, v25  }
0xaa: {  	v56 =	vadd.s32 $0x7, v25;
	v4 =	vmul.f32 $3.000000000e+00, v16;
	v5 =	vmul.f32 v5, v17  }
0xab: {  	v57 =	vadd.s32 $0x8, v25;
	[tilespmem:v21+s2+$0x0] =	vst.idx.add.f32.msk $0xffff, v22;
	v9 =	vmul.f32 $2.890611410e+00, v19;
	v21 =	vmul.f32 v22, v6  }
0xac: {  	[tilespmem:v25+s2+$0x0] =	vst.idx.add.f32.msk $0xffff, v26;
	v16 =	vmul.f32 $5.000000000e+00, v16;
	v55 =	vmul.f32 v22, v10;
	v4 =	vadd.f32 $-1.000000000e+00, v4  }
0xad: {  	v9 =	vmul.f32 v9, v15;
	[tilespmem:v18+s2+$0x0] =	vst.idx.add.f32.msk $0xffff, v21;
	v18 =	vmul.f32 v22, v7;
	v21 =	vadd.s32 $0x6, v25  }
0xae: {  	v58 =	vadd.s32 $0x9, v25;
	v4 =	vmul.f32 $3.153915700e-01, v4;
	[tilespmem:v23+s2+$0x0] =	vst.idx.add.f32.msk $0xffff, v55;
	v23 =	vmul.f32 v22, v8  }
0xaf: {  	v59 =	vadd.s32 $0xA, v25;
	v13 =	vmul.f32 $5.462742450e-01, v20;
	[tilespmem:v27+s2+$0x0] =	vst.idx.add.f32.msk $0xffff, v18;
	v18 =	vmul.f32 v22, v5  }
0xb0: {  	v15 =	vmul.f32 $4.570457940e-01, v15;
	v30 =	vadd.f32 $-1.000000000e+00, v16;
	[tilespmem:v28+s2+$0x0] =	vst.idx.add.f32.msk $0xffff, v23;
	v23 =	vmul.f32 v22, v4  }
0xb1: {  	v16 =	vadd.f32 $-3.000000000e+00, v16;
	v9 =	vmul.f32 v9, v17;
	[tilespmem:v29+s2+$0x0] =	vst.idx.add.f32.msk $0xffff, v18;
	v18 =	vmul.f32 v22, v12  }
0xb2: {  	v15 =	vmul.f32 v30, v15;
	[tilespmem:v21+s2+$0x0] =	vst.idx.add.f32.msk $0xffff, v23;
	v21 =	vmul.f32 v22, v13;
	v23 =	vadd.s32 $0xB, v25  }
0xb3: {  	v33 =	vadd.s32 $0xC, v25;
	v16 =	vmul.f32 v16, v31;
	v61 =	vmul.f32 v22, v11;
	[tilespmem:v56+s2+$0x0] =	vst.idx.add.f32.msk $0xffff, v18  }
0xb4: {  	v62 =	vadd.s32 $0xD, v25;
	v17 =	vmul.f32 v30, v60;
	[tilespmem:v57+s2+$0x0] =	vst.idx.add.f32.msk $0xffff, v21;
	v21 =	vmul.f32 v22, v9  }
0xb5: {  	v18 =	vmul.f32 v20, v32;
	v20 =	vmul.f32 v22, v15;
	[tilespmem:v58+s2+$0x0] =	vst.idx.add.f32.msk $0xffff, v61  }
0xb6: {  	[tilespmem:v59+s2+$0x0] =	vst.idx.add.f32.msk $0xffff, v21;
	v21 =	vmul.f32 v22, v16  }
0xb7: {  	v63 =	vadd.s32 $0xE, v25;
	v19 =	vmul.f32 $5.900436040e-01, v19;
	[tilespmem:v23+s2+$0x0] =	vst.idx.add.f32.msk $0xffff, v20;
	v20 =	vmul.f32 v22, v17  }
0xb8: {  	s28 =	simm.s32 $0x1;
	[tilespmem:v33+s2+$0x0] =	vst.idx.add.f32.msk $0xffff, v21;
	v21 =	vadd.s32 $0xF, v25  }
0xb9: {  	v19 =	vmul.f32 v24, v19;
	[tilespmem:v62+s2+$0x0] =	vst.idx.add.f32.msk $0xffff, v20;
	v20 =	vor.u32 s28, v3  }
0xba: {  	v23 =	vmul.f32 v22, v18  }
0xbb: {  	v22 =	vmul.f32 v22, v19  }
0xbc: {  	s30 =	simm.s32 $0x34;
	s29 =	simm.s32 $0x24;
	[tilespmem:v63+s2+$0x0] =	vst.idx.add.f32.msk $0xffff, v23  }
.LBB2_9:
0xbd: {  	p0 =	seq.s32 s30, $0x144;
	[tilespmem:v21+s2+$0x0] =	vst.idx.add.f32.msk $0xffff, v22;
	s31 =	smov.u32 s30;
	s30 =	sadd.s32 $0x10, s30  }
0xbe: {  	v22 =	vld.idx.msk [tilespmem:v20+s18+$0x0], $0xffff;
	_ =	sdelay $0x1  }
0xbf: {  	v20 =	vadd.s32 s28, v14  }
0xc0: {  	v21 =	vadd.s32 s29, v14;
	s29 =	smov.u32 s31  }
0xc1: {  	v23 =	vor.u32 $0x1, v21  }
0xc2: {  	v24 =	vor.u32 $0x2, v21  }
0xc3: {  	v26 =	vor.u32 $0x3, v21;
	v25 =	vmul.f32 $2.820948060e-01, v22  }
0xc4: {  	v27 =	vadd.s32 $0x4, v21;
	[tilespmem:v20+s2+$0x0] =	vst.idx.add.f32.msk $0xffff, v22;
	v20 =	vmul.f32 v22, v6  }
0xc5: {  	v28 =	vadd.s32 $0x5, v21;
	[tilespmem:v21+s2+$0x0] =	vst.idx.add.f32.msk $0xffff, v25;
	v25 =	vmul.f32 v22, v10  }
0xc6: {  	[tilespmem:v23+s2+$0x0] =	vst.idx.add.f32.msk $0xffff, v20;
	v20 =	vmul.f32 v22, v7;
	v23 =	vadd.s32 $0x6, v21  }
0xc7: {  	[tilespmem:v24+s2+$0x0] =	vst.idx.add.f32.msk $0xffff, v25;
	v24 =	vmul.f32 v22, v8;
	v25 =	vadd.s32 $0x7, v21  }
0xc8: {  	[tilespmem:v26+s2+$0x0] =	vst.idx.add.f32.msk $0xffff, v20;
	v20 =	vmul.f32 v22, v5;
	v26 =	vadd.s32 $0x8, v21  }
0xc9: {  	[tilespmem:v27+s2+$0x0] =	vst.idx.add.f32.msk $0xffff, v24;
	v24 =	vmul.f32 v22, v4;
	v27 =	vadd.s32 $0x9, v21  }
0xca: {  	[tilespmem:v28+s2+$0x0] =	vst.idx.add.f32.msk $0xffff, v20;
	v20 =	vmul.f32 v22, v12;
	v28 =	vadd.s32 $0xA, v21  }
0xcb: {  	[tilespmem:v23+s2+$0x0] =	vst.idx.add.f32.msk $0xffff, v24;
	v23 =	vmul.f32 v22, v13;
	v24 =	vadd.s32 $0xB, v21  }
0xcc: {  	[tilespmem:v25+s2+$0x0] =	vst.idx.add.f32.msk $0xffff, v20;
	v20 =	vmul.f32 v22, v11;
	v25 =	vadd.s32 $0xC, v21  }
0xcd: {  	[tilespmem:v26+s2+$0x0] =	vst.idx.add.f32.msk $0xffff, v23;
	v23 =	vmul.f32 v22, v9;
	v26 =	vadd.s32 $0xD, v21  }
0xce: {  	v29 =	vadd.s32 $0xE, v21;
	[tilespmem:v27+s2+$0x0] =	vst.idx.add.f32.msk $0xffff, v20;
	v27 =	vmul.f32 v22, v15  }
.Ltmp7:
0xcf: {  	s28 =	sadd.s32 $0x1, s28;
	v21 =	vadd.s32 $0xF, v21;
	[tilespmem:v28+s2+$0x0] =	vst.idx.add.f32.msk $0xffff, v23;
	v23 =	vmul.f32 v22, v16;
	(pc) =	sbr.rel @!p0 .LBB2_9-.Ltmp7, $4  }
0xd0: {  	v20 =	vor.u32 s28, v3;
	[tilespmem:v24+s2+$0x0] =	vst.idx.add.f32.msk $0xffff, v27;
	v24 =	vmul.f32 v22, v17  }
0xd1: {  	[tilespmem:v25+s2+$0x0] =	vst.idx.add.f32.msk $0xffff, v23;
	v23 =	vmul.f32 v22, v18  }
0xd2: {  	v22 =	vmul.f32 v22, v19;
	[tilespmem:v26+s2+$0x0] =	vst.idx.add.f32.msk $0xffff, v24  }
0xd3: {  	[tilespmem:v29+s2+$0x0] =	vst.idx.add.f32.msk $0xffff, v23  }
0xd4: {  	_ =	sdelay $0x3  }
0xd5: {  	[tilespmem:v21+s2+$0x0] =	vst.idx.add.f32.msk $0xffff, v22  }
0xd6: {  	v3 =	vld.idx.msk [tilespmem:v20+s18+$0x0], $0xffff  }
0xd7: {  	v39 =	vadd.s32 s28, v14  }
0xd8: {  	v40 =	vadd.s32 s29, v14  }
0xd9: {  	v41 =	vor.u32 $0x1, v40  }
0xda: {  	v42 =	vor.u32 $0x2, v40  }
0xdb: {  	v24 =	vor.u32 $0x3, v40;
	v23 =	vmul.f32 $2.820948060e-01, v3  }
0xdc: {  	v43 =	vadd.s32 $0x4, v40;
	[tilespmem:v39+s2+$0x0] =	vst.idx.add.f32.msk $0xffff, v3;
	v6 =	vmul.f32 v3, v6  }
0xdd: {  	v44 =	vadd.s32 $0x5, v40;
	v10 =	vmul.f32 v3, v10;
	[tilespmem:v40+s2+$0x0] =	vst.idx.add.f32.msk $0xffff, v23  }
0xde: {  	v46 =	vadd.s32 $0x6, v40;
	v45 =	vmul.f32 v3, v7;
	[tilespmem:v41+s2+$0x0] =	vst.idx.add.f32.msk $0xffff, v6  }
0xdf: {  	v47 =	vadd.s32 $0x7, v40;
	v8 =	vmul.f32 v3, v8;
	[tilespmem:v42+s2+$0x0] =	vst.idx.add.f32.msk $0xffff, v10  }
0xe0: {  	v48 =	vadd.s32 $0x8, v40;
	v5 =	vmul.f32 v3, v5;
	[tilespmem:v24+s2+$0x0] =	vst.idx.add.f32.msk $0xffff, v45  }
0xe1: {  	v49 =	vadd.s32 $0x9, v40;
	v4 =	vmul.f32 v3, v4;
	[tilespmem:v43+s2+$0x0] =	vst.idx.add.f32.msk $0xffff, v8  }
0xe2: {  	v51 =	vadd.s32 $0xA, v40;
	v50 =	vmul.f32 v3, v12;
	[tilespmem:v44+s2+$0x0] =	vst.idx.add.f32.msk $0xffff, v5  }
0xe3: {  	v53 =	vadd.s32 $0xB, v40;
	v52 =	vmul.f32 v3, v13;
	[tilespmem:v46+s2+$0x0] =	vst.idx.add.f32.msk $0xffff, v4  }
0xe4: {  	v55 =	vadd.s32 $0xC, v40;
	v54 =	vmul.f32 v3, v11;
	[tilespmem:v47+s2+$0x0] =	vst.idx.add.f32.msk $0xffff, v50  }
0xe5: {  	v57 =	vadd.s32 $0xD, v40;
	v56 =	vmul.f32 v3, v9;
	[tilespmem:v48+s2+$0x0] =	vst.idx.add.f32.msk $0xffff, v52  }
0xe6: {  	v59 =	vadd.s32 $0xE, v40;
	v58 =	vmul.f32 v3, v15;
	[tilespmem:v49+s2+$0x0] =	vst.idx.add.f32.msk $0xffff, v54  }
0xe7: {  	v61 =	vadd.s32 $0xF, v40;
	v60 =	vmul.f32 v3, v16;
	[tilespmem:v51+s2+$0x0] =	vst.idx.add.f32.msk $0xffff, v56  }
0xe8: {  	v62 =	vmul.f32 v3, v17;
	[tilespmem:v53+s2+$0x0] =	vst.idx.add.f32.msk $0xffff, v58  }
0xe9: {  	v63 =	vmul.f32 v3, v18;
	[tilespmem:v55+s2+$0x0] =	vst.idx.add.f32.msk $0xffff, v60  }
0xea: {  	v3 =	vmul.f32 v3, v19;
	[tilespmem:v57+s2+$0x0] =	vst.idx.add.f32.msk $0xffff, v62  }
0xeb: {  	[tilespmem:v59+s2+$0x0] =	vst.idx.add.f32.msk $0xffff, v63  }
0xec: {  	[tilespmem:v61+s2+$0x0] =	vst.idx.add.f32.msk $0xffff, v3  }
0xed: {  	p0 =	seq.s32 s26, s24  }
.Ltmp8:
0xee: {  	_ = 	snop;
	(pc) =	sbr.rel @!p0 .LBB2_8-.Ltmp8, $4  }
.Ltmp9:
0xef: {  	_ = 	snop;
	(pc) =	sbr.rel @p0 .LBB2_11-.Ltmp9, $4  }
0xf0: {  	_ = 	snop  }
0xf1: {  	_ = 	snop  }
0xf2: {  	_ = 	snop  }
0xf3: {  	_ = 	snop  }
.LBB2_14:
0xf4: {  	_ =	sfence.sel $0x180000  }
0xf5: {  	[bflag:$0x0] =	sbarrier.arrive $0xFFFF  }
0xf6: {  	p0 =	sne.s32 s4, $0x0;
	_ =	strace $0x9000004A  }
0xf7: {  	s0 =	sadd.s32 @!p0 $0x100000, s0;
	[bflag:$0x2] =	sbarrier.arrive $0xFFFF  }
0xf8: {  	[sflag:s0] =	ssyncadd.tile.s32 @!p0 $0x1;
	_ =	shalt  }
.Lfunc_end2:
_tile_overlayer_lowered:
.L_overlay_start_2:
0xf9: {  	(tag) =	ssettag $0x2  }
0xfa: {  	s0 =	rddreg [dreg:$0x0];
	s2 =	stileid.u32  }
0xfb: {  	s1 =	rddreg [dreg:$0x1];
	p0 =	sne.s32 s2, $0x0  }
0xfc: {  	s3 =	rddreg [dreg:$0x2];
	[bflag:$0x3] =	sbarrier.arrive $0xFFFF;
	s2 =	simm.s32 @!p0 $0x1C03  }
0xfd: {  	[timem:s3], [sflag:s2] =	dma.local @!p0 [hbm:s0], s1  }
0xfe: {  	s0 =	simm.s32 @!p0 $0x3  }
0xff: {  	_ =	swait.ge @!p0 [sflag:s0], s1  }
0x100: {  	s1 =	ssub.s32 @!p0 $0x0, s1;
	[sflag:s0] =	ssyncset.done @!p0 $0x0  }
0x101: {  	[sflag:s0] =	ssyncadd.s32 @!p0 s1  }
0x102: {  	[bflag:$0x3] =	sbarrier.arrive $0xFFFF  }
0x103: {  	_ =	shalt  }

// kernel: sparse-core-data-format-call.cloned.1.call-start
scs
called_computation_lowered:
.L_overlay_start_0:
0x0: {  	s2 =	sld [smem:$0x3FD9]  }
0x1: {  	s3 =	sld [smem:$0x3FFE];
	_ =	sdelay $0x1  }
0x2: {  	s1 =	srdreg.scid  }
0x3: {  	s0 =	sand.u32 $0x1, s1  }
0x4: {  	s15 =	sshll.u32 s0, $0xA;
	s2 =	sadd.s32 s3, s2  }
0x5: {  	s2 =	sadd.s32 s2, s15  }
0x6: {  	[smem:$0x3FBF] =	sst s2  }
0x7: {  	_ = 	snop  }
0x8: {  	s2 =	sld [smem:$0x3FD0];
	_ =	sdelay $0x2  }
0x9: {  	s16 =	simm.s32 $0xA;
	s4 =	simm.s32 $0x10  }
0xa: {  	[smem:s4], [sflag:s16] =	dma.local [hbm:s2], $0x1  }
0xb: {  	_ =	swait.eq [sflag:s16], $0x1  }
0xc: {  	[sflag:s16] =	ssyncset.done $0x0  }
0xd: {  	[sflag:s16] =	ssyncadd.s32 $0xFFFFFFFF  }
0xe: {  	s17 =	sld [smem:$0x11];
	(tm) =	ssettm $0x1  }
0xf: {  	s18 =	sld [smem:$0x3FFB];
	_ =	sdelay $0x3  }
0x10: {  	_ =	strace s18  }
0x11: {  	s3 =	sld [smem:$0x3FFC];
	_ =	sdelay $0x3  }
0x12: {  	_ =	strace s3  }
0x13: {  	s3 =	sld [smem:$0x3FFD];
	_ =	sdelay $0x3  }
0x14: {  	_ =	strace s3  }
0x15: {  	_ =	strace $0x8FFFFFFF  }
0x16: {  	s19 =	sld [smem:$0x3FDB];
	_ =	sdelay $0x1  }
0x17: {  	s20 =	simm.s32 $_scs_section_size  }
0x18: {  	s5 =	simm.s32 $_size__tile_overlayer_lowered;
	s6 =	simm.s32 $_tile_overlayer_lowered  }
0x19: {  	s23 =	simm.s32 $0x1BFF;
	s22 =	sshll.u32 s6, $0x1;
	s3 =	sadd.s32 s20, s19  }
0x1a: {  	s7 =	simm.s32 $0x0;
	s21 =	sshll.u32 s5, $0x1;
	s5 =	sadd.s32 s22, s3  }
0x1b: {  	[timem:s7], [sflag:s23] =	dma.local [hbm:s5], s21  }
0x1c: {  	_ =	swait.ge [sflag:s23], s21  }
0x1d: {  	s4 =	ssub.s32 $0x0, s21;
	[sflag:s23] =	ssyncset.done $0x0  }
0x1e: {  	[sflag:s23] =	ssyncadd.s32 s4;
	_ =	sdelay $0x1  }
0x1f: {  	s24 =	simm.s32 $0x1B8B  }
0x20: {  	_ =	swait.ge [sflag:s24], $0x1  }
0x21: {  	[sflag:s24] =	ssyncset.done $0x0  }
0x22: {  	s26 =	simm.s32 $0x1B8E;
	s25 =	sld [smem:$0x3FFE];
	[sflag:s24] =	ssyncadd.s32 $0xFFFFFFFF  }
0x23: {  	s27 =	simm.s32 $execute0_lowered;
	[smem:$0x3FD2] =	sst s26  }
0x24: {  	s5 =	sshll.u32 s27, $0x1;
	_ =	strace $0x8000004C;
	[dreg:$0x1] =	wrdreg $0xFFFFFFFF  }
0x25: {  	s28 =	simm.s32 $_size_execute0_lowered;
	s3 =	sadd.s32 s3, s5;
	[dreg:$0x0] =	wrdreg $0x0  }
0x26: {  	s5 =	sshll.u32 s28, $0x1;
	[dreg:$0x2] =	wrdreg s3  }
0x27: {  	[dreg:$0x3] =	wrdreg s5  }
0x28: {  	[dreg:$0x4] =	wrdreg $0xC0  }
0x29: {  	_ =	task [dreg:s7], $0x5FFFF  }
0x2a: {  	[dreg:$0x1] =	wrdreg $0xFFFFFFFF  }
0x2b: {  	[dreg:$0x0] =	wrdreg $0x60  }
0x2c: {  	[dreg:$0x2] =	wrdreg s25  }
0x2d: {  	[dreg:$0x3] =	wrdreg s17  }
0x2e: {  	[dreg:$0x4] =	wrdreg $0x9  }
0x2f: {  	_ =	task.clear_ibuf [dreg:s7], $0x5FFFF;
	_ =	strace $0x9000004C  }
0x30: {  	s29 =	simm.s32 $0x9;
	_ =	strace $0x8000004E  }
0x31: {  	_ =	swait.ge [sflag:s29], $0x1  }
0x32: {  	[sflag:s29] =	ssyncadd.s32 $0xFFFFFFFF  }
0x33: {  	_ =	strace $0x9000004E  }
0x34: {  	_ =	sfence  }
0x35: {  	s30 =	sld [smem:$0x0];
	_ =	sdelay $0x2  }
0x36: {  	s31 =	sshll.u32 s1, $0xD;
	s1 =	sshrl.u32 s1, $0x2  }
0x37: {  	s3 =	sand.u32 $0x4000, s31;
	s1 =	sadd.s32 s1, s30  }
0x38: {  	s0 =	sor.u32 s3, s0;
	s1 =	sshll.u32 s1, $0x11  }
0x39: {  	s0 =	sor.u32 s1, s0  }
0x3a: {  	s0 =	sadd.s32 $0x8F2B, s0  }
0x3b: {  	[sflag:s0] =	ssyncadd.remote.s32 $0x1  }
0x3c: {  	_ =	sfence.sel $0xFFFF  }
0x3d: {  	[dreg:$0x0] =	wrdreg $0xFFFFFFFF;
	(pc) =	sbr.abs _section_cstart, $3  }
0x3e: {  	[dreg:$0x1] =	wrdreg $0xFFFFFFFF  }
0x3f: {  	_ =	task.clear_ibuf [dreg:s7], $0x2FFFF;
	_ =	strace $0x9FFFFFFF  }
0x40: {  	(tm) =	ssettm $0x7FFFFFFF  }
0x41: {  	_ =	shalt  }
tec
execute0_lowered:
.L_overlay_start_1:
0x0: {  	(tag) =	ssettag $0x1  }
0x1: {  	s0 =	srdreg.scid  }
0x2: {  	s0 =	sshll.u32 s0, $0x4  }
0x3: {  	s2 =	stileid.u32;
	s0 =	sand.u32 $0x10, s0  }
0x4: {  	s0 =	sor.u32 s2, s0  }
0x5: {  	s12 =	sshll.u32 s0, $0x7  }
0x6: {  	s1 =	rddreg [dreg:$0x0];
	s0 =	ssub.s32 $0xC300, s12  }
0x7: {  	_ =	strace $0x8000004D;
	s29 =	simm.s32 $0x1;
	s0 =	sshrl.u32 s0, $0xC  }
0x8: {  	s30 =	simm.s32 $0x2;
	s14 =	simm.s32 $0x0;
	s0 =	smul.u32 $0x3, s0  }
.Ltmp0:
0x9: {  	s9 =	simm.s32 $0x0;
	s1 =	sadd.s32 $0x208E00, s1;
	(pc) =	sbr.rel .LBB1_1-.Ltmp0, $4  }
0xa: {  	s8 =	simm.s32 $0x0;
	s11 =	simm.s32 $0x0;
	[dreg:$0x4] =	wrdreg s1  }
0xb: {  	s10 =	simm.s32 $0x0;
	[dreg:$0x3] =	wrdreg s12;
	s31 =	sadd.s32 $0x3, s0  }
0xc: {  	[sflag:s29] =	ssyncpa.u1 $0x0;
	s7 =	sadd.s32 $0x4, s0;
	[dreg:$0x5] =	wrdreg s31  }
0xd: {  	s13 =	simm.s32 $0x0;
	[sflag:s30] =	ssyncpa.u1 $0x0;
	[dreg:$0x6] =	wrdreg s7  }
.LBB1_12:
0xe: {  	s8 =	rddreg [dreg:$0x7]  }
0xf: {  	s1 =	sshll.u32 s11, $0x3;
	s25 =	sand.u32 $0x7F, s11;
	s5 =	rddreg [dreg:$0xb]  }
0x10: {  	p1 =	sgt.s32 s11, $0xC300;
	s26 =	rddreg [dreg:$0xa];
	s0 =	sshrl.u32 s8, $0x3  }
0x11: {  	s4 =	smov.u32 s11;
	s30 =	rddreg [dreg:$0x1];
	s0 =	smul.u32 $0x61C00, s0  }
0x12: {  	s31 =	simm.s32 $0x61C00;
	s1 =	sand.u32 $0xFFFFFC00, s1;
	s2 =	sshll.u32 s8, $0x7  }
0x13: {  	s9 =	rddreg [dreg:$0x8];
	s24 =	sand.u32 $0x380, s2;
	s0 =	sadd.s32 s1, s0  }
0x14: {  	p0 =	sgt.s32 s8, $0xD8;
	s3 =	smov.u32 s8;
	s0 =	sor.u32 s24, s0  }
0x15: {  	s4 =	simm.s32 @!p1 $0xC300;
	s1 =	sor.u32 s25, s0;
	s0 =	smulhi.u32 $0xA79C7B17, s0  }
0x16: {  	s3 =	simm.s32 @!p0 $0xD8;
	s4 =	sadd.s32 s26, s4;
	s2 =	smulhi.u32 $0xA79C7B17, s1  }
0x17: {  	s3 =	sadd.s32 s5, s3;
	s7 =	sadd.s32 $0xFFFF3D00, s4;
	s0 =	sshrl.u32 s0, $0xF  }
0x18: {  	s4 =	ssub.s32 $0xC380, s4;
	s2 =	sshrl.u32 s2, $0xF;
	s27 =	smulhi.u32 $0xBE82FB, s0  }
0x19: {  	s6 =	sadd.s32 $0xFFFFFF28, s3;
	p1 =	sgt.s32 s7, $0x7F;
	s2 =	smul.u32 $0xC380, s2  }
0x1a: {  	s3 =	ssub.s32 $0x158, s3;
	p0 =	sgt.s32 s6, $0x7F;
	s5 =	smul.u32 $0x158, s27  }
0x1b: {  	s14 =	rddreg [dreg:$0x9];
	s4 =	simm.s32 @p1 $0x0;
	s3 =	simm.s32 @p0 $0x0  }
0x1c: {  	s28 =	smul.u32 s4, s3;
	s1 =	ssub.s32 s1, s2;
	s0 =	ssub.s32 s0, s5  }
0x1d: {  	s29 =	sshrl.u32 s1, $0x3;
	s1 =	sand.u32 $0x7, s1;
	s0 =	smul.u32 $0x1870, s0  }
0x1e: {  	s7 =	rddreg [dreg:$0x6];
	s3 =	sadd.s32 s30, s29;
	s1 =	sshll.u32 s1, $0x12  }
0x1f: {  	s2 =	sand.u32 $0x3FFFFFFF, s28;
	s1 =	sor.u32 $0x400, s1;
	s0 =	sadd.s32 s0, s3  }
0x20: {  	[hbm4b:s0+s1] =	stream.strided.scatter [tilespmem:s18], [sflag:$0x2], s2, s31, s1, $0x20;
	[tilespmem:$0x10100] =	vst v63  }
.LBB1_13:
0x21: {  	p0 =	slt.u32 s13, $0x2  }
0x22: {  	s1 =	smov.u32 s14;
	s2 =	smov.u32 s9;
	p1 =	sgt.s32 @!p0 s14, $0xD8  }
0x23: {  	s0 =	sshra.s32 @!p0 s14, $0x1F;
	p2 =	sgt.s32 @!p0 s9, $0xC300;
	s3 =	sshra.s32 @!p0 s9, $0x1F  }
0x24: {  	p1 =	por !p1, p0;
	s0 =	sand.u32 @!p0 s0, s14;
	p2 =	por !p2, p0  }
0x25: {  	s3 =	sand.u32 @!p0 s3, s9;
	s1 =	simm.s32 @p1 $0xD8;
	s2 =	simm.s32 @p2 $0xC300  }
0x26: {  	s0 =	ssub.s32 @!p0 s1, s0;
	s1 =	ssub.s32 @!p0 s2, s3  }
0x27: {  	s2 =	sadd.s32 @!p0 $0xFFFFFF28, s0;
	s3 =	sadd.s32 @!p0 $0xFFFF3D00, s1  }
0x28: {  	s0 =	ssub.s32 @!p0 $0x158, s0;
	p1 =	sgt.s32 @!p0 s2, $0x7F;
	p2 =	sgt.s32 @!p0 s3, $0x7F  }
0x29: {  	s1 =	ssub.s32 @!p0 $0xC380, s1;
	p1 =	por !p1, p0;
	p2 =	por !p2, p0  }
0x2a: {  	s0 =	simm.s32 @!p1 $0x0;
	s1 =	simm.s32 @!p2 $0x0  }
0x2b: {  	s0 =	smul.u32 @!p0 s1, s0  }
0x2c: {  	s4 =	smov.u32 s12;
	s2 =	simm.s32 @!p0 $0x2;
	s1 =	sadd.s32 $0x80, s10  }
0x2d: {  	s3 =	sadd.s32 $0x1000, s12;
	p1 =	sgt.s32 s1, $0x153;
	s0 =	sand.u32 @!p0 $0x3FFFFFFF, s0  }
0x2e: {  	s4 =	smov.u32 @p1 s3;
	_ =	swait.ge @!p0 [sflag:s2], s0  }
0x2f: {  	s1 =	simm.s32 @p1 $0x0;
	p1 =	sgt.s32 s4, $0xC34F;
	s3 =	rddreg [dreg:$0x3]  }
0x30: {  	s4 =	smov.u32 @p1 s3;
	p1 =	sne.s32 s13, s7  }
.Ltmp1:
0x31: {  	_ = 	snop;
	(pc) =	sbr.rel @!p1 .LBB1_14-.Ltmp1, $4  }
0x32: {  	s14 =	smov.u32 s8  }
0x33: {  	s9 =	smov.u32 s11;
	s8 =	smov.u32 s10;
	s11 =	smov.u32 s12  }
0x34: {  	s0 =	ssub.s32 @!p0 $0x0, s0;
	s10 =	smov.u32 s1;
	[sflag:s2] =	ssyncset.done @!p0 $0x0  }
0x35: {  	s13 =	sadd.s32 $0x1, s13;
	[sflag:s2] =	ssyncadd.s32 @!p0 s0;
	s12 =	smov.u32 s4  }
.LBB1_1:
0x36: {  	s0 =	rddreg [dreg:$0x5]  }
0x37: {  	s3 =	smov.u32 s12;
	p0 =	sge.u32 s13, s0  }
0x38: {  	s5 =	smov.u32 s10;
	s0 =	sshrl.u32 @!p0 s12, $0x3;
	s1 =	sshll.u32 @!p0 s10, $0x3  }
0x39: {  	s2 =	sshll.u32 @!p0 s12, $0x7;
	p1 =	sgt.s32 @!p0 s12, $0xC2D0;
	s0 =	smul.u32 @!p0 $0xC00, s0  }
0x3a: {  	s4 =	sshra.s32 @!p0 s12, $0x1F;
	s1 =	sand.u32 @!p0 $0xFFFFFC00, s1;
	p1 =	por !p1, p0  }
0x3b: {  	s3 =	simm.s32 @p1 $0xC2D0;
	s0 =	sadd.s32 @!p0 s0, s1;
	s1 =	sand.u32 @!p0 $0x380, s2  }
0x3c: {  	p1 =	sgt.s32 @!p0 s10, $0x100;
	s2 =	sand.u32 @!p0 $0x7F, s10;
	s0 =	sor.u32 @!p0 s1, s0  }
0x3d: {  	s6 =	sshra.s32 @!p0 s10, $0x1F;
	p1 =	por !p1, p0;
	s1 =	sor.u32 @!p0 s2, s0  }
0x3e: {  	s6 =	sand.u32 @!p0 s6, s10;
	s5 =	simm.s32 @p1 $0x100;
	s2 =	smulhi.u32 @!p0 $0xAAAAAAAB, s1  }
0x3f: {  	s4 =	sand.u32 @!p0 s4, s12;
	s0 =	smulhi.u32 @!p0 $0xAAAAAAAB, s0;
	s5 =	ssub.s32 @!p0 s5, s6  }
0x40: {  	s3 =	ssub.s32 @!p0 s3, s4;
	s6 =	sadd.s32 @!p0 $0xFFFFFF00, s5;
	s2 =	sshrl.u32 @!p0 s2, $0x8  }
0x41: {  	s0 =	sshrl.u32 @!p0 s0, $0x8;
	p2 =	sgt.s32 @!p0 s6, $0x7F;
	s2 =	smul.u32 @!p0 $0x180, s2  }
0x42: {  	s5 =	ssub.s32 @!p0 $0x180, s5;
	s4 =	smulhi.u32 @!p0 $0x14F8B59, s0;
	p2 =	por !p2, p0  }
0x43: {  	s1 =	ssub.s32 @!p0 s1, s2;
	s2 =	sadd.s32 @!p0 $0xFFFF3D30, s3;
	s3 =	ssub.s32 @!p0 $0xC350, s3  }
0x44: {  	p1 =	sgt.s32 @!p0 s2, $0x7F;
	s2 =	sshrl.u32 @!p0 s4, $0x8;
	s4 =	sxor.u32 @!p0 $0xFFFFFFFF, s13  }
0x45: {  	s2 =	smul.u32 @!p0 $0xC350, s2;
	p1 =	por !p1, p0;
	s4 =	sshll.u32 @!p0 s4, $0xE  }
0x46: {  	s5 =	simm.s32 @!p2 $0x0;
	s3 =	simm.s32 @!p1 $0x0;
	s4 =	sand.u32 @!p0 $0x4000, s4  }
0x47: {  	s0 =	ssub.s32 @!p0 s0, s2;
	s2 =	smul.u32 @!p0 s3, s5;
	s3 =	sshrl.u32 @!p0 s1, $0x3  }
0x48: {  	s1 =	sand.u32 @!p0 $0x7, s1;
	s5 =	rddreg [dreg:$0x4];
	s0 =	smul.u32 @!p0 $0x30, s0  }
0x49: {  	s3 =	sadd.s32 @!p0 s5, s3;
	s1 =	sshll.u32 @!p0 s1, $0x12;
	s2 =	sand.u32 @!p0 $0x3FFFFFFF, s2  }
0x4a: {  	s1 =	sor.u32 @!p0 $0x400, s1;
	s0 =	sadd.s32 @!p0 s0, s3;
	s3 =	simm.s32 @!p0 $0xC00  }
0x4b: {  	[tilespmem:s4], [sflag:$0x1] =	stream.strided.gather @!p0 [hbm4b:s0+s1], s2, s3, s1, $0x38;
	[tilespmem:$0x10100] =	vst v63  }
0x4c: {  	p0 =	seq.s32 s13, $0x0  }
0x4d: {  	p1 =	sge.u32 @!p0 s13, s7  }
0x4e: {  	p0 =	por p0, p1  }
.Ltmp2:
0x4f: {  	_ = 	snop;
	(pc) =	sbr.rel @p0 .LBB1_13-.Ltmp2, $1  }
0x50: {  	_ =	sdelay $0x3  }
0x51: {  	s0 =	ssub.s32 $0x0, s11;
	s1 =	sshra.s32 s11, $0x1F;
	p0 =	sgt.s32 s11, $0xC2D0  }
0x52: {  	s2 =	smov.u32 s11;
	s25 =	ssub.s32 $0x0, s8;
	s26 =	sshra.s32 s8, $0x1F  }
0x53: {  	s3 =	smov.u32 s8;
	s2 =	simm.s32 @!p0 $0xC2D0;
	p0 =	sgt.s32 s8, $0x100  }
0x54: {  	s4 =	sand.u32 s0, s1;
	s1 =	sand.u32 s25, s26;
	s3 =	simm.s32 @!p0 $0x100  }
0x55: {  	s2 =	sadd.s32 s4, s2;
	[dreg:$0xb] =	wrdreg s1;
	s1 =	sadd.s32 s1, s3  }
0x56: {  	s27 =	sadd.s32 $0xFFFF3D30, s2;
	s2 =	ssub.s32 $0xC350, s2;
	s28 =	sadd.s32 $0xFFFFFF00, s1  }
0x57: {  	p0 =	sgt.s32 s27, $0x7F;
	s0 =	ssub.s32 $0x180, s1;
	p1 =	sgt.s32 s28, $0x7F  }
0x58: {  	s2 =	simm.s32 @p0 $0x0;
	s0 =	simm.s32 @p1 $0x0  }
0x59: {  	s29 =	smul.u32 s2, s0;
	s2 =	sadd.s32 $0x80, s11  }
0x5a: {  	p0 =	slt.s32 s2, $0xC350  }
0x5b: {  	s2 =	simm.s32 @!p0 $0xC350  }
0x5c: {  	[dreg:$0x9] =	wrdreg s14;
	s19 =	ssub.s32 s2, s11  }
0x5d: {  	[dreg:$0x8] =	wrdreg s9;
	p0 =	slt.s32 s19, $0x1  }
.Ltmp3:
0x5e: {  	[dreg:$0x7] =	wrdreg s8;
	s30 =	simm.s32 $0x1;
	(pc) =	sbr.rel @p0 .LBB1_12-.Ltmp3, $4  }
0x5f: {  	[dreg:$0xa] =	wrdreg s4;
	s0 =	sand.u32 $0x1, s13;
	s1 =	sand.u32 $0x3FFFFFFF, s29  }
0x60: {  	s31 =	smul.u32 $0x4080, s0;
	_ =	swait.ge [sflag:s30], s1  }
0x61: {  	s1 =	ssub.s32 $0x0, s1;
	[sflag:s30] =	ssyncset.done $0x0  }
0x62: {  	s18 =	sor.u32 $0x8000, s31;
	[sflag:s30] =	ssyncadd.s32 s1  }
0x63: {  	s2 =	rddreg [dreg:$0x7]  }
0x64: {  	s1 =	sadd.s32 $0x80, s2  }
0x65: {  	p0 =	slt.s32 s1, $0x154  }
.Ltmp4:
0x66: {  	s1 =	simm.s32 @!p0 $0x154;
	(pc) =	sbr.rel .LBB1_4-.Ltmp4, $4  }
0x67: {  	s22 =	sshll.u32 s0, $0xE;
	s1 =	ssub.s32 s1, s2  }
0x68: {  	s24 =	simm.s32 $0x0;
	s25 =	simm.s32 $0x400;
	s1 =	sadd.s32 $0xF, s1  }
0x69: {  	s20 =	sand.u32 $0xFFFFFFF0, s1;
	s21 =	sand.u32 $0xFFFFFF00, s1;
	s31 =	sshll.u32 s1, $0x3  }
0x6a: {  	p0 =	slt.s32 s1, $0x100;
	s23 =	sand.u32 $0xFFFFF800, s31;
	p1 =	sge.s32 s21, s20  }
.LBB1_11:
0x6b: {  	s24 =	sadd.s32 $0x1, s24  }
0x6c: {  	p2 =	sne.s32 s24, s19  }
.Ltmp5:
0x6d: {  	_ = 	snop;
	(pc) =	sbr.rel @!p2 .LBB1_12-.Ltmp5, $2  }
0x6e: {  	_ =	sdelay $0x2  }
0x6f: {  	s25 =	sadd.s32 $0x80, s25  }
.LBB1_4:
.Ltmp6:
0x70: {  	(pc) =	sbr.rel @p0 .LBB1_8-.Ltmp6, $2  }
0x71: {  	_ =	sdelay $0x2  }
0x72: {  	s26 =	sshll.u32 s24, $0x7;
	s27 =	sand.u32 $0x7F, s24  }
0x73: {  	s0 =	sshll.u32 s24, $0x3  }
0x74: {  	s5 =	sand.u32 $0x380, s26;
	s3 =	sshrl.u32 s0, $0x7;
	s2 =	sadd.s32 $0x800, s0  }
0x75: {  	s6 =	sadd.s32 $0x1000, s0;
	s17 =	sadd.s32 s5, s22;
	s16 =	sadd.s32 $0x1800, s0  }
0x76: {  	s9 =	sadd.s32 $0x2800, s0;
	s1 =	sand.u32 $0x78, s3;
	s2 =	sshrl.u32 s2, $0x7  }
0x77: {  	s15 =	sshrl.u32 s6, $0x7;
	s6 =	sshrl.u32 s16, $0x7;
	s14 =	sshrl.u32 s9, $0x7  }
0x78: {  	s16 =	sadd.s32 $0x3000, s0;
	s4 =	smul.u32 $0x204, s1;
	s2 =	sand.u32 $0x78, s2  }
0x79: {  	s0 =	sadd.s32 $0x3800, s0;
	s5 =	sand.u32 $0x78, s15;
	s2 =	smul.u32 $0x204, s2  }
0x7a: {  	v0 =	vmov s17;
	s17 =	sand.u32 $0x3C00, s25;
	s1 =	sxor.u32 $0x40, s1;
	s5 =	smul.u32 $0x204, s5  }
0x7b: {  	s7 =	sand.u32 $0x78, s6;
	s1 =	smul.u32 $0x204, s1;
	s4 =	sshrl.u32 s4, $0x2  }
0x7c: {  	s4 =	sadd.s32 s4, s18;
	s2 =	sshrl.u32 s2, $0x2;
	s8 =	sshrl.u32 s5, $0x2  }
0x7d: {  	s1 =	sshrl.u32 s1, $0x2;
	s2 =	sadd.s32 s2, s18;
	s28 =	sadd.s32 s27, s4  }
0x7e: {  	s4 =	sadd.s32 s8, s18;
	s15 =	sadd.s32 s1, s18;
	s8 =	sshrl.u32 s0, $0x7  }
0x7f: {  	s29 =	sadd.s32 s27, s2;
	s2 =	smul.u32 $0x204, s7;
	s30 =	sadd.s32 s27, s4  }
0x80: {  	s4 =	sand.u32 $0x78, s14;
	s31 =	sadd.s32 s27, s15;
	s7 =	sshrl.u32 s16, $0x7  }
0x81: {  	s9 =	sand.u32 $0x78, s8;
	s14 =	sadd.s32 $0x10, s3;
	s15 =	sadd.s32 $0x20, s3  }
0x82: {  	s4 =	smul.u32 $0x204, s4;
	s5 =	sand.u32 $0x78, s14;
	s6 =	sand.u32 $0x78, s15  }
0x83: {  	s14 =	sadd.s32 $0x60, s3;
	s2 =	sshrl.u32 s2, $0x2;
	s5 =	smul.u32 $0x204, s5  }
0x84: {  	s6 =	smul.u32 $0x204, s6;
	s14 =	sand.u32 $0x78, s14;
	s2 =	sadd.s32 s2, s18  }
0x85: {  	s4 =	sshrl.u32 s4, $0x2;
	s14 =	smul.u32 $0x204, s14;
	s1 =	sadd.s32 s27, s2  }
0x86: {  	s2 =	sand.u32 $0x78, s7;
	s4 =	sadd.s32 s4, s18;
	s5 =	sshrl.u32 s5, $0x2  }
0x87: {  	s7 =	sadd.s32 $0x30, s3;
	s0 =	sadd.s32 s27, s4;
	s4 =	smul.u32 $0x204, s9  }
0x88: {  	s16 =	sadd.s32 s5, s18;
	s5 =	sand.u32 $0x78, s7;
	s7 =	sadd.s32 $0x50, s3  }
0x89: {  	s6 =	sshrl.u32 s6, $0x2;
	s3 =	sadd.s32 $0x70, s3;
	s7 =	sand.u32 $0x78, s7  }
0x8a: {  	v1 =	vld.idx.msk [tilespmem:v0+s17+$0x0 ss:$0x1], $0xffff;
	s3 =	sand.u32 $0x78, s3;
	s4 =	sshrl.u32 s4, $0x2;
	s7 =	smul.u32 $0x204, s7  }
0x8b: {  	s14 =	sshrl.u32 s14, $0x2;
	s3 =	smul.u32 $0x204, s3;
	s4 =	sadd.s32 s4, s18  }
0x8c: {  	s15 =	sadd.s32 s6, s18;
	s14 =	sadd.s32 s14, s18;
	s8 =	sadd.s32 s27, s4  }
0x8d: {  	s4 =	sadd.s32 s27, s15;
	s7 =	sshrl.u32 s7, $0x2;
	s3 =	sshrl.u32 s3, $0x2  }
0x8e: {  	s15 =	sadd.s32 $0xFFFFFC00, s25;
	s7 =	sadd.s32 s7, s18;
	s9 =	sadd.s32 s3, s18  }
0x8f: {  	[tilespmem:s28+$0x0 ss:$0x81] =	vst.msk $0xffff, v1;
	v1 =	vld.idx.msk [tilespmem:v0+s17+$0x20 ss:$0x1], $0xffff;
	s3 =	sadd.s32 s27, s7;
	s7 =	sadd.s32 s27, s14;
	s14 =	sand.u32 $0x3C00, s15  }
0x90: {  	v2 =	vld.idx.msk [tilespmem:v0+s14+$0x70 ss:$0x1], $0xffff  }
0x91: {  	v3 =	vld.idx.msk [tilespmem:v0+s14+$0x0 ss:$0x1], $0xffff  }
0x92: {  	v4 =	vld.idx.msk [tilespmem:v0+s14+$0x10 ss:$0x1], $0xffff  }
0x93: {  	v5 =	vld.idx.msk [tilespmem:v0+s14+$0x20 ss:$0x1], $0xffff  }
0x94: {  	v6 =	vld.idx.msk [tilespmem:v0+s14+$0x30 ss:$0x1], $0xffff  }
0x95: {  	v7 =	vld.idx.msk [tilespmem:v0+s14+$0x40 ss:$0x1], $0xffff;
	[tilespmem:s8+$0x0 ss:$0x81] =	vst.msk $0xffff, v2  }
0x96: {  	s2 =	smul.u32 $0x204, s2;
	v8 =	vld.idx.msk [tilespmem:v0+s14+$0x50 ss:$0x1], $0xffff;
	[tilespmem:s28+$0x0 ss:$0x81] =	vst.msk $0xffff, v3  }
0x97: {  	p2 =	sgt.s32 s21, $0x100;
	s5 =	smul.u32 $0x204, s5;
	v9 =	vld.idx.msk [tilespmem:v0+s14+$0x60 ss:$0x1], $0xffff;
	[tilespmem:s29+$0x0 ss:$0x81] =	vst.msk $0xffff, v4  }
.Ltmp7:
0x98: {  	v4 =	vld.idx.msk [tilespmem:v0+s17+$0x10 ss:$0x1], $0xffff;
	[tilespmem:s30+$0x0 ss:$0x81] =	vst.msk $0xffff, v5;
	(pc) =	sbr.rel @!p2 .LBB1_7-.Ltmp7, $4  }
0x99: {  	s2 =	sshrl.u32 s2, $0x2;
	s5 =	sshrl.u32 s5, $0x2;
	[tilespmem:s1+$0x0 ss:$0x81] =	vst.msk $0xffff, v6;
	v2 =	vld.idx.msk [tilespmem:v0+s17+$0x30 ss:$0x1], $0xffff  }
0x9a: {  	s2 =	sadd.s32 s2, s18;
	s5 =	sadd.s32 s5, s18;
	[tilespmem:s31+$0x0 ss:$0x81] =	vst.msk $0xffff, v7;
	v3 =	vld.idx.msk [tilespmem:v0+s17+$0x40 ss:$0x1], $0xffff  }
0x9b: {  	s6 =	sadd.s32 s27, s16;
	s2 =	sadd.s32 s27, s2;
	s5 =	sadd.s32 s27, s5;
	[tilespmem:s0+$0x0 ss:$0x81] =	vst.msk $0xffff, v8;
	v5 =	vld.idx.msk [tilespmem:v0+s17+$0x50 ss:$0x1], $0xffff  }
0x9c: {  	s16 =	sadd.s32 s27, s9;
	s15 =	sadd.s32 $0x800, s25;
	s14 =	simm.s32 $0x100;
	[tilespmem:s2+$0x0 ss:$0x81] =	vst.msk $0xffff, v9;
	v6 =	vld.idx.msk [tilespmem:v0+s17+$0x60 ss:$0x1], $0xffff  }
.LBB1_6:
0x9d: {  	s9 =	sadd.s32 $0xFFFFFC00, s15;
	s14 =	sadd.s32 $0x100, s14;
	[tilespmem:s6+$0x0 ss:$0x81] =	vst.msk $0xffff, v4;
	v4 =	vld.idx.msk [tilespmem:v0+s17+$0x70 ss:$0x1], $0xffff;
	s17 =	sand.u32 $0x3C00, s15  }
0x9e: {  	s9 =	sand.u32 $0x3C00, s9;
	v7 =	vld.idx.msk [tilespmem:v0+s17+$0x0 ss:$0x1], $0xffff;
	p2 =	slt.s32 s14, s21;
	[tilespmem:s4+$0x0 ss:$0x81] =	vst.msk $0xffff, v1  }
0x9f: {  	v1 =	vld.idx.msk [tilespmem:v0+s9+$0x70 ss:$0x1], $0xffff;
	[tilespmem:s5+$0x0 ss:$0x81] =	vst.msk $0xffff, v2  }
0xa0: {  	v2 =	vld.idx.msk [tilespmem:v0+s9+$0x0 ss:$0x1], $0xffff;
	[tilespmem:s31+$0x0 ss:$0x81] =	vst.msk $0xffff, v3  }
0xa1: {  	v3 =	vld.idx.msk [tilespmem:v0+s9+$0x10 ss:$0x1], $0xffff;
	[tilespmem:s3+$0x0 ss:$0x81] =	vst.msk $0xffff, v5  }
0xa2: {  	v5 =	vld.idx.msk [tilespmem:v0+s9+$0x20 ss:$0x1], $0xffff;
	[tilespmem:s7+$0x0 ss:$0x81] =	vst.msk $0xffff, v6  }
0xa3: {  	v6 =	vld.idx.msk [tilespmem:v0+s9+$0x30 ss:$0x1], $0xffff;
	[tilespmem:s16+$0x0 ss:$0x81] =	vst.msk $0xffff, v4  }
0xa4: {  	v8 =	vld.idx.msk [tilespmem:v0+s9+$0x40 ss:$0x1], $0xffff;
	[tilespmem:s28+$0x0 ss:$0x81] =	vst.msk $0xffff, v7  }
0xa5: {  	v7 =	vld.idx.msk [tilespmem:v0+s9+$0x50 ss:$0x1], $0xffff;
	[tilespmem:s8+$0x0 ss:$0x81] =	vst.msk $0xffff, v1  }
0xa6: {  	[tilespmem:s28+$0x0 ss:$0x81] =	vst.msk $0xffff, v2;
	v9 =	vld.idx.msk [tilespmem:v0+s9+$0x60 ss:$0x1], $0xffff  }
0xa7: {  	[tilespmem:s29+$0x0 ss:$0x81] =	vst.msk $0xffff, v3;
	v4 =	vld.idx.msk [tilespmem:v0+s17+$0x10 ss:$0x1], $0xffff  }
.Ltmp8:
0xa8: {  	[tilespmem:s30+$0x0 ss:$0x81] =	vst.msk $0xffff, v5;
	v1 =	vld.idx.msk [tilespmem:v0+s17+$0x20 ss:$0x1], $0xffff;
	(pc) =	sbr.rel @p2 .LBB1_6-.Ltmp8, $4  }
0xa9: {  	[tilespmem:s1+$0x0 ss:$0x81] =	vst.msk $0xffff, v6;
	v2 =	vld.idx.msk [tilespmem:v0+s17+$0x30 ss:$0x1], $0xffff  }
0xaa: {  	[tilespmem:s31+$0x0 ss:$0x81] =	vst.msk $0xffff, v8;
	v3 =	vld.idx.msk [tilespmem:v0+s17+$0x40 ss:$0x1], $0xffff  }
0xab: {  	[tilespmem:s0+$0x0 ss:$0x81] =	vst.msk $0xffff, v7;
	v5 =	vld.idx.msk [tilespmem:v0+s17+$0x50 ss:$0x1], $0xffff  }
0xac: {  	s15 =	sadd.s32 $0x800, s15;
	[tilespmem:s2+$0x0 ss:$0x81] =	vst.msk $0xffff, v9;
	v6 =	vld.idx.msk [tilespmem:v0+s17+$0x60 ss:$0x1], $0xffff  }
.LBB1_7:
0xad: {  	_ =	sdelay $0x2  }
0xae: {  	[tilespmem:s6+$0x0 ss:$0x81] =	vst.msk $0xffff, v4  }
0xaf: {  	v0 =	vld.idx.msk [tilespmem:v0+s17+$0x70 ss:$0x1], $0xffff;
	[tilespmem:s4+$0x0 ss:$0x81] =	vst.msk $0xffff, v1  }
0xb0: {  	[tilespmem:s5+$0x0 ss:$0x81] =	vst.msk $0xffff, v2  }
0xb1: {  	[tilespmem:s31+$0x0 ss:$0x81] =	vst.msk $0xffff, v3  }
0xb2: {  	[tilespmem:s3+$0x0 ss:$0x81] =	vst.msk $0xffff, v5  }
0xb3: {  	[tilespmem:s7+$0x0 ss:$0x81] =	vst.msk $0xffff, v6  }
0xb4: {  	[tilespmem:s16+$0x0 ss:$0x81] =	vst.msk $0xffff, v0  }
.LBB1_8:
.Ltmp9:
0xb5: {  	(pc) =	sbr.rel @p1 .LBB1_11-.Ltmp9, $1  }
0xb6: {  	_ =	sdelay $0x3  }
0xb7: {  	s1 =	sand.u32 $0x380, s26;
	s0 =	sshrl.u32 s24, $0x4;
	s2 =	sadd.s32 s27, s18  }
0xb8: {  	s3 =	smov.u32 s23;
	s4 =	smov.u32 s21;
	s1 =	sadd.s32 s1, s22  }
.LBB1_10:
0xb9: {  	s5 =	sand.u32 $0x3C00, s3  }
0xba: {  	s5 =	sadd.s32 s26, s5  }
0xbb: {  	s5 =	sand.u32 $0x3C00, s5  }
0xbc: {  	s6 =	sand.u32 $0x70, s4;
	s30 =	sadd.s32 s4, s0;
	s5 =	sadd.s32 s5, s1  }
0xbd: {  	s4 =	sadd.s32 $0x10, s4;
	s31 =	sand.u32 $0x78, s30;
	s5 =	sadd.s32 s6, s5  }
0xbe: {  	p2 =	slt.s32 s4, s20;
	v0 =	vld [tilespmem:s5+$0x0];
	s5 =	smul.u32 $0x204, s31  }
.Ltmp10:
0xbf: {  	_ = 	snop;
	(pc) =	sbr.rel @p2 .LBB1_10-.Ltmp10, $4  }
0xc0: {  	_ = 	snop  }
0xc1: {  	s5 =	sshrl.u32 s5, $0x2  }
0xc2: {  	s5 =	sadd.s32 s5, s2  }
0xc3: {  	s3 =	sadd.s32 $0x80, s3;
	[tilespmem:s5+$0x0 ss:$0x81] =	vst.msk $0xffff, v0  }
.Ltmp11:
0xc4: {  	_ = 	snop;
	(pc) =	sbr.rel .LBB1_11-.Ltmp11, $1  }
0xc5: {  	_ =	sdelay $0x3  }
.LBB1_14:
0xc6: {  	_ =	sfence.sel $0x180000  }
0xc7: {  	s0 =	simm.s32 $0x1;
	[bflag:$0x0] =	sbarrier.arrive $0xFFFF  }
0xc8: {  	s30 =	simm.s32 $0x2;
	[sflag:s0] =	ssyncpa.u1 $0x1  }
0xc9: {  	[sflag:s30] =	ssyncpa.u1 $0x1  }
0xca: {  	_ =	strace $0x9000004D  }
0xcb: {  	s31 =	stileid.u32;
	[bflag:$0x2] =	sbarrier.arrive $0xFFFF  }
0xcc: {  	p0 =	sne.s32 s31, $0x0;
	s0 =	rddreg [dreg:$0x2]  }
0xcd: {  	s0 =	sadd.s32 @!p0 $0x100000, s0  }
0xce: {  	[sflag:s0] =	ssyncadd.tile.s32 @!p0 $0x1;
	_ =	shalt  }
.Lfunc_end1:
_tile_overlayer_lowered:
.L_overlay_start_2:
0xcf: {  	(tag) =	ssettag $0x2  }
0xd0: {  	s0 =	rddreg [dreg:$0x0];
	s2 =	stileid.u32  }
0xd1: {  	s1 =	rddreg [dreg:$0x1];
	p0 =	sne.s32 s2, $0x0  }
0xd2: {  	s3 =	rddreg [dreg:$0x2];
	[bflag:$0x3] =	sbarrier.arrive $0xFFFF;
	s2 =	simm.s32 @!p0 $0x1C01  }
0xd3: {  	[timem:s3], [sflag:s2] =	dma.local @!p0 [hbm:s0], s1  }
0xd4: {  	s0 =	simm.s32 @!p0 $0x1  }
0xd5: {  	_ =	swait.ge @!p0 [sflag:s0], s1  }
0xd6: {  	s1 =	ssub.s32 @!p0 $0x0, s1;
	[sflag:s0] =	ssyncset.done @!p0 $0x0  }
0xd7: {  	[sflag:s0] =	ssyncadd.s32 @!p0 s1  }
0xd8: {  	[bflag:$0x3] =	sbarrier.arrive $0xFFFF  }
0xd9: {  	_ =	shalt  }

</sc_bundles>
